<compile_context>
chip_gen: v7x
topology: tpu7x:2x2x1
jax: 0.10.2.dev20260603
libtpu: 0.0.44.dev20260713+nightly
codegen_flags: <defaults>
</compile_context>

<pallas_src>
import functools
import math

import jax
import jax.numpy as jnp
from jax import lax
from jax.experimental import pallas as pl
from jax.experimental.pallas import tpu as pltpu
from jax.experimental.pallas import tpu_sc as plsc

N = 10000
E = 320000
D = 128
H = 128
C = 10
G = 128
EPS = 1e-5
_RS = 1.0 / math.sqrt(1.0 + EPS)

NC = 2
NS = 16
HH = H // NC
NP = 10240
ZRA = 632
ZRB = N - (NS - 1) * ZRA
CK = 1000
NCH = E // NS // CK
E2 = NS * NCH * CK
NREM = (E - E2) // CK
NREMS = max(NREM, 1)


def _mesh():
    return plsc.VectorSubcoreMesh(
        core_axis_name="c", subcore_axis_name="s", num_cores=NC, num_subcores=NS
    )


@functools.partial(
    pl.kernel,
    out_type=jax.ShapeDtypeStruct((NC * NP,), jnp.float32),
    mesh=_mesh(),
    compiler_params=pltpu.CompilerParams(use_tc_tiling_on_sc=False),
    scratch_types=[
        pltpu.VMEM((NCH, CK), jnp.int32),
        pltpu.VMEM((NREMS, CK), jnp.int32),
        pltpu.VMEM((CK,), jnp.float32),
        pltpu.VMEM_SHARED((NP,), jnp.float32),
    ],
)
def _deg_sc(r2_hbm, rr_hbm, ones_hbm, zeros_hbm, out_hbm, idx_v, idxr_v, ones_v, acc_sh):
    c = lax.axis_index("c")
    s = lax.axis_index("s")
    pltpu.sync_copy(ones_hbm, ones_v)

    @pl.when(s == 0)
    def _():
        pltpu.sync_copy(zeros_hbm, acc_sh)

    plsc.subcore_barrier()
    pltpu.sync_copy(r2_hbm.at[s], idx_v)

    def body(j, carry):
        pltpu.sync_copy(ones_v, acc_sh.at[idx_v.at[j]], add=True)
        return carry

    lax.fori_loop(0, NCH, body, 0)

    if NREM:
        @pl.when(s == 0)
        def _():
            pltpu.sync_copy(rr_hbm, idxr_v)

            def rbody(j, carry):
                pltpu.sync_copy(ones_v, acc_sh.at[idxr_v.at[j]], add=True)
                return carry

            lax.fori_loop(0, NREM, rbody, 0)

    plsc.subcore_barrier()

    @pl.when(s == 0)
    def _():
        pltpu.sync_copy(acc_sh, out_hbm.at[pl.ds(c * NP, NP)])


@functools.partial(
    pl.kernel,
    out_type=jax.ShapeDtypeStruct((NC, N, HH), jnp.bfloat16),
    mesh=_mesh(),
    compiler_params=pltpu.CompilerParams(use_tc_tiling_on_sc=False),
    scratch_types=[
        pltpu.VMEM((NCH, CK), jnp.int32),
        pltpu.VMEM((NCH, CK), jnp.int32),
        pltpu.VMEM((NREMS, CK), jnp.int32),
        pltpu.VMEM((NREMS, CK), jnp.int32),
        pltpu.VMEM((CK, HH), jnp.bfloat16),
        pltpu.VMEM((CK, HH), jnp.bfloat16),
        pltpu.VMEM_SHARED((N, HH), jnp.bfloat16),
        pltpu.SemaphoreType.DMA,
        pltpu.SemaphoreType.DMA,
    ],
)
def _prop_sc(q_hbm, r2_hbm, c2_hbm, rr_hbm, cr_hbm, zrows_hbm, out_hbm,
             ir_v, ic_v, irr_v, icr_v, rows0, rows1, acc_sh, sem0, sem1):
    c = lax.axis_index("c")
    s = lax.axis_index("s")

    @pl.when(s < NS - 1)
    def _():
        pltpu.sync_copy(zrows_hbm, acc_sh.at[pl.ds(s * ZRA, ZRA)])

    @pl.when(s == NS - 1)
    def _():
        pltpu.sync_copy(
            zrows_hbm.at[pl.ds(0, ZRB)], acc_sh.at[pl.ds((NS - 1) * ZRA, ZRB)]
        )

    plsc.subcore_barrier()
    qh = q_hbm.at[c]
    pltpu.sync_copy(r2_hbm.at[s], ir_v)
    pltpu.sync_copy(c2_hbm.at[s], ic_v)
    pltpu.async_copy(qh.at[ir_v.at[0]], rows0, sem0)

    def body(t, carry):
        j0 = 2 * t
        pltpu.async_copy(qh.at[ir_v.at[j0 + 1]], rows1, sem1)
        pltpu.make_async_copy(qh.at[ir_v.at[j0]], rows0, sem0).wait()
        pltpu.sync_copy(rows0, acc_sh.at[ic_v.at[j0]], add=True)

        @pl.when(j0 + 2 < NCH)
        def _():
            pltpu.async_copy(qh.at[ir_v.at[j0 + 2]], rows0, sem0)

        pltpu.make_async_copy(qh.at[ir_v.at[j0 + 1]], rows1, sem1).wait()
        pltpu.sync_copy(rows1, acc_sh.at[ic_v.at[j0 + 1]], add=True)
        return carry

    lax.fori_loop(0, NCH // 2, body, 0)

    if NCH % 2 == 1:
        pltpu.make_async_copy(qh.at[ir_v.at[NCH - 1]], rows0, sem0).wait()
        pltpu.sync_copy(rows0, acc_sh.at[ic_v.at[NCH - 1]], add=True)

    if NREM:
        @pl.when(s == 0)
        def _():
            pltpu.sync_copy(rr_hbm, irr_v)
            pltpu.sync_copy(cr_hbm, icr_v)

            def rbody(t, carry):
                pltpu.async_copy(qh.at[irr_v.at[t]], rows0, sem0).wait()
                pltpu.sync_copy(rows0, acc_sh.at[icr_v.at[t]], add=True)
                return carry

            lax.fori_loop(0, NREM, rbody, 0)

    plsc.subcore_barrier()

    @pl.when(s < NS - 1)
    def _():
        pltpu.sync_copy(
            acc_sh.at[pl.ds(s * ZRA, ZRA)], out_hbm.at[c].at[pl.ds(s * ZRA, ZRA)]
        )

    @pl.when(s == NS - 1)
    def _():
        pltpu.sync_copy(
            acc_sh.at[pl.ds((NS - 1) * ZRA, ZRB)],
            out_hbm.at[c].at[pl.ds((NS - 1) * ZRA, ZRB)],
        )


NB = 10
BN = N // NB

_bspec_h = pl.BlockSpec((BN, H), lambda i: (i, 0))
_bspec_d = pl.BlockSpec((BN, 1), lambda i: (i, 0))
_bspec_w = pl.BlockSpec((H, H), lambda i: (0, 0))
_bspec_v = pl.BlockSpec((1, H), lambda i: (0, 0))
_bspec_q = pl.BlockSpec((NC, BN, HH), lambda i: (0, i, 0))


def _tcq_body(x_ref, deg_ref, gf_ref, bf_ref, wf_ref, g_ref, b_ref, w_ref, q_ref, qb_ref):
    dis = lax.rsqrt(deg_ref[:] + 1.0)
    t0 = x_ref[:] * (_RS * gf_ref[:]) + bf_ref[:]
    h0 = jnp.maximum(jnp.dot(t0, wf_ref[:], preferred_element_type=jnp.float32), 0.0)
    t = h0 * (_RS * g_ref[:]) + b_ref[:]
    q = dis * jnp.dot(t, w_ref[:], preferred_element_type=jnp.float32)
    q_ref[0] = q[:, :HH]
    q_ref[1] = q[:, HH:]
    qb_ref[0] = q[:, :HH].astype(jnp.bfloat16)
    qb_ref[1] = q[:, HH:].astype(jnp.bfloat16)


_tcq = pl.pallas_call(
    _tcq_body,
    grid=(NB,),
    in_specs=[_bspec_h, _bspec_d, _bspec_v, _bspec_v, _bspec_w, _bspec_v,
              _bspec_v, _bspec_w],
    out_specs=(_bspec_q, _bspec_q),
    out_shape=(jax.ShapeDtypeStruct((NC, N, HH), jnp.float32),
               jax.ShapeDtypeStruct((NC, N, HH), jnp.bfloat16)),
)


def _tcmid_body(accp_ref, q_ref, deg_ref, bp_ref, g_ref, b_ref, w_ref,
                o_ref, ob_ref):
    dis = lax.rsqrt(deg_ref[:] + 1.0)
    m = jnp.concatenate(
        [accp_ref[0].astype(jnp.float32) + q_ref[0],
         accp_ref[1].astype(jnp.float32) + q_ref[1]], axis=1)
    h = jnp.maximum(dis * m + bp_ref[:], 0.0)
    t = h * (_RS * g_ref[:]) + b_ref[:]
    r = dis * jnp.dot(t, w_ref[:], preferred_element_type=jnp.float32)
    o_ref[0] = r[:, :HH]
    o_ref[1] = r[:, HH:]
    ob_ref[0] = r[:, :HH].astype(jnp.bfloat16)
    ob_ref[1] = r[:, HH:].astype(jnp.bfloat16)


_tcmid = pl.pallas_call(
    _tcmid_body,
    grid=(NB,),
    in_specs=[_bspec_q, _bspec_q, _bspec_d, _bspec_v, _bspec_v, _bspec_v,
              _bspec_w],
    out_specs=(_bspec_q, _bspec_q),
    out_shape=(jax.ShapeDtypeStruct((NC, N, HH), jnp.float32),
               jax.ShapeDtypeStruct((NC, N, HH), jnp.bfloat16)),
)


def _tcfin_body(accp_ref, q_ref, deg_ref, bp_ref, batch_ref, gfc_ref, bfc_ref,
                wl_ref, bl_ref, gh_ref, bh_ref, wc_ref, bc_ref, o_ref):
    dis = lax.rsqrt(deg_ref[:] + 1.0)
    m = jnp.concatenate(
        [accp_ref[0].astype(jnp.float32) + q_ref[0],
         accp_ref[1].astype(jnp.float32) + q_ref[1]], axis=1)
    h = jnp.maximum(dis * m + bp_ref[:], 0.0)
    ids = lax.broadcasted_iota(jnp.int32, (N, G), 1)
    onehot = jnp.where(batch_ref[:] == ids, 1.0, 0.0)
    dn = (((0,), (0,)), ((), ()))
    sums = lax.dot_general(onehot, h, dn, preferred_element_type=jnp.float32)
    cnt = lax.dot_general(
        onehot, jnp.ones((N, 1), jnp.float32), dn, preferred_element_type=jnp.float32
    )
    pooled = sums / jnp.maximum(cnt, 1.0)
    a = pooled * (_RS * gfc_ref[:]) + bfc_ref[:]
    a = jnp.maximum(
        jnp.dot(a, wl_ref[:], preferred_element_type=jnp.float32) + bl_ref[:], 0.0
    )
    a = a * (_RS * gh_ref[:]) + bh_ref[:]
    lg = jnp.dot(a, wc_ref[:], preferred_element_type=jnp.float32) + bc_ref[:]
    m = jnp.max(lg, axis=1, keepdims=True)
    o_ref[:] = (lg - m) - jnp.log(jnp.sum(jnp.exp(lg - m), axis=1, keepdims=True))


_tcfin = pl.pallas_call(_tcfin_body, out_shape=jax.ShapeDtypeStruct((G, C), jnp.float32))


def kernel(x, edge_index, batch, bnf_g, bnf_b, Wf, bn1_g, bn1_b, W1, b1,
           bn2_g, bn2_b, W2, b2, bn3_g, bn3_b, W3, b3, bnfc_g, bnfc_b, Wl, bl,
           bnh_g, bnh_b, Wc, bc):
    row = edge_index[0]
    col = edge_index[1]
    row2d = row[:E2].reshape(NS, NCH, CK)
    col2d = col[:E2].reshape(NS, NCH, CK)
    if NREM:
        rowrem = row[E2:].reshape(NREM, CK)
        colrem = col[E2:].reshape(NREM, CK)
    else:
        rowrem = jnp.zeros((1, CK), jnp.int32)
        colrem = jnp.zeros((1, CK), jnp.int32)
    r2 = lambda v: v.reshape(1, -1)
    ones = jnp.ones((CK,), jnp.float32)
    z_n = jnp.zeros((NP,), jnp.float32)
    z_rows = jnp.zeros((ZRA, HH), jnp.bfloat16)

    degp = _deg_sc(row2d, rowrem, ones, z_n).reshape(NC, NP)[0, :N].reshape(N, 1)
    q1, qb1 = _tcq(x, degp, r2(bnf_g), r2(bnf_b), Wf, r2(bn1_g), r2(bn1_b), W1)
    acc1 = _prop_sc(qb1, row2d, col2d, rowrem, colrem, z_rows)
    q2, qb2 = _tcmid(acc1, q1, degp, r2(b1), r2(bn2_g), r2(bn2_b), W2)
    acc2 = _prop_sc(qb2, row2d, col2d, rowrem, colrem, z_rows)
    q3, qb3 = _tcmid(acc2, q2, degp, r2(b2), r2(bn3_g), r2(bn3_b), W3)
    acc3 = _prop_sc(qb3, row2d, col2d, rowrem, colrem, z_rows)
    return _tcfin(acc3, q3, degp, r2(b3), batch.reshape(N, 1),
                  r2(bnfc_g), r2(bnfc_b), Wl, r2(bl), r2(bnh_g), r2(bnh_b),
                  Wc, r2(bc))

# --- scband reference (transcript-rebuilt; emitter-appended) ---
"""Pipeline reference for scband-gcnnet-8993661518248 (READ-ONLY COPY).

The authoritative reference and input builder live on the scoring server;
editing this copy changes nothing except your own understanding.
"""

import jax, jax.numpy as jnp
import numpy as np

N = 10000; E = 320000; D = 128; H = 128; C = 10; G = 128; EPS = 1e-5

def _bn(x, g, b):
    # eval-mode BatchNorm1d with freshly-initialized running stats (mean=0, var=1)
    return (x / jnp.sqrt(1.0 + EPS)) * g + b

def _gcn_norm(edge_index, num_nodes):
    loop = jnp.arange(num_nodes, dtype=edge_index.dtype)
    row = jnp.concatenate([edge_index[0], loop])
    col = jnp.concatenate([edge_index[1], loop])
    ew = jnp.ones(row.shape[0], dtype=jnp.float32)
    deg = jnp.zeros((num_nodes,), dtype=jnp.float32).at[row].add(ew)
    dis = jnp.where(deg > 0, jax.lax.rsqrt(jnp.maximum(deg, 1e-12)), 0.0)
    return row, col, dis[row] * ew * dis[col]

def _conv(x, row, col, norm, W, b):
    h = x @ W
    out = jnp.zeros_like(h).at[col].add(norm[:, None] * h[row])
    return out + b

def setup_inputs(seed: int = 0):
    key = jax.random.key(seed)
    ks = jax.random.split(key, 16)
    def w(k, shape, fan_in):
        return jax.random.normal(k, shape, dtype=jnp.float32) * (1.0 / np.sqrt(fan_in))
    inp = {}
    inp['x'] = jax.random.normal(ks[0], (N, D), dtype=jnp.float32)
    inp['edge_index'] = jax.random.randint(ks[1], (2, E), 0, N, dtype=jnp.int32)
    inp['batch'] = jnp.sort(jax.random.randint(ks[2], (N,), 0, G, dtype=jnp.int32))
    inp['bnf_g'] = jnp.ones((D,), jnp.float32); inp['bnf_b'] = jnp.full((D,), 1e-4, jnp.float32)
    inp['Wf'] = w(ks[3], (D, H), D)
    for i, kk in ((1, 4), (2, 5), (3, 6)):
        inp['bn%d_g' % i] = jnp.ones((H,), jnp.float32)
        inp['bn%d_b' % i] = jnp.full((H,), 1e-4, jnp.float32)
        inp['W%d' % i] = w(ks[kk], (H, H), H)
        inp['b%d' % i] = jnp.zeros((H,), jnp.float32)
    inp['bnfc_g'] = jnp.ones((H,), jnp.float32); inp['bnfc_b'] = jnp.full((H,), 1e-4, jnp.float32)
    inp['Wl'] = w(ks[7], (H, H), H); inp['bl'] = jnp.zeros((H,), jnp.float32)
    inp['bnh_g'] = jnp.ones((H,), jnp.float32); inp['bnh_b'] = jnp.full((H,), 1e-4, jnp.float32)
    inp['Wc'] = w(ks[8], (H, C), H); inp['bc'] = jnp.zeros((C,), jnp.float32)
    return inp

def reference(x, edge_index, batch, bnf_g, bnf_b, Wf, bn1_g, bn1_b, W1, b1, bn2_g, bn2_b, W2, b2, bn3_g, bn3_b, W3, b3, bnfc_g, bnfc_b, Wl, bl, bnh_g, bnh_b, Wc, bc):
    row, col, norm = _gcn_norm(edge_index, N)
    h = _bn(x, bnf_g, bnf_b)
    h = jax.nn.relu(h @ Wf)  # conv_feat with gfn=True: linear only, no propagation
    for g, bb, W, b in ((bn1_g, bn1_b, W1, b1), (bn2_g, bn2_b, W2, b2), (bn3_g, bn3_b, W3, b3)):
        h = _bn(h, g, bb)
        h = jax.nn.relu(_conv(h, row, col, norm, W, b))
    sums = jnp.zeros((G, H), jnp.float32).at[batch].add(h)
    cnt = jnp.zeros((G,), jnp.float32).at[batch].add(1.0)
    h = sums / jnp.maximum(cnt, 1.0)[:, None]  # global_mean_pool
    # dropout: eval mode -> identity
    h = _bn(h, bnfc_g, bnfc_b)
    h = jax.nn.relu(h @ Wl + bl)
    h = _bn(h, bnh_g, bnh_b)
    logits = h @ Wc + bc
    return jax.nn.log_softmax(logits, axis=-1)

if __name__ == "__main__":
    import jax
    _d = setup_inputs()
    print(jax.jit(kernel)(*tuple(_d.values())))

</pallas_src>

<mosaic_0001>
#map = affine_map<(d0, d1) -> (0, 0, 0)>
#map1 = affine_map<(d0, d1) -> (0, 0)>
#map2 = affine_map<(d0, d1) -> (0)>
module attributes {stable_mosaic.version = 14 : i64} {
  func.func @_deg_sc(%arg0: i32, %arg1: i32, %arg2: memref<16x20x1000xi32, #tpu.memory_space<hbm>>, %arg3: memref<1x1000xi32, #tpu.memory_space<hbm>>, %arg4: memref<1000xf32, #tpu.memory_space<hbm>>, %arg5: memref<10240xf32, #tpu.memory_space<hbm>>, %arg6: memref<20480xf32, #tpu.memory_space<hbm>>, %arg7: memref<20x1000xi32, #tpu.memory_space<vmem>>, %arg8: memref<1x1000xi32, #tpu.memory_space<vmem>>, %arg9: memref<1000xf32, #tpu.memory_space<vmem>>, %arg10: memref<10240xf32, #tpu.memory_space<vmem_shared>>) attributes {dimension_semantics = [#tpu.dimension_semantics<core_parallel>, #tpu.dimension_semantics<subcore_parallel>], iteration_bounds = array<i64: 2, 16>, scalar_prefetch = 0 : i64, scratch_operands = 4 : i64, tpu.core_type = #tpu.core_type<sc_vector_subcore>, window_params = [{transform_indices = #map}, {transform_indices = #map1}, {transform_indices = #map2}, {transform_indices = #map2}, {transform_indices = #map2}]} {
    "tpu.region"() ({
      %run_scoped3A = tpu.sem_alloc : memref<!tpu.dma_semaphore, #tpu.memory_space<semaphore_mem>>
      tpu.enqueue_dma source(%arg4 : memref<1000xf32, #tpu.memory_space<hbm>>) target(%arg9 : memref<1000xf32, #tpu.memory_space<vmem>>) target_semaphore(%run_scoped3A : memref<!tpu.dma_semaphore, #tpu.memory_space<semaphore_mem>>)
      tpu.wait_dma2 semaphore(%run_scoped3A : memref<!tpu.dma_semaphore, #tpu.memory_space<semaphore_mem>>) src(%arg4 : memref<1000xf32, #tpu.memory_space<hbm>>) dst(%arg9 : memref<1000xf32, #tpu.memory_space<vmem>>)
      tpu.yield
    }) : () -> ()
    %eq3A = arith.constant 0 : i32
    %eq3A_0 = arith.cmpi eq, %arg1, %eq3A : i32
    %convert_element_type3A = arith.extui %eq3A_0 : i1 to i32
    %cond3A = arith.constant 0 : i32
    %cond3A_1 = arith.cmpi ne, %convert_element_type3A, %cond3A : i32
    scf.if %cond3A_1 {
      "tpu.region"() ({
        %run_scoped3A = tpu.sem_alloc : memref<!tpu.dma_semaphore, #tpu.memory_space<semaphore_mem>>
        tpu.enqueue_dma source(%arg5 : memref<10240xf32, #tpu.memory_space<hbm>>) target(%arg10 : memref<10240xf32, #tpu.memory_space<vmem_shared>>) target_semaphore(%run_scoped3A : memref<!tpu.dma_semaphore, #tpu.memory_space<semaphore_mem>>)
        tpu.wait_dma2 semaphore(%run_scoped3A : memref<!tpu.dma_semaphore, #tpu.memory_space<semaphore_mem>>) src(%arg5 : memref<10240xf32, #tpu.memory_space<hbm>>) dst(%arg10 : memref<10240xf32, #tpu.memory_space<vmem_shared>>)
        tpu.yield
      }) : () -> ()
    } else {
    }
    %barrier3A = arith.constant 0 : index
    tpu.barrier barrier_id(%barrier3A)
    "tpu.region"() ({
      %run_scoped3A = tpu.sem_alloc : memref<!tpu.dma_semaphore, #tpu.memory_space<semaphore_mem>>
      %dma_start3A = arith.constant 0 : i32
      %dma_start3A_13 = arith.constant 0 : i32
      %dma_start3A_14 = tpu.memref_slice %arg2[%arg1, %dma_start3A, %dma_start3A_13] : memref<16x20x1000xi32, #tpu.memory_space<hbm>> -> memref<1x20x1000xi32, #tpu.memory_space<hbm>>
      %dma_start3A_15 = tpu.memref_squeeze %dma_start3A_14 : memref<1x20x1000xi32, #tpu.memory_space<hbm>> -> memref<20x1000xi32, #tpu.memory_space<hbm>>
      %dma_start3A_16 = arith.constant 0 : i32
      %dma_start3A_17 = arith.constant 0 : i32
      %dma_start3A_18 = tpu.memref_slice %arg2[%arg1, %dma_start3A_16, %dma_start3A_17] : memref<16x20x1000xi32, #tpu.memory_space<hbm>> -> memref<1x20x1000xi32, #tpu.memory_space<hbm>>
      %dma_start3A_19 = tpu.memref_squeeze %dma_start3A_18 : memref<1x20x1000xi32, #tpu.memory_space<hbm>> -> memref<20x1000xi32, #tpu.memory_space<hbm>>
      tpu.enqueue_dma source(%dma_start3A_19 : memref<20x1000xi32, #tpu.memory_space<hbm>>) target(%arg7 : memref<20x1000xi32, #tpu.memory_space<vmem>>) target_semaphore(%run_scoped3A : memref<!tpu.dma_semaphore, #tpu.memory_space<semaphore_mem>>)
      %dma_wait3A = arith.constant 0 : i32
      %dma_wait3A_20 = arith.constant 0 : i32
      %dma_wait3A_21 = tpu.memref_slice %arg2[%arg1, %dma_wait3A, %dma_wait3A_20] : memref<16x20x1000xi32, #tpu.memory_space<hbm>> -> memref<1x20x1000xi32, #tpu.memory_space<hbm>>
      %dma_wait3A_22 = tpu.memref_squeeze %dma_wait3A_21 : memref<1x20x1000xi32, #tpu.memory_space<hbm>> -> memref<20x1000xi32, #tpu.memory_space<hbm>>
      %dma_wait3A_23 = arith.constant 0 : i32
      %dma_wait3A_24 = arith.constant 0 : i32
      %dma_wait3A_25 = tpu.memref_slice %arg2[%arg1, %dma_wait3A_23, %dma_wait3A_24] : memref<16x20x1000xi32, #tpu.memory_space<hbm>> -> memref<1x20x1000xi32, #tpu.memory_space<hbm>>
      %dma_wait3A_26 = tpu.memref_squeeze %dma_wait3A_25 : memref<1x20x1000xi32, #tpu.memory_space<hbm>> -> memref<20x1000xi32, #tpu.memory_space<hbm>>
      tpu.wait_dma2 semaphore(%run_scoped3A : memref<!tpu.dma_semaphore, #tpu.memory_space<semaphore_mem>>) src(%dma_wait3A_26 : memref<20x1000xi32, #tpu.memory_space<hbm>>) dst(%arg7 : memref<20x1000xi32, #tpu.memory_space<vmem>>)
      tpu.yield
    }) : () -> ()
    %scan3A = arith.constant 0 : i32
    %scan3A_2 = arith.constant 0 : i32
    %scan3A_3 = arith.constant 20 : i32
    %scan3A_4 = arith.addi %scan3A_2, %scan3A_3 : i32
    %scan3A_5 = arith.constant 1 : i32
    scf.for %scan3A_13 = %scan3A_2 to %scan3A_4 step %scan3A_5  : i32 {
      "tpu.region"() ({
        %run_scoped3A = tpu.sem_alloc : memref<!tpu.dma_semaphore, #tpu.memory_space<semaphore_mem>>
        %dma_start3A = arith.constant 0 : i32
        %dma_start3A_14 = tpu.memref_slice %arg7[%scan3A_13, %dma_start3A] : memref<20x1000xi32, #tpu.memory_space<vmem>> -> memref<1x1000xi32, #tpu.memory_space<vmem>>
        %dma_start3A_15 = tpu.memref_squeeze %dma_start3A_14 : memref<1x1000xi32, #tpu.memory_space<vmem>> -> memref<1000xi32, #tpu.memory_space<vmem>>
        %dma_start3A_16 = arith.constant 0 : i32
        %dma_start3A_17 = tpu.memref_slice %arg10[%dma_start3A_16] : memref<10240xf32, #tpu.memory_space<vmem_shared>> -> memref<10240xf32, #tpu.memory_space<vmem_shared>>
        tpu.enqueue_indirect_dma source(%arg9 : memref<1000xf32, #tpu.memory_space<vmem>>) target(%dma_start3A_17 : memref<10240xf32, #tpu.memory_space<vmem_shared>>) offsets(%dma_start3A_15 : memref<1000xi32, #tpu.memory_space<vmem>>) semaphore(%run_scoped3A : memref<!tpu.dma_semaphore, #tpu.memory_space<semaphore_mem>>) {add = true}
        %dma_wait3A = arith.constant 0 : i32
        %dma_wait3A_18 = tpu.memref_slice %arg7[%scan3A_13, %dma_wait3A] : memref<20x1000xi32, #tpu.memory_space<vmem>> -> memref<1x1000xi32, #tpu.memory_space<vmem>>
        %dma_wait3A_19 = tpu.memref_squeeze %dma_wait3A_18 : memref<1x1000xi32, #tpu.memory_space<vmem>> -> memref<1000xi32, #tpu.memory_space<vmem>>
        %dma_wait3A_20 = arith.constant 0 : i32
        %dma_wait3A_21 = tpu.memref_slice %arg10[%dma_wait3A_20] : memref<10240xf32, #tpu.memory_space<vmem_shared>> -> memref<10240xf32, #tpu.memory_space<vmem_shared>>
        tpu.wait_indirect_dma semaphore(%run_scoped3A : memref<!tpu.dma_semaphore, #tpu.memory_space<semaphore_mem>>) src(%arg9 : memref<1000xf32, #tpu.memory_space<vmem>>) dst(%dma_wait3A_21 : memref<10240xf32, #tpu.memory_space<vmem_shared>>)
        tpu.yield
      }) : () -> ()
    }
    %scan3A_6 = arith.constant 20 : i32
    %barrier3A_7 = arith.constant 0 : index
    tpu.barrier barrier_id(%barrier3A_7)
    %eq3A_8 = arith.constant 0 : i32
    %eq3A_9 = arith.cmpi eq, %arg1, %eq3A_8 : i32
    %convert_element_type3A_10 = arith.extui %eq3A_9 : i1 to i32
    %cond3A_11 = arith.constant 0 : i32
    %cond3A_12 = arith.cmpi ne, %convert_element_type3A_10, %cond3A_11 : i32
    scf.if %cond3A_12 {
      %mul3A = arith.constant 10240 : i32
      %mul3A_13 = arith.muli %arg0, %mul3A : i32
      "tpu.region"() ({
        %run_scoped3A = tpu.sem_alloc : memref<!tpu.dma_semaphore, #tpu.memory_space<semaphore_mem>>
        %dma_start3A = tpu.memref_slice %arg6[%mul3A_13] : memref<20480xf32, #tpu.memory_space<hbm>> -> memref<10240xf32, #tpu.memory_space<hbm>>
        tpu.enqueue_dma source(%arg10 : memref<10240xf32, #tpu.memory_space<vmem_shared>>) target(%dma_start3A : memref<10240xf32, #tpu.memory_space<hbm>>) target_semaphore(%run_scoped3A : memref<!tpu.dma_semaphore, #tpu.memory_space<semaphore_mem>>)
        %dma_wait3A = tpu.memref_slice %arg6[%mul3A_13] : memref<20480xf32, #tpu.memory_space<hbm>> -> memref<10240xf32, #tpu.memory_space<hbm>>
        tpu.wait_dma2 semaphore(%run_scoped3A : memref<!tpu.dma_semaphore, #tpu.memory_space<semaphore_mem>>) src(%arg10 : memref<10240xf32, #tpu.memory_space<vmem_shared>>) dst(%dma_wait3A : memref<10240xf32, #tpu.memory_space<hbm>>)
        tpu.yield
      }) : () -> ()
    } else {
    }
    return
  }
}

#map = affine_map<(d0, d1) -> (0, 0, 0)>
#map1 = affine_map<(d0, d1) -> (0, 0)>
module attributes {stable_mosaic.version = 14 : i64} {
  func.func @_prop_sc(%arg0: i32, %arg1: i32, %arg2: memref<2x10000x64xbf16, #tpu.memory_space<hbm>>, %arg3: memref<16x20x1000xi32, #tpu.memory_space<hbm>>, %arg4: memref<16x20x1000xi32, #tpu.memory_space<hbm>>, %arg5: memref<1x1000xi32, #tpu.memory_space<hbm>>, %arg6: memref<1x1000xi32, #tpu.memory_space<hbm>>, %arg7: memref<632x64xbf16, #tpu.memory_space<hbm>>, %arg8: memref<2x10000x64xbf16, #tpu.memory_space<hbm>>, %arg9: memref<20x1000xi32, #tpu.memory_space<vmem>>, %arg10: memref<20x1000xi32, #tpu.memory_space<vmem>>, %arg11: memref<1x1000xi32, #tpu.memory_space<vmem>>, %arg12: memref<1x1000xi32, #tpu.memory_space<vmem>>, %arg13: memref<1000x64xbf16, #tpu.memory_space<vmem>>, %arg14: memref<1000x64xbf16, #tpu.memory_space<vmem>>, %arg15: memref<10000x64xbf16, #tpu.memory_space<vmem_shared>>, %arg16: memref<!tpu.dma_semaphore, #tpu.memory_space<semaphore_mem>>, %arg17: memref<!tpu.dma_semaphore, #tpu.memory_space<semaphore_mem>>) attributes {dimension_semantics = [#tpu.dimension_semantics<core_parallel>, #tpu.dimension_semantics<subcore_parallel>], iteration_bounds = array<i64: 2, 16>, scalar_prefetch = 0 : i64, scratch_operands = 9 : i64, tpu.core_type = #tpu.core_type<sc_vector_subcore>, window_params = [{transform_indices = #map}, {transform_indices = #map}, {transform_indices = #map}, {transform_indices = #map1}, {transform_indices = #map1}, {transform_indices = #map1}, {transform_indices = #map}]} {
    %lt3A = arith.constant 15 : i32
    %lt3A_0 = arith.cmpi slt, %arg1, %lt3A : i32
    %convert_element_type3A = arith.extui %lt3A_0 : i1 to i32
    %cond3A = arith.constant 0 : i32
    %cond3A_1 = arith.cmpi ne, %convert_element_type3A, %cond3A : i32
    scf.if %cond3A_1 {
      %mul3A = arith.constant 632 : i32
      %mul3A_32 = arith.muli %arg1, %mul3A : i32
      "tpu.region"() ({
        %run_scoped3A = tpu.sem_alloc : memref<!tpu.dma_semaphore, #tpu.memory_space<semaphore_mem>>
        %dma_start3A_33 = arith.constant 0 : i32
        %dma_start3A_34 = tpu.memref_slice %arg15[%mul3A_32, %dma_start3A_33] : memref<10000x64xbf16, #tpu.memory_space<vmem_shared>> -> memref<632x64xbf16, #tpu.memory_space<vmem_shared>>
        tpu.enqueue_dma source(%arg7 : memref<632x64xbf16, #tpu.memory_space<hbm>>) target(%dma_start3A_34 : memref<632x64xbf16, #tpu.memory_space<vmem_shared>>) target_semaphore(%run_scoped3A : memref<!tpu.dma_semaphore, #tpu.memory_space<semaphore_mem>>)
        %dma_wait3A = arith.constant 0 : i32
        %dma_wait3A_35 = tpu.memref_slice %arg15[%mul3A_32, %dma_wait3A] : memref<10000x64xbf16, #tpu.memory_space<vmem_shared>> -> memref<632x64xbf16, #tpu.memory_space<vmem_shared>>
        tpu.wait_dma2 semaphore(%run_scoped3A : memref<!tpu.dma_semaphore, #tpu.memory_space<semaphore_mem>>) src(%arg7 : memref<632x64xbf16, #tpu.memory_space<hbm>>) dst(%dma_wait3A_35 : memref<632x64xbf16, #tpu.memory_space<vmem_shared>>)
        tpu.yield
      }) : () -> ()
    } else {
    }
    %eq3A = arith.constant 15 : i32
    %eq3A_2 = arith.cmpi eq, %arg1, %eq3A : i32
    %convert_element_type3A_3 = arith.extui %eq3A_2 : i1 to i32
    %cond3A_4 = arith.constant 0 : i32
    %cond3A_5 = arith.cmpi ne, %convert_element_type3A_3, %cond3A_4 : i32
    scf.if %cond3A_5 {
      "tpu.region"() ({
        %run_scoped3A = tpu.sem_alloc : memref<!tpu.dma_semaphore, #tpu.memory_space<semaphore_mem>>
        %dma_start3A_32 = arith.constant 9480 : i32
        %dma_start3A_33 = arith.constant 0 : i32
        %dma_start3A_34 = tpu.memref_slice %arg15[%dma_start3A_32, %dma_start3A_33] : memref<10000x64xbf16, #tpu.memory_space<vmem_shared>> -> memref<520x64xbf16, #tpu.memory_space<vmem_shared>>
        %dma_start3A_35 = arith.constant 0 : i32
        %dma_start3A_36 = arith.constant 0 : i32
        %dma_start3A_37 = tpu.memref_slice %arg7[%dma_start3A_35, %dma_start3A_36] : memref<632x64xbf16, #tpu.memory_space<hbm>> -> memref<520x64xbf16, #tpu.memory_space<hbm>>
        tpu.enqueue_dma source(%dma_start3A_37 : memref<520x64xbf16, #tpu.memory_space<hbm>>) target(%dma_start3A_34 : memref<520x64xbf16, #tpu.memory_space<vmem_shared>>) target_semaphore(%run_scoped3A : memref<!tpu.dma_semaphore, #tpu.memory_space<semaphore_mem>>)
        %dma_wait3A = arith.constant 9480 : i32
        %dma_wait3A_38 = arith.constant 0 : i32
        %dma_wait3A_39 = tpu.memref_slice %arg15[%dma_wait3A, %dma_wait3A_38] : memref<10000x64xbf16, #tpu.memory_space<vmem_shared>> -> memref<520x64xbf16, #tpu.memory_space<vmem_shared>>
        %dma_wait3A_40 = arith.constant 0 : i32
        %dma_wait3A_41 = arith.constant 0 : i32
        %dma_wait3A_42 = tpu.memref_slice %arg7[%dma_wait3A_40, %dma_wait3A_41] : memref<632x64xbf16, #tpu.memory_space<hbm>> -> memref<520x64xbf16, #tpu.memory_space<hbm>>
        tpu.wait_dma2 semaphore(%run_scoped3A : memref<!tpu.dma_semaphore, #tpu.memory_space<semaphore_mem>>) src(%dma_wait3A_42 : memref<520x64xbf16, #tpu.memory_space<hbm>>) dst(%dma_wait3A_39 : memref<520x64xbf16, #tpu.memory_space<vmem_shared>>)
        tpu.yield
      }) : () -> ()
    } else {
    }
    %barrier3A = arith.constant 0 : index
    tpu.barrier barrier_id(%barrier3A)
    "tpu.region"() ({
      %run_scoped3A = tpu.sem_alloc : memref<!tpu.dma_semaphore, #tpu.memory_space<semaphore_mem>>
      %dma_start3A_32 = arith.constant 0 : i32
      %dma_start3A_33 = arith.constant 0 : i32
      %dma_start3A_34 = tpu.memref_slice %arg3[%arg1, %dma_start3A_32, %dma_start3A_33] : memref<16x20x1000xi32, #tpu.memory_space<hbm>> -> memref<1x20x1000xi32, #tpu.memory_space<hbm>>
      %dma_start3A_35 = tpu.memref_squeeze %dma_start3A_34 : memref<1x20x1000xi32, #tpu.memory_space<hbm>> -> memref<20x1000xi32, #tpu.memory_space<hbm>>
      %dma_start3A_36 = arith.constant 0 : i32
      %dma_start3A_37 = arith.constant 0 : i32
      %dma_start3A_38 = tpu.memref_slice %arg3[%arg1, %dma_start3A_36, %dma_start3A_37] : memref<16x20x1000xi32, #tpu.memory_space<hbm>> -> memref<1x20x1000xi32, #tpu.memory_space<hbm>>
      %dma_start3A_39 = tpu.memref_squeeze %dma_start3A_38 : memref<1x20x1000xi32, #tpu.memory_space<hbm>> -> memref<20x1000xi32, #tpu.memory_space<hbm>>
      tpu.enqueue_dma source(%dma_start3A_39 : memref<20x1000xi32, #tpu.memory_space<hbm>>) target(%arg9 : memref<20x1000xi32, #tpu.memory_space<vmem>>) target_semaphore(%run_scoped3A : memref<!tpu.dma_semaphore, #tpu.memory_space<semaphore_mem>>)
      %dma_wait3A = arith.constant 0 : i32
      %dma_wait3A_40 = arith.constant 0 : i32
      %dma_wait3A_41 = tpu.memref_slice %arg3[%arg1, %dma_wait3A, %dma_wait3A_40] : memref<16x20x1000xi32, #tpu.memory_space<hbm>> -> memref<1x20x1000xi32, #tpu.memory_space<hbm>>
      %dma_wait3A_42 = tpu.memref_squeeze %dma_wait3A_41 : memref<1x20x1000xi32, #tpu.memory_space<hbm>> -> memref<20x1000xi32, #tpu.memory_space<hbm>>
      %dma_wait3A_43 = arith.constant 0 : i32
      %dma_wait3A_44 = arith.constant 0 : i32
      %dma_wait3A_45 = tpu.memref_slice %arg3[%arg1, %dma_wait3A_43, %dma_wait3A_44] : memref<16x20x1000xi32, #tpu.memory_space<hbm>> -> memref<1x20x1000xi32, #tpu.memory_space<hbm>>
      %dma_wait3A_46 = tpu.memref_squeeze %dma_wait3A_45 : memref<1x20x1000xi32, #tpu.memory_space<hbm>> -> memref<20x1000xi32, #tpu.memory_space<hbm>>
      tpu.wait_dma2 semaphore(%run_scoped3A : memref<!tpu.dma_semaphore, #tpu.memory_space<semaphore_mem>>) src(%dma_wait3A_46 : memref<20x1000xi32, #tpu.memory_space<hbm>>) dst(%arg9 : memref<20x1000xi32, #tpu.memory_space<vmem>>)
      tpu.yield
    }) : () -> ()
    "tpu.region"() ({
      %run_scoped3A = tpu.sem_alloc : memref<!tpu.dma_semaphore, #tpu.memory_space<semaphore_mem>>
      %dma_start3A_32 = arith.constant 0 : i32
      %dma_start3A_33 = arith.constant 0 : i32
      %dma_start3A_34 = tpu.memref_slice %arg4[%arg1, %dma_start3A_32, %dma_start3A_33] : memref<16x20x1000xi32, #tpu.memory_space<hbm>> -> memref<1x20x1000xi32, #tpu.memory_space<hbm>>
      %dma_start3A_35 = tpu.memref_squeeze %dma_start3A_34 : memref<1x20x1000xi32, #tpu.memory_space<hbm>> -> memref<20x1000xi32, #tpu.memory_space<hbm>>
      %dma_start3A_36 = arith.constant 0 : i32
      %dma_start3A_37 = arith.constant 0 : i32
      %dma_start3A_38 = tpu.memref_slice %arg4[%arg1, %dma_start3A_36, %dma_start3A_37] : memref<16x20x1000xi32, #tpu.memory_space<hbm>> -> memref<1x20x1000xi32, #tpu.memory_space<hbm>>
      %dma_start3A_39 = tpu.memref_squeeze %dma_start3A_38 : memref<1x20x1000xi32, #tpu.memory_space<hbm>> -> memref<20x1000xi32, #tpu.memory_space<hbm>>
      tpu.enqueue_dma source(%dma_start3A_39 : memref<20x1000xi32, #tpu.memory_space<hbm>>) target(%arg10 : memref<20x1000xi32, #tpu.memory_space<vmem>>) target_semaphore(%run_scoped3A : memref<!tpu.dma_semaphore, #tpu.memory_space<semaphore_mem>>)
      %dma_wait3A = arith.constant 0 : i32
      %dma_wait3A_40 = arith.constant 0 : i32
      %dma_wait3A_41 = tpu.memref_slice %arg4[%arg1, %dma_wait3A, %dma_wait3A_40] : memref<16x20x1000xi32, #tpu.memory_space<hbm>> -> memref<1x20x1000xi32, #tpu.memory_space<hbm>>
      %dma_wait3A_42 = tpu.memref_squeeze %dma_wait3A_41 : memref<1x20x1000xi32, #tpu.memory_space<hbm>> -> memref<20x1000xi32, #tpu.memory_space<hbm>>
      %dma_wait3A_43 = arith.constant 0 : i32
      %dma_wait3A_44 = arith.constant 0 : i32
      %dma_wait3A_45 = tpu.memref_slice %arg4[%arg1, %dma_wait3A_43, %dma_wait3A_44] : memref<16x20x1000xi32, #tpu.memory_space<hbm>> -> memref<1x20x1000xi32, #tpu.memory_space<hbm>>
      %dma_wait3A_46 = tpu.memref_squeeze %dma_wait3A_45 : memref<1x20x1000xi32, #tpu.memory_space<hbm>> -> memref<20x1000xi32, #tpu.memory_space<hbm>>
      tpu.wait_dma2 semaphore(%run_scoped3A : memref<!tpu.dma_semaphore, #tpu.memory_space<semaphore_mem>>) src(%dma_wait3A_46 : memref<20x1000xi32, #tpu.memory_space<hbm>>) dst(%arg10 : memref<20x1000xi32, #tpu.memory_space<vmem>>)
      tpu.yield
    }) : () -> ()
    %dma_start3A = arith.constant 0 : i32
    %dma_start3A_6 = arith.constant 0 : i32
    %dma_start3A_7 = tpu.memref_slice %arg9[%dma_start3A, %dma_start3A_6] : memref<20x1000xi32, #tpu.memory_space<vmem>> -> memref<1x1000xi32, #tpu.memory_space<vmem>>
    %dma_start3A_8 = tpu.memref_squeeze %dma_start3A_7 : memref<1x1000xi32, #tpu.memory_space<vmem>> -> memref<1000xi32, #tpu.memory_space<vmem>>
    %dma_start3A_9 = arith.constant 0 : i32
    %dma_start3A_10 = arith.constant 0 : i32
    %dma_start3A_11 = tpu.memref_slice %arg2[%arg0, %dma_start3A_9, %dma_start3A_10] : memref<2x10000x64xbf16, #tpu.memory_space<hbm>> -> memref<1x10000x64xbf16, #tpu.memory_space<hbm>>
    %dma_start3A_12 = tpu.memref_squeeze %dma_start3A_11 : memref<1x10000x64xbf16, #tpu.memory_space<hbm>> -> memref<10000x64xbf16, #tpu.memory_space<hbm>>
    %dma_start3A_13 = arith.constant 0 : i32
    %dma_start3A_14 = arith.constant 0 : i32
    %dma_start3A_15 = tpu.memref_slice %dma_start3A_12[%dma_start3A_13, %dma_start3A_14] : memref<10000x64xbf16, #tpu.memory_space<hbm>> -> memref<10000x64xbf16, #tpu.memory_space<hbm>>
    tpu.enqueue_indirect_dma source(%dma_start3A_15 : memref<10000x64xbf16, #tpu.memory_space<hbm>>) target(%arg13 : memref<1000x64xbf16, #tpu.memory_space<vmem>>) offsets(%dma_start3A_8 : memref<1000xi32, #tpu.memory_space<vmem>>) semaphore(%arg16 : memref<!tpu.dma_semaphore, #tpu.memory_space<semaphore_mem>>)
    %scan3A = arith.constant 0 : i32
    %scan3A_16 = arith.constant 0 : i32
    %scan3A_17 = arith.constant 10 : i32
    %scan3A_18 = arith.addi %scan3A_16, %scan3A_17 : i32
    %scan3A_19 = arith.constant 1 : i32
    scf.for %scan3A_32 = %scan3A_16 to %scan3A_18 step %scan3A_19  : i32 {
      %mul3A = arith.constant 2 : i32
      %mul3A_33 = arith.muli %mul3A, %scan3A_32 : i32
      %add3A = arith.constant 1 : i32
      %add3A_34 = arith.addi %mul3A_33, %add3A : i32
      %dma_start3A_35 = arith.constant 0 : i32
      %dma_start3A_36 = tpu.memref_slice %arg9[%add3A_34, %dma_start3A_35] : memref<20x1000xi32, #tpu.memory_space<vmem>> -> memref<1x1000xi32, #tpu.memory_space<vmem>>
      %dma_start3A_37 = tpu.memref_squeeze %dma_start3A_36 : memref<1x1000xi32, #tpu.memory_space<vmem>> -> memref<1000xi32, #tpu.memory_space<vmem>>
      %dma_start3A_38 = arith.constant 0 : i32
      %dma_start3A_39 = arith.constant 0 : i32
      %dma_start3A_40 = tpu.memref_slice %arg2[%arg0, %dma_start3A_38, %dma_start3A_39] : memref<2x10000x64xbf16, #tpu.memory_space<hbm>> -> memref<1x10000x64xbf16, #tpu.memory_space<hbm>>
      %dma_start3A_41 = tpu.memref_squeeze %dma_start3A_40 : memref<1x10000x64xbf16, #tpu.memory_space<hbm>> -> memref<10000x64xbf16, #tpu.memory_space<hbm>>
      %dma_start3A_42 = arith.constant 0 : i32
      %dma_start3A_43 = arith.constant 0 : i32
      %dma_start3A_44 = tpu.memref_slice %dma_start3A_41[%dma_start3A_42, %dma_start3A_43] : memref<10000x64xbf16, #tpu.memory_space<hbm>> -> memref<10000x64xbf16, #tpu.memory_space<hbm>>
      tpu.enqueue_indirect_dma source(%dma_start3A_44 : memref<10000x64xbf16, #tpu.memory_space<hbm>>) target(%arg14 : memref<1000x64xbf16, #tpu.memory_space<vmem>>) offsets(%dma_start3A_37 : memref<1000xi32, #tpu.memory_space<vmem>>) semaphore(%arg17 : memref<!tpu.dma_semaphore, #tpu.memory_space<semaphore_mem>>)
      %dma_wait3A = arith.constant 0 : i32
      %dma_wait3A_45 = tpu.memref_slice %arg9[%mul3A_33, %dma_wait3A] : memref<20x1000xi32, #tpu.memory_space<vmem>> -> memref<1x1000xi32, #tpu.memory_space<vmem>>
      %dma_wait3A_46 = tpu.memref_squeeze %dma_wait3A_45 : memref<1x1000xi32, #tpu.memory_space<vmem>> -> memref<1000xi32, #tpu.memory_space<vmem>>
      %dma_wait3A_47 = arith.constant 0 : i32
      %dma_wait3A_48 = arith.constant 0 : i32
      %dma_wait3A_49 = tpu.memref_slice %arg2[%arg0, %dma_wait3A_47, %dma_wait3A_48] : memref<2x10000x64xbf16, #tpu.memory_space<hbm>> -> memref<1x10000x64xbf16, #tpu.memory_space<hbm>>
      %dma_wait3A_50 = tpu.memref_squeeze %dma_wait3A_49 : memref<1x10000x64xbf16, #tpu.memory_space<hbm>> -> memref<10000x64xbf16, #tpu.memory_space<hbm>>
      %dma_wait3A_51 = arith.constant 0 : i32
      %dma_wait3A_52 = arith.constant 0 : i32
      %dma_wait3A_53 = tpu.memref_slice %dma_wait3A_50[%dma_wait3A_51, %dma_wait3A_52] : memref<10000x64xbf16, #tpu.memory_space<hbm>> -> memref<10000x64xbf16, #tpu.memory_space<hbm>>
      tpu.wait_indirect_dma semaphore(%arg16 : memref<!tpu.dma_semaphore, #tpu.memory_space<semaphore_mem>>) src(%dma_wait3A_53 : memref<10000x64xbf16, #tpu.memory_space<hbm>>) dst(%arg13 : memref<1000x64xbf16, #tpu.memory_space<vmem>>)
      "tpu.region"() ({
        %run_scoped3A = tpu.sem_alloc : memref<!tpu.dma_semaphore, #tpu.memory_space<semaphore_mem>>
        %dma_start3A_75 = arith.constant 0 : i32
        %dma_start3A_76 = tpu.memref_slice %arg10[%mul3A_33, %dma_start3A_75] : memref<20x1000xi32, #tpu.memory_space<vmem>> -> memref<1x1000xi32, #tpu.memory_space<vmem>>
        %dma_start3A_77 = tpu.memref_squeeze %dma_start3A_76 : memref<1x1000xi32, #tpu.memory_space<vmem>> -> memref<1000xi32, #tpu.memory_space<vmem>>
        %dma_start3A_78 = arith.constant 0 : i32
        %dma_start3A_79 = arith.constant 0 : i32
        %dma_start3A_80 = tpu.memref_slice %arg15[%dma_start3A_78, %dma_start3A_79] : memref<10000x64xbf16, #tpu.memory_space<vmem_shared>> -> memref<10000x64xbf16, #tpu.memory_space<vmem_shared>>
        tpu.enqueue_indirect_dma source(%arg13 : memref<1000x64xbf16, #tpu.memory_space<vmem>>) target(%dma_start3A_80 : memref<10000x64xbf16, #tpu.memory_space<vmem_shared>>) offsets(%dma_start3A_77 : memref<1000xi32, #tpu.memory_space<vmem>>) semaphore(%run_scoped3A : memref<!tpu.dma_semaphore, #tpu.memory_space<semaphore_mem>>) {add = true}
        %dma_wait3A_81 = arith.constant 0 : i32
        %dma_wait3A_82 = tpu.memref_slice %arg10[%mul3A_33, %dma_wait3A_81] : memref<20x1000xi32, #tpu.memory_space<vmem>> -> memref<1x1000xi32, #tpu.memory_space<vmem>>
        %dma_wait3A_83 = tpu.memref_squeeze %dma_wait3A_82 : memref<1x1000xi32, #tpu.memory_space<vmem>> -> memref<1000xi32, #tpu.memory_space<vmem>>
        %dma_wait3A_84 = arith.constant 0 : i32
        %dma_wait3A_85 = arith.constant 0 : i32
        %dma_wait3A_86 = tpu.memref_slice %arg15[%dma_wait3A_84, %dma_wait3A_85] : memref<10000x64xbf16, #tpu.memory_space<vmem_shared>> -> memref<10000x64xbf16, #tpu.memory_space<vmem_shared>>
        tpu.wait_indirect_dma semaphore(%run_scoped3A : memref<!tpu.dma_semaphore, #tpu.memory_space<semaphore_mem>>) src(%arg13 : memref<1000x64xbf16, #tpu.memory_space<vmem>>) dst(%dma_wait3A_86 : memref<10000x64xbf16, #tpu.memory_space<vmem_shared>>)
        tpu.yield
      }) : () -> ()
      %add3A_54 = arith.constant 2 : i32
      %add3A_55 = arith.addi %mul3A_33, %add3A_54 : i32
      %lt3A_56 = arith.constant 20 : i32
      %lt3A_57 = arith.cmpi slt, %add3A_55, %lt3A_56 : i32
      %convert_element_type3A_58 = arith.extui %lt3A_57 : i1 to i32
      %cond3A_59 = arith.constant 0 : i32
      %cond3A_60 = arith.cmpi ne, %convert_element_type3A_58, %cond3A_59 : i32
      scf.if %cond3A_60 {
        %add3A_75 = arith.constant 2 : i32
        %add3A_76 = arith.addi %mul3A_33, %add3A_75 : i32
        %dma_start3A_77 = arith.constant 0 : i32
        %dma_start3A_78 = tpu.memref_slice %arg9[%add3A_76, %dma_start3A_77] : memref<20x1000xi32, #tpu.memory_space<vmem>> -> memref<1x1000xi32, #tpu.memory_space<vmem>>
        %dma_start3A_79 = tpu.memref_squeeze %dma_start3A_78 : memref<1x1000xi32, #tpu.memory_space<vmem>> -> memref<1000xi32, #tpu.memory_space<vmem>>
        %dma_start3A_80 = arith.constant 0 : i32
        %dma_start3A_81 = arith.constant 0 : i32
        %dma_start3A_82 = tpu.memref_slice %arg2[%arg0, %dma_start3A_80, %dma_start3A_81] : memref<2x10000x64xbf16, #tpu.memory_space<hbm>> -> memref<1x10000x64xbf16, #tpu.memory_space<hbm>>
        %dma_start3A_83 = tpu.memref_squeeze %dma_start3A_82 : memref<1x10000x64xbf16, #tpu.memory_space<hbm>> -> memref<10000x64xbf16, #tpu.memory_space<hbm>>
        %dma_start3A_84 = arith.constant 0 : i32
        %dma_start3A_85 = arith.constant 0 : i32
        %dma_start3A_86 = tpu.memref_slice %dma_start3A_83[%dma_start3A_84, %dma_start3A_85] : memref<10000x64xbf16, #tpu.memory_space<hbm>> -> memref<10000x64xbf16, #tpu.memory_space<hbm>>
        tpu.enqueue_indirect_dma source(%dma_start3A_86 : memref<10000x64xbf16, #tpu.memory_space<hbm>>) target(%arg13 : memref<1000x64xbf16, #tpu.memory_space<vmem>>) offsets(%dma_start3A_79 : memref<1000xi32, #tpu.memory_space<vmem>>) semaphore(%arg16 : memref<!tpu.dma_semaphore, #tpu.memory_space<semaphore_mem>>)
      } else {
      }
      %add3A_61 = arith.constant 1 : i32
      %add3A_62 = arith.addi %mul3A_33, %add3A_61 : i32
      %dma_wait3A_63 = arith.constant 0 : i32
      %dma_wait3A_64 = tpu.memref_slice %arg9[%add3A_62, %dma_wait3A_63] : memref<20x1000xi32, #tpu.memory_space<vmem>> -> memref<1x1000xi32, #tpu.memory_space<vmem>>
      %dma_wait3A_65 = tpu.memref_squeeze %dma_wait3A_64 : memref<1x1000xi32, #tpu.memory_space<vmem>> -> memref<1000xi32, #tpu.memory_space<vmem>>
      %dma_wait3A_66 = arith.constant 0 : i32
      %dma_wait3A_67 = arith.constant 0 : i32
      %dma_wait3A_68 = tpu.memref_slice %arg2[%arg0, %dma_wait3A_66, %dma_wait3A_67] : memref<2x10000x64xbf16, #tpu.memory_space<hbm>> -> memref<1x10000x64xbf16, #tpu.memory_space<hbm>>
      %dma_wait3A_69 = tpu.memref_squeeze %dma_wait3A_68 : memref<1x10000x64xbf16, #tpu.memory_space<hbm>> -> memref<10000x64xbf16, #tpu.memory_space<hbm>>
      %dma_wait3A_70 = arith.constant 0 : i32
      %dma_wait3A_71 = arith.constant 0 : i32
      %dma_wait3A_72 = tpu.memref_slice %dma_wait3A_69[%dma_wait3A_70, %dma_wait3A_71] : memref<10000x64xbf16, #tpu.memory_space<hbm>> -> memref<10000x64xbf16, #tpu.memory_space<hbm>>
      tpu.wait_indirect_dma semaphore(%arg17 : memref<!tpu.dma_semaphore, #tpu.memory_space<semaphore_mem>>) src(%dma_wait3A_72 : memref<10000x64xbf16, #tpu.memory_space<hbm>>) dst(%arg14 : memref<1000x64xbf16, #tpu.memory_space<vmem>>)
      %add3A_73 = arith.constant 1 : i32
      %add3A_74 = arith.addi %mul3A_33, %add3A_73 : i32
      "tpu.region"() ({
        %run_scoped3A = tpu.sem_alloc : memref<!tpu.dma_semaphore, #tpu.memory_space<semaphore_mem>>
        %dma_start3A_75 = arith.constant 0 : i32
        %dma_start3A_76 = tpu.memref_slice %arg10[%add3A_74, %dma_start3A_75] : memref<20x1000xi32, #tpu.memory_space<vmem>> -> memref<1x1000xi32, #tpu.memory_space<vmem>>
        %dma_start3A_77 = tpu.memref_squeeze %dma_start3A_76 : memref<1x1000xi32, #tpu.memory_space<vmem>> -> memref<1000xi32, #tpu.memory_space<vmem>>
        %dma_start3A_78 = arith.constant 0 : i32
        %dma_start3A_79 = arith.constant 0 : i32
        %dma_start3A_80 = tpu.memref_slice %arg15[%dma_start3A_78, %dma_start3A_79] : memref<10000x64xbf16, #tpu.memory_space<vmem_shared>> -> memref<10000x64xbf16, #tpu.memory_space<vmem_shared>>
        tpu.enqueue_indirect_dma source(%arg14 : memref<1000x64xbf16, #tpu.memory_space<vmem>>) target(%dma_start3A_80 : memref<10000x64xbf16, #tpu.memory_space<vmem_shared>>) offsets(%dma_start3A_77 : memref<1000xi32, #tpu.memory_space<vmem>>) semaphore(%run_scoped3A : memref<!tpu.dma_semaphore, #tpu.memory_space<semaphore_mem>>) {add = true}
        %dma_wait3A_81 = arith.constant 0 : i32
        %dma_wait3A_82 = tpu.memref_slice %arg10[%add3A_74, %dma_wait3A_81] : memref<20x1000xi32, #tpu.memory_space<vmem>> -> memref<1x1000xi32, #tpu.memory_space<vmem>>
        %dma_wait3A_83 = tpu.memref_squeeze %dma_wait3A_82 : memref<1x1000xi32, #tpu.memory_space<vmem>> -> memref<1000xi32, #tpu.memory_space<vmem>>
        %dma_wait3A_84 = arith.constant 0 : i32
        %dma_wait3A_85 = arith.constant 0 : i32
        %dma_wait3A_86 = tpu.memref_slice %arg15[%dma_wait3A_84, %dma_wait3A_85] : memref<10000x64xbf16, #tpu.memory_space<vmem_shared>> -> memref<10000x64xbf16, #tpu.memory_space<vmem_shared>>
        tpu.wait_indirect_dma semaphore(%run_scoped3A : memref<!tpu.dma_semaphore, #tpu.memory_space<semaphore_mem>>) src(%arg14 : memref<1000x64xbf16, #tpu.memory_space<vmem>>) dst(%dma_wait3A_86 : memref<10000x64xbf16, #tpu.memory_space<vmem_shared>>)
        tpu.yield
      }) : () -> ()
    }
    %scan3A_20 = arith.constant 10 : i32
    %barrier3A_21 = arith.constant 0 : index
    tpu.barrier barrier_id(%barrier3A_21)
    %lt3A_22 = arith.constant 15 : i32
    %lt3A_23 = arith.cmpi slt, %arg1, %lt3A_22 : i32
    %convert_element_type3A_24 = arith.extui %lt3A_23 : i1 to i32
    %cond3A_25 = arith.constant 0 : i32
    %cond3A_26 = arith.cmpi ne, %convert_element_type3A_24, %cond3A_25 : i32
    scf.if %cond3A_26 {
      %mul3A = arith.constant 632 : i32
      %mul3A_32 = arith.muli %arg1, %mul3A : i32
      %mul3A_33 = arith.constant 632 : i32
      %mul3A_34 = arith.muli %arg1, %mul3A_33 : i32
      "tpu.region"() ({
        %run_scoped3A = tpu.sem_alloc : memref<!tpu.dma_semaphore, #tpu.memory_space<semaphore_mem>>
        %dma_start3A_35 = arith.constant 0 : i32
        %dma_start3A_36 = arith.constant 0 : i32
        %dma_start3A_37 = tpu.memref_slice %arg8[%arg0, %dma_start3A_35, %dma_start3A_36] : memref<2x10000x64xbf16, #tpu.memory_space<hbm>> -> memref<1x10000x64xbf16, #tpu.memory_space<hbm>>
        %dma_start3A_38 = tpu.memref_squeeze %dma_start3A_37 : memref<1x10000x64xbf16, #tpu.memory_space<hbm>> -> memref<10000x64xbf16, #tpu.memory_space<hbm>>
        %dma_start3A_39 = arith.constant 0 : i32
        %dma_start3A_40 = tpu.memref_slice %dma_start3A_38[%mul3A_34, %dma_start3A_39] : memref<10000x64xbf16, #tpu.memory_space<hbm>> -> memref<632x64xbf16, #tpu.memory_space<hbm>>
        %dma_start3A_41 = arith.constant 0 : i32
        %dma_start3A_42 = tpu.memref_slice %arg15[%mul3A_32, %dma_start3A_41] : memref<10000x64xbf16, #tpu.memory_space<vmem_shared>> -> memref<632x64xbf16, #tpu.memory_space<vmem_shared>>
        tpu.enqueue_dma source(%dma_start3A_42 : memref<632x64xbf16, #tpu.memory_space<vmem_shared>>) target(%dma_start3A_40 : memref<632x64xbf16, #tpu.memory_space<hbm>>) target_semaphore(%run_scoped3A : memref<!tpu.dma_semaphore, #tpu.memory_space<semaphore_mem>>)
        %dma_wait3A = arith.constant 0 : i32
        %dma_wait3A_43 = arith.constant 0 : i32
        %dma_wait3A_44 = tpu.memref_slice %arg8[%arg0, %dma_wait3A, %dma_wait3A_43] : memref<2x10000x64xbf16, #tpu.memory_space<hbm>> -> memref<1x10000x64xbf16, #tpu.memory_space<hbm>>
        %dma_wait3A_45 = tpu.memref_squeeze %dma_wait3A_44 : memref<1x10000x64xbf16, #tpu.memory_space<hbm>> -> memref<10000x64xbf16, #tpu.memory_space<hbm>>
        %dma_wait3A_46 = arith.constant 0 : i32
        %dma_wait3A_47 = tpu.memref_slice %dma_wait3A_45[%mul3A_34, %dma_wait3A_46] : memref<10000x64xbf16, #tpu.memory_space<hbm>> -> memref<632x64xbf16, #tpu.memory_space<hbm>>
        %dma_wait3A_48 = arith.constant 0 : i32
        %dma_wait3A_49 = tpu.memref_slice %arg15[%mul3A_32, %dma_wait3A_48] : memref<10000x64xbf16, #tpu.memory_space<vmem_shared>> -> memref<632x64xbf16, #tpu.memory_space<vmem_shared>>
        tpu.wait_dma2 semaphore(%run_scoped3A : memref<!tpu.dma_semaphore, #tpu.memory_space<semaphore_mem>>) src(%dma_wait3A_49 : memref<632x64xbf16, #tpu.memory_space<vmem_shared>>) dst(%dma_wait3A_47 : memref<632x64xbf16, #tpu.memory_space<hbm>>)
        tpu.yield
      }) : () -> ()
    } else {
    }
    %eq3A_27 = arith.constant 15 : i32
    %eq3A_28 = arith.cmpi eq, %arg1, %eq3A_27 : i32
    %convert_element_type3A_29 = arith.extui %eq3A_28 : i1 to i32
    %cond3A_30 = arith.constant 0 : i32
    %cond3A_31 = arith.cmpi ne, %convert_element_type3A_29, %cond3A_30 : i32
    scf.if %cond3A_31 {
      "tpu.region"() ({
        %run_scoped3A = tpu.sem_alloc : memref<!tpu.dma_semaphore, #tpu.memory_space<semaphore_mem>>
        %dma_start3A_32 = arith.constant 0 : i32
        %dma_start3A_33 = arith.constant 0 : i32
        %dma_start3A_34 = tpu.memref_slice %arg8[%arg0, %dma_start3A_32, %dma_start3A_33] : memref<2x10000x64xbf16, #tpu.memory_space<hbm>> -> memref<1x10000x64xbf16, #tpu.memory_space<hbm>>
        %dma_start3A_35 = tpu.memref_squeeze %dma_start3A_34 : memref<1x10000x64xbf16, #tpu.memory_space<hbm>> -> memref<10000x64xbf16, #tpu.memory_space<hbm>>
        %dma_start3A_36 = arith.constant 9480 : i32
        %dma_start3A_37 = arith.constant 0 : i32
        %dma_start3A_38 = tpu.memref_slice %dma_start3A_35[%dma_start3A_36, %dma_start3A_37] : memref<10000x64xbf16, #tpu.memory_space<hbm>> -> memref<520x64xbf16, #tpu.memory_space<hbm>>
        %dma_start3A_39 = arith.constant 9480 : i32
        %dma_start3A_40 = arith.constant 0 : i32
        %dma_start3A_41 = tpu.memref_slice %arg15[%dma_start3A_39, %dma_start3A_40] : memref<10000x64xbf16, #tpu.memory_space<vmem_shared>> -> memref<520x64xbf16, #tpu.memory_space<vmem_shared>>
        tpu.enqueue_dma source(%dma_start3A_41 : memref<520x64xbf16, #tpu.memory_space<vmem_shared>>) target(%dma_start3A_38 : memref<520x64xbf16, #tpu.memory_space<hbm>>) target_semaphore(%run_scoped3A : memref<!tpu.dma_semaphore, #tpu.memory_space<semaphore_mem>>)
        %dma_wait3A = arith.constant 0 : i32
        %dma_wait3A_42 = arith.constant 0 : i32
        %dma_wait3A_43 = tpu.memref_slice %arg8[%arg0, %dma_wait3A, %dma_wait3A_42] : memref<2x10000x64xbf16, #tpu.memory_space<hbm>> -> memref<1x10000x64xbf16, #tpu.memory_space<hbm>>
        %dma_wait3A_44 = tpu.memref_squeeze %dma_wait3A_43 : memref<1x10000x64xbf16, #tpu.memory_space<hbm>> -> memref<10000x64xbf16, #tpu.memory_space<hbm>>
        %dma_wait3A_45 = arith.constant 9480 : i32
        %dma_wait3A_46 = arith.constant 0 : i32
        %dma_wait3A_47 = tpu.memref_slice %dma_wait3A_44[%dma_wait3A_45, %dma_wait3A_46] : memref<10000x64xbf16, #tpu.memory_space<hbm>> -> memref<520x64xbf16, #tpu.memory_space<hbm>>
        %dma_wait3A_48 = arith.constant 9480 : i32
        %dma_wait3A_49 = arith.constant 0 : i32
        %dma_wait3A_50 = tpu.memref_slice %arg15[%dma_wait3A_48, %dma_wait3A_49] : memref<10000x64xbf16, #tpu.memory_space<vmem_shared>> -> memref<520x64xbf16, #tpu.memory_space<vmem_shared>>
        tpu.wait_dma2 semaphore(%run_scoped3A : memref<!tpu.dma_semaphore, #tpu.memory_space<semaphore_mem>>) src(%dma_wait3A_50 : memref<520x64xbf16, #tpu.memory_space<vmem_shared>>) dst(%dma_wait3A_47 : memref<520x64xbf16, #tpu.memory_space<hbm>>)
        tpu.yield
      }) : () -> ()
    } else {
    }
    return
  }
}

#map = affine_map<(d0, d1) -> (0, 0, 0)>
#map1 = affine_map<(d0, d1) -> (0, 0)>
module attributes {stable_mosaic.version = 14 : i64} {
  func.func @_prop_sc(%arg0: i32, %arg1: i32, %arg2: memref<2x10000x64xbf16, #tpu.memory_space<hbm>>, %arg3: memref<16x20x1000xi32, #tpu.memory_space<hbm>>, %arg4: memref<16x20x1000xi32, #tpu.memory_space<hbm>>, %arg5: memref<1x1000xi32, #tpu.memory_space<hbm>>, %arg6: memref<1x1000xi32, #tpu.memory_space<hbm>>, %arg7: memref<632x64xbf16, #tpu.memory_space<hbm>>, %arg8: memref<2x10000x64xbf16, #tpu.memory_space<hbm>>, %arg9: memref<20x1000xi32, #tpu.memory_space<vmem>>, %arg10: memref<20x1000xi32, #tpu.memory_space<vmem>>, %arg11: memref<1x1000xi32, #tpu.memory_space<vmem>>, %arg12: memref<1x1000xi32, #tpu.memory_space<vmem>>, %arg13: memref<1000x64xbf16, #tpu.memory_space<vmem>>, %arg14: memref<1000x64xbf16, #tpu.memory_space<vmem>>, %arg15: memref<10000x64xbf16, #tpu.memory_space<vmem_shared>>, %arg16: memref<!tpu.dma_semaphore, #tpu.memory_space<semaphore_mem>>, %arg17: memref<!tpu.dma_semaphore, #tpu.memory_space<semaphore_mem>>) attributes {dimension_semantics = [#tpu.dimension_semantics<core_parallel>, #tpu.dimension_semantics<subcore_parallel>], iteration_bounds = array<i64: 2, 16>, scalar_prefetch = 0 : i64, scratch_operands = 9 : i64, tpu.core_type = #tpu.core_type<sc_vector_subcore>, window_params = [{transform_indices = #map}, {transform_indices = #map}, {transform_indices = #map}, {transform_indices = #map1}, {transform_indices = #map1}, {transform_indices = #map1}, {transform_indices = #map}]} {
    %lt3A = arith.constant 15 : i32
    %lt3A_0 = arith.cmpi slt, %arg1, %lt3A : i32
    %convert_element_type3A = arith.extui %lt3A_0 : i1 to i32
    %cond3A = arith.constant 0 : i32
    %cond3A_1 = arith.cmpi ne, %convert_element_type3A, %cond3A : i32
    scf.if %cond3A_1 {
      %mul3A = arith.constant 632 : i32
      %mul3A_32 = arith.muli %arg1, %mul3A : i32
      "tpu.region"() ({
        %run_scoped3A = tpu.sem_alloc : memref<!tpu.dma_semaphore, #tpu.memory_space<semaphore_mem>>
        %dma_start3A_33 = arith.constant 0 : i32
        %dma_start3A_34 = tpu.memref_slice %arg15[%mul3A_32, %dma_start3A_33] : memref<10000x64xbf16, #tpu.memory_space<vmem_shared>> -> memref<632x64xbf16, #tpu.memory_space<vmem_shared>>
        tpu.enqueue_dma source(%arg7 : memref<632x64xbf16, #tpu.memory_space<hbm>>) target(%dma_start3A_34 : memref<632x64xbf16, #tpu.memory_space<vmem_shared>>) target_semaphore(%run_scoped3A : memref<!tpu.dma_semaphore, #tpu.memory_space<semaphore_mem>>)
        %dma_wait3A = arith.constant 0 : i32
        %dma_wait3A_35 = tpu.memref_slice %arg15[%mul3A_32, %dma_wait3A] : memref<10000x64xbf16, #tpu.memory_space<vmem_shared>> -> memref<632x64xbf16, #tpu.memory_space<vmem_shared>>
        tpu.wait_dma2 semaphore(%run_scoped3A : memref<!tpu.dma_semaphore, #tpu.memory_space<semaphore_mem>>) src(%arg7 : memref<632x64xbf16, #tpu.memory_space<hbm>>) dst(%dma_wait3A_35 : memref<632x64xbf16, #tpu.memory_space<vmem_shared>>)
        tpu.yield
      }) : () -> ()
    } else {
    }
    %eq3A = arith.constant 15 : i32
    %eq3A_2 = arith.cmpi eq, %arg1, %eq3A : i32
    %convert_element_type3A_3 = arith.extui %eq3A_2 : i1 to i32
    %cond3A_4 = arith.constant 0 : i32
    %cond3A_5 = arith.cmpi ne, %convert_element_type3A_3, %cond3A_4 : i32
    scf.if %cond3A_5 {
      "tpu.region"() ({
        %run_scoped3A = tpu.sem_alloc : memref<!tpu.dma_semaphore, #tpu.memory_space<semaphore_mem>>
        %dma_start3A_32 = arith.constant 9480 : i32
        %dma_start3A_33 = arith.constant 0 : i32
        %dma_start3A_34 = tpu.memref_slice %arg15[%dma_start3A_32, %dma_start3A_33] : memref<10000x64xbf16, #tpu.memory_space<vmem_shared>> -> memref<520x64xbf16, #tpu.memory_space<vmem_shared>>
        %dma_start3A_35 = arith.constant 0 : i32
        %dma_start3A_36 = arith.constant 0 : i32
        %dma_start3A_37 = tpu.memref_slice %arg7[%dma_start3A_35, %dma_start3A_36] : memref<632x64xbf16, #tpu.memory_space<hbm>> -> memref<520x64xbf16, #tpu.memory_space<hbm>>
        tpu.enqueue_dma source(%dma_start3A_37 : memref<520x64xbf16, #tpu.memory_space<hbm>>) target(%dma_start3A_34 : memref<520x64xbf16, #tpu.memory_space<vmem_shared>>) target_semaphore(%run_scoped3A : memref<!tpu.dma_semaphore, #tpu.memory_space<semaphore_mem>>)
        %dma_wait3A = arith.constant 9480 : i32
        %dma_wait3A_38 = arith.constant 0 : i32
        %dma_wait3A_39 = tpu.memref_slice %arg15[%dma_wait3A, %dma_wait3A_38] : memref<10000x64xbf16, #tpu.memory_space<vmem_shared>> -> memref<520x64xbf16, #tpu.memory_space<vmem_shared>>
        %dma_wait3A_40 = arith.constant 0 : i32
        %dma_wait3A_41 = arith.constant 0 : i32
        %dma_wait3A_42 = tpu.memref_slice %arg7[%dma_wait3A_40, %dma_wait3A_41] : memref<632x64xbf16, #tpu.memory_space<hbm>> -> memref<520x64xbf16, #tpu.memory_space<hbm>>
        tpu.wait_dma2 semaphore(%run_scoped3A : memref<!tpu.dma_semaphore, #tpu.memory_space<semaphore_mem>>) src(%dma_wait3A_42 : memref<520x64xbf16, #tpu.memory_space<hbm>>) dst(%dma_wait3A_39 : memref<520x64xbf16, #tpu.memory_space<vmem_shared>>)
        tpu.yield
      }) : () -> ()
    } else {
    }
    %barrier3A = arith.constant 0 : index
    tpu.barrier barrier_id(%barrier3A)
    "tpu.region"() ({
      %run_scoped3A = tpu.sem_alloc : memref<!tpu.dma_semaphore, #tpu.memory_space<semaphore_mem>>
      %dma_start3A_32 = arith.constant 0 : i32
      %dma_start3A_33 = arith.constant 0 : i32
      %dma_start3A_34 = tpu.memref_slice %arg3[%arg1, %dma_start3A_32, %dma_start3A_33] : memref<16x20x1000xi32, #tpu.memory_space<hbm>> -> memref<1x20x1000xi32, #tpu.memory_space<hbm>>
      %dma_start3A_35 = tpu.memref_squeeze %dma_start3A_34 : memref<1x20x1000xi32, #tpu.memory_space<hbm>> -> memref<20x1000xi32, #tpu.memory_space<hbm>>
      %dma_start3A_36 = arith.constant 0 : i32
      %dma_start3A_37 = arith.constant 0 : i32
      %dma_start3A_38 = tpu.memref_slice %arg3[%arg1, %dma_start3A_36, %dma_start3A_37] : memref<16x20x1000xi32, #tpu.memory_space<hbm>> -> memref<1x20x1000xi32, #tpu.memory_space<hbm>>
      %dma_start3A_39 = tpu.memref_squeeze %dma_start3A_38 : memref<1x20x1000xi32, #tpu.memory_space<hbm>> -> memref<20x1000xi32, #tpu.memory_space<hbm>>
      tpu.enqueue_dma source(%dma_start3A_39 : memref<20x1000xi32, #tpu.memory_space<hbm>>) target(%arg9 : memref<20x1000xi32, #tpu.memory_space<vmem>>) target_semaphore(%run_scoped3A : memref<!tpu.dma_semaphore, #tpu.memory_space<semaphore_mem>>)
      %dma_wait3A = arith.constant 0 : i32
      %dma_wait3A_40 = arith.constant 0 : i32
      %dma_wait3A_41 = tpu.memref_slice %arg3[%arg1, %dma_wait3A, %dma_wait3A_40] : memref<16x20x1000xi32, #tpu.memory_space<hbm>> -> memref<1x20x1000xi32, #tpu.memory_space<hbm>>
      %dma_wait3A_42 = tpu.memref_squeeze %dma_wait3A_41 : memref<1x20x1000xi32, #tpu.memory_space<hbm>> -> memref<20x1000xi32, #tpu.memory_space<hbm>>
      %dma_wait3A_43 = arith.constant 0 : i32
      %dma_wait3A_44 = arith.constant 0 : i32
      %dma_wait3A_45 = tpu.memref_slice %arg3[%arg1, %dma_wait3A_43, %dma_wait3A_44] : memref<16x20x1000xi32, #tpu.memory_space<hbm>> -> memref<1x20x1000xi32, #tpu.memory_space<hbm>>
      %dma_wait3A_46 = tpu.memref_squeeze %dma_wait3A_45 : memref<1x20x1000xi32, #tpu.memory_space<hbm>> -> memref<20x1000xi32, #tpu.memory_space<hbm>>
      tpu.wait_dma2 semaphore(%run_scoped3A : memref<!tpu.dma_semaphore, #tpu.memory_space<semaphore_mem>>) src(%dma_wait3A_46 : memref<20x1000xi32, #tpu.memory_space<hbm>>) dst(%arg9 : memref<20x1000xi32, #tpu.memory_space<vmem>>)
      tpu.yield
    }) : () -> ()
    "tpu.region"() ({
      %run_scoped3A = tpu.sem_alloc : memref<!tpu.dma_semaphore, #tpu.memory_space<semaphore_mem>>
      %dma_start3A_32 = arith.constant 0 : i32
      %dma_start3A_33 = arith.constant 0 : i32
      %dma_start3A_34 = tpu.memref_slice %arg4[%arg1, %dma_start3A_32, %dma_start3A_33] : memref<16x20x1000xi32, #tpu.memory_space<hbm>> -> memref<1x20x1000xi32, #tpu.memory_space<hbm>>
      %dma_start3A_35 = tpu.memref_squeeze %dma_start3A_34 : memref<1x20x1000xi32, #tpu.memory_space<hbm>> -> memref<20x1000xi32, #tpu.memory_space<hbm>>
      %dma_start3A_36 = arith.constant 0 : i32
      %dma_start3A_37 = arith.constant 0 : i32
      %dma_start3A_38 = tpu.memref_slice %arg4[%arg1, %dma_start3A_36, %dma_start3A_37] : memref<16x20x1000xi32, #tpu.memory_space<hbm>> -> memref<1x20x1000xi32, #tpu.memory_space<hbm>>
      %dma_start3A_39 = tpu.memref_squeeze %dma_start3A_38 : memref<1x20x1000xi32, #tpu.memory_space<hbm>> -> memref<20x1000xi32, #tpu.memory_space<hbm>>
      tpu.enqueue_dma source(%dma_start3A_39 : memref<20x1000xi32, #tpu.memory_space<hbm>>) target(%arg10 : memref<20x1000xi32, #tpu.memory_space<vmem>>) target_semaphore(%run_scoped3A : memref<!tpu.dma_semaphore, #tpu.memory_space<semaphore_mem>>)
      %dma_wait3A = arith.constant 0 : i32
      %dma_wait3A_40 = arith.constant 0 : i32
      %dma_wait3A_41 = tpu.memref_slice %arg4[%arg1, %dma_wait3A, %dma_wait3A_40] : memref<16x20x1000xi32, #tpu.memory_space<hbm>> -> memref<1x20x1000xi32, #tpu.memory_space<hbm>>
      %dma_wait3A_42 = tpu.memref_squeeze %dma_wait3A_41 : memref<1x20x1000xi32, #tpu.memory_space<hbm>> -> memref<20x1000xi32, #tpu.memory_space<hbm>>
      %dma_wait3A_43 = arith.constant 0 : i32
      %dma_wait3A_44 = arith.constant 0 : i32
      %dma_wait3A_45 = tpu.memref_slice %arg4[%arg1, %dma_wait3A_43, %dma_wait3A_44] : memref<16x20x1000xi32, #tpu.memory_space<hbm>> -> memref<1x20x1000xi32, #tpu.memory_space<hbm>>
      %dma_wait3A_46 = tpu.memref_squeeze %dma_wait3A_45 : memref<1x20x1000xi32, #tpu.memory_space<hbm>> -> memref<20x1000xi32, #tpu.memory_space<hbm>>
      tpu.wait_dma2 semaphore(%run_scoped3A : memref<!tpu.dma_semaphore, #tpu.memory_space<semaphore_mem>>) src(%dma_wait3A_46 : memref<20x1000xi32, #tpu.memory_space<hbm>>) dst(%arg10 : memref<20x1000xi32, #tpu.memory_space<vmem>>)
      tpu.yield
    }) : () -> ()
    %dma_start3A = arith.constant 0 : i32
    %dma_start3A_6 = arith.constant 0 : i32
    %dma_start3A_7 = tpu.memref_slice %arg9[%dma_start3A, %dma_start3A_6] : memref<20x1000xi32, #tpu.memory_space<vmem>> -> memref<1x1000xi32, #tpu.memory_space<vmem>>
    %dma_start3A_8 = tpu.memref_squeeze %dma_start3A_7 : memref<1x1000xi32, #tpu.memory_space<vmem>> -> memref<1000xi32, #tpu.memory_space<vmem>>
    %dma_start3A_9 = arith.constant 0 : i32
    %dma_start3A_10 = arith.constant 0 : i32
    %dma_start3A_11 = tpu.memref_slice %arg2[%arg0, %dma_start3A_9, %dma_start3A_10] : memref<2x10000x64xbf16, #tpu.memory_space<hbm>> -> memref<1x10000x64xbf16, #tpu.memory_space<hbm>>
    %dma_start3A_12 = tpu.memref_squeeze %dma_start3A_11 : memref<1x10000x64xbf16, #tpu.memory_space<hbm>> -> memref<10000x64xbf16, #tpu.memory_space<hbm>>
    %dma_start3A_13 = arith.constant 0 : i32
    %dma_start3A_14 = arith.constant 0 : i32
    %dma_start3A_15 = tpu.memref_slice %dma_start3A_12[%dma_start3A_13, %dma_start3A_14] : memref<10000x64xbf16, #tpu.memory_space<hbm>> -> memref<10000x64xbf16, #tpu.memory_space<hbm>>
    tpu.enqueue_indirect_dma source(%dma_start3A_15 : memref<10000x64xbf16, #tpu.memory_space<hbm>>) target(%arg13 : memref<1000x64xbf16, #tpu.memory_space<vmem>>) offsets(%dma_start3A_8 : memref<1000xi32, #tpu.memory_space<vmem>>) semaphore(%arg16 : memref<!tpu.dma_semaphore, #tpu.memory_space<semaphore_mem>>)
    %scan3A = arith.constant 0 : i32
    %scan3A_16 = arith.constant 0 : i32
    %scan3A_17 = arith.constant 10 : i32
    %scan3A_18 = arith.addi %scan3A_16, %scan3A_17 : i32
    %scan3A_19 = arith.constant 1 : i32
    scf.for %scan3A_32 = %scan3A_16 to %scan3A_18 step %scan3A_19  : i32 {
      %mul3A = arith.constant 2 : i32
      %mul3A_33 = arith.muli %mul3A, %scan3A_32 : i32
      %add3A = arith.constant 1 : i32
      %add3A_34 = arith.addi %mul3A_33, %add3A : i32
      %dma_start3A_35 = arith.constant 0 : i32
      %dma_start3A_36 = tpu.memref_slice %arg9[%add3A_34, %dma_start3A_35] : memref<20x1000xi32, #tpu.memory_space<vmem>> -> memref<1x1000xi32, #tpu.memory_space<vmem>>
      %dma_start3A_37 = tpu.memref_squeeze %dma_start3A_36 : memref<1x1000xi32, #tpu.memory_space<vmem>> -> memref<1000xi32, #tpu.memory_space<vmem>>
      %dma_start3A_38 = arith.constant 0 : i32
      %dma_start3A_39 = arith.constant 0 : i32
      %dma_start3A_40 = tpu.memref_slice %arg2[%arg0, %dma_start3A_38, %dma_start3A_39] : memref<2x10000x64xbf16, #tpu.memory_space<hbm>> -> memref<1x10000x64xbf16, #tpu.memory_space<hbm>>
      %dma_start3A_41 = tpu.memref_squeeze %dma_start3A_40 : memref<1x10000x64xbf16, #tpu.memory_space<hbm>> -> memref<10000x64xbf16, #tpu.memory_space<hbm>>
      %dma_start3A_42 = arith.constant 0 : i32
      %dma_start3A_43 = arith.constant 0 : i32
      %dma_start3A_44 = tpu.memref_slice %dma_start3A_41[%dma_start3A_42, %dma_start3A_43] : memref<10000x64xbf16, #tpu.memory_space<hbm>> -> memref<10000x64xbf16, #tpu.memory_space<hbm>>
      tpu.enqueue_indirect_dma source(%dma_start3A_44 : memref<10000x64xbf16, #tpu.memory_space<hbm>>) target(%arg14 : memref<1000x64xbf16, #tpu.memory_space<vmem>>) offsets(%dma_start3A_37 : memref<1000xi32, #tpu.memory_space<vmem>>) semaphore(%arg17 : memref<!tpu.dma_semaphore, #tpu.memory_space<semaphore_mem>>)
      %dma_wait3A = arith.constant 0 : i32
      %dma_wait3A_45 = tpu.memref_slice %arg9[%mul3A_33, %dma_wait3A] : memref<20x1000xi32, #tpu.memory_space<vmem>> -> memref<1x1000xi32, #tpu.memory_space<vmem>>
      %dma_wait3A_46 = tpu.memref_squeeze %dma_wait3A_45 : memref<1x1000xi32, #tpu.memory_space<vmem>> -> memref<1000xi32, #tpu.memory_space<vmem>>
      %dma_wait3A_47 = arith.constant 0 : i32
      %dma_wait3A_48 = arith.constant 0 : i32
      %dma_wait3A_49 = tpu.memref_slice %arg2[%arg0, %dma_wait3A_47, %dma_wait3A_48] : memref<2x10000x64xbf16, #tpu.memory_space<hbm>> -> memref<1x10000x64xbf16, #tpu.memory_space<hbm>>
      %dma_wait3A_50 = tpu.memref_squeeze %dma_wait3A_49 : memref<1x10000x64xbf16, #tpu.memory_space<hbm>> -> memref<10000x64xbf16, #tpu.memory_space<hbm>>
      %dma_wait3A_51 = arith.constant 0 : i32
      %dma_wait3A_52 = arith.constant 0 : i32
      %dma_wait3A_53 = tpu.memref_slice %dma_wait3A_50[%dma_wait3A_51, %dma_wait3A_52] : memref<10000x64xbf16, #tpu.memory_space<hbm>> -> memref<10000x64xbf16, #tpu.memory_space<hbm>>
      tpu.wait_indirect_dma semaphore(%arg16 : memref<!tpu.dma_semaphore, #tpu.memory_space<semaphore_mem>>) src(%dma_wait3A_53 : memref<10000x64xbf16, #tpu.memory_space<hbm>>) dst(%arg13 : memref<1000x64xbf16, #tpu.memory_space<vmem>>)
      "tpu.region"() ({
        %run_scoped3A = tpu.sem_alloc : memref<!tpu.dma_semaphore, #tpu.memory_space<semaphore_mem>>
        %dma_start3A_75 = arith.constant 0 : i32
        %dma_start3A_76 = tpu.memref_slice %arg10[%mul3A_33, %dma_start3A_75] : memref<20x1000xi32, #tpu.memory_space<vmem>> -> memref<1x1000xi32, #tpu.memory_space<vmem>>
        %dma_start3A_77 = tpu.memref_squeeze %dma_start3A_76 : memref<1x1000xi32, #tpu.memory_space<vmem>> -> memref<1000xi32, #tpu.memory_space<vmem>>
        %dma_start3A_78 = arith.constant 0 : i32
        %dma_start3A_79 = arith.constant 0 : i32
        %dma_start3A_80 = tpu.memref_slice %arg15[%dma_start3A_78, %dma_start3A_79] : memref<10000x64xbf16, #tpu.memory_space<vmem_shared>> -> memref<10000x64xbf16, #tpu.memory_space<vmem_shared>>
        tpu.enqueue_indirect_dma source(%arg13 : memref<1000x64xbf16, #tpu.memory_space<vmem>>) target(%dma_start3A_80 : memref<10000x64xbf16, #tpu.memory_space<vmem_shared>>) offsets(%dma_start3A_77 : memref<1000xi32, #tpu.memory_space<vmem>>) semaphore(%run_scoped3A : memref<!tpu.dma_semaphore, #tpu.memory_space<semaphore_mem>>) {add = true}
        %dma_wait3A_81 = arith.constant 0 : i32
        %dma_wait3A_82 = tpu.memref_slice %arg10[%mul3A_33, %dma_wait3A_81] : memref<20x1000xi32, #tpu.memory_space<vmem>> -> memref<1x1000xi32, #tpu.memory_space<vmem>>
        %dma_wait3A_83 = tpu.memref_squeeze %dma_wait3A_82 : memref<1x1000xi32, #tpu.memory_space<vmem>> -> memref<1000xi32, #tpu.memory_space<vmem>>
        %dma_wait3A_84 = arith.constant 0 : i32
        %dma_wait3A_85 = arith.constant 0 : i32
        %dma_wait3A_86 = tpu.memref_slice %arg15[%dma_wait3A_84, %dma_wait3A_85] : memref<10000x64xbf16, #tpu.memory_space<vmem_shared>> -> memref<10000x64xbf16, #tpu.memory_space<vmem_shared>>
        tpu.wait_indirect_dma semaphore(%run_scoped3A : memref<!tpu.dma_semaphore, #tpu.memory_space<semaphore_mem>>) src(%arg13 : memref<1000x64xbf16, #tpu.memory_space<vmem>>) dst(%dma_wait3A_86 : memref<10000x64xbf16, #tpu.memory_space<vmem_shared>>)
        tpu.yield
      }) : () -> ()
      %add3A_54 = arith.constant 2 : i32
      %add3A_55 = arith.addi %mul3A_33, %add3A_54 : i32
      %lt3A_56 = arith.constant 20 : i32
      %lt3A_57 = arith.cmpi slt, %add3A_55, %lt3A_56 : i32
      %convert_element_type3A_58 = arith.extui %lt3A_57 : i1 to i32
      %cond3A_59 = arith.constant 0 : i32
      %cond3A_60 = arith.cmpi ne, %convert_element_type3A_58, %cond3A_59 : i32
      scf.if %cond3A_60 {
        %add3A_75 = arith.constant 2 : i32
        %add3A_76 = arith.addi %mul3A_33, %add3A_75 : i32
        %dma_start3A_77 = arith.constant 0 : i32
        %dma_start3A_78 = tpu.memref_slice %arg9[%add3A_76, %dma_start3A_77] : memref<20x1000xi32, #tpu.memory_space<vmem>> -> memref<1x1000xi32, #tpu.memory_space<vmem>>
        %dma_start3A_79 = tpu.memref_squeeze %dma_start3A_78 : memref<1x1000xi32, #tpu.memory_space<vmem>> -> memref<1000xi32, #tpu.memory_space<vmem>>
        %dma_start3A_80 = arith.constant 0 : i32
        %dma_start3A_81 = arith.constant 0 : i32
        %dma_start3A_82 = tpu.memref_slice %arg2[%arg0, %dma_start3A_80, %dma_start3A_81] : memref<2x10000x64xbf16, #tpu.memory_space<hbm>> -> memref<1x10000x64xbf16, #tpu.memory_space<hbm>>
        %dma_start3A_83 = tpu.memref_squeeze %dma_start3A_82 : memref<1x10000x64xbf16, #tpu.memory_space<hbm>> -> memref<10000x64xbf16, #tpu.memory_space<hbm>>
        %dma_start3A_84 = arith.constant 0 : i32
        %dma_start3A_85 = arith.constant 0 : i32
        %dma_start3A_86 = tpu.memref_slice %dma_start3A_83[%dma_start3A_84, %dma_start3A_85] : memref<10000x64xbf16, #tpu.memory_space<hbm>> -> memref<10000x64xbf16, #tpu.memory_space<hbm>>
        tpu.enqueue_indirect_dma source(%dma_start3A_86 : memref<10000x64xbf16, #tpu.memory_space<hbm>>) target(%arg13 : memref<1000x64xbf16, #tpu.memory_space<vmem>>) offsets(%dma_start3A_79 : memref<1000xi32, #tpu.memory_space<vmem>>) semaphore(%arg16 : memref<!tpu.dma_semaphore, #tpu.memory_space<semaphore_mem>>)
      } else {
      }
      %add3A_61 = arith.constant 1 : i32
      %add3A_62 = arith.addi %mul3A_33, %add3A_61 : i32
      %dma_wait3A_63 = arith.constant 0 : i32
      %dma_wait3A_64 = tpu.memref_slice %arg9[%add3A_62, %dma_wait3A_63] : memref<20x1000xi32, #tpu.memory_space<vmem>> -> memref<1x1000xi32, #tpu.memory_space<vmem>>
      %dma_wait3A_65 = tpu.memref_squeeze %dma_wait3A_64 : memref<1x1000xi32, #tpu.memory_space<vmem>> -> memref<1000xi32, #tpu.memory_space<vmem>>
      %dma_wait3A_66 = arith.constant 0 : i32
      %dma_wait3A_67 = arith.constant 0 : i32
      %dma_wait3A_68 = tpu.memref_slice %arg2[%arg0, %dma_wait3A_66, %dma_wait3A_67] : memref<2x10000x64xbf16, #tpu.memory_space<hbm>> -> memref<1x10000x64xbf16, #tpu.memory_space<hbm>>
      %dma_wait3A_69 = tpu.memref_squeeze %dma_wait3A_68 : memref<1x10000x64xbf16, #tpu.memory_space<hbm>> -> memref<10000x64xbf16, #tpu.memory_space<hbm>>
      %dma_wait3A_70 = arith.constant 0 : i32
      %dma_wait3A_71 = arith.constant 0 : i32
      %dma_wait3A_72 = tpu.memref_slice %dma_wait3A_69[%dma_wait3A_70, %dma_wait3A_71] : memref<10000x64xbf16, #tpu.memory_space<hbm>> -> memref<10000x64xbf16, #tpu.memory_space<hbm>>
      tpu.wait_indirect_dma semaphore(%arg17 : memref<!tpu.dma_semaphore, #tpu.memory_space<semaphore_mem>>) src(%dma_wait3A_72 : memref<10000x64xbf16, #tpu.memory_space<hbm>>) dst(%arg14 : memref<1000x64xbf16, #tpu.memory_space<vmem>>)
      %add3A_73 = arith.constant 1 : i32
      %add3A_74 = arith.addi %mul3A_33, %add3A_73 : i32
      "tpu.region"() ({
        %run_scoped3A = tpu.sem_alloc : memref<!tpu.dma_semaphore, #tpu.memory_space<semaphore_mem>>
        %dma_start3A_75 = arith.constant 0 : i32
        %dma_start3A_76 = tpu.memref_slice %arg10[%add3A_74, %dma_start3A_75] : memref<20x1000xi32, #tpu.memory_space<vmem>> -> memref<1x1000xi32, #tpu.memory_space<vmem>>
        %dma_start3A_77 = tpu.memref_squeeze %dma_start3A_76 : memref<1x1000xi32, #tpu.memory_space<vmem>> -> memref<1000xi32, #tpu.memory_space<vmem>>
        %dma_start3A_78 = arith.constant 0 : i32
        %dma_start3A_79 = arith.constant 0 : i32
        %dma_start3A_80 = tpu.memref_slice %arg15[%dma_start3A_78, %dma_start3A_79] : memref<10000x64xbf16, #tpu.memory_space<vmem_shared>> -> memref<10000x64xbf16, #tpu.memory_space<vmem_shared>>
        tpu.enqueue_indirect_dma source(%arg14 : memref<1000x64xbf16, #tpu.memory_space<vmem>>) target(%dma_start3A_80 : memref<10000x64xbf16, #tpu.memory_space<vmem_shared>>) offsets(%dma_start3A_77 : memref<1000xi32, #tpu.memory_space<vmem>>) semaphore(%run_scoped3A : memref<!tpu.dma_semaphore, #tpu.memory_space<semaphore_mem>>) {add = true}
        %dma_wait3A_81 = arith.constant 0 : i32
        %dma_wait3A_82 = tpu.memref_slice %arg10[%add3A_74, %dma_wait3A_81] : memref<20x1000xi32, #tpu.memory_space<vmem>> -> memref<1x1000xi32, #tpu.memory_space<vmem>>
        %dma_wait3A_83 = tpu.memref_squeeze %dma_wait3A_82 : memref<1x1000xi32, #tpu.memory_space<vmem>> -> memref<1000xi32, #tpu.memory_space<vmem>>
        %dma_wait3A_84 = arith.constant 0 : i32
        %dma_wait3A_85 = arith.constant 0 : i32
        %dma_wait3A_86 = tpu.memref_slice %arg15[%dma_wait3A_84, %dma_wait3A_85] : memref<10000x64xbf16, #tpu.memory_space<vmem_shared>> -> memref<10000x64xbf16, #tpu.memory_space<vmem_shared>>
        tpu.wait_indirect_dma semaphore(%run_scoped3A : memref<!tpu.dma_semaphore, #tpu.memory_space<semaphore_mem>>) src(%arg14 : memref<1000x64xbf16, #tpu.memory_space<vmem>>) dst(%dma_wait3A_86 : memref<10000x64xbf16, #tpu.memory_space<vmem_shared>>)
        tpu.yield
      }) : () -> ()
    }
    %scan3A_20 = arith.constant 10 : i32
    %barrier3A_21 = arith.constant 0 : index
    tpu.barrier barrier_id(%barrier3A_21)
    %lt3A_22 = arith.constant 15 : i32
    %lt3A_23 = arith.cmpi slt, %arg1, %lt3A_22 : i32
    %convert_element_type3A_24 = arith.extui %lt3A_23 : i1 to i32
    %cond3A_25 = arith.constant 0 : i32
    %cond3A_26 = arith.cmpi ne, %convert_element_type3A_24, %cond3A_25 : i32
    scf.if %cond3A_26 {
      %mul3A = arith.constant 632 : i32
      %mul3A_32 = arith.muli %arg1, %mul3A : i32
      %mul3A_33 = arith.constant 632 : i32
      %mul3A_34 = arith.muli %arg1, %mul3A_33 : i32
      "tpu.region"() ({
        %run_scoped3A = tpu.sem_alloc : memref<!tpu.dma_semaphore, #tpu.memory_space<semaphore_mem>>
        %dma_start3A_35 = arith.constant 0 : i32
        %dma_start3A_36 = arith.constant 0 : i32
        %dma_start3A_37 = tpu.memref_slice %arg8[%arg0, %dma_start3A_35, %dma_start3A_36] : memref<2x10000x64xbf16, #tpu.memory_space<hbm>> -> memref<1x10000x64xbf16, #tpu.memory_space<hbm>>
        %dma_start3A_38 = tpu.memref_squeeze %dma_start3A_37 : memref<1x10000x64xbf16, #tpu.memory_space<hbm>> -> memref<10000x64xbf16, #tpu.memory_space<hbm>>
        %dma_start3A_39 = arith.constant 0 : i32
        %dma_start3A_40 = tpu.memref_slice %dma_start3A_38[%mul3A_34, %dma_start3A_39] : memref<10000x64xbf16, #tpu.memory_space<hbm>> -> memref<632x64xbf16, #tpu.memory_space<hbm>>
        %dma_start3A_41 = arith.constant 0 : i32
        %dma_start3A_42 = tpu.memref_slice %arg15[%mul3A_32, %dma_start3A_41] : memref<10000x64xbf16, #tpu.memory_space<vmem_shared>> -> memref<632x64xbf16, #tpu.memory_space<vmem_shared>>
        tpu.enqueue_dma source(%dma_start3A_42 : memref<632x64xbf16, #tpu.memory_space<vmem_shared>>) target(%dma_start3A_40 : memref<632x64xbf16, #tpu.memory_space<hbm>>) target_semaphore(%run_scoped3A : memref<!tpu.dma_semaphore, #tpu.memory_space<semaphore_mem>>)
        %dma_wait3A = arith.constant 0 : i32
        %dma_wait3A_43 = arith.constant 0 : i32
        %dma_wait3A_44 = tpu.memref_slice %arg8[%arg0, %dma_wait3A, %dma_wait3A_43] : memref<2x10000x64xbf16, #tpu.memory_space<hbm>> -> memref<1x10000x64xbf16, #tpu.memory_space<hbm>>
        %dma_wait3A_45 = tpu.memref_squeeze %dma_wait3A_44 : memref<1x10000x64xbf16, #tpu.memory_space<hbm>> -> memref<10000x64xbf16, #tpu.memory_space<hbm>>
        %dma_wait3A_46 = arith.constant 0 : i32
        %dma_wait3A_47 = tpu.memref_slice %dma_wait3A_45[%mul3A_34, %dma_wait3A_46] : memref<10000x64xbf16, #tpu.memory_space<hbm>> -> memref<632x64xbf16, #tpu.memory_space<hbm>>
        %dma_wait3A_48 = arith.constant 0 : i32
        %dma_wait3A_49 = tpu.memref_slice %arg15[%mul3A_32, %dma_wait3A_48] : memref<10000x64xbf16, #tpu.memory_space<vmem_shared>> -> memref<632x64xbf16, #tpu.memory_space<vmem_shared>>
        tpu.wait_dma2 semaphore(%run_scoped3A : memref<!tpu.dma_semaphore, #tpu.memory_space<semaphore_mem>>) src(%dma_wait3A_49 : memref<632x64xbf16, #tpu.memory_space<vmem_shared>>) dst(%dma_wait3A_47 : memref<632x64xbf16, #tpu.memory_space<hbm>>)
        tpu.yield
      }) : () -> ()
    } else {
    }
    %eq3A_27 = arith.constant 15 : i32
    %eq3A_28 = arith.cmpi eq, %arg1, %eq3A_27 : i32
    %convert_element_type3A_29 = arith.extui %eq3A_28 : i1 to i32
    %cond3A_30 = arith.constant 0 : i32
    %cond3A_31 = arith.cmpi ne, %convert_element_type3A_29, %cond3A_30 : i32
    scf.if %cond3A_31 {
      "tpu.region"() ({
        %run_scoped3A = tpu.sem_alloc : memref<!tpu.dma_semaphore, #tpu.memory_space<semaphore_mem>>
        %dma_start3A_32 = arith.constant 0 : i32
        %dma_start3A_33 = arith.constant 0 : i32
        %dma_start3A_34 = tpu.memref_slice %arg8[%arg0, %dma_start3A_32, %dma_start3A_33] : memref<2x10000x64xbf16, #tpu.memory_space<hbm>> -> memref<1x10000x64xbf16, #tpu.memory_space<hbm>>
        %dma_start3A_35 = tpu.memref_squeeze %dma_start3A_34 : memref<1x10000x64xbf16, #tpu.memory_space<hbm>> -> memref<10000x64xbf16, #tpu.memory_space<hbm>>
        %dma_start3A_36 = arith.constant 9480 : i32
        %dma_start3A_37 = arith.constant 0 : i32
        %dma_start3A_38 = tpu.memref_slice %dma_start3A_35[%dma_start3A_36, %dma_start3A_37] : memref<10000x64xbf16, #tpu.memory_space<hbm>> -> memref<520x64xbf16, #tpu.memory_space<hbm>>
        %dma_start3A_39 = arith.constant 9480 : i32
        %dma_start3A_40 = arith.constant 0 : i32
        %dma_start3A_41 = tpu.memref_slice %arg15[%dma_start3A_39, %dma_start3A_40] : memref<10000x64xbf16, #tpu.memory_space<vmem_shared>> -> memref<520x64xbf16, #tpu.memory_space<vmem_shared>>
        tpu.enqueue_dma source(%dma_start3A_41 : memref<520x64xbf16, #tpu.memory_space<vmem_shared>>) target(%dma_start3A_38 : memref<520x64xbf16, #tpu.memory_space<hbm>>) target_semaphore(%run_scoped3A : memref<!tpu.dma_semaphore, #tpu.memory_space<semaphore_mem>>)
        %dma_wait3A = arith.constant 0 : i32
        %dma_wait3A_42 = arith.constant 0 : i32
        %dma_wait3A_43 = tpu.memref_slice %arg8[%arg0, %dma_wait3A, %dma_wait3A_42] : memref<2x10000x64xbf16, #tpu.memory_space<hbm>> -> memref<1x10000x64xbf16, #tpu.memory_space<hbm>>
        %dma_wait3A_44 = tpu.memref_squeeze %dma_wait3A_43 : memref<1x10000x64xbf16, #tpu.memory_space<hbm>> -> memref<10000x64xbf16, #tpu.memory_space<hbm>>
        %dma_wait3A_45 = arith.constant 9480 : i32
        %dma_wait3A_46 = arith.constant 0 : i32
        %dma_wait3A_47 = tpu.memref_slice %dma_wait3A_44[%dma_wait3A_45, %dma_wait3A_46] : memref<10000x64xbf16, #tpu.memory_space<hbm>> -> memref<520x64xbf16, #tpu.memory_space<hbm>>
        %dma_wait3A_48 = arith.constant 9480 : i32
        %dma_wait3A_49 = arith.constant 0 : i32
        %dma_wait3A_50 = tpu.memref_slice %arg15[%dma_wait3A_48, %dma_wait3A_49] : memref<10000x64xbf16, #tpu.memory_space<vmem_shared>> -> memref<520x64xbf16, #tpu.memory_space<vmem_shared>>
        tpu.wait_dma2 semaphore(%run_scoped3A : memref<!tpu.dma_semaphore, #tpu.memory_space<semaphore_mem>>) src(%dma_wait3A_50 : memref<520x64xbf16, #tpu.memory_space<vmem_shared>>) dst(%dma_wait3A_47 : memref<520x64xbf16, #tpu.memory_space<hbm>>)
        tpu.yield
      }) : () -> ()
    } else {
    }
    return
  }
}

#map = affine_map<(d0, d1) -> (0, 0, 0)>
#map1 = affine_map<(d0, d1) -> (0, 0)>
module attributes {stable_mosaic.version = 14 : i64} {
  func.func @_prop_sc(%arg0: i32, %arg1: i32, %arg2: memref<2x10000x64xbf16, #tpu.memory_space<hbm>>, %arg3: memref<16x20x1000xi32, #tpu.memory_space<hbm>>, %arg4: memref<16x20x1000xi32, #tpu.memory_space<hbm>>, %arg5: memref<1x1000xi32, #tpu.memory_space<hbm>>, %arg6: memref<1x1000xi32, #tpu.memory_space<hbm>>, %arg7: memref<632x64xbf16, #tpu.memory_space<hbm>>, %arg8: memref<2x10000x64xbf16, #tpu.memory_space<hbm>>, %arg9: memref<20x1000xi32, #tpu.memory_space<vmem>>, %arg10: memref<20x1000xi32, #tpu.memory_space<vmem>>, %arg11: memref<1x1000xi32, #tpu.memory_space<vmem>>, %arg12: memref<1x1000xi32, #tpu.memory_space<vmem>>, %arg13: memref<1000x64xbf16, #tpu.memory_space<vmem>>, %arg14: memref<1000x64xbf16, #tpu.memory_space<vmem>>, %arg15: memref<10000x64xbf16, #tpu.memory_space<vmem_shared>>, %arg16: memref<!tpu.dma_semaphore, #tpu.memory_space<semaphore_mem>>, %arg17: memref<!tpu.dma_semaphore, #tpu.memory_space<semaphore_mem>>) attributes {dimension_semantics = [#tpu.dimension_semantics<core_parallel>, #tpu.dimension_semantics<subcore_parallel>], iteration_bounds = array<i64: 2, 16>, scalar_prefetch = 0 : i64, scratch_operands = 9 : i64, tpu.core_type = #tpu.core_type<sc_vector_subcore>, window_params = [{transform_indices = #map}, {transform_indices = #map}, {transform_indices = #map}, {transform_indices = #map1}, {transform_indices = #map1}, {transform_indices = #map1}, {transform_indices = #map}]} {
    %lt3A = arith.constant 15 : i32
    %lt3A_0 = arith.cmpi slt, %arg1, %lt3A : i32
    %convert_element_type3A = arith.extui %lt3A_0 : i1 to i32
    %cond3A = arith.constant 0 : i32
    %cond3A_1 = arith.cmpi ne, %convert_element_type3A, %cond3A : i32
    scf.if %cond3A_1 {
      %mul3A = arith.constant 632 : i32
      %mul3A_32 = arith.muli %arg1, %mul3A : i32
      "tpu.region"() ({
        %run_scoped3A = tpu.sem_alloc : memref<!tpu.dma_semaphore, #tpu.memory_space<semaphore_mem>>
        %dma_start3A_33 = arith.constant 0 : i32
        %dma_start3A_34 = tpu.memref_slice %arg15[%mul3A_32, %dma_start3A_33] : memref<10000x64xbf16, #tpu.memory_space<vmem_shared>> -> memref<632x64xbf16, #tpu.memory_space<vmem_shared>>
        tpu.enqueue_dma source(%arg7 : memref<632x64xbf16, #tpu.memory_space<hbm>>) target(%dma_start3A_34 : memref<632x64xbf16, #tpu.memory_space<vmem_shared>>) target_semaphore(%run_scoped3A : memref<!tpu.dma_semaphore, #tpu.memory_space<semaphore_mem>>)
        %dma_wait3A = arith.constant 0 : i32
        %dma_wait3A_35 = tpu.memref_slice %arg15[%mul3A_32, %dma_wait3A] : memref<10000x64xbf16, #tpu.memory_space<vmem_shared>> -> memref<632x64xbf16, #tpu.memory_space<vmem_shared>>
        tpu.wait_dma2 semaphore(%run_scoped3A : memref<!tpu.dma_semaphore, #tpu.memory_space<semaphore_mem>>) src(%arg7 : memref<632x64xbf16, #tpu.memory_space<hbm>>) dst(%dma_wait3A_35 : memref<632x64xbf16, #tpu.memory_space<vmem_shared>>)
        tpu.yield
      }) : () -> ()
    } else {
    }
    %eq3A = arith.constant 15 : i32
    %eq3A_2 = arith.cmpi eq, %arg1, %eq3A : i32
    %convert_element_type3A_3 = arith.extui %eq3A_2 : i1 to i32
    %cond3A_4 = arith.constant 0 : i32
    %cond3A_5 = arith.cmpi ne, %convert_element_type3A_3, %cond3A_4 : i32
    scf.if %cond3A_5 {
      "tpu.region"() ({
        %run_scoped3A = tpu.sem_alloc : memref<!tpu.dma_semaphore, #tpu.memory_space<semaphore_mem>>
        %dma_start3A_32 = arith.constant 9480 : i32
        %dma_start3A_33 = arith.constant 0 : i32
        %dma_start3A_34 = tpu.memref_slice %arg15[%dma_start3A_32, %dma_start3A_33] : memref<10000x64xbf16, #tpu.memory_space<vmem_shared>> -> memref<520x64xbf16, #tpu.memory_space<vmem_shared>>
        %dma_start3A_35 = arith.constant 0 : i32
        %dma_start3A_36 = arith.constant 0 : i32
        %dma_start3A_37 = tpu.memref_slice %arg7[%dma_start3A_35, %dma_start3A_36] : memref<632x64xbf16, #tpu.memory_space<hbm>> -> memref<520x64xbf16, #tpu.memory_space<hbm>>
        tpu.enqueue_dma source(%dma_start3A_37 : memref<520x64xbf16, #tpu.memory_space<hbm>>) target(%dma_start3A_34 : memref<520x64xbf16, #tpu.memory_space<vmem_shared>>) target_semaphore(%run_scoped3A : memref<!tpu.dma_semaphore, #tpu.memory_space<semaphore_mem>>)
        %dma_wait3A = arith.constant 9480 : i32
        %dma_wait3A_38 = arith.constant 0 : i32
        %dma_wait3A_39 = tpu.memref_slice %arg15[%dma_wait3A, %dma_wait3A_38] : memref<10000x64xbf16, #tpu.memory_space<vmem_shared>> -> memref<520x64xbf16, #tpu.memory_space<vmem_shared>>
        %dma_wait3A_40 = arith.constant 0 : i32
        %dma_wait3A_41 = arith.constant 0 : i32
        %dma_wait3A_42 = tpu.memref_slice %arg7[%dma_wait3A_40, %dma_wait3A_41] : memref<632x64xbf16, #tpu.memory_space<hbm>> -> memref<520x64xbf16, #tpu.memory_space<hbm>>
        tpu.wait_dma2 semaphore(%run_scoped3A : memref<!tpu.dma_semaphore, #tpu.memory_space<semaphore_mem>>) src(%dma_wait3A_42 : memref<520x64xbf16, #tpu.memory_space<hbm>>) dst(%dma_wait3A_39 : memref<520x64xbf16, #tpu.memory_space<vmem_shared>>)
        tpu.yield
      }) : () -> ()
    } else {
    }
    %barrier3A = arith.constant 0 : index
    tpu.barrier barrier_id(%barrier3A)
    "tpu.region"() ({
      %run_scoped3A = tpu.sem_alloc : memref<!tpu.dma_semaphore, #tpu.memory_space<semaphore_mem>>
      %dma_start3A_32 = arith.constant 0 : i32
      %dma_start3A_33 = arith.constant 0 : i32
      %dma_start3A_34 = tpu.memref_slice %arg3[%arg1, %dma_start3A_32, %dma_start3A_33] : memref<16x20x1000xi32, #tpu.memory_space<hbm>> -> memref<1x20x1000xi32, #tpu.memory_space<hbm>>
      %dma_start3A_35 = tpu.memref_squeeze %dma_start3A_34 : memref<1x20x1000xi32, #tpu.memory_space<hbm>> -> memref<20x1000xi32, #tpu.memory_space<hbm>>
      %dma_start3A_36 = arith.constant 0 : i32
      %dma_start3A_37 = arith.constant 0 : i32
      %dma_start3A_38 = tpu.memref_slice %arg3[%arg1, %dma_start3A_36, %dma_start3A_37] : memref<16x20x1000xi32, #tpu.memory_space<hbm>> -> memref<1x20x1000xi32, #tpu.memory_space<hbm>>
      %dma_start3A_39 = tpu.memref_squeeze %dma_start3A_38 : memref<1x20x1000xi32, #tpu.memory_space<hbm>> -> memref<20x1000xi32, #tpu.memory_space<hbm>>
      tpu.enqueue_dma source(%dma_start3A_39 : memref<20x1000xi32, #tpu.memory_space<hbm>>) target(%arg9 : memref<20x1000xi32, #tpu.memory_space<vmem>>) target_semaphore(%run_scoped3A : memref<!tpu.dma_semaphore, #tpu.memory_space<semaphore_mem>>)
      %dma_wait3A = arith.constant 0 : i32
      %dma_wait3A_40 = arith.constant 0 : i32
      %dma_wait3A_41 = tpu.memref_slice %arg3[%arg1, %dma_wait3A, %dma_wait3A_40] : memref<16x20x1000xi32, #tpu.memory_space<hbm>> -> memref<1x20x1000xi32, #tpu.memory_space<hbm>>
      %dma_wait3A_42 = tpu.memref_squeeze %dma_wait3A_41 : memref<1x20x1000xi32, #tpu.memory_space<hbm>> -> memref<20x1000xi32, #tpu.memory_space<hbm>>
      %dma_wait3A_43 = arith.constant 0 : i32
      %dma_wait3A_44 = arith.constant 0 : i32
      %dma_wait3A_45 = tpu.memref_slice %arg3[%arg1, %dma_wait3A_43, %dma_wait3A_44] : memref<16x20x1000xi32, #tpu.memory_space<hbm>> -> memref<1x20x1000xi32, #tpu.memory_space<hbm>>
      %dma_wait3A_46 = tpu.memref_squeeze %dma_wait3A_45 : memref<1x20x1000xi32, #tpu.memory_space<hbm>> -> memref<20x1000xi32, #tpu.memory_space<hbm>>
      tpu.wait_dma2 semaphore(%run_scoped3A : memref<!tpu.dma_semaphore, #tpu.memory_space<semaphore_mem>>) src(%dma_wait3A_46 : memref<20x1000xi32, #tpu.memory_space<hbm>>) dst(%arg9 : memref<20x1000xi32, #tpu.memory_space<vmem>>)
      tpu.yield
    }) : () -> ()
    "tpu.region"() ({
      %run_scoped3A = tpu.sem_alloc : memref<!tpu.dma_semaphore, #tpu.memory_space<semaphore_mem>>
      %dma_start3A_32 = arith.constant 0 : i32
      %dma_start3A_33 = arith.constant 0 : i32
      %dma_start3A_34 = tpu.memref_slice %arg4[%arg1, %dma_start3A_32, %dma_start3A_33] : memref<16x20x1000xi32, #tpu.memory_space<hbm>> -> memref<1x20x1000xi32, #tpu.memory_space<hbm>>
      %dma_start3A_35 = tpu.memref_squeeze %dma_start3A_34 : memref<1x20x1000xi32, #tpu.memory_space<hbm>> -> memref<20x1000xi32, #tpu.memory_space<hbm>>
      %dma_start3A_36 = arith.constant 0 : i32
      %dma_start3A_37 = arith.constant 0 : i32
      %dma_start3A_38 = tpu.memref_slice %arg4[%arg1, %dma_start3A_36, %dma_start3A_37] : memref<16x20x1000xi32, #tpu.memory_space<hbm>> -> memref<1x20x1000xi32, #tpu.memory_space<hbm>>
      %dma_start3A_39 = tpu.memref_squeeze %dma_start3A_38 : memref<1x20x1000xi32, #tpu.memory_space<hbm>> -> memref<20x1000xi32, #tpu.memory_space<hbm>>
      tpu.enqueue_dma source(%dma_start3A_39 : memref<20x1000xi32, #tpu.memory_space<hbm>>) target(%arg10 : memref<20x1000xi32, #tpu.memory_space<vmem>>) target_semaphore(%run_scoped3A : memref<!tpu.dma_semaphore, #tpu.memory_space<semaphore_mem>>)
      %dma_wait3A = arith.constant 0 : i32
      %dma_wait3A_40 = arith.constant 0 : i32
      %dma_wait3A_41 = tpu.memref_slice %arg4[%arg1, %dma_wait3A, %dma_wait3A_40] : memref<16x20x1000xi32, #tpu.memory_space<hbm>> -> memref<1x20x1000xi32, #tpu.memory_space<hbm>>
      %dma_wait3A_42 = tpu.memref_squeeze %dma_wait3A_41 : memref<1x20x1000xi32, #tpu.memory_space<hbm>> -> memref<20x1000xi32, #tpu.memory_space<hbm>>
      %dma_wait3A_43 = arith.constant 0 : i32
      %dma_wait3A_44 = arith.constant 0 : i32
      %dma_wait3A_45 = tpu.memref_slice %arg4[%arg1, %dma_wait3A_43, %dma_wait3A_44] : memref<16x20x1000xi32, #tpu.memory_space<hbm>> -> memref<1x20x1000xi32, #tpu.memory_space<hbm>>
      %dma_wait3A_46 = tpu.memref_squeeze %dma_wait3A_45 : memref<1x20x1000xi32, #tpu.memory_space<hbm>> -> memref<20x1000xi32, #tpu.memory_space<hbm>>
      tpu.wait_dma2 semaphore(%run_scoped3A : memref<!tpu.dma_semaphore, #tpu.memory_space<semaphore_mem>>) src(%dma_wait3A_46 : memref<20x1000xi32, #tpu.memory_space<hbm>>) dst(%arg10 : memref<20x1000xi32, #tpu.memory_space<vmem>>)
      tpu.yield
    }) : () -> ()
    %dma_start3A = arith.constant 0 : i32
    %dma_start3A_6 = arith.constant 0 : i32
    %dma_start3A_7 = tpu.memref_slice %arg9[%dma_start3A, %dma_start3A_6] : memref<20x1000xi32, #tpu.memory_space<vmem>> -> memref<1x1000xi32, #tpu.memory_space<vmem>>
    %dma_start3A_8 = tpu.memref_squeeze %dma_start3A_7 : memref<1x1000xi32, #tpu.memory_space<vmem>> -> memref<1000xi32, #tpu.memory_space<vmem>>
    %dma_start3A_9 = arith.constant 0 : i32
    %dma_start3A_10 = arith.constant 0 : i32
    %dma_start3A_11 = tpu.memref_slice %arg2[%arg0, %dma_start3A_9, %dma_start3A_10] : memref<2x10000x64xbf16, #tpu.memory_space<hbm>> -> memref<1x10000x64xbf16, #tpu.memory_space<hbm>>
    %dma_start3A_12 = tpu.memref_squeeze %dma_start3A_11 : memref<1x10000x64xbf16, #tpu.memory_space<hbm>> -> memref<10000x64xbf16, #tpu.memory_space<hbm>>
    %dma_start3A_13 = arith.constant 0 : i32
    %dma_start3A_14 = arith.constant 0 : i32
    %dma_start3A_15 = tpu.memref_slice %dma_start3A_12[%dma_start3A_13, %dma_start3A_14] : memref<10000x64xbf16, #tpu.memory_space<hbm>> -> memref<10000x64xbf16, #tpu.memory_space<hbm>>
    tpu.enqueue_indirect_dma source(%dma_start3A_15 : memref<10000x64xbf16, #tpu.memory_space<hbm>>) target(%arg13 : memref<1000x64xbf16, #tpu.memory_space<vmem>>) offsets(%dma_start3A_8 : memref<1000xi32, #tpu.memory_space<vmem>>) semaphore(%arg16 : memref<!tpu.dma_semaphore, #tpu.memory_space<semaphore_mem>>)
    %scan3A = arith.constant 0 : i32
    %scan3A_16 = arith.constant 0 : i32
    %scan3A_17 = arith.constant 10 : i32
    %scan3A_18 = arith.addi %scan3A_16, %scan3A_17 : i32
    %scan3A_19 = arith.constant 1 : i32
    scf.for %scan3A_32 = %scan3A_16 to %scan3A_18 step %scan3A_19  : i32 {
      %mul3A = arith.constant 2 : i32
      %mul3A_33 = arith.muli %mul3A, %scan3A_32 : i32
      %add3A = arith.constant 1 : i32
      %add3A_34 = arith.addi %mul3A_33, %add3A : i32
      %dma_start3A_35 = arith.constant 0 : i32
      %dma_start3A_36 = tpu.memref_slice %arg9[%add3A_34, %dma_start3A_35] : memref<20x1000xi32, #tpu.memory_space<vmem>> -> memref<1x1000xi32, #tpu.memory_space<vmem>>
      %dma_start3A_37 = tpu.memref_squeeze %dma_start3A_36 : memref<1x1000xi32, #tpu.memory_space<vmem>> -> memref<1000xi32, #tpu.memory_space<vmem>>
      %dma_start3A_38 = arith.constant 0 : i32
      %dma_start3A_39 = arith.constant 0 : i32
      %dma_start3A_40 = tpu.memref_slice %arg2[%arg0, %dma_start3A_38, %dma_start3A_39] : memref<2x10000x64xbf16, #tpu.memory_space<hbm>> -> memref<1x10000x64xbf16, #tpu.memory_space<hbm>>
      %dma_start3A_41 = tpu.memref_squeeze %dma_start3A_40 : memref<1x10000x64xbf16, #tpu.memory_space<hbm>> -> memref<10000x64xbf16, #tpu.memory_space<hbm>>
      %dma_start3A_42 = arith.constant 0 : i32
      %dma_start3A_43 = arith.constant 0 : i32
      %dma_start3A_44 = tpu.memref_slice %dma_start3A_41[%dma_start3A_42, %dma_start3A_43] : memref<10000x64xbf16, #tpu.memory_space<hbm>> -> memref<10000x64xbf16, #tpu.memory_space<hbm>>
      tpu.enqueue_indirect_dma source(%dma_start3A_44 : memref<10000x64xbf16, #tpu.memory_space<hbm>>) target(%arg14 : memref<1000x64xbf16, #tpu.memory_space<vmem>>) offsets(%dma_start3A_37 : memref<1000xi32, #tpu.memory_space<vmem>>) semaphore(%arg17 : memref<!tpu.dma_semaphore, #tpu.memory_space<semaphore_mem>>)
      %dma_wait3A = arith.constant 0 : i32
      %dma_wait3A_45 = tpu.memref_slice %arg9[%mul3A_33, %dma_wait3A] : memref<20x1000xi32, #tpu.memory_space<vmem>> -> memref<1x1000xi32, #tpu.memory_space<vmem>>
      %dma_wait3A_46 = tpu.memref_squeeze %dma_wait3A_45 : memref<1x1000xi32, #tpu.memory_space<vmem>> -> memref<1000xi32, #tpu.memory_space<vmem>>
      %dma_wait3A_47 = arith.constant 0 : i32
      %dma_wait3A_48 = arith.constant 0 : i32
      %dma_wait3A_49 = tpu.memref_slice %arg2[%arg0, %dma_wait3A_47, %dma_wait3A_48] : memref<2x10000x64xbf16, #tpu.memory_space<hbm>> -> memref<1x10000x64xbf16, #tpu.memory_space<hbm>>
      %dma_wait3A_50 = tpu.memref_squeeze %dma_wait3A_49 : memref<1x10000x64xbf16, #tpu.memory_space<hbm>> -> memref<10000x64xbf16, #tpu.memory_space<hbm>>
      %dma_wait3A_51 = arith.constant 0 : i32
      %dma_wait3A_52 = arith.constant 0 : i32
      %dma_wait3A_53 = tpu.memref_slice %dma_wait3A_50[%dma_wait3A_51, %dma_wait3A_52] : memref<10000x64xbf16, #tpu.memory_space<hbm>> -> memref<10000x64xbf16, #tpu.memory_space<hbm>>
      tpu.wait_indirect_dma semaphore(%arg16 : memref<!tpu.dma_semaphore, #tpu.memory_space<semaphore_mem>>) src(%dma_wait3A_53 : memref<10000x64xbf16, #tpu.memory_space<hbm>>) dst(%arg13 : memref<1000x64xbf16, #tpu.memory_space<vmem>>)
      "tpu.region"() ({
        %run_scoped3A = tpu.sem_alloc : memref<!tpu.dma_semaphore, #tpu.memory_space<semaphore_mem>>
        %dma_start3A_75 = arith.constant 0 : i32
        %dma_start3A_76 = tpu.memref_slice %arg10[%mul3A_33, %dma_start3A_75] : memref<20x1000xi32, #tpu.memory_space<vmem>> -> memref<1x1000xi32, #tpu.memory_space<vmem>>
        %dma_start3A_77 = tpu.memref_squeeze %dma_start3A_76 : memref<1x1000xi32, #tpu.memory_space<vmem>> -> memref<1000xi32, #tpu.memory_space<vmem>>
        %dma_start3A_78 = arith.constant 0 : i32
        %dma_start3A_79 = arith.constant 0 : i32
        %dma_start3A_80 = tpu.memref_slice %arg15[%dma_start3A_78, %dma_start3A_79] : memref<10000x64xbf16, #tpu.memory_space<vmem_shared>> -> memref<10000x64xbf16, #tpu.memory_space<vmem_shared>>
        tpu.enqueue_indirect_dma source(%arg13 : memref<1000x64xbf16, #tpu.memory_space<vmem>>) target(%dma_start3A_80 : memref<10000x64xbf16, #tpu.memory_space<vmem_shared>>) offsets(%dma_start3A_77 : memref<1000xi32, #tpu.memory_space<vmem>>) semaphore(%run_scoped3A : memref<!tpu.dma_semaphore, #tpu.memory_space<semaphore_mem>>) {add = true}
        %dma_wait3A_81 = arith.constant 0 : i32
        %dma_wait3A_82 = tpu.memref_slice %arg10[%mul3A_33, %dma_wait3A_81] : memref<20x1000xi32, #tpu.memory_space<vmem>> -> memref<1x1000xi32, #tpu.memory_space<vmem>>
        %dma_wait3A_83 = tpu.memref_squeeze %dma_wait3A_82 : memref<1x1000xi32, #tpu.memory_space<vmem>> -> memref<1000xi32, #tpu.memory_space<vmem>>
        %dma_wait3A_84 = arith.constant 0 : i32
        %dma_wait3A_85 = arith.constant 0 : i32
        %dma_wait3A_86 = tpu.memref_slice %arg15[%dma_wait3A_84, %dma_wait3A_85] : memref<10000x64xbf16, #tpu.memory_space<vmem_shared>> -> memref<10000x64xbf16, #tpu.memory_space<vmem_shared>>
        tpu.wait_indirect_dma semaphore(%run_scoped3A : memref<!tpu.dma_semaphore, #tpu.memory_space<semaphore_mem>>) src(%arg13 : memref<1000x64xbf16, #tpu.memory_space<vmem>>) dst(%dma_wait3A_86 : memref<10000x64xbf16, #tpu.memory_space<vmem_shared>>)
        tpu.yield
      }) : () -> ()
      %add3A_54 = arith.constant 2 : i32
      %add3A_55 = arith.addi %mul3A_33, %add3A_54 : i32
      %lt3A_56 = arith.constant 20 : i32
      %lt3A_57 = arith.cmpi slt, %add3A_55, %lt3A_56 : i32
      %convert_element_type3A_58 = arith.extui %lt3A_57 : i1 to i32
      %cond3A_59 = arith.constant 0 : i32
      %cond3A_60 = arith.cmpi ne, %convert_element_type3A_58, %cond3A_59 : i32
      scf.if %cond3A_60 {
        %add3A_75 = arith.constant 2 : i32
        %add3A_76 = arith.addi %mul3A_33, %add3A_75 : i32
        %dma_start3A_77 = arith.constant 0 : i32
        %dma_start3A_78 = tpu.memref_slice %arg9[%add3A_76, %dma_start3A_77] : memref<20x1000xi32, #tpu.memory_space<vmem>> -> memref<1x1000xi32, #tpu.memory_space<vmem>>
        %dma_start3A_79 = tpu.memref_squeeze %dma_start3A_78 : memref<1x1000xi32, #tpu.memory_space<vmem>> -> memref<1000xi32, #tpu.memory_space<vmem>>
        %dma_start3A_80 = arith.constant 0 : i32
        %dma_start3A_81 = arith.constant 0 : i32
        %dma_start3A_82 = tpu.memref_slice %arg2[%arg0, %dma_start3A_80, %dma_start3A_81] : memref<2x10000x64xbf16, #tpu.memory_space<hbm>> -> memref<1x10000x64xbf16, #tpu.memory_space<hbm>>
        %dma_start3A_83 = tpu.memref_squeeze %dma_start3A_82 : memref<1x10000x64xbf16, #tpu.memory_space<hbm>> -> memref<10000x64xbf16, #tpu.memory_space<hbm>>
        %dma_start3A_84 = arith.constant 0 : i32
        %dma_start3A_85 = arith.constant 0 : i32
        %dma_start3A_86 = tpu.memref_slice %dma_start3A_83[%dma_start3A_84, %dma_start3A_85] : memref<10000x64xbf16, #tpu.memory_space<hbm>> -> memref<10000x64xbf16, #tpu.memory_space<hbm>>
        tpu.enqueue_indirect_dma source(%dma_start3A_86 : memref<10000x64xbf16, #tpu.memory_space<hbm>>) target(%arg13 : memref<1000x64xbf16, #tpu.memory_space<vmem>>) offsets(%dma_start3A_79 : memref<1000xi32, #tpu.memory_space<vmem>>) semaphore(%arg16 : memref<!tpu.dma_semaphore, #tpu.memory_space<semaphore_mem>>)
      } else {
      }
      %add3A_61 = arith.constant 1 : i32
      %add3A_62 = arith.addi %mul3A_33, %add3A_61 : i32
      %dma_wait3A_63 = arith.constant 0 : i32
      %dma_wait3A_64 = tpu.memref_slice %arg9[%add3A_62, %dma_wait3A_63] : memref<20x1000xi32, #tpu.memory_space<vmem>> -> memref<1x1000xi32, #tpu.memory_space<vmem>>
      %dma_wait3A_65 = tpu.memref_squeeze %dma_wait3A_64 : memref<1x1000xi32, #tpu.memory_space<vmem>> -> memref<1000xi32, #tpu.memory_space<vmem>>
      %dma_wait3A_66 = arith.constant 0 : i32
      %dma_wait3A_67 = arith.constant 0 : i32
      %dma_wait3A_68 = tpu.memref_slice %arg2[%arg0, %dma_wait3A_66, %dma_wait3A_67] : memref<2x10000x64xbf16, #tpu.memory_space<hbm>> -> memref<1x10000x64xbf16, #tpu.memory_space<hbm>>
      %dma_wait3A_69 = tpu.memref_squeeze %dma_wait3A_68 : memref<1x10000x64xbf16, #tpu.memory_space<hbm>> -> memref<10000x64xbf16, #tpu.memory_space<hbm>>
      %dma_wait3A_70 = arith.constant 0 : i32
      %dma_wait3A_71 = arith.constant 0 : i32
      %dma_wait3A_72 = tpu.memref_slice %dma_wait3A_69[%dma_wait3A_70, %dma_wait3A_71] : memref<10000x64xbf16, #tpu.memory_space<hbm>> -> memref<10000x64xbf16, #tpu.memory_space<hbm>>
      tpu.wait_indirect_dma semaphore(%arg17 : memref<!tpu.dma_semaphore, #tpu.memory_space<semaphore_mem>>) src(%dma_wait3A_72 : memref<10000x64xbf16, #tpu.memory_space<hbm>>) dst(%arg14 : memref<1000x64xbf16, #tpu.memory_space<vmem>>)
      %add3A_73 = arith.constant 1 : i32
      %add3A_74 = arith.addi %mul3A_33, %add3A_73 : i32
      "tpu.region"() ({
        %run_scoped3A = tpu.sem_alloc : memref<!tpu.dma_semaphore, #tpu.memory_space<semaphore_mem>>
        %dma_start3A_75 = arith.constant 0 : i32
        %dma_start3A_76 = tpu.memref_slice %arg10[%add3A_74, %dma_start3A_75] : memref<20x1000xi32, #tpu.memory_space<vmem>> -> memref<1x1000xi32, #tpu.memory_space<vmem>>
        %dma_start3A_77 = tpu.memref_squeeze %dma_start3A_76 : memref<1x1000xi32, #tpu.memory_space<vmem>> -> memref<1000xi32, #tpu.memory_space<vmem>>
        %dma_start3A_78 = arith.constant 0 : i32
        %dma_start3A_79 = arith.constant 0 : i32
        %dma_start3A_80 = tpu.memref_slice %arg15[%dma_start3A_78, %dma_start3A_79] : memref<10000x64xbf16, #tpu.memory_space<vmem_shared>> -> memref<10000x64xbf16, #tpu.memory_space<vmem_shared>>
        tpu.enqueue_indirect_dma source(%arg14 : memref<1000x64xbf16, #tpu.memory_space<vmem>>) target(%dma_start3A_80 : memref<10000x64xbf16, #tpu.memory_space<vmem_shared>>) offsets(%dma_start3A_77 : memref<1000xi32, #tpu.memory_space<vmem>>) semaphore(%run_scoped3A : memref<!tpu.dma_semaphore, #tpu.memory_space<semaphore_mem>>) {add = true}
        %dma_wait3A_81 = arith.constant 0 : i32
        %dma_wait3A_82 = tpu.memref_slice %arg10[%add3A_74, %dma_wait3A_81] : memref<20x1000xi32, #tpu.memory_space<vmem>> -> memref<1x1000xi32, #tpu.memory_space<vmem>>
        %dma_wait3A_83 = tpu.memref_squeeze %dma_wait3A_82 : memref<1x1000xi32, #tpu.memory_space<vmem>> -> memref<1000xi32, #tpu.memory_space<vmem>>
        %dma_wait3A_84 = arith.constant 0 : i32
        %dma_wait3A_85 = arith.constant 0 : i32
        %dma_wait3A_86 = tpu.memref_slice %arg15[%dma_wait3A_84, %dma_wait3A_85] : memref<10000x64xbf16, #tpu.memory_space<vmem_shared>> -> memref<10000x64xbf16, #tpu.memory_space<vmem_shared>>
        tpu.wait_indirect_dma semaphore(%run_scoped3A : memref<!tpu.dma_semaphore, #tpu.memory_space<semaphore_mem>>) src(%arg14 : memref<1000x64xbf16, #tpu.memory_space<vmem>>) dst(%dma_wait3A_86 : memref<10000x64xbf16, #tpu.memory_space<vmem_shared>>)
        tpu.yield
      }) : () -> ()
    }
    %scan3A_20 = arith.constant 10 : i32
    %barrier3A_21 = arith.constant 0 : index
    tpu.barrier barrier_id(%barrier3A_21)
    %lt3A_22 = arith.constant 15 : i32
    %lt3A_23 = arith.cmpi slt, %arg1, %lt3A_22 : i32
    %convert_element_type3A_24 = arith.extui %lt3A_23 : i1 to i32
    %cond3A_25 = arith.constant 0 : i32
    %cond3A_26 = arith.cmpi ne, %convert_element_type3A_24, %cond3A_25 : i32
    scf.if %cond3A_26 {
      %mul3A = arith.constant 632 : i32
      %mul3A_32 = arith.muli %arg1, %mul3A : i32
      %mul3A_33 = arith.constant 632 : i32
      %mul3A_34 = arith.muli %arg1, %mul3A_33 : i32
      "tpu.region"() ({
        %run_scoped3A = tpu.sem_alloc : memref<!tpu.dma_semaphore, #tpu.memory_space<semaphore_mem>>
        %dma_start3A_35 = arith.constant 0 : i32
        %dma_start3A_36 = arith.constant 0 : i32
        %dma_start3A_37 = tpu.memref_slice %arg8[%arg0, %dma_start3A_35, %dma_start3A_36] : memref<2x10000x64xbf16, #tpu.memory_space<hbm>> -> memref<1x10000x64xbf16, #tpu.memory_space<hbm>>
        %dma_start3A_38 = tpu.memref_squeeze %dma_start3A_37 : memref<1x10000x64xbf16, #tpu.memory_space<hbm>> -> memref<10000x64xbf16, #tpu.memory_space<hbm>>
        %dma_start3A_39 = arith.constant 0 : i32
        %dma_start3A_40 = tpu.memref_slice %dma_start3A_38[%mul3A_34, %dma_start3A_39] : memref<10000x64xbf16, #tpu.memory_space<hbm>> -> memref<632x64xbf16, #tpu.memory_space<hbm>>
        %dma_start3A_41 = arith.constant 0 : i32
        %dma_start3A_42 = tpu.memref_slice %arg15[%mul3A_32, %dma_start3A_41] : memref<10000x64xbf16, #tpu.memory_space<vmem_shared>> -> memref<632x64xbf16, #tpu.memory_space<vmem_shared>>
        tpu.enqueue_dma source(%dma_start3A_42 : memref<632x64xbf16, #tpu.memory_space<vmem_shared>>) target(%dma_start3A_40 : memref<632x64xbf16, #tpu.memory_space<hbm>>) target_semaphore(%run_scoped3A : memref<!tpu.dma_semaphore, #tpu.memory_space<semaphore_mem>>)
        %dma_wait3A = arith.constant 0 : i32
        %dma_wait3A_43 = arith.constant 0 : i32
        %dma_wait3A_44 = tpu.memref_slice %arg8[%arg0, %dma_wait3A, %dma_wait3A_43] : memref<2x10000x64xbf16, #tpu.memory_space<hbm>> -> memref<1x10000x64xbf16, #tpu.memory_space<hbm>>
        %dma_wait3A_45 = tpu.memref_squeeze %dma_wait3A_44 : memref<1x10000x64xbf16, #tpu.memory_space<hbm>> -> memref<10000x64xbf16, #tpu.memory_space<hbm>>
        %dma_wait3A_46 = arith.constant 0 : i32
        %dma_wait3A_47 = tpu.memref_slice %dma_wait3A_45[%mul3A_34, %dma_wait3A_46] : memref<10000x64xbf16, #tpu.memory_space<hbm>> -> memref<632x64xbf16, #tpu.memory_space<hbm>>
        %dma_wait3A_48 = arith.constant 0 : i32
        %dma_wait3A_49 = tpu.memref_slice %arg15[%mul3A_32, %dma_wait3A_48] : memref<10000x64xbf16, #tpu.memory_space<vmem_shared>> -> memref<632x64xbf16, #tpu.memory_space<vmem_shared>>
        tpu.wait_dma2 semaphore(%run_scoped3A : memref<!tpu.dma_semaphore, #tpu.memory_space<semaphore_mem>>) src(%dma_wait3A_49 : memref<632x64xbf16, #tpu.memory_space<vmem_shared>>) dst(%dma_wait3A_47 : memref<632x64xbf16, #tpu.memory_space<hbm>>)
        tpu.yield
      }) : () -> ()
    } else {
    }
    %eq3A_27 = arith.constant 15 : i32
    %eq3A_28 = arith.cmpi eq, %arg1, %eq3A_27 : i32
    %convert_element_type3A_29 = arith.extui %eq3A_28 : i1 to i32
    %cond3A_30 = arith.constant 0 : i32
    %cond3A_31 = arith.cmpi ne, %convert_element_type3A_29, %cond3A_30 : i32
    scf.if %cond3A_31 {
      "tpu.region"() ({
        %run_scoped3A = tpu.sem_alloc : memref<!tpu.dma_semaphore, #tpu.memory_space<semaphore_mem>>
        %dma_start3A_32 = arith.constant 0 : i32
        %dma_start3A_33 = arith.constant 0 : i32
        %dma_start3A_34 = tpu.memref_slice %arg8[%arg0, %dma_start3A_32, %dma_start3A_33] : memref<2x10000x64xbf16, #tpu.memory_space<hbm>> -> memref<1x10000x64xbf16, #tpu.memory_space<hbm>>
        %dma_start3A_35 = tpu.memref_squeeze %dma_start3A_34 : memref<1x10000x64xbf16, #tpu.memory_space<hbm>> -> memref<10000x64xbf16, #tpu.memory_space<hbm>>
        %dma_start3A_36 = arith.constant 9480 : i32
        %dma_start3A_37 = arith.constant 0 : i32
        %dma_start3A_38 = tpu.memref_slice %dma_start3A_35[%dma_start3A_36, %dma_start3A_37] : memref<10000x64xbf16, #tpu.memory_space<hbm>> -> memref<520x64xbf16, #tpu.memory_space<hbm>>
        %dma_start3A_39 = arith.constant 9480 : i32
        %dma_start3A_40 = arith.constant 0 : i32
        %dma_start3A_41 = tpu.memref_slice %arg15[%dma_start3A_39, %dma_start3A_40] : memref<10000x64xbf16, #tpu.memory_space<vmem_shared>> -> memref<520x64xbf16, #tpu.memory_space<vmem_shared>>
        tpu.enqueue_dma source(%dma_start3A_41 : memref<520x64xbf16, #tpu.memory_space<vmem_shared>>) target(%dma_start3A_38 : memref<520x64xbf16, #tpu.memory_space<hbm>>) target_semaphore(%run_scoped3A : memref<!tpu.dma_semaphore, #tpu.memory_space<semaphore_mem>>)
        %dma_wait3A = arith.constant 0 : i32
        %dma_wait3A_42 = arith.constant 0 : i32
        %dma_wait3A_43 = tpu.memref_slice %arg8[%arg0, %dma_wait3A, %dma_wait3A_42] : memref<2x10000x64xbf16, #tpu.memory_space<hbm>> -> memref<1x10000x64xbf16, #tpu.memory_space<hbm>>
        %dma_wait3A_44 = tpu.memref_squeeze %dma_wait3A_43 : memref<1x10000x64xbf16, #tpu.memory_space<hbm>> -> memref<10000x64xbf16, #tpu.memory_space<hbm>>
        %dma_wait3A_45 = arith.constant 9480 : i32
        %dma_wait3A_46 = arith.constant 0 : i32
        %dma_wait3A_47 = tpu.memref_slice %dma_wait3A_44[%dma_wait3A_45, %dma_wait3A_46] : memref<10000x64xbf16, #tpu.memory_space<hbm>> -> memref<520x64xbf16, #tpu.memory_space<hbm>>
        %dma_wait3A_48 = arith.constant 9480 : i32
        %dma_wait3A_49 = arith.constant 0 : i32
        %dma_wait3A_50 = tpu.memref_slice %arg15[%dma_wait3A_48, %dma_wait3A_49] : memref<10000x64xbf16, #tpu.memory_space<vmem_shared>> -> memref<520x64xbf16, #tpu.memory_space<vmem_shared>>
        tpu.wait_dma2 semaphore(%run_scoped3A : memref<!tpu.dma_semaphore, #tpu.memory_space<semaphore_mem>>) src(%dma_wait3A_50 : memref<520x64xbf16, #tpu.memory_space<vmem_shared>>) dst(%dma_wait3A_47 : memref<520x64xbf16, #tpu.memory_space<hbm>>)
        tpu.yield
      }) : () -> ()
    } else {
    }
    return
  }
}

module attributes {stable_mosaic.version = 14 : i64} {
  func.func @_tcq_body(%arg0: i32, %arg1: memref<1000x128xf32, #tpu.memory_space<vmem>>, %arg2: memref<1000x1xf32, #tpu.memory_space<vmem>>, %arg3: memref<1x128xf32, #tpu.memory_space<vmem>>, %arg4: memref<1x128xf32, #tpu.memory_space<vmem>>, %arg5: memref<128x128xf32, #tpu.memory_space<vmem>>, %arg6: memref<1x128xf32, #tpu.memory_space<vmem>>, %arg7: memref<1x128xf32, #tpu.memory_space<vmem>>, %arg8: memref<128x128xf32, #tpu.memory_space<vmem>>, %arg9: memref<2x1000x64xf32, #tpu.memory_space<vmem>>, %arg10: memref<2x1000x64xbf16, #tpu.memory_space<vmem>>) attributes {dimension_semantics = [#tpu.dimension_semantics<arbitrary>], iteration_bounds = array<i64: 10>, scalar_prefetch = 0 : i64, scratch_operands = 0 : i64, tpu.core_type = #tpu.core_type<tc>, window_params = [{transform_indices = @transform_0, window_bounds = array<i64: 1000, 128>}, {transform_indices = @transform_1, window_bounds = array<i64: 1000, 1>}, {pipeline_mode = #tpu.pipeline_mode<synchronous>, transform_indices = @transform_2, window_bounds = array<i64: 1, 128>}, {pipeline_mode = #tpu.pipeline_mode<synchronous>, transform_indices = @transform_3, window_bounds = array<i64: 1, 128>}, {pipeline_mode = #tpu.pipeline_mode<synchronous>, transform_indices = @transform_4, window_bounds = array<i64: 128, 128>}, {pipeline_mode = #tpu.pipeline_mode<synchronous>, transform_indices = @transform_5, window_bounds = array<i64: 1, 128>}, {pipeline_mode = #tpu.pipeline_mode<synchronous>, transform_indices = @transform_6, window_bounds = array<i64: 1, 128>}, {pipeline_mode = #tpu.pipeline_mode<synchronous>, transform_indices = @transform_7, window_bounds = array<i64: 128, 128>}, {transform_indices = @transform_8, window_bounds = array<i64: 2, 1000, 64>}, {transform_indices = @transform_9, window_bounds = array<i64: 2, 1000, 64>}]} {
    %get3A = arith.constant 0 : index
    %get3A_0 = arith.constant 0 : index
    %get3A_1 = vector.load %arg2[%get3A, %get3A_0] : memref<1000x1xf32, #tpu.memory_space<vmem>>, vector<1000x1xf32>
    %add3A = arith.constant 1.000000e+00 : f32
    %add3A_2 = vector.broadcast %add3A : f32 to vector<1000x1xf32>
    %add3A_3 = arith.addf %get3A_1, %add3A_2 : vector<1000x1xf32>
    %rsqrt3A = math.rsqrt %add3A_3 : vector<1000x1xf32>
    %get3A_4 = arith.constant 0 : index
    %get3A_5 = arith.constant 0 : index
    %get3A_6 = vector.load %arg1[%get3A_4, %get3A_5] : memref<1000x128xf32, #tpu.memory_space<vmem>>, vector<1000x128xf32>
    %get3A_7 = arith.constant 0 : index
    %get3A_8 = arith.constant 0 : index
    %get3A_9 = vector.load %arg3[%get3A_7, %get3A_8] : memref<1x128xf32, #tpu.memory_space<vmem>>, vector<1x128xf32>
    %mul3A = arith.constant 0.999994993 : f32
    %mul3A_10 = vector.broadcast %mul3A : f32 to vector<1x128xf32>
    %mul3A_11 = arith.mulf %mul3A_10, %get3A_9 : vector<1x128xf32>
    %mul3A_12 = vector.broadcast %mul3A_11 : vector<1x128xf32> to vector<1000x128xf32>
    %mul3A_13 = arith.mulf %get3A_6, %mul3A_12 : vector<1000x128xf32>
    %get3A_14 = arith.constant 0 : index
    %get3A_15 = arith.constant 0 : index
    %get3A_16 = vector.load %arg4[%get3A_14, %get3A_15] : memref<1x128xf32, #tpu.memory_space<vmem>>, vector<1x128xf32>
    %add3A_17 = vector.broadcast %get3A_16 : vector<1x128xf32> to vector<1000x128xf32>
    %add3A_18 = arith.addf %mul3A_13, %add3A_17 : vector<1000x128xf32>
    %get3A_19 = arith.constant 0 : index
    %get3A_20 = arith.constant 0 : index
    %get3A_21 = vector.load %arg5[%get3A_19, %get3A_20] : memref<128x128xf32, #tpu.memory_space<vmem>>, vector<128x128xf32>
    %dot_general3A = arith.constant dense<0.000000e+00> : vector<1000x128xf32>
    %dot_general3A_22 = tpu.matmul %add3A_18, %get3A_21, %dot_general3A {dimension_numbers = #tpu.dot_dimension_numbers<[1], [0], [0], [1], [0, 0, 1, 1], [], []>, transpose_lhs_hint = false} : vector<1000x128xf32>, vector<128x128xf32>, vector<1000x128xf32> -> vector<1000x128xf32>
    %max3A = arith.constant 0.000000e+00 : f32
    %max3A_23 = vector.broadcast %max3A : f32 to vector<1000x128xf32>
    %max3A_24 = arith.maximumf %dot_general3A_22, %max3A_23 : vector<1000x128xf32>
    %get3A_25 = arith.constant 0 : index
    %get3A_26 = arith.constant 0 : index
    %get3A_27 = vector.load %arg6[%get3A_25, %get3A_26] : memref<1x128xf32, #tpu.memory_space<vmem>>, vector<1x128xf32>
    %mul3A_28 = arith.constant 0.999994993 : f32
    %mul3A_29 = vector.broadcast %mul3A_28 : f32 to vector<1x128xf32>
    %mul3A_30 = arith.mulf %mul3A_29, %get3A_27 : vector<1x128xf32>
    %mul3A_31 = vector.broadcast %mul3A_30 : vector<1x128xf32> to vector<1000x128xf32>
    %mul3A_32 = arith.mulf %max3A_24, %mul3A_31 : vector<1000x128xf32>
    %get3A_33 = arith.constant 0 : index
    %get3A_34 = arith.constant 0 : index
    %get3A_35 = vector.load %arg7[%get3A_33, %get3A_34] : memref<1x128xf32, #tpu.memory_space<vmem>>, vector<1x128xf32>
    %add3A_36 = vector.broadcast %get3A_35 : vector<1x128xf32> to vector<1000x128xf32>
    %add3A_37 = arith.addf %mul3A_32, %add3A_36 : vector<1000x128xf32>
    %get3A_38 = arith.constant 0 : index
    %get3A_39 = arith.constant 0 : index
    %get3A_40 = vector.load %arg8[%get3A_38, %get3A_39] : memref<128x128xf32, #tpu.memory_space<vmem>>, vector<128x128xf32>
    %dot_general3A_41 = arith.constant dense<0.000000e+00> : vector<1000x128xf32>
    %dot_general3A_42 = tpu.matmul %add3A_37, %get3A_40, %dot_general3A_41 {dimension_numbers = #tpu.dot_dimension_numbers<[1], [0], [0], [1], [0, 0, 1, 1], [], []>, transpose_lhs_hint = false} : vector<1000x128xf32>, vector<128x128xf32>, vector<1000x128xf32> -> vector<1000x128xf32>
    %mul3A_43 = vector.broadcast %rsqrt3A : vector<1000x1xf32> to vector<1000x128xf32>
    %mul3A_44 = arith.mulf %mul3A_43, %dot_general3A_42 : vector<1000x128xf32>
    %slice3A = vector.extract_strided_slice %mul3A_44 {offsets = [0, 0], sizes = [1000, 64], strides = [1, 1]} : vector<1000x128xf32> to vector<1000x64xf32>
    %swap3A = arith.constant 0 : index
    %swap3A_45 = arith.constant 0 : index
    %swap3A_46 = arith.constant 0 : index
    %swap3A_47 = vector.load %arg9[%swap3A, %swap3A_45, %swap3A_46] : memref<2x1000x64xf32, #tpu.memory_space<vmem>>, vector<1x1000x64xf32>
    %swap3A_48 = vector.shape_cast %swap3A_47 : vector<1x1000x64xf32> to vector<1000x64xf32>
    %swap3A_49 = vector.shape_cast %slice3A : vector<1000x64xf32> to vector<1x1000x64xf32>
    tpu.vector_store %arg9[%swap3A, %swap3A_45, %swap3A_46], %swap3A_49 {strides = array<i32>} : memref<2x1000x64xf32, #tpu.memory_space<vmem>>, vector<1x1000x64xf32>,
    %slice3A_50 = vector.extract_strided_slice %mul3A_44 {offsets = [0, 64], sizes = [1000, 64], strides = [1, 1]} : vector<1000x128xf32> to vector<1000x64xf32>
    %swap3A_51 = arith.constant 1 : index
    %swap3A_52 = arith.constant 0 : index
    %swap3A_53 = arith.constant 0 : index
    %swap3A_54 = vector.load %arg9[%swap3A_51, %swap3A_52, %swap3A_53] : memref<2x1000x64xf32, #tpu.memory_space<vmem>>, vector<1x1000x64xf32>
    %swap3A_55 = vector.shape_cast %swap3A_54 : vector<1x1000x64xf32> to vector<1000x64xf32>
    %swap3A_56 = vector.shape_cast %slice3A_50 : vector<1000x64xf32> to vector<1x1000x64xf32>
    tpu.vector_store %arg9[%swap3A_51, %swap3A_52, %swap3A_53], %swap3A_56 {strides = array<i32>} : memref<2x1000x64xf32, #tpu.memory_space<vmem>>, vector<1x1000x64xf32>,
    %slice3A_57 = vector.extract_strided_slice %mul3A_44 {offsets = [0, 0], sizes = [1000, 64], strides = [1, 1]} : vector<1000x128xf32> to vector<1000x64xf32>
    %convert_element_type3A = arith.truncf %slice3A_57 : vector<1000x64xf32> to vector<1000x64xbf16>
    %swap3A_58 = arith.constant 0 : index
    %swap3A_59 = arith.constant 0 : index
    %swap3A_60 = arith.constant 0 : index
    %swap3A_61 = vector.load %arg10[%swap3A_58, %swap3A_59, %swap3A_60] : memref<2x1000x64xbf16, #tpu.memory_space<vmem>>, vector<1x1000x64xbf16>
    %swap3A_62 = vector.shape_cast %swap3A_61 : vector<1x1000x64xbf16> to vector<1000x64xbf16>
    %swap3A_63 = vector.shape_cast %convert_element_type3A : vector<1000x64xbf16> to vector<1x1000x64xbf16>
    tpu.vector_store %arg10[%swap3A_58, %swap3A_59, %swap3A_60], %swap3A_63 {strides = array<i32>} : memref<2x1000x64xbf16, #tpu.memory_space<vmem>>, vector<1x1000x64xbf16>,
    %slice3A_64 = vector.extract_strided_slice %mul3A_44 {offsets = [0, 64], sizes = [1000, 64], strides = [1, 1]} : vector<1000x128xf32> to vector<1000x64xf32>
    %convert_element_type3A_65 = arith.truncf %slice3A_64 : vector<1000x64xf32> to vector<1000x64xbf16>
    %swap3A_66 = arith.constant 1 : index
    %swap3A_67 = arith.constant 0 : index
    %swap3A_68 = arith.constant 0 : index
    %swap3A_69 = vector.load %arg10[%swap3A_66, %swap3A_67, %swap3A_68] : memref<2x1000x64xbf16, #tpu.memory_space<vmem>>, vector<1x1000x64xbf16>
    %swap3A_70 = vector.shape_cast %swap3A_69 : vector<1x1000x64xbf16> to vector<1000x64xbf16>
    %swap3A_71 = vector.shape_cast %convert_element_type3A_65 : vector<1000x64xbf16> to vector<1x1000x64xbf16>
    tpu.vector_store %arg10[%swap3A_66, %swap3A_67, %swap3A_68], %swap3A_71 {strides = array<i32>} : memref<2x1000x64xbf16, #tpu.memory_space<vmem>>, vector<1x1000x64xbf16>,
    return
  }
  func.func @transform_0(%arg0: i32) -> (i32, i32) {
    %c0_i32 = arith.constant 0 : i32
    %c0_i32_0 = arith.constant 0 : i32
    return %arg0, %c0_i32 : i32, i32
  }
  func.func @transform_1(%arg0: i32) -> (i32, i32) {
    %c0_i32 = arith.constant 0 : i32
    %c0_i32_0 = arith.constant 0 : i32
    return %arg0, %c0_i32 : i32, i32
  }
  func.func @transform_2(%arg0: i32) -> (i32, i32) {
    %c0_i32 = arith.constant 0 : i32
    %c0_i32_0 = arith.constant 0 : i32
    %c0_i32_1 = arith.constant 0 : i32
    return %c0_i32, %c0_i32_0 : i32, i32
  }
  func.func @transform_3(%arg0: i32) -> (i32, i32) {
    %c0_i32 = arith.constant 0 : i32
    %c0_i32_0 = arith.constant 0 : i32
    %c0_i32_1 = arith.constant 0 : i32
    return %c0_i32, %c0_i32_0 : i32, i32
  }
  func.func @transform_4(%arg0: i32) -> (i32, i32) {
    %c0_i32 = arith.constant 0 : i32
    %c0_i32_0 = arith.constant 0 : i32
    %c0_i32_1 = arith.constant 0 : i32
    return %c0_i32, %c0_i32_0 : i32, i32
  }
  func.func @transform_5(%arg0: i32) -> (i32, i32) {
    %c0_i32 = arith.constant 0 : i32
    %c0_i32_0 = arith.constant 0 : i32
    %c0_i32_1 = arith.constant 0 : i32
    return %c0_i32, %c0_i32_0 : i32, i32
  }
  func.func @transform_6(%arg0: i32) -> (i32, i32) {
    %c0_i32 = arith.constant 0 : i32
    %c0_i32_0 = arith.constant 0 : i32
    %c0_i32_1 = arith.constant 0 : i32
    return %c0_i32, %c0_i32_0 : i32, i32
  }
  func.func @transform_7(%arg0: i32) -> (i32, i32) {
    %c0_i32 = arith.constant 0 : i32
    %c0_i32_0 = arith.constant 0 : i32
    %c0_i32_1 = arith.constant 0 : i32
    return %c0_i32, %c0_i32_0 : i32, i32
  }
  func.func @transform_8(%arg0: i32) -> (i32, i32, i32) {
    %c0_i32 = arith.constant 0 : i32
    %c0_i32_0 = arith.constant 0 : i32
    %c0_i32_1 = arith.constant 0 : i32
    return %c0_i32, %arg0, %c0_i32_0 : i32, i32, i32
  }
  func.func @transform_9(%arg0: i32) -> (i32, i32, i32) {
    %c0_i32 = arith.constant 0 : i32
    %c0_i32_0 = arith.constant 0 : i32
    %c0_i32_1 = arith.constant 0 : i32
    return %c0_i32, %arg0, %c0_i32_0 : i32, i32, i32
  }
}

module attributes {stable_mosaic.version = 14 : i64} {
  func.func @_tcmid_body(%arg0: i32, %arg1: memref<2x1000x64xbf16, #tpu.memory_space<vmem>>, %arg2: memref<2x1000x64xf32, #tpu.memory_space<vmem>>, %arg3: memref<1000x1xf32, #tpu.memory_space<vmem>>, %arg4: memref<1x128xf32, #tpu.memory_space<vmem>>, %arg5: memref<1x128xf32, #tpu.memory_space<vmem>>, %arg6: memref<1x128xf32, #tpu.memory_space<vmem>>, %arg7: memref<128x128xf32, #tpu.memory_space<vmem>>, %arg8: memref<2x1000x64xf32, #tpu.memory_space<vmem>>, %arg9: memref<2x1000x64xbf16, #tpu.memory_space<vmem>>) attributes {dimension_semantics = [#tpu.dimension_semantics<arbitrary>], iteration_bounds = array<i64: 10>, scalar_prefetch = 0 : i64, scratch_operands = 0 : i64, tpu.core_type = #tpu.core_type<tc>, window_params = [{transform_indices = @transform_0, window_bounds = array<i64: 2, 1000, 64>}, {transform_indices = @transform_1, window_bounds = array<i64: 2, 1000, 64>}, {transform_indices = @transform_2, window_bounds = array<i64: 1000, 1>}, {pipeline_mode = #tpu.pipeline_mode<synchronous>, transform_indices = @transform_3, window_bounds = array<i64: 1, 128>}, {pipeline_mode = #tpu.pipeline_mode<synchronous>, transform_indices = @transform_4, window_bounds = array<i64: 1, 128>}, {pipeline_mode = #tpu.pipeline_mode<synchronous>, transform_indices = @transform_5, window_bounds = array<i64: 1, 128>}, {pipeline_mode = #tpu.pipeline_mode<synchronous>, transform_indices = @transform_6, window_bounds = array<i64: 128, 128>}, {transform_indices = @transform_7, window_bounds = array<i64: 2, 1000, 64>}, {transform_indices = @transform_8, window_bounds = array<i64: 2, 1000, 64>}]} {
    %get3A = arith.constant 0 : index
    %get3A_0 = arith.constant 0 : index
    %get3A_1 = vector.load %arg3[%get3A, %get3A_0] : memref<1000x1xf32, #tpu.memory_space<vmem>>, vector<1000x1xf32>
    %add3A = arith.constant 1.000000e+00 : f32
    %add3A_2 = vector.broadcast %add3A : f32 to vector<1000x1xf32>
    %add3A_3 = arith.addf %get3A_1, %add3A_2 : vector<1000x1xf32>
    %rsqrt3A = math.rsqrt %add3A_3 : vector<1000x1xf32>
    %get3A_4 = arith.constant 0 : index
    %get3A_5 = arith.constant 0 : index
    %get3A_6 = arith.constant 0 : index
    %get3A_7 = vector.load %arg1[%get3A_4, %get3A_5, %get3A_6] : memref<2x1000x64xbf16, #tpu.memory_space<vmem>>, vector<1x1000x64xbf16>
    %get3A_8 = vector.shape_cast %get3A_7 : vector<1x1000x64xbf16> to vector<1000x64xbf16>
    %convert_element_type3A = arith.extf %get3A_8 : vector<1000x64xbf16> to vector<1000x64xf32>
    %get3A_9 = arith.constant 0 : index
    %get3A_10 = arith.constant 0 : index
    %get3A_11 = arith.constant 0 : index
    %get3A_12 = vector.load %arg2[%get3A_9, %get3A_10, %get3A_11] : memref<2x1000x64xf32, #tpu.memory_space<vmem>>, vector<1x1000x64xf32>
    %get3A_13 = vector.shape_cast %get3A_12 : vector<1x1000x64xf32> to vector<1000x64xf32>
    %add3A_14 = arith.addf %convert_element_type3A, %get3A_13 : vector<1000x64xf32>
    %get3A_15 = arith.constant 1 : index
    %get3A_16 = arith.constant 0 : index
    %get3A_17 = arith.constant 0 : index
    %get3A_18 = vector.load %arg1[%get3A_15, %get3A_16, %get3A_17] : memref<2x1000x64xbf16, #tpu.memory_space<vmem>>, vector<1x1000x64xbf16>
    %get3A_19 = vector.shape_cast %get3A_18 : vector<1x1000x64xbf16> to vector<1000x64xbf16>
    %convert_element_type3A_20 = arith.extf %get3A_19 : vector<1000x64xbf16> to vector<1000x64xf32>
    %get3A_21 = arith.constant 1 : index
    %get3A_22 = arith.constant 0 : index
    %get3A_23 = arith.constant 0 : index
    %get3A_24 = vector.load %arg2[%get3A_21, %get3A_22, %get3A_23] : memref<2x1000x64xf32, #tpu.memory_space<vmem>>, vector<1x1000x64xf32>
    %get3A_25 = vector.shape_cast %get3A_24 : vector<1x1000x64xf32> to vector<1000x64xf32>
    %add3A_26 = arith.addf %convert_element_type3A_20, %get3A_25 : vector<1000x64xf32>
    %concatenate3A = tpu.concatenate %add3A_14, %add3A_26 in 1 : vector<1000x64xf32>, vector<1000x64xf32> -> vector<1000x128xf32>
    %mul3A = vector.broadcast %rsqrt3A : vector<1000x1xf32> to vector<1000x128xf32>
    %mul3A_27 = arith.mulf %mul3A, %concatenate3A : vector<1000x128xf32>
    %get3A_28 = arith.constant 0 : index
    %get3A_29 = arith.constant 0 : index
    %get3A_30 = vector.load %arg4[%get3A_28, %get3A_29] : memref<1x128xf32, #tpu.memory_space<vmem>>, vector<1x128xf32>
    %add3A_31 = vector.broadcast %get3A_30 : vector<1x128xf32> to vector<1000x128xf32>
    %add3A_32 = arith.addf %mul3A_27, %add3A_31 : vector<1000x128xf32>
    %max3A = arith.constant 0.000000e+00 : f32
    %max3A_33 = vector.broadcast %max3A : f32 to vector<1000x128xf32>
    %max3A_34 = arith.maximumf %add3A_32, %max3A_33 : vector<1000x128xf32>
    %get3A_35 = arith.constant 0 : index
    %get3A_36 = arith.constant 0 : index
    %get3A_37 = vector.load %arg5[%get3A_35, %get3A_36] : memref<1x128xf32, #tpu.memory_space<vmem>>, vector<1x128xf32>
    %mul3A_38 = arith.constant 0.999994993 : f32
    %mul3A_39 = vector.broadcast %mul3A_38 : f32 to vector<1x128xf32>
    %mul3A_40 = arith.mulf %mul3A_39, %get3A_37 : vector<1x128xf32>
    %mul3A_41 = vector.broadcast %mul3A_40 : vector<1x128xf32> to vector<1000x128xf32>
    %mul3A_42 = arith.mulf %max3A_34, %mul3A_41 : vector<1000x128xf32>
    %get3A_43 = arith.constant 0 : index
    %get3A_44 = arith.constant 0 : index
    %get3A_45 = vector.load %arg6[%get3A_43, %get3A_44] : memref<1x128xf32, #tpu.memory_space<vmem>>, vector<1x128xf32>
    %add3A_46 = vector.broadcast %get3A_45 : vector<1x128xf32> to vector<1000x128xf32>
    %add3A_47 = arith.addf %mul3A_42, %add3A_46 : vector<1000x128xf32>
    %get3A_48 = arith.constant 0 : index
    %get3A_49 = arith.constant 0 : index
    %get3A_50 = vector.load %arg7[%get3A_48, %get3A_49] : memref<128x128xf32, #tpu.memory_space<vmem>>, vector<128x128xf32>
    %dot_general3A = arith.constant dense<0.000000e+00> : vector<1000x128xf32>
    %dot_general3A_51 = tpu.matmul %add3A_47, %get3A_50, %dot_general3A {dimension_numbers = #tpu.dot_dimension_numbers<[1], [0], [0], [1], [0, 0, 1, 1], [], []>, transpose_lhs_hint = false} : vector<1000x128xf32>, vector<128x128xf32>, vector<1000x128xf32> -> vector<1000x128xf32>
    %mul3A_52 = vector.broadcast %rsqrt3A : vector<1000x1xf32> to vector<1000x128xf32>
    %mul3A_53 = arith.mulf %mul3A_52, %dot_general3A_51 : vector<1000x128xf32>
    %slice3A = vector.extract_strided_slice %mul3A_53 {offsets = [0, 0], sizes = [1000, 64], strides = [1, 1]} : vector<1000x128xf32> to vector<1000x64xf32>
    %swap3A = arith.constant 0 : index
    %swap3A_54 = arith.constant 0 : index
    %swap3A_55 = arith.constant 0 : index
    %swap3A_56 = vector.load %arg8[%swap3A, %swap3A_54, %swap3A_55] : memref<2x1000x64xf32, #tpu.memory_space<vmem>>, vector<1x1000x64xf32>
    %swap3A_57 = vector.shape_cast %swap3A_56 : vector<1x1000x64xf32> to vector<1000x64xf32>
    %swap3A_58 = vector.shape_cast %slice3A : vector<1000x64xf32> to vector<1x1000x64xf32>
    tpu.vector_store %arg8[%swap3A, %swap3A_54, %swap3A_55], %swap3A_58 {strides = array<i32>} : memref<2x1000x64xf32, #tpu.memory_space<vmem>>, vector<1x1000x64xf32>,
    %slice3A_59 = vector.extract_strided_slice %mul3A_53 {offsets = [0, 64], sizes = [1000, 64], strides = [1, 1]} : vector<1000x128xf32> to vector<1000x64xf32>
    %swap3A_60 = arith.constant 1 : index
    %swap3A_61 = arith.constant 0 : index
    %swap3A_62 = arith.constant 0 : index
    %swap3A_63 = vector.load %arg8[%swap3A_60, %swap3A_61, %swap3A_62] : memref<2x1000x64xf32, #tpu.memory_space<vmem>>, vector<1x1000x64xf32>
    %swap3A_64 = vector.shape_cast %swap3A_63 : vector<1x1000x64xf32> to vector<1000x64xf32>
    %swap3A_65 = vector.shape_cast %slice3A_59 : vector<1000x64xf32> to vector<1x1000x64xf32>
    tpu.vector_store %arg8[%swap3A_60, %swap3A_61, %swap3A_62], %swap3A_65 {strides = array<i32>} : memref<2x1000x64xf32, #tpu.memory_space<vmem>>, vector<1x1000x64xf32>,
    %slice3A_66 = vector.extract_strided_slice %mul3A_53 {offsets = [0, 0], sizes = [1000, 64], strides = [1, 1]} : vector<1000x128xf32> to vector<1000x64xf32>
    %convert_element_type3A_67 = arith.truncf %slice3A_66 : vector<1000x64xf32> to vector<1000x64xbf16>
    %swap3A_68 = arith.constant 0 : index
    %swap3A_69 = arith.constant 0 : index
    %swap3A_70 = arith.constant 0 : index
    %swap3A_71 = vector.load %arg9[%swap3A_68, %swap3A_69, %swap3A_70] : memref<2x1000x64xbf16, #tpu.memory_space<vmem>>, vector<1x1000x64xbf16>
    %swap3A_72 = vector.shape_cast %swap3A_71 : vector<1x1000x64xbf16> to vector<1000x64xbf16>
    %swap3A_73 = vector.shape_cast %convert_element_type3A_67 : vector<1000x64xbf16> to vector<1x1000x64xbf16>
    tpu.vector_store %arg9[%swap3A_68, %swap3A_69, %swap3A_70], %swap3A_73 {strides = array<i32>} : memref<2x1000x64xbf16, #tpu.memory_space<vmem>>, vector<1x1000x64xbf16>,
    %slice3A_74 = vector.extract_strided_slice %mul3A_53 {offsets = [0, 64], sizes = [1000, 64], strides = [1, 1]} : vector<1000x128xf32> to vector<1000x64xf32>
    %convert_element_type3A_75 = arith.truncf %slice3A_74 : vector<1000x64xf32> to vector<1000x64xbf16>
    %swap3A_76 = arith.constant 1 : index
    %swap3A_77 = arith.constant 0 : index
    %swap3A_78 = arith.constant 0 : index
    %swap3A_79 = vector.load %arg9[%swap3A_76, %swap3A_77, %swap3A_78] : memref<2x1000x64xbf16, #tpu.memory_space<vmem>>, vector<1x1000x64xbf16>
    %swap3A_80 = vector.shape_cast %swap3A_79 : vector<1x1000x64xbf16> to vector<1000x64xbf16>
    %swap3A_81 = vector.shape_cast %convert_element_type3A_75 : vector<1000x64xbf16> to vector<1x1000x64xbf16>
    tpu.vector_store %arg9[%swap3A_76, %swap3A_77, %swap3A_78], %swap3A_81 {strides = array<i32>} : memref<2x1000x64xbf16, #tpu.memory_space<vmem>>, vector<1x1000x64xbf16>,
    return
  }
  func.func @transform_0(%arg0: i32) -> (i32, i32, i32) {
    %c0_i32 = arith.constant 0 : i32
    %c0_i32_0 = arith.constant 0 : i32
    %c0_i32_1 = arith.constant 0 : i32
    return %c0_i32, %arg0, %c0_i32_0 : i32, i32, i32
  }
  func.func @transform_1(%arg0: i32) -> (i32, i32, i32) {
    %c0_i32 = arith.constant 0 : i32
    %c0_i32_0 = arith.constant 0 : i32
    %c0_i32_1 = arith.constant 0 : i32
    return %c0_i32, %arg0, %c0_i32_0 : i32, i32, i32
  }
  func.func @transform_2(%arg0: i32) -> (i32, i32) {
    %c0_i32 = arith.constant 0 : i32
    %c0_i32_0 = arith.constant 0 : i32
    return %arg0, %c0_i32 : i32, i32
  }
  func.func @transform_3(%arg0: i32) -> (i32, i32) {
    %c0_i32 = arith.constant 0 : i32
    %c0_i32_0 = arith.constant 0 : i32
    %c0_i32_1 = arith.constant 0 : i32
    return %c0_i32, %c0_i32_0 : i32, i32
  }
  func.func @transform_4(%arg0: i32) -> (i32, i32) {
    %c0_i32 = arith.constant 0 : i32
    %c0_i32_0 = arith.constant 0 : i32
    %c0_i32_1 = arith.constant 0 : i32
    return %c0_i32, %c0_i32_0 : i32, i32
  }
  func.func @transform_5(%arg0: i32) -> (i32, i32) {
    %c0_i32 = arith.constant 0 : i32
    %c0_i32_0 = arith.constant 0 : i32
    %c0_i32_1 = arith.constant 0 : i32
    return %c0_i32, %c0_i32_0 : i32, i32
  }
  func.func @transform_6(%arg0: i32) -> (i32, i32) {
    %c0_i32 = arith.constant 0 : i32
    %c0_i32_0 = arith.constant 0 : i32
    %c0_i32_1 = arith.constant 0 : i32
    return %c0_i32, %c0_i32_0 : i32, i32
  }
  func.func @transform_7(%arg0: i32) -> (i32, i32, i32) {
    %c0_i32 = arith.constant 0 : i32
    %c0_i32_0 = arith.constant 0 : i32
    %c0_i32_1 = arith.constant 0 : i32
    return %c0_i32, %arg0, %c0_i32_0 : i32, i32, i32
  }
  func.func @transform_8(%arg0: i32) -> (i32, i32, i32) {
    %c0_i32 = arith.constant 0 : i32
    %c0_i32_0 = arith.constant 0 : i32
    %c0_i32_1 = arith.constant 0 : i32
    return %c0_i32, %arg0, %c0_i32_0 : i32, i32, i32
  }
}

module attributes {stable_mosaic.version = 14 : i64} {
  func.func @_tcfin_body(%arg0: memref<2x10000x64xbf16, #tpu.memory_space<vmem>>, %arg1: memref<2x10000x64xf32, #tpu.memory_space<vmem>>, %arg2: memref<10000x1xf32, #tpu.memory_space<vmem>>, %arg3: memref<1x128xf32, #tpu.memory_space<vmem>>, %arg4: memref<10000x1xi32, #tpu.memory_space<vmem>>, %arg5: memref<1x128xf32, #tpu.memory_space<vmem>>, %arg6: memref<1x128xf32, #tpu.memory_space<vmem>>, %arg7: memref<128x128xf32, #tpu.memory_space<vmem>>, %arg8: memref<1x128xf32, #tpu.memory_space<vmem>>, %arg9: memref<1x128xf32, #tpu.memory_space<vmem>>, %arg10: memref<1x128xf32, #tpu.memory_space<vmem>>, %arg11: memref<128x10xf32, #tpu.memory_space<vmem>>, %arg12: memref<1x10xf32, #tpu.memory_space<vmem>>, %arg13: memref<128x10xf32, #tpu.memory_space<vmem>>) attributes {dimension_semantics = [], scalar_prefetch = 0 : i64, scratch_operands = 0 : i64, tpu.core_type = #tpu.core_type<tc>} {
    %get3A = arith.constant 0 : index
    %get3A_0 = arith.constant 0 : index
    %get3A_1 = vector.load %arg2[%get3A, %get3A_0] : memref<10000x1xf32, #tpu.memory_space<vmem>>, vector<10000x1xf32>
    %add3A = arith.constant 1.000000e+00 : f32
    %add3A_2 = vector.broadcast %add3A : f32 to vector<10000x1xf32>
    %add3A_3 = arith.addf %get3A_1, %add3A_2 : vector<10000x1xf32>
    %rsqrt3A = math.rsqrt %add3A_3 : vector<10000x1xf32>
    %get3A_4 = arith.constant 0 : index
    %get3A_5 = arith.constant 0 : index
    %get3A_6 = arith.constant 0 : index
    %get3A_7 = vector.load %arg0[%get3A_4, %get3A_5, %get3A_6] : memref<2x10000x64xbf16, #tpu.memory_space<vmem>>, vector<1x10000x64xbf16>
    %get3A_8 = vector.shape_cast %get3A_7 : vector<1x10000x64xbf16> to vector<10000x64xbf16>
    %convert_element_type3A = arith.extf %get3A_8 : vector<10000x64xbf16> to vector<10000x64xf32>
    %get3A_9 = arith.constant 0 : index
    %get3A_10 = arith.constant 0 : index
    %get3A_11 = arith.constant 0 : index
    %get3A_12 = vector.load %arg1[%get3A_9, %get3A_10, %get3A_11] : memref<2x10000x64xf32, #tpu.memory_space<vmem>>, vector<1x10000x64xf32>
    %get3A_13 = vector.shape_cast %get3A_12 : vector<1x10000x64xf32> to vector<10000x64xf32>
    %add3A_14 = arith.addf %convert_element_type3A, %get3A_13 : vector<10000x64xf32>
    %get3A_15 = arith.constant 1 : index
    %get3A_16 = arith.constant 0 : index
    %get3A_17 = arith.constant 0 : index
    %get3A_18 = vector.load %arg0[%get3A_15, %get3A_16, %get3A_17] : memref<2x10000x64xbf16, #tpu.memory_space<vmem>>, vector<1x10000x64xbf16>
    %get3A_19 = vector.shape_cast %get3A_18 : vector<1x10000x64xbf16> to vector<10000x64xbf16>
    %convert_element_type3A_20 = arith.extf %get3A_19 : vector<10000x64xbf16> to vector<10000x64xf32>
    %get3A_21 = arith.constant 1 : index
    %get3A_22 = arith.constant 0 : index
    %get3A_23 = arith.constant 0 : index
    %get3A_24 = vector.load %arg1[%get3A_21, %get3A_22, %get3A_23] : memref<2x10000x64xf32, #tpu.memory_space<vmem>>, vector<1x10000x64xf32>
    %get3A_25 = vector.shape_cast %get3A_24 : vector<1x10000x64xf32> to vector<10000x64xf32>
    %add3A_26 = arith.addf %convert_element_type3A_20, %get3A_25 : vector<10000x64xf32>
    %concatenate3A = tpu.concatenate %add3A_14, %add3A_26 in 1 : vector<10000x64xf32>, vector<10000x64xf32> -> vector<10000x128xf32>
    %mul3A = vector.broadcast %rsqrt3A : vector<10000x1xf32> to vector<10000x128xf32>
    %mul3A_27 = arith.mulf %mul3A, %concatenate3A : vector<10000x128xf32>
    %get3A_28 = arith.constant 0 : index
    %get3A_29 = arith.constant 0 : index
    %get3A_30 = vector.load %arg3[%get3A_28, %get3A_29] : memref<1x128xf32, #tpu.memory_space<vmem>>, vector<1x128xf32>
    %add3A_31 = vector.broadcast %get3A_30 : vector<1x128xf32> to vector<10000x128xf32>
    %add3A_32 = arith.addf %mul3A_27, %add3A_31 : vector<10000x128xf32>
    %max3A = arith.constant 0.000000e+00 : f32
    %max3A_33 = vector.broadcast %max3A : f32 to vector<10000x128xf32>
    %max3A_34 = arith.maximumf %add3A_32, %max3A_33 : vector<10000x128xf32>
    %iota3A = tpu.iota {dimensions = array<i32: 1>} : vector<10000x128xi32>
    %get3A_35 = arith.constant 0 : index
    %get3A_36 = arith.constant 0 : index
    %get3A_37 = vector.load %arg4[%get3A_35, %get3A_36] : memref<10000x1xi32, #tpu.memory_space<vmem>>, vector<10000x1xi32>
    %eq3A = vector.broadcast %get3A_37 : vector<10000x1xi32> to vector<10000x128xi32>
    %eq3A_38 = arith.cmpi eq, %eq3A, %iota3A : vector<10000x128xi32>
    %jit3A = arith.constant 1.000000e+00 : f32
    %jit3A_39 = arith.constant 0.000000e+00 : f32
    %broadcast_in_dim3A = vector.broadcast %jit3A : f32 to vector<10000x128xf32>
    %broadcast_in_dim3A_40 = vector.broadcast %jit3A_39 : f32 to vector<10000x128xf32>
    %select_n3A = arith.select %eq3A_38, %broadcast_in_dim3A, %broadcast_in_dim3A_40 : vector<10000x128xi1>, vector<10000x128xf32>
    %dot_general3A = arith.constant dense<0.000000e+00> : vector<128x128xf32>
    %dot_general3A_41 = tpu.matmul %select_n3A, %max3A_34, %dot_general3A {dimension_numbers = #tpu.dot_dimension_numbers<[0], [0], [1], [1], [0, 1, 1, 1], [], []>, transpose_lhs_hint = false} : vector<10000x128xf32>, vector<10000x128xf32>, vector<128x128xf32> -> vector<128x128xf32>
    %broadcast_in_dim3A_42 = arith.constant 1.000000e+00 : f32
    %broadcast_in_dim3A_43 = vector.broadcast %broadcast_in_dim3A_42 : f32 to vector<10000x1xf32>
    %dot_general3A_44 = arith.constant dense<0.000000e+00> : vector<128x1xf32>
    %dot_general3A_45 = tpu.matmul %select_n3A, %broadcast_in_dim3A_43, %dot_general3A_44 {dimension_numbers = #tpu.dot_dimension_numbers<[0], [0], [1], [1], [0, 1, 1, 1], [], []>, transpose_lhs_hint = false} : vector<10000x128xf32>, vector<10000x1xf32>, vector<128x1xf32> -> vector<128x1xf32>
    %max3A_46 = arith.constant 1.000000e+00 : f32
    %max3A_47 = vector.broadcast %max3A_46 : f32 to vector<128x1xf32>
    %max3A_48 = arith.maximumf %dot_general3A_45, %max3A_47 : vector<128x1xf32>
    %div3A = vector.broadcast %max3A_48 : vector<128x1xf32> to vector<128x128xf32>
    %div3A_49 = arith.divf %dot_general3A_41, %div3A : vector<128x128xf32>
    %get3A_50 = arith.constant 0 : index
    %get3A_51 = arith.constant 0 : index
    %get3A_52 = vector.load %arg5[%get3A_50, %get3A_51] : memref<1x128xf32, #tpu.memory_space<vmem>>, vector<1x128xf32>
    %mul3A_53 = arith.constant 0.999994993 : f32
    %mul3A_54 = vector.broadcast %mul3A_53 : f32 to vector<1x128xf32>
    %mul3A_55 = arith.mulf %mul3A_54, %get3A_52 : vector<1x128xf32>
    %mul3A_56 = vector.broadcast %mul3A_55 : vector<1x128xf32> to vector<128x128xf32>
    %mul3A_57 = arith.mulf %div3A_49, %mul3A_56 : vector<128x128xf32>
    %get3A_58 = arith.constant 0 : index
    %get3A_59 = arith.constant 0 : index
    %get3A_60 = vector.load %arg6[%get3A_58, %get3A_59] : memref<1x128xf32, #tpu.memory_space<vmem>>, vector<1x128xf32>
    %add3A_61 = vector.broadcast %get3A_60 : vector<1x128xf32> to vector<128x128xf32>
    %add3A_62 = arith.addf %mul3A_57, %add3A_61 : vector<128x128xf32>
    %get3A_63 = arith.constant 0 : index
    %get3A_64 = arith.constant 0 : index
    %get3A_65 = vector.load %arg7[%get3A_63, %get3A_64] : memref<128x128xf32, #tpu.memory_space<vmem>>, vector<128x128xf32>
    %dot_general3A_66 = arith.constant dense<0.000000e+00> : vector<128x128xf32>
    %dot_general3A_67 = tpu.matmul %add3A_62, %get3A_65, %dot_general3A_66 {dimension_numbers = #tpu.dot_dimension_numbers<[1], [0], [0], [1], [0, 0, 1, 1], [], []>, transpose_lhs_hint = false} : vector<128x128xf32>, vector<128x128xf32>, vector<128x128xf32> -> vector<128x128xf32>
    %get3A_68 = arith.constant 0 : index
    %get3A_69 = arith.constant 0 : index
    %get3A_70 = vector.load %arg8[%get3A_68, %get3A_69] : memref<1x128xf32, #tpu.memory_space<vmem>>, vector<1x128xf32>
    %add3A_71 = vector.broadcast %get3A_70 : vector<1x128xf32> to vector<128x128xf32>
    %add3A_72 = arith.addf %dot_general3A_67, %add3A_71 : vector<128x128xf32>
    %max3A_73 = arith.constant 0.000000e+00 : f32
    %max3A_74 = vector.broadcast %max3A_73 : f32 to vector<128x128xf32>
    %max3A_75 = arith.maximumf %add3A_72, %max3A_74 : vector<128x128xf32>
    %get3A_76 = arith.constant 0 : index
    %get3A_77 = arith.constant 0 : index
    %get3A_78 = vector.load %arg9[%get3A_76, %get3A_77] : memref<1x128xf32, #tpu.memory_space<vmem>>, vector<1x128xf32>
    %mul3A_79 = arith.constant 0.999994993 : f32
    %mul3A_80 = vector.broadcast %mul3A_79 : f32 to vector<1x128xf32>
    %mul3A_81 = arith.mulf %mul3A_80, %get3A_78 : vector<1x128xf32>
    %mul3A_82 = vector.broadcast %mul3A_81 : vector<1x128xf32> to vector<128x128xf32>
    %mul3A_83 = arith.mulf %max3A_75, %mul3A_82 : vector<128x128xf32>
    %get3A_84 = arith.constant 0 : index
    %get3A_85 = arith.constant 0 : index
    %get3A_86 = vector.load %arg10[%get3A_84, %get3A_85] : memref<1x128xf32, #tpu.memory_space<vmem>>, vector<1x128xf32>
    %add3A_87 = vector.broadcast %get3A_86 : vector<1x128xf32> to vector<128x128xf32>
    %add3A_88 = arith.addf %mul3A_83, %add3A_87 : vector<128x128xf32>
    %get3A_89 = arith.constant 0 : index
    %get3A_90 = arith.constant 0 : index
    %get3A_91 = vector.load %arg11[%get3A_89, %get3A_90] : memref<128x10xf32, #tpu.memory_space<vmem>>, vector<128x10xf32>
    %dot_general3A_92 = arith.constant dense<0.000000e+00> : vector<128x10xf32>
    %dot_general3A_93 = tpu.matmul %add3A_88, %get3A_91, %dot_general3A_92 {dimension_numbers = #tpu.dot_dimension_numbers<[1], [0], [0], [1], [0, 0, 1, 1], [], []>, transpose_lhs_hint = false} : vector<128x128xf32>, vector<128x10xf32>, vector<128x10xf32> -> vector<128x10xf32>
    %get3A_94 = arith.constant 0 : index
    %get3A_95 = arith.constant 0 : index
    %get3A_96 = vector.load %arg12[%get3A_94, %get3A_95] : memref<1x10xf32, #tpu.memory_space<vmem>>, vector<1x10xf32>
    %add3A_97 = vector.broadcast %get3A_96 : vector<1x10xf32> to vector<128x10xf32>
    %add3A_98 = arith.addf %dot_general3A_93, %add3A_97 : vector<128x10xf32>
    %reduce_max3A = arith.constant dense<0xFF800000> : vector<128xf32>
    %reduce_max3A_99 = vector.multi_reduction <maximumf>, %add3A_98, %reduce_max3A [1] : vector<128x10xf32> to vector<128xf32>
    %broadcast_in_dim3A_100 = vector.shape_cast %reduce_max3A_99 : vector<128xf32> to vector<128x1xf32>
    %sub3A = vector.broadcast %broadcast_in_dim3A_100 : vector<128x1xf32> to vector<128x10xf32>
    %sub3A_101 = arith.subf %add3A_98, %sub3A : vector<128x10xf32>
    %sub3A_102 = vector.broadcast %broadcast_in_dim3A_100 : vector<128x1xf32> to vector<128x10xf32>
    %sub3A_103 = arith.subf %add3A_98, %sub3A_102 : vector<128x10xf32>
    %exp3A = math.exp %sub3A_103 : vector<128x10xf32>
    %reduce_sum3A = arith.constant dense<0.000000e+00> : vector<128xf32>
    %reduce_sum3A_104 = vector.multi_reduction <add>, %exp3A, %reduce_sum3A [1] : vector<128x10xf32> to vector<128xf32>
    %broadcast_in_dim3A_105 = vector.shape_cast %reduce_sum3A_104 : vector<128xf32> to vector<128x1xf32>
    %log3A = math.log %broadcast_in_dim3A_105 : vector<128x1xf32>
    %sub3A_106 = vector.broadcast %log3A : vector<128x1xf32> to vector<128x10xf32>
    %sub3A_107 = arith.subf %sub3A_101, %sub3A_106 : vector<128x10xf32>
    %swap3A = arith.constant 0 : index
    %swap3A_108 = arith.constant 0 : index
    %swap3A_109 = vector.load %arg13[%swap3A, %swap3A_108] : memref<128x10xf32, #tpu.memory_space<vmem>>, vector<128x10xf32>
    tpu.vector_store %arg13[%swap3A, %swap3A_108], %sub3A_107 {strides = array<i32>} : memref<128x10xf32, #tpu.memory_space<vmem>>, vector<128x10xf32>,
    return
  }
}

</mosaic_0001>

<sc_bundles>
// kernel: kernel.10.cloned.1.call-start
scs
__scs_entry_jumppad:
0x0: {  	(pc) =	sbr.rel $0x88, $3  }
0x1: {  	(tag) =	ssettag $0x0;
	lr =	simm.s32 $0x1  }
0x2: {  	[smem:$0x3F87] =	sst lr;
	_ =	strace $0xD0000000  }
0x3: {  	_ = 	snop  }
0x4: {  	_ = 	snop  }
0x5: {  	_ = 	snop  }
0x6: {  	_ = 	snop  }
0x7: {  	_ = 	snop  }
__scs_overlays_trampoline_lowered:
0x8: {  	[smem:$0x3F96] =	sst s0  }
0x9: {  	[smem:$0x3F97] =	sst s1  }
0xa: {  	[smem:$0x3F98] =	sst s2  }
0xb: {  	[smem:$0x3F99] =	sst s3  }
0xc: {  	[smem:$0x3F9A] =	sst s4  }
0xd: {  	[smem:$0x3F9B] =	sst s5  }
0xe: {  	[smem:$0x3F9C] =	sst s6  }
0xf: {  	[smem:$0x3F9D] =	sst s7  }
0x10: {  	[smem:$0x3F9E] =	sst s8  }
0x11: {  	[smem:$0x3F9F] =	sst s9;
	s0 =	simm.s32 @!p0 $0x0  }
0x12: {  	s1 =	sld [smem:$0x3F85];
	s0 =	simm.s32 @p0 $0x1  }
0x13: {  	[smem:$0x3FA0] =	sst s0;
	s0 =	simm.s32 @!p1 $0x0  }
0x14: {  	s2 =	sld [smem:$0x3F84];
	s0 =	simm.s32 @p1 $0x1  }
0x15: {  	[smem:$0x3FA1] =	sst s0;
	s0 =	simm.s32 @!p2 $0x0  }
0x16: {  	s3 =	sld [smem:$0x3FDB];
	s0 =	simm.s32 @p2 $0x1  }
0x17: {  	s4 =	simm.s32 $0x1BF5;
	[smem:$0x3FA3] =	sst s0  }
0x18: {  	s0 =	sld [smem:$0x3F86];
	_ =	swait.ge [sflag:s4], $0x0  }
0x19: {  	s7 =	sld [smem:$0x3F87]  }
0x1a: {  	s8 =	sadd.s32 $0xFFFFE003, lr  }
0x1b: {  	s9 =	sadd.s32 $0xFFFFFEF7, lr;
	s5 =	simm.s32 $0xFFFFFFFF;
	p2 =	slt.u32 s8, $0xFFFFF086  }
0x1c: {  	p1 =	slt.u32 s9, $0xF7A;
	s5 =	simm.s32 @!p2 $0x0  }
0x1d: {  	s5 =	simm.s32 @p1 $0x1;
	p0 =	seq.s32 s7, s2  }
0x1e: {  	s7 =	smul.u32 @!p0 $0xF7A, s2;
	p2 =	seq.s32 @!p0 s5, $0x0  }
0x1f: {  	s9 =	smul.u32 $0xF7A, s1;
	s8 =	simm.s32 @!p0 $0x1BF5;
	p2 =	por !p2, p0  }
0x20: {  	[sflag:s8] =	ssyncset.s32 @!p0 $0xFFFFF086;
	s6 =	sadd.s32 @!p0 s3, s7;
	s7 =	simm.s32 @!p0 $0x108  }
0x21: {  	s3 =	sadd.s32 s3, s9;
	s6 =	sadd.s32 @!p0 $0x88, s6;
	s7 =	simm.s32 @p2 $0x1082  }
0x22: {  	[simem:s7], [sflag:s8] =	dma.local @!p0 [hbm:s6], $0xF7A  }
0x23: {  	s9 =	sor.u32 $0xD0000000, s2;
	s6 =	simm.s32 $0x108;
	_ =	swait.ge @!p0 [sflag:s8], $0x0  }
0x24: {  	s3 =	sadd.s32 $0x88, s3;
	s6 =	simm.s32 @!p1 $0x1082;
	[sflag:s4] =	ssyncset.s32 $0xFFFFF086  }
0x25: {  	[simem:s6], [sflag:s4] =	dma.local [hbm:s3], $0xF7A  }
0x26: {  	[smem:$0x3F87] =	sst s1;
	(tag) =	ssettag s2;
	_ =	strace s9  }
0x27: {  	s1 =	sld [smem:$0x3F97]  }
0x28: {  	s2 =	sld [smem:$0x3F98]  }
0x29: {  	s4 =	sld [smem:$0x3F9A]  }
0x2a: {  	p0 =	seq.s32 s5, $0x0;
	s5 =	sld [smem:$0x3F9B]  }
0x2b: {  	s6 =	sld [smem:$0x3F9C]  }
0x2c: {  	s7 =	sld [smem:$0x3F9D]  }
0x2d: {  	s3 =	simm.s32 $0x108;
	s8 =	sld [smem:$0x3F9E]  }
0x2e: {  	s3 =	simm.s32 @!p0 $0x1082;
	s9 =	sld [smem:$0x3F9F]  }
0x2f: {  	lr =	sadd.s32 s0, s3;
	s0 =	sld [smem:$0x3F96]  }
0x30: {  	s3 =	sld [smem:$0x3F99]  }
0x31: {  	[smem:$0x3FA2] =	sst s10  }
0x32: {  	s10 =	sld [smem:$0x3FA0];
	_ =	sdelay $0x3  }
0x33: {  	p0 =	seq.s32 s10, $0x1;
	s10 =	sld [smem:$0x3FA2];
	_ =	sdelay $0x3  }
0x34: {  	[smem:$0x3FA2] =	sst s10  }
0x35: {  	s10 =	sld [smem:$0x3FA1];
	_ =	sdelay $0x3  }
0x36: {  	p1 =	seq.s32 s10, $0x1;
	s10 =	sld [smem:$0x3FA2];
	_ =	sdelay $0x3  }
0x37: {  	[smem:$0x3FA2] =	sst s10  }
0x38: {  	s10 =	sld [smem:$0x3FA3]  }
0x39: {  	_ = 	snop;
	(pc) =	sbr.ind lr, $3  }
0x3a: {  	_ = 	snop  }
0x3b: {  	_ = 	snop  }
0x3c: {  	p2 =	seq.s32 s10, $0x1;
	s10 =	sld [smem:$0x3FA2]  }
0x3d: {  	_ =	shalt  }
0x3e: {  	_ =	shalt  }
0x3f: {  	_ =	shalt  }
0x40: {  	_ =	shalt  }
0x41: {  	_ =	shalt  }
0x42: {  	_ =	shalt  }
0x43: {  	_ =	shalt  }
0x44: {  	_ =	shalt  }
0x45: {  	_ =	shalt  }
0x46: {  	_ =	shalt  }
0x47: {  	_ =	shalt  }
0x48: {  	_ =	shalt  }
0x49: {  	_ =	shalt  }
0x4a: {  	_ =	shalt  }
0x4b: {  	_ =	shalt  }
0x4c: {  	_ =	shalt  }
0x4d: {  	_ =	shalt  }
0x4e: {  	_ =	shalt  }
0x4f: {  	_ =	shalt  }
0x50: {  	_ =	shalt  }
0x51: {  	_ =	shalt  }
0x52: {  	_ =	shalt  }
0x53: {  	_ =	shalt  }
0x54: {  	_ =	shalt  }
0x55: {  	_ =	shalt  }
0x56: {  	_ =	shalt  }
0x57: {  	_ =	shalt  }
0x58: {  	_ =	shalt  }
0x59: {  	_ =	shalt  }
0x5a: {  	_ =	shalt  }
0x5b: {  	_ =	shalt  }
0x5c: {  	_ =	shalt  }
0x5d: {  	_ =	shalt  }
0x5e: {  	_ =	shalt  }
0x5f: {  	_ =	shalt  }
0x60: {  	_ =	shalt  }
0x61: {  	_ =	shalt  }
0x62: {  	_ =	shalt  }
0x63: {  	_ =	shalt  }
0x64: {  	_ =	shalt  }
0x65: {  	_ =	shalt  }
0x66: {  	_ =	shalt  }
0x67: {  	_ =	shalt  }
0x68: {  	_ =	shalt  }
0x69: {  	_ =	shalt  }
0x6a: {  	_ =	shalt  }
0x6b: {  	_ =	shalt  }
0x6c: {  	_ =	shalt  }
0x6d: {  	_ =	shalt  }
0x6e: {  	_ =	shalt  }
0x6f: {  	_ =	shalt  }
0x70: {  	_ =	shalt  }
0x71: {  	_ =	shalt  }
0x72: {  	_ =	shalt  }
0x73: {  	_ =	shalt  }
0x74: {  	_ =	shalt  }
0x75: {  	_ =	shalt  }
0x76: {  	_ =	shalt  }
0x77: {  	_ =	shalt  }
0x78: {  	_ =	shalt  }
0x79: {  	_ =	shalt  }
0x7a: {  	_ =	shalt  }
0x7b: {  	_ =	shalt  }
0x7c: {  	_ =	shalt  }
0x7d: {  	_ =	shalt  }
0x7e: {  	_ =	shalt  }
0x7f: {  	_ =	shalt  }
0x80: {  	_ =	shalt  }
0x81: {  	_ =	shalt  }
0x82: {  	_ =	shalt  }
0x83: {  	_ =	shalt  }
0x84: {  	_ =	shalt  }
0x85: {  	_ =	shalt  }
0x86: {  	_ =	shalt  }
0x87: {  	_ =	shalt  }
.Lfunc_end0:
.L_simem_size_0:
called_computation_lowered:
.L_overlay_start_0:
0x88: {  	s2 =	sld [smem:$0x3FD9]  }
0x89: {  	s3 =	sld [smem:$0x3FFE];
	_ =	sdelay $0x1  }
0x8a: {  	s1 =	srdreg.scid  }
0x8b: {  	s0 =	sand.u32 $0x1, s1  }
0x8c: {  	s16 =	sshll.u32 s0, $0xA;
	s2 =	sadd.s32 s3, s2  }
0x8d: {  	s2 =	sadd.s32 s2, s16  }
0x8e: {  	[smem:$0x3FAE] =	sst s2  }
0x8f: {  	_ = 	snop  }
0x90: {  	(tm) =	ssettm $0x1  }
0x91: {  	s17 =	sld [smem:$0x3FFB];
	_ =	sdelay $0x3  }
0x92: {  	_ =	strace s17  }
0x93: {  	s2 =	sld [smem:$0x3FFC];
	_ =	sdelay $0x3  }
0x94: {  	_ =	strace s2  }
0x95: {  	s2 =	sld [smem:$0x3FFD];
	_ =	sdelay $0x3  }
0x96: {  	_ =	strace s2  }
0x97: {  	_ =	strace $0x8FFFFFFF  }
0x98: {  	s18 =	sld [smem:$0x3FDB];
	_ =	sdelay $0x1  }
0x99: {  	s19 =	simm.s32 $_scs_section_size  }
0x9a: {  	s4 =	simm.s32 $_size__tile_overlayer_lowered;
	s5 =	simm.s32 $_tile_overlayer_lowered  }
0x9b: {  	s22 =	simm.s32 $0x1BFF;
	s21 =	sshll.u32 s5, $0x1;
	s2 =	sadd.s32 s19, s18  }
0x9c: {  	s6 =	simm.s32 $0x0;
	s20 =	sshll.u32 s4, $0x1;
	s4 =	sadd.s32 s21, s2  }
0x9d: {  	[timem:s6], [sflag:s22] =	dma.local [hbm:s4], s20  }
0x9e: {  	_ =	swait.ge [sflag:s22], s20  }
0x9f: {  	s3 =	ssub.s32 $0x0, s20;
	[sflag:s22] =	ssyncset.done $0x0  }
0xa0: {  	[sflag:s22] =	ssyncadd.s32 s3;
	_ =	sdelay $0x1  }
0xa1: {  	s23 =	simm.s32 $0x1B8B  }
0xa2: {  	_ =	swait.ge [sflag:s23], $0x1  }
0xa3: {  	[sflag:s23] =	ssyncset.done $0x0  }
0xa4: {  	s25 =	simm.s32 $0x1B8E;
	s24 =	sld [smem:$0x3FFE];
	[sflag:s23] =	ssyncadd.s32 $0xFFFFFFFF  }
0xa5: {  	s26 =	simm.s32 $execute0_lowered;
	[smem:$0x3FD2] =	sst s25  }
0xa6: {  	s4 =	sshll.u32 s26, $0x1;
	_ =	strace $0x80000046;
	[dreg:$0x1] =	wrdreg $0xFFFFFFFF  }
0xa7: {  	s28 =	simm.s32 $_size_execute0_lowered;
	s2 =	sadd.s32 s2, s4;
	[dreg:$0x0] =	wrdreg $0x0  }
0xa8: {  	s4 =	sshll.u32 s28, $0x1;
	[dreg:$0x2] =	wrdreg s2  }
0xa9: {  	[dreg:$0x3] =	wrdreg s4  }
0xaa: {  	[dreg:$0x4] =	wrdreg $0xC0  }
0xab: {  	_ =	task [dreg:s6], $0x5FFFF  }
0xac: {  	[dreg:$0x1] =	wrdreg $0xFFFFFFFF  }
0xad: {  	[dreg:$0x0] =	wrdreg $0x60  }
0xae: {  	[dreg:$0x2] =	wrdreg s24  }
0xaf: {  	[dreg:$0x3] =	wrdreg $0x52080  }
0xb0: {  	[dreg:$0x4] =	wrdreg $0x9  }
0xb1: {  	_ =	task.clear_ibuf [dreg:s6], $0x5FFFF;
	_ =	strace $0x90000046  }
0xb2: {  	s29 =	simm.s32 $0x9;
	_ =	strace $0x80000048  }
0xb3: {  	_ =	swait.ge [sflag:s29], $0x1  }
0xb4: {  	[sflag:s29] =	ssyncadd.s32 $0xFFFFFFFF  }
0xb5: {  	_ =	strace $0x90000048  }
0xb6: {  	_ =	sfence  }
0xb7: {  	s30 =	sld [smem:$0x0];
	_ =	sdelay $0x2  }
0xb8: {  	s31 =	sshll.u32 s1, $0xD;
	s1 =	sshrl.u32 s1, $0x2  }
0xb9: {  	s3 =	sand.u32 $0x4000, s31;
	s1 =	sadd.s32 s1, s30  }
0xba: {  	s0 =	sor.u32 s3, s0;
	s1 =	sshll.u32 s1, $0x11  }
0xbb: {  	s0 =	sor.u32 s1, s0  }
0xbc: {  	s0 =	sadd.s32 $0x8F2B, s0  }
0xbd: {  	[sflag:s0] =	ssyncadd.remote.s32 $0x1  }
0xbe: {  	_ =	sfence.sel $0xFFFF  }
0xbf: {  	[dreg:$0x0] =	wrdreg $0xFFFFFFFF;
	(pc) =	sbr.abs _section_cstart, $3  }
0xc0: {  	[dreg:$0x1] =	wrdreg $0xFFFFFFFF  }
0xc1: {  	_ =	task.clear_ibuf [dreg:s6], $0x2FFFF;
	_ =	strace $0x9FFFFFFF  }
0xc2: {  	(tm) =	ssettm $0x7FFFFFFF  }
0xc3: {  	_ =	shalt  }
tec
execute0_lowered:
.L_overlay_start_1:
0x0: {  	(tag) =	ssettag $0x1  }
0x1: {  	s0 =	rddreg [dreg:$0x0]  }
0x2: {  	s1 =	rddreg [dreg:$0x1];
	s2 =	simm.s32 $0x0  }
0x3: {  	[smem:$0x7FF] =	sst s2;
	s3 =	sadd.s32 $0x18800, s0  }
0x4: {  	s9 =	stileid.u32;
	_ =	strace $0x80000047;
	[dreg:$0x3] =	wrdreg s3  }
0x5: {  	s4 =	simm.s32 $0x1;
	s3 =	simm.s32 $0x4E20;
	s5 =	rddreg [dreg:$0x3]  }
0x6: {  	[tilespmem:s3], [sflag:$0x1] =	stream.linear.gather [hbm4b:s5+s2], $0x3E8, $0x38;
	[tilespmem:$0x5488] =	vst v63  }
0x7: {  	p0 =	sne.s32 s9, $0x0;
	_ =	swait.ge [sflag:s4], $0x3E8  }
0x8: {  	s6 =	sadd.s32 $0x18200, s0;
	s7 =	sshrl.u32 @!p0 s1, $0x3;
	[sflag:s4] =	ssyncset.done $0x0  }
0x9: {  	s8 =	simm.s32 @!p0 $0x1C01;
	s5 =	simm.s32 @!p0 $0x1;
	[sflag:s4] =	ssyncadd.s32 $0xFFFFFC18  }
0xa: {  	[spmem:s7], [sflag:s8] =	dma.local @!p0 [hbm:s6], $0x500  }
0xb: {  	s9 =	smul.u32 $0x9C4, s9;
	_ =	swait.ge @!p0 [sflag:s5], $0x500  }
0xc: {  	[sflag:s5] =	ssyncset.done @!p0 $0x0  }
0xd: {  	s9 =	sadd.s32 s9, s0;
	[sflag:s5] =	ssyncadd.s32 @!p0 $0xFFFFFB00  }
0xe: {  	s9 =	sadd.s32 $0xE400, s9;
	[bflag:$0x0] =	sbarrier.arrive $0xFFFF  }
0xf: {  	[tilespmem:s2], [sflag:$0x1] =	stream.linear.gather [hbm4b:s9+s2], $0x4E20, $0x38;
	[tilespmem:$0x5488] =	vst v63  }
0x10: {  	_ =	swait.ge [sflag:s4], $0x4E20  }
0x11: {  	[sflag:s4] =	ssyncset.done $0x0  }
0x12: {  	s10 =	simm.s32 $0x3E8;
	[sflag:s4] =	ssyncadd.s32 $0xFFFFB1E0  }
0x13: {  	[spmem:s1] =	stream.indirect.scatter.add.f32 [tilespmem:s3], [sflag:$0x1], $0x1, s2, s10, $0xb8;
	[tilespmem:$0x5488] =	vst v63  }
0x14: {  	_ =	swait.ge [sflag:s4], $0x3E8  }
0x15: {  	[sflag:s4] =	ssyncset.done $0x0  }
0x16: {  	[sflag:s4] =	ssyncadd.s32 $0xFFFFFC18  }
0x17: {  	[spmem:s1] =	stream.indirect.scatter.add.f32 [tilespmem:s3], [sflag:$0x1], $0x1, s10, s10, $0xb8;
	[tilespmem:$0x5488] =	vst v63  }
0x18: {  	_ =	swait.ge [sflag:s4], $0x3E8  }
0x19: {  	[sflag:s4] =	ssyncset.done $0x0  }
0x1a: {  	s11 =	simm.s32 $0x7D0;
	[sflag:s4] =	ssyncadd.s32 $0xFFFFFC18  }
0x1b: {  	[spmem:s1] =	stream.indirect.scatter.add.f32 [tilespmem:s3], [sflag:$0x1], $0x1, s11, s10, $0xb8;
	[tilespmem:$0x5488] =	vst v63  }
0x1c: {  	_ =	swait.ge [sflag:s4], $0x3E8  }
0x1d: {  	[sflag:s4] =	ssyncset.done $0x0  }
0x1e: {  	s12 =	simm.s32 $0xBB8;
	[sflag:s4] =	ssyncadd.s32 $0xFFFFFC18  }
0x1f: {  	[spmem:s1] =	stream.indirect.scatter.add.f32 [tilespmem:s3], [sflag:$0x1], $0x1, s12, s10, $0xb8;
	[tilespmem:$0x5488] =	vst v63  }
0x20: {  	_ =	swait.ge [sflag:s4], $0x3E8  }
0x21: {  	[sflag:s4] =	ssyncset.done $0x0  }
0x22: {  	s13 =	simm.s32 $0xFA0;
	[sflag:s4] =	ssyncadd.s32 $0xFFFFFC18  }
0x23: {  	[spmem:s1] =	stream.indirect.scatter.add.f32 [tilespmem:s3], [sflag:$0x1], $0x1, s13, s10, $0xb8;
	[tilespmem:$0x5488] =	vst v63  }
0x24: {  	_ =	swait.ge [sflag:s4], $0x3E8  }
0x25: {  	[sflag:s4] =	ssyncset.done $0x0  }
0x26: {  	s14 =	simm.s32 $0x1388;
	[sflag:s4] =	ssyncadd.s32 $0xFFFFFC18  }
0x27: {  	[spmem:s1] =	stream.indirect.scatter.add.f32 [tilespmem:s3], [sflag:$0x1], $0x1, s14, s10, $0xb8;
	[tilespmem:$0x5488] =	vst v63  }
0x28: {  	_ =	swait.ge [sflag:s4], $0x3E8  }
0x29: {  	[sflag:s4] =	ssyncset.done $0x0  }
0x2a: {  	s15 =	simm.s32 $0x1770;
	[sflag:s4] =	ssyncadd.s32 $0xFFFFFC18  }
0x2b: {  	[spmem:s1] =	stream.indirect.scatter.add.f32 [tilespmem:s3], [sflag:$0x1], $0x1, s15, s10, $0xb8;
	[tilespmem:$0x5488] =	vst v63  }
0x2c: {  	_ =	swait.ge [sflag:s4], $0x3E8  }
0x2d: {  	[sflag:s4] =	ssyncset.done $0x0  }
0x2e: {  	s16 =	simm.s32 $0x1B58;
	[sflag:s4] =	ssyncadd.s32 $0xFFFFFC18  }
0x2f: {  	[spmem:s1] =	stream.indirect.scatter.add.f32 [tilespmem:s3], [sflag:$0x1], $0x1, s16, s10, $0xb8;
	[tilespmem:$0x5488] =	vst v63  }
0x30: {  	_ =	swait.ge [sflag:s4], $0x3E8  }
0x31: {  	[sflag:s4] =	ssyncset.done $0x0  }
0x32: {  	s17 =	simm.s32 $0x1F40;
	[sflag:s4] =	ssyncadd.s32 $0xFFFFFC18  }
0x33: {  	[spmem:s1] =	stream.indirect.scatter.add.f32 [tilespmem:s3], [sflag:$0x1], $0x1, s17, s10, $0xb8;
	[tilespmem:$0x5488] =	vst v63  }
0x34: {  	_ =	swait.ge [sflag:s4], $0x3E8  }
0x35: {  	[sflag:s4] =	ssyncset.done $0x0  }
0x36: {  	s18 =	simm.s32 $0x2328;
	[sflag:s4] =	ssyncadd.s32 $0xFFFFFC18  }
0x37: {  	[spmem:s1] =	stream.indirect.scatter.add.f32 [tilespmem:s3], [sflag:$0x1], $0x1, s18, s10, $0xb8;
	[tilespmem:$0x5488] =	vst v63  }
0x38: {  	_ =	swait.ge [sflag:s4], $0x3E8  }
0x39: {  	[sflag:s4] =	ssyncset.done $0x0  }
0x3a: {  	s19 =	simm.s32 $0x2710;
	[sflag:s4] =	ssyncadd.s32 $0xFFFFFC18  }
0x3b: {  	[spmem:s1] =	stream.indirect.scatter.add.f32 [tilespmem:s3], [sflag:$0x1], $0x1, s19, s10, $0xb8;
	[tilespmem:$0x5488] =	vst v63  }
0x3c: {  	_ =	swait.ge [sflag:s4], $0x3E8  }
0x3d: {  	[sflag:s4] =	ssyncset.done $0x0  }
0x3e: {  	s20 =	simm.s32 $0x2AF8;
	[sflag:s4] =	ssyncadd.s32 $0xFFFFFC18  }
0x3f: {  	[spmem:s1] =	stream.indirect.scatter.add.f32 [tilespmem:s3], [sflag:$0x1], $0x1, s20, s10, $0xb8;
	[tilespmem:$0x5488] =	vst v63  }
0x40: {  	_ =	swait.ge [sflag:s4], $0x3E8  }
0x41: {  	[sflag:s4] =	ssyncset.done $0x0  }
0x42: {  	s21 =	simm.s32 $0x2EE0;
	[sflag:s4] =	ssyncadd.s32 $0xFFFFFC18  }
0x43: {  	[spmem:s1] =	stream.indirect.scatter.add.f32 [tilespmem:s3], [sflag:$0x1], $0x1, s21, s10, $0xb8;
	[tilespmem:$0x5488] =	vst v63  }
0x44: {  	_ =	swait.ge [sflag:s4], $0x3E8  }
0x45: {  	[sflag:s4] =	ssyncset.done $0x0  }
0x46: {  	s22 =	simm.s32 $0x32C8;
	[sflag:s4] =	ssyncadd.s32 $0xFFFFFC18  }
0x47: {  	[spmem:s1] =	stream.indirect.scatter.add.f32 [tilespmem:s3], [sflag:$0x1], $0x1, s22, s10, $0xb8;
	[tilespmem:$0x5488] =	vst v63  }
0x48: {  	_ =	swait.ge [sflag:s4], $0x3E8  }
0x49: {  	[sflag:s4] =	ssyncset.done $0x0  }
0x4a: {  	s23 =	simm.s32 $0x36B0;
	[sflag:s4] =	ssyncadd.s32 $0xFFFFFC18  }
0x4b: {  	[spmem:s1] =	stream.indirect.scatter.add.f32 [tilespmem:s3], [sflag:$0x1], $0x1, s23, s10, $0xb8;
	[tilespmem:$0x5488] =	vst v63  }
0x4c: {  	_ =	swait.ge [sflag:s4], $0x3E8  }
0x4d: {  	[sflag:s4] =	ssyncset.done $0x0  }
0x4e: {  	s24 =	simm.s32 $0x3A98;
	[sflag:s4] =	ssyncadd.s32 $0xFFFFFC18  }
0x4f: {  	[spmem:s1] =	stream.indirect.scatter.add.f32 [tilespmem:s3], [sflag:$0x1], $0x1, s24, s10, $0xb8;
	[tilespmem:$0x5488] =	vst v63  }
0x50: {  	_ =	swait.ge [sflag:s4], $0x3E8  }
0x51: {  	[sflag:s4] =	ssyncset.done $0x0  }
0x52: {  	s25 =	simm.s32 $0x3E80;
	[sflag:s4] =	ssyncadd.s32 $0xFFFFFC18  }
0x53: {  	[spmem:s1] =	stream.indirect.scatter.add.f32 [tilespmem:s3], [sflag:$0x1], $0x1, s25, s10, $0xb8;
	[tilespmem:$0x5488] =	vst v63  }
0x54: {  	_ =	swait.ge [sflag:s4], $0x3E8  }
0x55: {  	[sflag:s4] =	ssyncset.done $0x0  }
0x56: {  	s26 =	simm.s32 $0x4268;
	[sflag:s4] =	ssyncadd.s32 $0xFFFFFC18  }
0x57: {  	[spmem:s1] =	stream.indirect.scatter.add.f32 [tilespmem:s3], [sflag:$0x1], $0x1, s26, s10, $0xb8;
	[tilespmem:$0x5488] =	vst v63  }
0x58: {  	_ =	swait.ge [sflag:s4], $0x3E8  }
0x59: {  	[sflag:s4] =	ssyncset.done $0x0  }
0x5a: {  	s28 =	simm.s32 $0x4650;
	[sflag:s4] =	ssyncadd.s32 $0xFFFFFC18  }
0x5b: {  	[spmem:s1] =	stream.indirect.scatter.add.f32 [tilespmem:s3], [sflag:$0x1], $0x1, s28, s10, $0xb8;
	[tilespmem:$0x5488] =	vst v63  }
0x5c: {  	s29 =	srdreg.scid;
	_ =	swait.ge [sflag:s4], $0x3E8  }
0x5d: {  	s31 =	sand.u32 $0x1, s29;
	[sflag:s4] =	ssyncset.done $0x0  }
0x5e: {  	s29 =	simm.s32 $0x4A38;
	s0 =	ssub.s32 $0x2, s31;
	[sflag:s4] =	ssyncadd.s32 $0xFFFFFC18  }
0x5f: {  	[spmem:s1] =	stream.indirect.scatter.add.f32 [tilespmem:s3], [sflag:$0x1], $0x1, s29, s10, $0xb8;
	[tilespmem:$0x5488] =	vst v63  }
0x60: {  	s30 =	sshrl.u32 s0, $0x1;
	_ =	swait.ge [sflag:s4], $0x3E8  }
0x61: {  	s31 =	smul.u32 $0x500, s31;
	s0 =	ssub.s32 s0, s30;
	[sflag:s4] =	ssyncset.done $0x0  }
0x62: {  	s0 =	smax.u32 s0, $0x1;
	s30 =	rddreg [dreg:$0x0]  }
0x63: {  	s30 =	sadd.s32 s31, s30;
	s31 =	sadd.s32 $0xFFFFFFFF, s0  }
0x64: {  	p1 =	sne.s32 s31, $0x0  }
.Ltmp0:
0x65: {  	_ = 	snop;
	(pc) =	sbr.rel @!p1 .LBB2_2-.Ltmp0, $4  }
0x66: {  	[sflag:s4] =	ssyncadd.s32 $0xFFFFFC18  }
0x67: {  	[bflag:$0x0] =	sbarrier.arrive $0xFFFF;
	s30 =	sadd.s32 $0x18A00, s30  }
0x68: {  	[hbm:s30], [sflag:s8] =	dma.local @!p0 [spmem:s7], $0x500  }
0x69: {  	_ =	swait.ge @!p0 [sflag:s5], $0x500  }
.LBB2_1:
0x6a: {  	[sflag:s5] =	ssyncset.done @!p0 $0x0  }
0x6b: {  	s0 =	rddreg [dreg:$0x3];
	[sflag:s5] =	ssyncadd.s32 @!p0 $0xFFFFFB00  }
0x6c: {  	[tilespmem:s3], [sflag:$0x1] =	stream.linear.gather [hbm4b:s0+s2], $0x3E8, $0x38;
	[tilespmem:$0x5488] =	vst v63  }
0x6d: {  	_ =	swait.ge [sflag:s4], $0x3E8  }
0x6e: {  	[sflag:s4] =	ssyncset.done $0x0  }
0x6f: {  	[sflag:s4] =	ssyncadd.s32 $0xFFFFFC18  }
0x70: {  	[spmem:s7], [sflag:s8] =	dma.local @!p0 [hbm:s6], $0x500  }
0x71: {  	_ =	swait.ge @!p0 [sflag:s5], $0x500  }
0x72: {  	[sflag:s5] =	ssyncset.done @!p0 $0x0  }
0x73: {  	[sflag:s5] =	ssyncadd.s32 @!p0 $0xFFFFFB00  }
0x74: {  	[bflag:$0x0] =	sbarrier.arrive $0xFFFF  }
0x75: {  	[tilespmem:s2], [sflag:$0x1] =	stream.linear.gather [hbm4b:s9+s2], $0x4E20, $0x38;
	[tilespmem:$0x5488] =	vst v63  }
0x76: {  	_ =	swait.ge [sflag:s4], $0x4E20  }
0x77: {  	[sflag:s4] =	ssyncset.done $0x0  }
0x78: {  	[sflag:s4] =	ssyncadd.s32 $0xFFFFB1E0  }
0x79: {  	[spmem:s1] =	stream.indirect.scatter.add.f32 [tilespmem:s3], [sflag:$0x1], $0x1, s2, s10, $0xb8;
	[tilespmem:$0x5488] =	vst v63  }
0x7a: {  	_ =	swait.ge [sflag:s4], $0x3E8  }
0x7b: {  	[sflag:s4] =	ssyncset.done $0x0  }
0x7c: {  	[sflag:s4] =	ssyncadd.s32 $0xFFFFFC18  }
0x7d: {  	[spmem:s1] =	stream.indirect.scatter.add.f32 [tilespmem:s3], [sflag:$0x1], $0x1, s10, s10, $0xb8;
	[tilespmem:$0x5488] =	vst v63  }
0x7e: {  	_ =	swait.ge [sflag:s4], $0x3E8  }
0x7f: {  	[sflag:s4] =	ssyncset.done $0x0  }
0x80: {  	[sflag:s4] =	ssyncadd.s32 $0xFFFFFC18  }
0x81: {  	[spmem:s1] =	stream.indirect.scatter.add.f32 [tilespmem:s3], [sflag:$0x1], $0x1, s11, s10, $0xb8;
	[tilespmem:$0x5488] =	vst v63  }
0x82: {  	_ =	swait.ge [sflag:s4], $0x3E8  }
0x83: {  	[sflag:s4] =	ssyncset.done $0x0  }
0x84: {  	[sflag:s4] =	ssyncadd.s32 $0xFFFFFC18  }
0x85: {  	[spmem:s1] =	stream.indirect.scatter.add.f32 [tilespmem:s3], [sflag:$0x1], $0x1, s12, s10, $0xb8;
	[tilespmem:$0x5488] =	vst v63  }
0x86: {  	_ =	swait.ge [sflag:s4], $0x3E8  }
0x87: {  	[sflag:s4] =	ssyncset.done $0x0  }
0x88: {  	[sflag:s4] =	ssyncadd.s32 $0xFFFFFC18  }
0x89: {  	[spmem:s1] =	stream.indirect.scatter.add.f32 [tilespmem:s3], [sflag:$0x1], $0x1, s13, s10, $0xb8;
	[tilespmem:$0x5488] =	vst v63  }
0x8a: {  	_ =	swait.ge [sflag:s4], $0x3E8  }
0x8b: {  	[sflag:s4] =	ssyncset.done $0x0  }
0x8c: {  	[sflag:s4] =	ssyncadd.s32 $0xFFFFFC18  }
0x8d: {  	[spmem:s1] =	stream.indirect.scatter.add.f32 [tilespmem:s3], [sflag:$0x1], $0x1, s14, s10, $0xb8;
	[tilespmem:$0x5488] =	vst v63  }
0x8e: {  	_ =	swait.ge [sflag:s4], $0x3E8  }
0x8f: {  	[sflag:s4] =	ssyncset.done $0x0  }
0x90: {  	[sflag:s4] =	ssyncadd.s32 $0xFFFFFC18  }
0x91: {  	[spmem:s1] =	stream.indirect.scatter.add.f32 [tilespmem:s3], [sflag:$0x1], $0x1, s15, s10, $0xb8;
	[tilespmem:$0x5488] =	vst v63  }
0x92: {  	_ =	swait.ge [sflag:s4], $0x3E8  }
0x93: {  	[sflag:s4] =	ssyncset.done $0x0  }
0x94: {  	[sflag:s4] =	ssyncadd.s32 $0xFFFFFC18  }
0x95: {  	[spmem:s1] =	stream.indirect.scatter.add.f32 [tilespmem:s3], [sflag:$0x1], $0x1, s16, s10, $0xb8;
	[tilespmem:$0x5488] =	vst v63  }
0x96: {  	_ =	swait.ge [sflag:s4], $0x3E8  }
0x97: {  	[sflag:s4] =	ssyncset.done $0x0  }
0x98: {  	[sflag:s4] =	ssyncadd.s32 $0xFFFFFC18  }
0x99: {  	[spmem:s1] =	stream.indirect.scatter.add.f32 [tilespmem:s3], [sflag:$0x1], $0x1, s17, s10, $0xb8;
	[tilespmem:$0x5488] =	vst v63  }
0x9a: {  	_ =	swait.ge [sflag:s4], $0x3E8  }
0x9b: {  	[sflag:s4] =	ssyncset.done $0x0  }
0x9c: {  	[sflag:s4] =	ssyncadd.s32 $0xFFFFFC18  }
0x9d: {  	[spmem:s1] =	stream.indirect.scatter.add.f32 [tilespmem:s3], [sflag:$0x1], $0x1, s18, s10, $0xb8;
	[tilespmem:$0x5488] =	vst v63  }
0x9e: {  	_ =	swait.ge [sflag:s4], $0x3E8  }
0x9f: {  	[sflag:s4] =	ssyncset.done $0x0  }
0xa0: {  	[sflag:s4] =	ssyncadd.s32 $0xFFFFFC18  }
0xa1: {  	[spmem:s1] =	stream.indirect.scatter.add.f32 [tilespmem:s3], [sflag:$0x1], $0x1, s19, s10, $0xb8;
	[tilespmem:$0x5488] =	vst v63  }
0xa2: {  	_ =	swait.ge [sflag:s4], $0x3E8  }
0xa3: {  	[sflag:s4] =	ssyncset.done $0x0  }
0xa4: {  	[sflag:s4] =	ssyncadd.s32 $0xFFFFFC18  }
0xa5: {  	[spmem:s1] =	stream.indirect.scatter.add.f32 [tilespmem:s3], [sflag:$0x1], $0x1, s20, s10, $0xb8;
	[tilespmem:$0x5488] =	vst v63  }
0xa6: {  	_ =	swait.ge [sflag:s4], $0x3E8  }
0xa7: {  	[sflag:s4] =	ssyncset.done $0x0  }
0xa8: {  	[sflag:s4] =	ssyncadd.s32 $0xFFFFFC18  }
0xa9: {  	[spmem:s1] =	stream.indirect.scatter.add.f32 [tilespmem:s3], [sflag:$0x1], $0x1, s21, s10, $0xb8;
	[tilespmem:$0x5488] =	vst v63  }
0xaa: {  	_ =	swait.ge [sflag:s4], $0x3E8  }
0xab: {  	[sflag:s4] =	ssyncset.done $0x0  }
0xac: {  	[sflag:s4] =	ssyncadd.s32 $0xFFFFFC18  }
0xad: {  	[spmem:s1] =	stream.indirect.scatter.add.f32 [tilespmem:s3], [sflag:$0x1], $0x1, s22, s10, $0xb8;
	[tilespmem:$0x5488] =	vst v63  }
0xae: {  	_ =	swait.ge [sflag:s4], $0x3E8  }
0xaf: {  	[sflag:s4] =	ssyncset.done $0x0  }
0xb0: {  	[sflag:s4] =	ssyncadd.s32 $0xFFFFFC18  }
0xb1: {  	[spmem:s1] =	stream.indirect.scatter.add.f32 [tilespmem:s3], [sflag:$0x1], $0x1, s23, s10, $0xb8;
	[tilespmem:$0x5488] =	vst v63  }
0xb2: {  	_ =	swait.ge [sflag:s4], $0x3E8  }
0xb3: {  	[sflag:s4] =	ssyncset.done $0x0  }
0xb4: {  	[sflag:s4] =	ssyncadd.s32 $0xFFFFFC18  }
0xb5: {  	[spmem:s1] =	stream.indirect.scatter.add.f32 [tilespmem:s3], [sflag:$0x1], $0x1, s24, s10, $0xb8;
	[tilespmem:$0x5488] =	vst v63  }
0xb6: {  	_ =	swait.ge [sflag:s4], $0x3E8  }
0xb7: {  	[sflag:s4] =	ssyncset.done $0x0  }
0xb8: {  	[sflag:s4] =	ssyncadd.s32 $0xFFFFFC18  }
0xb9: {  	[spmem:s1] =	stream.indirect.scatter.add.f32 [tilespmem:s3], [sflag:$0x1], $0x1, s25, s10, $0xb8;
	[tilespmem:$0x5488] =	vst v63  }
0xba: {  	_ =	swait.ge [sflag:s4], $0x3E8  }
0xbb: {  	[sflag:s4] =	ssyncset.done $0x0  }
0xbc: {  	[sflag:s4] =	ssyncadd.s32 $0xFFFFFC18  }
0xbd: {  	[spmem:s1] =	stream.indirect.scatter.add.f32 [tilespmem:s3], [sflag:$0x1], $0x1, s26, s10, $0xb8;
	[tilespmem:$0x5488] =	vst v63  }
0xbe: {  	_ =	swait.ge [sflag:s4], $0x3E8  }
0xbf: {  	[sflag:s4] =	ssyncset.done $0x0  }
0xc0: {  	[sflag:s4] =	ssyncadd.s32 $0xFFFFFC18  }
0xc1: {  	[spmem:s1] =	stream.indirect.scatter.add.f32 [tilespmem:s3], [sflag:$0x1], $0x1, s28, s10, $0xb8;
	[tilespmem:$0x5488] =	vst v63  }
0xc2: {  	_ =	swait.ge [sflag:s4], $0x3E8  }
0xc3: {  	[sflag:s4] =	ssyncset.done $0x0  }
0xc4: {  	s31 =	sadd.s32 $0xFFFFFFFF, s31;
	[sflag:s4] =	ssyncadd.s32 $0xFFFFFC18  }
0xc5: {  	[spmem:s1] =	stream.indirect.scatter.add.f32 [tilespmem:s3], [sflag:$0x1], $0x1, s29, s10, $0xb8;
	[tilespmem:$0x5488] =	vst v63  }
0xc6: {  	p1 =	sne.s32 s31, $0x0;
	_ =	swait.ge [sflag:s4], $0x3E8  }
.Ltmp1:
0xc7: {  	[sflag:s4] =	ssyncset.done $0x0;
	(pc) =	sbr.rel @p1 .LBB2_1-.Ltmp1, $4  }
0xc8: {  	[sflag:s4] =	ssyncadd.s32 $0xFFFFFC18  }
0xc9: {  	[bflag:$0x0] =	sbarrier.arrive $0xFFFF  }
0xca: {  	[hbm:s30], [sflag:s8] =	dma.local @!p0 [spmem:s7], $0x500  }
0xcb: {  	_ =	swait.ge @!p0 [sflag:s5], $0x500  }
.LBB2_2:
0xcc: {  	[sflag:s5] =	ssyncset.done @!p0 $0x0  }
0xcd: {  	[sflag:s5] =	ssyncadd.s32 @!p0 $0xFFFFFB00  }
0xce: {  	_ =	sfence.sel $0x180000  }
0xcf: {  	[bflag:$0x0] =	sbarrier.arrive $0xFFFF  }
0xd0: {  	_ =	strace $0x90000047  }
0xd1: {  	[bflag:$0x2] =	sbarrier.arrive $0xFFFF  }
0xd2: {  	s0 =	rddreg [dreg:$0x2]  }
0xd3: {  	s0 =	sadd.s32 @!p0 $0x100000, s0  }
0xd4: {  	[sflag:s0] =	ssyncadd.tile.s32 @!p0 $0x1;
	_ =	shalt  }
.Lfunc_end2:
_tile_overlayer_lowered:
.L_overlay_start_2:
0xd5: {  	(tag) =	ssettag $0x2  }
0xd6: {  	s0 =	rddreg [dreg:$0x0];
	s2 =	stileid.u32  }
0xd7: {  	s1 =	rddreg [dreg:$0x1];
	p0 =	sne.s32 s2, $0x0  }
0xd8: {  	s3 =	rddreg [dreg:$0x2];
	[bflag:$0x3] =	sbarrier.arrive $0xFFFF;
	s2 =	simm.s32 @!p0 $0x1C01  }
0xd9: {  	[timem:s3], [sflag:s2] =	dma.local @!p0 [hbm:s0], s1  }
0xda: {  	s0 =	simm.s32 @!p0 $0x1  }
0xdb: {  	_ =	swait.ge @!p0 [sflag:s0], s1  }
0xdc: {  	s1 =	ssub.s32 @!p0 $0x0, s1;
	[sflag:s0] =	ssyncset.done @!p0 $0x0  }
0xdd: {  	[sflag:s0] =	ssyncadd.s32 @!p0 s1  }
0xde: {  	[bflag:$0x3] =	sbarrier.arrive $0xFFFF  }
0xdf: {  	_ =	shalt  }

// kernel: kernel.13.cloned.1.call-start
scs
__scs_entry_jumppad:
0x0: {  	(pc) =	sbr.rel $0x88, $3  }
0x1: {  	(tag) =	ssettag $0x0;
	lr =	simm.s32 $0x1  }
0x2: {  	[smem:$0x3F87] =	sst lr;
	_ =	strace $0xD0000000  }
0x3: {  	_ = 	snop  }
0x4: {  	_ = 	snop  }
0x5: {  	_ = 	snop  }
0x6: {  	_ = 	snop  }
0x7: {  	_ = 	snop  }
__scs_overlays_trampoline_lowered:
0x8: {  	[smem:$0x3F96] =	sst s0  }
0x9: {  	[smem:$0x3F97] =	sst s1  }
0xa: {  	[smem:$0x3F98] =	sst s2  }
0xb: {  	[smem:$0x3F99] =	sst s3  }
0xc: {  	[smem:$0x3F9A] =	sst s4  }
0xd: {  	[smem:$0x3F9B] =	sst s5  }
0xe: {  	[smem:$0x3F9C] =	sst s6  }
0xf: {  	[smem:$0x3F9D] =	sst s7  }
0x10: {  	[smem:$0x3F9E] =	sst s8  }
0x11: {  	[smem:$0x3F9F] =	sst s9;
	s0 =	simm.s32 @!p0 $0x0  }
0x12: {  	s1 =	sld [smem:$0x3F85];
	s0 =	simm.s32 @p0 $0x1  }
0x13: {  	[smem:$0x3FA0] =	sst s0;
	s0 =	simm.s32 @!p1 $0x0  }
0x14: {  	s2 =	sld [smem:$0x3F84];
	s0 =	simm.s32 @p1 $0x1  }
0x15: {  	[smem:$0x3FA1] =	sst s0;
	s0 =	simm.s32 @!p2 $0x0  }
0x16: {  	s3 =	sld [smem:$0x3FDB];
	s0 =	simm.s32 @p2 $0x1  }
0x17: {  	s4 =	simm.s32 $0x1BF5;
	[smem:$0x3FA3] =	sst s0  }
0x18: {  	s0 =	sld [smem:$0x3F86];
	_ =	swait.ge [sflag:s4], $0x0  }
0x19: {  	s7 =	sld [smem:$0x3F87]  }
0x1a: {  	s8 =	sadd.s32 $0xFFFFE003, lr  }
0x1b: {  	s9 =	sadd.s32 $0xFFFFFEF7, lr;
	s5 =	simm.s32 $0xFFFFFFFF;
	p2 =	slt.u32 s8, $0xFFFFF086  }
0x1c: {  	p1 =	slt.u32 s9, $0xF7A;
	s5 =	simm.s32 @!p2 $0x0  }
0x1d: {  	s5 =	simm.s32 @p1 $0x1;
	p0 =	seq.s32 s7, s2  }
0x1e: {  	s7 =	smul.u32 @!p0 $0xF7A, s2;
	p2 =	seq.s32 @!p0 s5, $0x0  }
0x1f: {  	s9 =	smul.u32 $0xF7A, s1;
	s8 =	simm.s32 @!p0 $0x1BF5;
	p2 =	por !p2, p0  }
0x20: {  	[sflag:s8] =	ssyncset.s32 @!p0 $0xFFFFF086;
	s6 =	sadd.s32 @!p0 s3, s7;
	s7 =	simm.s32 @!p0 $0x108  }
0x21: {  	s3 =	sadd.s32 s3, s9;
	s6 =	sadd.s32 @!p0 $0x88, s6;
	s7 =	simm.s32 @p2 $0x1082  }
0x22: {  	[simem:s7], [sflag:s8] =	dma.local @!p0 [hbm:s6], $0xF7A  }
0x23: {  	s9 =	sor.u32 $0xD0000000, s2;
	s6 =	simm.s32 $0x108;
	_ =	swait.ge @!p0 [sflag:s8], $0x0  }
0x24: {  	s3 =	sadd.s32 $0x88, s3;
	s6 =	simm.s32 @!p1 $0x1082;
	[sflag:s4] =	ssyncset.s32 $0xFFFFF086  }
0x25: {  	[simem:s6], [sflag:s4] =	dma.local [hbm:s3], $0xF7A  }
0x26: {  	[smem:$0x3F87] =	sst s1;
	(tag) =	ssettag s2;
	_ =	strace s9  }
0x27: {  	s1 =	sld [smem:$0x3F97]  }
0x28: {  	s2 =	sld [smem:$0x3F98]  }
0x29: {  	s4 =	sld [smem:$0x3F9A]  }
0x2a: {  	p0 =	seq.s32 s5, $0x0;
	s5 =	sld [smem:$0x3F9B]  }
0x2b: {  	s6 =	sld [smem:$0x3F9C]  }
0x2c: {  	s7 =	sld [smem:$0x3F9D]  }
0x2d: {  	s3 =	simm.s32 $0x108;
	s8 =	sld [smem:$0x3F9E]  }
0x2e: {  	s3 =	simm.s32 @!p0 $0x1082;
	s9 =	sld [smem:$0x3F9F]  }
0x2f: {  	lr =	sadd.s32 s0, s3;
	s0 =	sld [smem:$0x3F96]  }
0x30: {  	s3 =	sld [smem:$0x3F99]  }
0x31: {  	[smem:$0x3FA2] =	sst s10  }
0x32: {  	s10 =	sld [smem:$0x3FA0];
	_ =	sdelay $0x3  }
0x33: {  	p0 =	seq.s32 s10, $0x1;
	s10 =	sld [smem:$0x3FA2];
	_ =	sdelay $0x3  }
0x34: {  	[smem:$0x3FA2] =	sst s10  }
0x35: {  	s10 =	sld [smem:$0x3FA1];
	_ =	sdelay $0x3  }
0x36: {  	p1 =	seq.s32 s10, $0x1;
	s10 =	sld [smem:$0x3FA2];
	_ =	sdelay $0x3  }
0x37: {  	[smem:$0x3FA2] =	sst s10  }
0x38: {  	s10 =	sld [smem:$0x3FA3]  }
0x39: {  	_ = 	snop;
	(pc) =	sbr.ind lr, $3  }
0x3a: {  	_ = 	snop  }
0x3b: {  	_ = 	snop  }
0x3c: {  	p2 =	seq.s32 s10, $0x1;
	s10 =	sld [smem:$0x3FA2]  }
0x3d: {  	_ =	shalt  }
0x3e: {  	_ =	shalt  }
0x3f: {  	_ =	shalt  }
0x40: {  	_ =	shalt  }
0x41: {  	_ =	shalt  }
0x42: {  	_ =	shalt  }
0x43: {  	_ =	shalt  }
0x44: {  	_ =	shalt  }
0x45: {  	_ =	shalt  }
0x46: {  	_ =	shalt  }
0x47: {  	_ =	shalt  }
0x48: {  	_ =	shalt  }
0x49: {  	_ =	shalt  }
0x4a: {  	_ =	shalt  }
0x4b: {  	_ =	shalt  }
0x4c: {  	_ =	shalt  }
0x4d: {  	_ =	shalt  }
0x4e: {  	_ =	shalt  }
0x4f: {  	_ =	shalt  }
0x50: {  	_ =	shalt  }
0x51: {  	_ =	shalt  }
0x52: {  	_ =	shalt  }
0x53: {  	_ =	shalt  }
0x54: {  	_ =	shalt  }
0x55: {  	_ =	shalt  }
0x56: {  	_ =	shalt  }
0x57: {  	_ =	shalt  }
0x58: {  	_ =	shalt  }
0x59: {  	_ =	shalt  }
0x5a: {  	_ =	shalt  }
0x5b: {  	_ =	shalt  }
0x5c: {  	_ =	shalt  }
0x5d: {  	_ =	shalt  }
0x5e: {  	_ =	shalt  }
0x5f: {  	_ =	shalt  }
0x60: {  	_ =	shalt  }
0x61: {  	_ =	shalt  }
0x62: {  	_ =	shalt  }
0x63: {  	_ =	shalt  }
0x64: {  	_ =	shalt  }
0x65: {  	_ =	shalt  }
0x66: {  	_ =	shalt  }
0x67: {  	_ =	shalt  }
0x68: {  	_ =	shalt  }
0x69: {  	_ =	shalt  }
0x6a: {  	_ =	shalt  }
0x6b: {  	_ =	shalt  }
0x6c: {  	_ =	shalt  }
0x6d: {  	_ =	shalt  }
0x6e: {  	_ =	shalt  }
0x6f: {  	_ =	shalt  }
0x70: {  	_ =	shalt  }
0x71: {  	_ =	shalt  }
0x72: {  	_ =	shalt  }
0x73: {  	_ =	shalt  }
0x74: {  	_ =	shalt  }
0x75: {  	_ =	shalt  }
0x76: {  	_ =	shalt  }
0x77: {  	_ =	shalt  }
0x78: {  	_ =	shalt  }
0x79: {  	_ =	shalt  }
0x7a: {  	_ =	shalt  }
0x7b: {  	_ =	shalt  }
0x7c: {  	_ =	shalt  }
0x7d: {  	_ =	shalt  }
0x7e: {  	_ =	shalt  }
0x7f: {  	_ =	shalt  }
0x80: {  	_ =	shalt  }
0x81: {  	_ =	shalt  }
0x82: {  	_ =	shalt  }
0x83: {  	_ =	shalt  }
0x84: {  	_ =	shalt  }
0x85: {  	_ =	shalt  }
0x86: {  	_ =	shalt  }
0x87: {  	_ =	shalt  }
.Lfunc_end0:
.L_simem_size_0:
called_computation.1_lowered:
.L_overlay_start_0:
0x88: {  	s2 =	sld [smem:$0x3FD9]  }
0x89: {  	s3 =	sld [smem:$0x3FFE];
	_ =	sdelay $0x1  }
0x8a: {  	s1 =	srdreg.scid  }
0x8b: {  	s0 =	sand.u32 $0x1, s1  }
0x8c: {  	s16 =	sshll.u32 s0, $0xA;
	s2 =	sadd.s32 s3, s2  }
0x8d: {  	s2 =	sadd.s32 s2, s16  }
0x8e: {  	[smem:$0x3FAE] =	sst s2  }
0x8f: {  	_ = 	snop  }
0x90: {  	(tm) =	ssettm $0x1  }
0x91: {  	s17 =	sld [smem:$0x3FFB];
	_ =	sdelay $0x3  }
0x92: {  	_ =	strace s17  }
0x93: {  	s2 =	sld [smem:$0x3FFC];
	_ =	sdelay $0x3  }
0x94: {  	_ =	strace s2  }
0x95: {  	s2 =	sld [smem:$0x3FFD];
	_ =	sdelay $0x3  }
0x96: {  	_ =	strace s2  }
0x97: {  	_ =	strace $0x8FFFFFFF  }
0x98: {  	s18 =	sld [smem:$0x3FDB];
	_ =	sdelay $0x1  }
0x99: {  	s19 =	simm.s32 $_scs_section_size  }
0x9a: {  	s4 =	simm.s32 $_size__tile_overlayer_lowered;
	s5 =	simm.s32 $_tile_overlayer_lowered  }
0x9b: {  	s22 =	simm.s32 $0x1BFF;
	s21 =	sshll.u32 s5, $0x1;
	s2 =	sadd.s32 s19, s18  }
0x9c: {  	s6 =	simm.s32 $0x0;
	s20 =	sshll.u32 s4, $0x1;
	s4 =	sadd.s32 s21, s2  }
0x9d: {  	[timem:s6], [sflag:s22] =	dma.local [hbm:s4], s20  }
0x9e: {  	_ =	swait.ge [sflag:s22], s20  }
0x9f: {  	s3 =	ssub.s32 $0x0, s20;
	[sflag:s22] =	ssyncset.done $0x0  }
0xa0: {  	[sflag:s22] =	ssyncadd.s32 s3;
	_ =	sdelay $0x1  }
0xa1: {  	s23 =	simm.s32 $0x1B8B  }
0xa2: {  	_ =	swait.ge [sflag:s23], $0x1  }
0xa3: {  	[sflag:s23] =	ssyncset.done $0x0  }
0xa4: {  	s25 =	simm.s32 $0x1B8E;
	s24 =	sld [smem:$0x3FFE];
	[sflag:s23] =	ssyncadd.s32 $0xFFFFFFFF  }
0xa5: {  	s26 =	simm.s32 $execute0_lowered;
	[smem:$0x3FD2] =	sst s25  }
0xa6: {  	s4 =	sshll.u32 s26, $0x1;
	_ =	strace $0x80000049;
	[dreg:$0x1] =	wrdreg $0xFFFFFFFF  }
0xa7: {  	s28 =	simm.s32 $_size_execute0_lowered;
	s2 =	sadd.s32 s2, s4;
	[dreg:$0x0] =	wrdreg $0x0  }
0xa8: {  	s4 =	sshll.u32 s28, $0x1;
	[dreg:$0x2] =	wrdreg s2  }
0xa9: {  	[dreg:$0x3] =	wrdreg s4  }
0xaa: {  	[dreg:$0x4] =	wrdreg $0xC0  }
0xab: {  	_ =	task [dreg:s6], $0x5FFFF  }
0xac: {  	[dreg:$0x1] =	wrdreg $0xFFFFFFFF  }
0xad: {  	[dreg:$0x0] =	wrdreg $0x60  }
0xae: {  	[dreg:$0x2] =	wrdreg s24  }
0xaf: {  	[dreg:$0x3] =	wrdreg $0x196400  }
0xb0: {  	[dreg:$0x4] =	wrdreg $0x9  }
0xb1: {  	_ =	task.clear_ibuf [dreg:s6], $0x5FFFF;
	_ =	strace $0x90000049  }
0xb2: {  	s29 =	simm.s32 $0x9;
	_ =	strace $0x8000004B  }
0xb3: {  	_ =	swait.ge [sflag:s29], $0x1  }
0xb4: {  	[sflag:s29] =	ssyncadd.s32 $0xFFFFFFFF  }
0xb5: {  	_ =	strace $0x9000004B  }
0xb6: {  	_ =	sfence  }
0xb7: {  	s30 =	sld [smem:$0x0];
	_ =	sdelay $0x2  }
0xb8: {  	s31 =	sshll.u32 s1, $0xD;
	s1 =	sshrl.u32 s1, $0x2  }
0xb9: {  	s3 =	sand.u32 $0x4000, s31;
	s1 =	sadd.s32 s1, s30  }
0xba: {  	s0 =	sor.u32 s3, s0;
	s1 =	sshll.u32 s1, $0x11  }
0xbb: {  	s0 =	sor.u32 s1, s0  }
0xbc: {  	s0 =	sadd.s32 $0x8F2B, s0  }
0xbd: {  	[sflag:s0] =	ssyncadd.remote.s32 $0x1  }
0xbe: {  	_ =	sfence.sel $0xFFFF  }
0xbf: {  	[dreg:$0x0] =	wrdreg $0xFFFFFFFF;
	(pc) =	sbr.abs _section_cstart, $3  }
0xc0: {  	[dreg:$0x1] =	wrdreg $0xFFFFFFFF  }
0xc1: {  	_ =	task.clear_ibuf [dreg:s6], $0x2FFFF;
	_ =	strace $0x9FFFFFFF  }
0xc2: {  	(tm) =	ssettm $0x7FFFFFFF  }
0xc3: {  	_ =	shalt  }
tec
execute0_lowered:
.L_overlay_start_1:
0x0: {  	(tag) =	ssettag $0x1  }
0x1: {  	s3 =	rddreg [dreg:$0x0]  }
0x2: {  	s2 =	rddreg [dreg:$0x1]  }
0x3: {  	s30 =	rddreg [dreg:$0x2];
	s24 =	simm.s32 $0x0  }
0x4: {  	s15 =	simm.s32 $0x7D0;
	[smem:$0x7FF] =	sst s24  }
0x5: {  	s16 =	simm.s32 $0x5208;
	_ =	strace $0x8000004A;
	[dreg:$0x6] =	wrdreg s15  }
0x6: {  	s17 =	simm.s32 $0xBB8;
	[dreg:$0x7] =	wrdreg s16  }
0x7: {  	s18 =	simm.s32 $0x55F0;
	[dreg:$0x8] =	wrdreg s17  }
0x8: {  	s20 =	simm.s32 $0xFA0;
	[dreg:$0x9] =	wrdreg s18  }
0x9: {  	s21 =	simm.s32 $0x59D8;
	[dreg:$0xa] =	wrdreg s20  }
0xa: {  	s23 =	simm.s32 $0x1388;
	[dreg:$0xb] =	wrdreg s21  }
0xb: {  	s26 =	simm.s32 $0x5DC0;
	[dreg:$0xc] =	wrdreg s23  }
0xc: {  	s29 =	simm.s32 $0x1770;
	[dreg:$0xd] =	wrdreg s26  }
0xd: {  	s7 =	simm.s32 $0x61A8;
	[dreg:$0xe] =	wrdreg s29  }
0xe: {  	s8 =	simm.s32 $0x1B58;
	[dreg:$0xf] =	wrdreg s7  }
0xf: {  	s0 =	stileid.u32;
	s9 =	simm.s32 $0x6590;
	[dreg:$0x10] =	wrdreg s8  }
0x10: {  	s19 =	srdreg.scid;
	s10 =	simm.s32 $0x6978;
	[dreg:$0x11] =	wrdreg s9  }
0x11: {  	s11 =	simm.s32 $0x2328;
	s12 =	simm.s32 $0x6D60;
	[dreg:$0x13] =	wrdreg s10  }
0x12: {  	s13 =	simm.s32 $0x2710;
	s4 =	smul.u32 $0x9C4, s0;
	[dreg:$0x14] =	wrdreg s11  }
0x13: {  	p1 =	por $0x0, $0x0;
	s5 =	smul.u32 $0x13C00, s0;
	[dreg:$0x15] =	wrdreg s12  }
0x14: {  	p0 =	seq.s32 s0, $0xF;
	s7 =	simm.s32 $0x1F40;
	[dreg:$0x16] =	wrdreg s13  }
0x15: {  	s25 =	sadd.s32 $0x19400, s3;
	s16 =	simm.s32 $0x7148;
	[dreg:$0x12] =	wrdreg s7  }
0x16: {  	s8 =	smul.u32 $0x9E00, s0;
	s17 =	simm.s32 $0x2AF8;
	[dreg:$0x17] =	wrdreg s16  }
0x17: {  	s18 =	simm.s32 $0x7530;
	s20 =	simm.s32 $0x7918;
	[dreg:$0x18] =	wrdreg s17  }
0x18: {  	s21 =	simm.s32 $0x32C8;
	s26 =	simm.s32 $0x4E20;
	[dreg:$0x19] =	wrdreg s18  }
0x19: {  	s23 =	simm.s32 $0x36B0;
	s29 =	simm.s32 $0x80E8;
	[dreg:$0x1b] =	wrdreg s20  }
0x1a: {  	s9 =	simm.s32 $0x9C40;
	s11 =	simm.s32 $0x3A98;
	[dreg:$0x1c] =	wrdreg s21  }
0x1b: {  	s13 =	simm.s32 $0x1;
	s4 =	sadd.s32 s4, s3;
	[dreg:$0x1e] =	wrdreg s23  }
0x1c: {  	s5 =	sshrl.u32 s5, $0x2;
	s7 =	simm.s32 $0x3E8;
	[dreg:$0x1f] =	wrdreg s29  }
0x1d: {  	[smem:$0x7FC] =	sst s11;
	s16 =	simm.s32 $0x84D0;
	s11 =	simm.s32 $0x2  }
0x1e: {  	s23 =	simm.s32 $0x3E80;
	s21 =	simm.s32 $0x4268;
	s20 =	simm.s32 $0x8CA0  }
0x1f: {  	s17 =	simm.s32 $0x9088;
	s18 =	simm.s32 $0x9470;
	s5 =	sadd.s32 s5, s2  }
0x20: {  	s6 =	sadd.s32 $0xE400, s4;
	s4 =	sadd.s32 $0x4600, s4;
	s10 =	sshrl.u32 s8, $0x4  }
0x21: {  	[dreg:$0x4] =	wrdreg s4;
	s4 =	sshrl.u32 @!p0 s5, $0x3;
	s5 =	sand.u32 $0x1, s19  }
0x22: {  	s15 =	sshrl.u32 s8, $0x1;
	[smem:$0x7FD] =	sst s16;
	s1 =	ssub.s32 $0x2, s5  }
0x23: {  	[dreg:$0x3] =	wrdreg s6;
	s22 =	smul.u32 $0x9C40, s5;
	s5 =	sshrl.u32 s1, $0x1  }
0x24: {  	s8 =	simm.s32 $0x11940;
	[dreg:$0x5] =	wrdreg s4;
	s4 =	ssub.s32 s1, s5  }
0x25: {  	s12 =	sadd.s32 s15, s2;
	s19 =	simm.s32 $0x2EE0;
	s15 =	smax.u32 s4, $0x1  }
0x26: {  	s16 =	simm.s32 $0x4A38;
	[dreg:$0x1a] =	wrdreg s19;
	s31 =	sadd.s32 $0xFFFFFFFF, s15  }
0x27: {  	s19 =	simm.s32 $0x4650;
	s12 =	sshrl.u32 @!p0 s12, $0x3;
	p2 =	sne.s32 s31, $0x0  }
.Ltmp0:
0x28: {  	s6 =	sadd.s32 s22, s3;
	s5 =	sadd.s32 $0x4A100, s2;
	(pc) =	sbr.rel @!p2 .LBB2_5-.Ltmp0, $4  }
0x29: {  	s22 =	simm.s32 $0x7D00;
	s3 =	sadd.s32 $0x68000, s6;
	s14 =	sadd.s32 $0x7BA00, s6  }
0x2a: {  	s4 =	sshrl.u32 @p0 s5, $0x3;
	s6 =	sshll.u32 @!p0 s0, $0x6;
	[dreg:$0x1d] =	wrdreg s22  }
0x2b: {  	s22 =	simm.s32 $0x88B8;
	s5 =	sor.u32 @!p0 $0x1C03, s6;
	s6 =	simm.s32 $0x3  }
0x2c: {  	s10 =	sadd.s32 @!p0 s10, s14;
	s14 =	sadd.s32 @p0 $0x9420, s14;
	s15 =	simm.s32 $0x9858  }
0x2d: {  	s29 =	simm.s32 @p0 $0x1FC3;
	s30 =	simm.s32 @p0 $0x3  }
0x2e: {  	[spmem:s4], [sflag:s29] =	dma.local @p0 [hbm:s25], $0x820  }
0x2f: {  	_ =	swait.ge @p0 [sflag:s30], $0x820  }
0x30: {  	[sflag:s30] =	ssyncset.done @p0 $0x0  }
0x31: {  	s28 =	simm.s32 @!p0 $0x3;
	s1 =	rddreg [dreg:$0x5];
	[sflag:s30] =	ssyncadd.s32 @p0 $0xFFFFF7E0  }
0x32: {  	[spmem:s1], [sflag:s5] =	dma.local @!p0 [hbm:s25], $0x9E0  }
0x33: {  	_ =	swait.ge @!p0 [sflag:s28], $0x9E0  }
0x34: {  	[sflag:s28] =	ssyncset.done @!p0 $0x0  }
0x35: {  	[sflag:s28] =	ssyncadd.s32 @!p0 $0xFFFFF620  }
0x36: {  	[bflag:$0x0] =	sbarrier.arrive $0xFFFF  }
0x37: {  	s1 =	rddreg [dreg:$0x3]  }
0x38: {  	[tilespmem:s24], [sflag:$0x3] =	stream.linear.gather [hbm4b:s1+s24], $0x4E20, $0x38;
	[tilespmem:$0x1E460] =	vst v63  }
0x39: {  	_ =	swait.ge [sflag:s6], $0x4E20  }
0x3a: {  	[sflag:s6] =	ssyncset.done $0x0  }
0x3b: {  	s1 =	rddreg [dreg:$0x4];
	[sflag:s6] =	ssyncadd.s32 $0xFFFFB1E0  }
0x3c: {  	[tilespmem:s26], [sflag:$0x3] =	stream.linear.gather [hbm4b:s1+s24], $0x4E20, $0x38;
	[tilespmem:$0x1E460] =	vst v63  }
0x3d: {  	_ =	swait.ge [sflag:s6], $0x4E20  }
0x3e: {  	[sflag:s6] =	ssyncset.done $0x0  }
0x3f: {  	[sflag:s6] =	ssyncadd.s32 $0xFFFFB1E0  }
0x40: {  	[tilespmem:s9], [sflag:$0x1] =	stream.indirect.gather [hbm4b:s3+s7], $0x20, s24, s7, $0xb8;
	[tilespmem:$0x1E460] =	vst v63  }
0x41: {  	_ = 	snop  }
0x42: {  	[tilespmem:s8], [sflag:$0x2] =	stream.indirect.gather [hbm4b:s3+s7], $0x20, s7, s7, $0xb8;
	[tilespmem:$0x1E460] =	vst v63  }
0x43: {  	_ =	swait.ge [sflag:s13], $0x7D00  }
0x44: {  	[sflag:s13] =	ssyncset.done $0x0  }
0x45: {  	[sflag:s13] =	ssyncadd.s32 $0xFFFF8300  }
0x46: {  	[spmem:s2] =	stream.indirect.scatter.add.bf16 [tilespmem:s9], [sflag:$0x3], $0x20, s26, s7, $0xb8;
	[tilespmem:$0x1E460] =	vst v63  }
0x47: {  	_ =	swait.ge [sflag:s6], $0x7D00  }
0x48: {  	[sflag:s6] =	ssyncset.done $0x0  }
0x49: {  	s1 =	rddreg [dreg:$0x6];
	[sflag:s6] =	ssyncadd.s32 $0xFFFF8300  }
0x4a: {  	[tilespmem:s9], [sflag:$0x1] =	stream.indirect.gather [hbm4b:s3+s7], $0x20, s1, s7, $0xb8;
	[tilespmem:$0x1E460] =	vst v63  }
0x4b: {  	_ =	swait.ge [sflag:s11], $0x7D00  }
0x4c: {  	[sflag:s11] =	ssyncset.done $0x0  }
0x4d: {  	s1 =	rddreg [dreg:$0x7];
	[sflag:s11] =	ssyncadd.s32 $0xFFFF8300  }
0x4e: {  	[spmem:s2] =	stream.indirect.scatter.add.bf16 [tilespmem:s8], [sflag:$0x3], $0x20, s1, s7, $0xb8;
	[tilespmem:$0x1E460] =	vst v63  }
0x4f: {  	_ =	swait.ge [sflag:s6], $0x7D00  }
0x50: {  	[sflag:s6] =	ssyncset.done $0x0  }
0x51: {  	s1 =	rddreg [dreg:$0x8];
	[sflag:s6] =	ssyncadd.s32 $0xFFFF8300  }
0x52: {  	[tilespmem:s8], [sflag:$0x2] =	stream.indirect.gather [hbm4b:s3+s7], $0x20, s1, s7, $0xb8;
	[tilespmem:$0x1E460] =	vst v63  }
0x53: {  	_ =	swait.ge [sflag:s13], $0x7D00  }
0x54: {  	[sflag:s13] =	ssyncset.done $0x0  }
0x55: {  	s1 =	rddreg [dreg:$0x9];
	[sflag:s13] =	ssyncadd.s32 $0xFFFF8300  }
0x56: {  	[spmem:s2] =	stream.indirect.scatter.add.bf16 [tilespmem:s9], [sflag:$0x3], $0x20, s1, s7, $0xb8;
	[tilespmem:$0x1E460] =	vst v63  }
0x57: {  	_ =	swait.ge [sflag:s6], $0x7D00  }
0x58: {  	[sflag:s6] =	ssyncset.done $0x0  }
0x59: {  	s1 =	rddreg [dreg:$0xa];
	[sflag:s6] =	ssyncadd.s32 $0xFFFF8300  }
0x5a: {  	[tilespmem:s9], [sflag:$0x1] =	stream.indirect.gather [hbm4b:s3+s7], $0x20, s1, s7, $0xb8;
	[tilespmem:$0x1E460] =	vst v63  }
0x5b: {  	_ =	swait.ge [sflag:s11], $0x7D00  }
0x5c: {  	[sflag:s11] =	ssyncset.done $0x0  }
0x5d: {  	s1 =	rddreg [dreg:$0xb];
	[sflag:s11] =	ssyncadd.s32 $0xFFFF8300  }
0x5e: {  	[spmem:s2] =	stream.indirect.scatter.add.bf16 [tilespmem:s8], [sflag:$0x3], $0x20, s1, s7, $0xb8;
	[tilespmem:$0x1E460] =	vst v63  }
0x5f: {  	_ =	swait.ge [sflag:s6], $0x7D00  }
0x60: {  	[sflag:s6] =	ssyncset.done $0x0  }
0x61: {  	s1 =	rddreg [dreg:$0xc];
	[sflag:s6] =	ssyncadd.s32 $0xFFFF8300  }
0x62: {  	[tilespmem:s8], [sflag:$0x2] =	stream.indirect.gather [hbm4b:s3+s7], $0x20, s1, s7, $0xb8;
	[tilespmem:$0x1E460] =	vst v63  }
0x63: {  	_ =	swait.ge [sflag:s13], $0x7D00  }
0x64: {  	[sflag:s13] =	ssyncset.done $0x0  }
0x65: {  	s1 =	rddreg [dreg:$0xd];
	[sflag:s13] =	ssyncadd.s32 $0xFFFF8300  }
0x66: {  	[spmem:s2] =	stream.indirect.scatter.add.bf16 [tilespmem:s9], [sflag:$0x3], $0x20, s1, s7, $0xb8;
	[tilespmem:$0x1E460] =	vst v63  }
0x67: {  	_ =	swait.ge [sflag:s6], $0x7D00  }
0x68: {  	[sflag:s6] =	ssyncset.done $0x0  }
0x69: {  	s1 =	rddreg [dreg:$0xe];
	[sflag:s6] =	ssyncadd.s32 $0xFFFF8300  }
0x6a: {  	[tilespmem:s9], [sflag:$0x1] =	stream.indirect.gather [hbm4b:s3+s7], $0x20, s1, s7, $0xb8;
	[tilespmem:$0x1E460] =	vst v63  }
0x6b: {  	_ =	swait.ge [sflag:s11], $0x7D00  }
0x6c: {  	[sflag:s11] =	ssyncset.done $0x0  }
0x6d: {  	s1 =	rddreg [dreg:$0xf];
	[sflag:s11] =	ssyncadd.s32 $0xFFFF8300  }
0x6e: {  	[spmem:s2] =	stream.indirect.scatter.add.bf16 [tilespmem:s8], [sflag:$0x3], $0x20, s1, s7, $0xb8;
	[tilespmem:$0x1E460] =	vst v63  }
0x6f: {  	_ =	swait.ge [sflag:s6], $0x7D00  }
0x70: {  	[sflag:s6] =	ssyncset.done $0x0  }
0x71: {  	s1 =	rddreg [dreg:$0x10];
	[sflag:s6] =	ssyncadd.s32 $0xFFFF8300  }
0x72: {  	[tilespmem:s8], [sflag:$0x2] =	stream.indirect.gather [hbm4b:s3+s7], $0x20, s1, s7, $0xb8;
	[tilespmem:$0x1E460] =	vst v63  }
0x73: {  	_ =	swait.ge [sflag:s13], $0x7D00  }
0x74: {  	[sflag:s13] =	ssyncset.done $0x0  }
0x75: {  	s1 =	rddreg [dreg:$0x11];
	[sflag:s13] =	ssyncadd.s32 $0xFFFF8300  }
0x76: {  	[spmem:s2] =	stream.indirect.scatter.add.bf16 [tilespmem:s9], [sflag:$0x3], $0x20, s1, s7, $0xb8;
	[tilespmem:$0x1E460] =	vst v63  }
0x77: {  	_ =	swait.ge [sflag:s6], $0x7D00  }
0x78: {  	[sflag:s6] =	ssyncset.done $0x0  }
0x79: {  	s1 =	rddreg [dreg:$0x12];
	[sflag:s6] =	ssyncadd.s32 $0xFFFF8300  }
0x7a: {  	[tilespmem:s9], [sflag:$0x1] =	stream.indirect.gather [hbm4b:s3+s7], $0x20, s1, s7, $0xb8;
	[tilespmem:$0x1E460] =	vst v63  }
0x7b: {  	_ =	swait.ge [sflag:s11], $0x7D00  }
0x7c: {  	[sflag:s11] =	ssyncset.done $0x0  }
0x7d: {  	s1 =	rddreg [dreg:$0x13];
	[sflag:s11] =	ssyncadd.s32 $0xFFFF8300  }
0x7e: {  	[spmem:s2] =	stream.indirect.scatter.add.bf16 [tilespmem:s8], [sflag:$0x3], $0x20, s1, s7, $0xb8;
	[tilespmem:$0x1E460] =	vst v63  }
0x7f: {  	_ =	swait.ge [sflag:s6], $0x7D00  }
0x80: {  	[sflag:s6] =	ssyncset.done $0x0  }
0x81: {  	s1 =	rddreg [dreg:$0x14];
	[sflag:s6] =	ssyncadd.s32 $0xFFFF8300  }
0x82: {  	[tilespmem:s8], [sflag:$0x2] =	stream.indirect.gather [hbm4b:s3+s7], $0x20, s1, s7, $0xb8;
	[tilespmem:$0x1E460] =	vst v63  }
0x83: {  	_ =	swait.ge [sflag:s13], $0x7D00  }
0x84: {  	[sflag:s13] =	ssyncset.done $0x0  }
0x85: {  	s1 =	rddreg [dreg:$0x15];
	[sflag:s13] =	ssyncadd.s32 $0xFFFF8300  }
0x86: {  	[spmem:s2] =	stream.indirect.scatter.add.bf16 [tilespmem:s9], [sflag:$0x3], $0x20, s1, s7, $0xb8;
	[tilespmem:$0x1E460] =	vst v63  }
0x87: {  	_ =	swait.ge [sflag:s6], $0x7D00  }
0x88: {  	[sflag:s6] =	ssyncset.done $0x0  }
0x89: {  	s1 =	rddreg [dreg:$0x16];
	[sflag:s6] =	ssyncadd.s32 $0xFFFF8300  }
0x8a: {  	[tilespmem:s9], [sflag:$0x1] =	stream.indirect.gather [hbm4b:s3+s7], $0x20, s1, s7, $0xb8;
	[tilespmem:$0x1E460] =	vst v63  }
0x8b: {  	_ =	swait.ge [sflag:s11], $0x7D00  }
0x8c: {  	[sflag:s11] =	ssyncset.done $0x0  }
0x8d: {  	s1 =	rddreg [dreg:$0x17];
	[sflag:s11] =	ssyncadd.s32 $0xFFFF8300  }
0x8e: {  	[spmem:s2] =	stream.indirect.scatter.add.bf16 [tilespmem:s8], [sflag:$0x3], $0x20, s1, s7, $0xb8;
	[tilespmem:$0x1E460] =	vst v63  }
0x8f: {  	_ =	swait.ge [sflag:s6], $0x7D00  }
0x90: {  	[sflag:s6] =	ssyncset.done $0x0  }
0x91: {  	s1 =	rddreg [dreg:$0x18];
	[sflag:s6] =	ssyncadd.s32 $0xFFFF8300  }
0x92: {  	[tilespmem:s8], [sflag:$0x2] =	stream.indirect.gather [hbm4b:s3+s7], $0x20, s1, s7, $0xb8;
	[tilespmem:$0x1E460] =	vst v63  }
0x93: {  	_ =	swait.ge [sflag:s13], $0x7D00  }
0x94: {  	[sflag:s13] =	ssyncset.done $0x0  }
0x95: {  	s1 =	rddreg [dreg:$0x19];
	[sflag:s13] =	ssyncadd.s32 $0xFFFF8300  }
0x96: {  	[spmem:s2] =	stream.indirect.scatter.add.bf16 [tilespmem:s9], [sflag:$0x3], $0x20, s1, s7, $0xb8;
	[tilespmem:$0x1E460] =	vst v63  }
0x97: {  	_ =	swait.ge [sflag:s6], $0x7D00  }
0x98: {  	[sflag:s6] =	ssyncset.done $0x0  }
0x99: {  	s1 =	rddreg [dreg:$0x1a];
	[sflag:s6] =	ssyncadd.s32 $0xFFFF8300  }
0x9a: {  	[tilespmem:s9], [sflag:$0x1] =	stream.indirect.gather [hbm4b:s3+s7], $0x20, s1, s7, $0xb8;
	[tilespmem:$0x1E460] =	vst v63  }
0x9b: {  	_ =	swait.ge [sflag:s11], $0x7D00  }
0x9c: {  	[sflag:s11] =	ssyncset.done $0x0  }
0x9d: {  	s1 =	rddreg [dreg:$0x1b];
	[sflag:s11] =	ssyncadd.s32 $0xFFFF8300  }
0x9e: {  	[spmem:s2] =	stream.indirect.scatter.add.bf16 [tilespmem:s8], [sflag:$0x3], $0x20, s1, s7, $0xb8;
	[tilespmem:$0x1E460] =	vst v63  }
0x9f: {  	_ =	swait.ge [sflag:s6], $0x7D00  }
0xa0: {  	[sflag:s6] =	ssyncset.done $0x0  }
0xa1: {  	s1 =	rddreg [dreg:$0x1c];
	[sflag:s6] =	ssyncadd.s32 $0xFFFF8300  }
0xa2: {  	[tilespmem:s8], [sflag:$0x2] =	stream.indirect.gather [hbm4b:s3+s7], $0x20, s1, s7, $0xb8;
	[tilespmem:$0x1E460] =	vst v63  }
0xa3: {  	_ =	swait.ge [sflag:s13], $0x7D00  }
0xa4: {  	[sflag:s13] =	ssyncset.done $0x0  }
0xa5: {  	s1 =	rddreg [dreg:$0x1d];
	[sflag:s13] =	ssyncadd.s32 $0xFFFF8300  }
0xa6: {  	[spmem:s2] =	stream.indirect.scatter.add.bf16 [tilespmem:s9], [sflag:$0x3], $0x20, s1, s7, $0xb8;
	[tilespmem:$0x1E460] =	vst v63  }
0xa7: {  	_ =	swait.ge [sflag:s6], $0x7D00  }
0xa8: {  	[sflag:s6] =	ssyncset.done $0x0  }
0xa9: {  	s1 =	rddreg [dreg:$0x1e];
	[sflag:s6] =	ssyncadd.s32 $0xFFFF8300  }
0xaa: {  	[tilespmem:s9], [sflag:$0x1] =	stream.indirect.gather [hbm4b:s3+s7], $0x20, s1, s7, $0xb8;
	[tilespmem:$0x1E460] =	vst v63  }
0xab: {  	_ =	swait.ge [sflag:s11], $0x7D00  }
0xac: {  	[sflag:s11] =	ssyncset.done $0x0  }
0xad: {  	s1 =	rddreg [dreg:$0x1f];
	[sflag:s11] =	ssyncadd.s32 $0xFFFF8300  }
0xae: {  	[spmem:s2] =	stream.indirect.scatter.add.bf16 [tilespmem:s8], [sflag:$0x3], $0x20, s1, s7, $0xb8;
	[tilespmem:$0x1E460] =	vst v63  }
0xaf: {  	_ =	swait.ge [sflag:s6], $0x7D00  }
0xb0: {  	s1 =	sld [smem:$0x7FC]  }
0xb1: {  	[sflag:s6] =	ssyncset.done $0x0  }
0xb2: {  	[sflag:s6] =	ssyncadd.s32 $0xFFFF8300  }
0xb3: {  	[tilespmem:s8], [sflag:$0x2] =	stream.indirect.gather [hbm4b:s3+s7], $0x20, s1, s7, $0xb8;
	[tilespmem:$0x1E460] =	vst v63  }
0xb4: {  	_ =	swait.ge [sflag:s13], $0x7D00  }
0xb5: {  	s1 =	sld [smem:$0x7FD]  }
0xb6: {  	[sflag:s13] =	ssyncset.done $0x0  }
0xb7: {  	[sflag:s13] =	ssyncadd.s32 $0xFFFF8300  }
0xb8: {  	[spmem:s2] =	stream.indirect.scatter.add.bf16 [tilespmem:s9], [sflag:$0x3], $0x20, s1, s7, $0xb8;
	[tilespmem:$0x1E460] =	vst v63  }
0xb9: {  	_ =	swait.ge [sflag:s6], $0x7D00  }
0xba: {  	[sflag:s6] =	ssyncset.done $0x0  }
0xbb: {  	[sflag:s6] =	ssyncadd.s32 $0xFFFF8300  }
0xbc: {  	[tilespmem:s9], [sflag:$0x1] =	stream.indirect.gather [hbm4b:s3+s7], $0x20, s23, s7, $0xb8;
	[tilespmem:$0x1E460] =	vst v63  }
0xbd: {  	_ =	swait.ge [sflag:s11], $0x7D00  }
0xbe: {  	[sflag:s11] =	ssyncset.done $0x0  }
0xbf: {  	[sflag:s11] =	ssyncadd.s32 $0xFFFF8300  }
0xc0: {  	[spmem:s2] =	stream.indirect.scatter.add.bf16 [tilespmem:s8], [sflag:$0x3], $0x20, s22, s7, $0xb8;
	[tilespmem:$0x1E460] =	vst v63  }
0xc1: {  	_ =	swait.ge [sflag:s6], $0x7D00  }
0xc2: {  	[sflag:s6] =	ssyncset.done $0x0  }
0xc3: {  	[sflag:s6] =	ssyncadd.s32 $0xFFFF8300  }
0xc4: {  	[tilespmem:s8], [sflag:$0x2] =	stream.indirect.gather [hbm4b:s3+s7], $0x20, s21, s7, $0xb8;
	[tilespmem:$0x1E460] =	vst v63  }
0xc5: {  	_ =	swait.ge [sflag:s13], $0x7D00  }
0xc6: {  	[sflag:s13] =	ssyncset.done $0x0  }
0xc7: {  	[sflag:s13] =	ssyncadd.s32 $0xFFFF8300  }
0xc8: {  	[spmem:s2] =	stream.indirect.scatter.add.bf16 [tilespmem:s9], [sflag:$0x3], $0x20, s20, s7, $0xb8;
	[tilespmem:$0x1E460] =	vst v63  }
0xc9: {  	_ =	swait.ge [sflag:s6], $0x7D00  }
0xca: {  	[sflag:s6] =	ssyncset.done $0x0  }
0xcb: {  	[sflag:s6] =	ssyncadd.s32 $0xFFFF8300  }
0xcc: {  	[tilespmem:s9], [sflag:$0x1] =	stream.indirect.gather [hbm4b:s3+s7], $0x20, s19, s7, $0xb8;
	[tilespmem:$0x1E460] =	vst v63  }
0xcd: {  	_ =	swait.ge [sflag:s11], $0x7D00  }
0xce: {  	[sflag:s11] =	ssyncset.done $0x0  }
0xcf: {  	[sflag:s11] =	ssyncadd.s32 $0xFFFF8300  }
0xd0: {  	[spmem:s2] =	stream.indirect.scatter.add.bf16 [tilespmem:s8], [sflag:$0x3], $0x20, s17, s7, $0xb8;
	[tilespmem:$0x1E460] =	vst v63  }
0xd1: {  	_ =	swait.ge [sflag:s6], $0x7D00  }
0xd2: {  	[sflag:s6] =	ssyncset.done $0x0  }
0xd3: {  	[sflag:s6] =	ssyncadd.s32 $0xFFFF8300  }
0xd4: {  	[tilespmem:s8], [sflag:$0x2] =	stream.indirect.gather [hbm4b:s3+s7], $0x20, s16, s7, $0xb8;
	[tilespmem:$0x1E460] =	vst v63  }
0xd5: {  	_ =	swait.ge [sflag:s13], $0x7D00  }
0xd6: {  	[sflag:s13] =	ssyncset.done $0x0  }
0xd7: {  	[sflag:s13] =	ssyncadd.s32 $0xFFFF8300  }
0xd8: {  	[spmem:s2] =	stream.indirect.scatter.add.bf16 [tilespmem:s9], [sflag:$0x3], $0x20, s18, s7, $0xb8;
	[tilespmem:$0x1E460] =	vst v63  }
0xd9: {  	_ =	swait.ge [sflag:s6], $0x7D00  }
0xda: {  	[sflag:s6] =	ssyncset.done $0x0  }
0xdb: {  	[sflag:s6] =	ssyncadd.s32 $0xFFFF8300  }
0xdc: {  	_ =	swait.ge [sflag:s11], $0x7D00  }
0xdd: {  	[sflag:s11] =	ssyncset.done $0x0  }
0xde: {  	[sflag:s11] =	ssyncadd.s32 $0xFFFF8300  }
0xdf: {  	[spmem:s2] =	stream.indirect.scatter.add.bf16 [tilespmem:s8], [sflag:$0x3], $0x20, s15, s7, $0xb8;
	[tilespmem:$0x1E460] =	vst v63  }
0xe0: {  	_ =	swait.ge [sflag:s6], $0x7D00  }
0xe1: {  	[sflag:s6] =	ssyncset.done $0x0  }
0xe2: {  	[sflag:s6] =	ssyncadd.s32 $0xFFFF8300  }
0xe3: {  	s31 =	sadd.s32 $0xFFFFFFFF, s31;
	[bflag:$0x0] =	sbarrier.arrive $0xFFFF  }
0xe4: {  	[hbm:s14], [sflag:s29] =	dma.local @p0 [spmem:s4], $0x820  }
0xe5: {  	p2 =	sne.s32 s31, $0x0;
	_ =	swait.ge @p0 [sflag:s30], $0x820  }
.Ltmp1:
0xe6: {  	[sflag:s30] =	ssyncset.done @p0 $0x0;
	(pc) =	sbr.rel @!p2 .LBB2_2-.Ltmp1, $4  }
0xe7: {  	[sflag:s30] =	ssyncadd.s32 @p0 $0xFFFFF7E0  }
0xe8: {  	[hbm:s10], [sflag:s5] =	dma.local @!p0 [spmem:s12], $0x9E0  }
0xe9: {  	_ =	swait.ge @!p0 [sflag:s28], $0x9E0  }
0xea: {  	p1 =	por $0x1, $0x1;
	[sflag:s28] =	ssyncset.done @!p0 $0x0  }
.LBB2_3:
0xeb: {  	[sflag:s28] =	ssyncadd.s32 @!p0 $0xFFFFF620  }
0xec: {  	[spmem:s4], [sflag:s29] =	dma.local @p0 [hbm:s25], $0x820  }
0xed: {  	_ =	swait.ge @p0 [sflag:s30], $0x820  }
0xee: {  	[sflag:s30] =	ssyncset.done @p0 $0x0  }
0xef: {  	s1 =	rddreg [dreg:$0x5];
	[sflag:s30] =	ssyncadd.s32 @p0 $0xFFFFF7E0  }
0xf0: {  	[spmem:s1], [sflag:s5] =	dma.local @!p0 [hbm:s25], $0x9E0  }
0xf1: {  	_ =	swait.ge @!p0 [sflag:s28], $0x9E0  }
0xf2: {  	[sflag:s28] =	ssyncset.done @!p0 $0x0  }
0xf3: {  	[sflag:s28] =	ssyncadd.s32 @!p0 $0xFFFFF620  }
0xf4: {  	[bflag:$0x0] =	sbarrier.arrive $0xFFFF  }
0xf5: {  	s1 =	rddreg [dreg:$0x3]  }
0xf6: {  	[tilespmem:s24], [sflag:$0x3] =	stream.linear.gather [hbm4b:s1+s24], $0x4E20, $0x38;
	[tilespmem:$0x1E460] =	vst v63  }
0xf7: {  	_ =	swait.ge [sflag:s6], $0x4E20  }
0xf8: {  	[sflag:s6] =	ssyncset.done $0x0  }
0xf9: {  	s1 =	rddreg [dreg:$0x4];
	[sflag:s6] =	ssyncadd.s32 $0xFFFFB1E0  }
0xfa: {  	[tilespmem:s26], [sflag:$0x3] =	stream.linear.gather [hbm4b:s1+s24], $0x4E20, $0x38;
	[tilespmem:$0x1E460] =	vst v63  }
0xfb: {  	_ =	swait.ge [sflag:s6], $0x4E20  }
0xfc: {  	[sflag:s6] =	ssyncset.done $0x0  }
0xfd: {  	[sflag:s6] =	ssyncadd.s32 $0xFFFFB1E0  }
0xfe: {  	[tilespmem:s9], [sflag:$0x1] =	stream.indirect.gather [hbm4b:s3+s7], $0x20, s24, s7, $0xb8;
	[tilespmem:$0x1E460] =	vst v63  }
0xff: {  	_ = 	snop  }
0x100: {  	[tilespmem:s8], [sflag:$0x2] =	stream.indirect.gather [hbm4b:s3+s7], $0x20, s7, s7, $0xb8;
	[tilespmem:$0x1E460] =	vst v63  }
0x101: {  	_ =	swait.ge [sflag:s13], $0x7D00  }
0x102: {  	[sflag:s13] =	ssyncset.done $0x0  }
0x103: {  	[sflag:s13] =	ssyncadd.s32 $0xFFFF8300  }
0x104: {  	[spmem:s2] =	stream.indirect.scatter.add.bf16 [tilespmem:s9], [sflag:$0x3], $0x20, s26, s7, $0xb8;
	[tilespmem:$0x1E460] =	vst v63  }
0x105: {  	_ =	swait.ge [sflag:s6], $0x7D00  }
0x106: {  	[sflag:s6] =	ssyncset.done $0x0  }
0x107: {  	s1 =	rddreg [dreg:$0x6];
	[sflag:s6] =	ssyncadd.s32 $0xFFFF8300  }
0x108: {  	[tilespmem:s9], [sflag:$0x1] =	stream.indirect.gather [hbm4b:s3+s7], $0x20, s1, s7, $0xb8;
	[tilespmem:$0x1E460] =	vst v63  }
0x109: {  	_ =	swait.ge [sflag:s11], $0x7D00  }
0x10a: {  	[sflag:s11] =	ssyncset.done $0x0  }
0x10b: {  	s1 =	rddreg [dreg:$0x7];
	[sflag:s11] =	ssyncadd.s32 $0xFFFF8300  }
0x10c: {  	[spmem:s2] =	stream.indirect.scatter.add.bf16 [tilespmem:s8], [sflag:$0x3], $0x20, s1, s7, $0xb8;
	[tilespmem:$0x1E460] =	vst v63  }
0x10d: {  	_ =	swait.ge [sflag:s6], $0x7D00  }
0x10e: {  	[sflag:s6] =	ssyncset.done $0x0  }
0x10f: {  	s1 =	rddreg [dreg:$0x8];
	[sflag:s6] =	ssyncadd.s32 $0xFFFF8300  }
0x110: {  	[tilespmem:s8], [sflag:$0x2] =	stream.indirect.gather [hbm4b:s3+s7], $0x20, s1, s7, $0xb8;
	[tilespmem:$0x1E460] =	vst v63  }
0x111: {  	_ =	swait.ge [sflag:s13], $0x7D00  }
0x112: {  	[sflag:s13] =	ssyncset.done $0x0  }
0x113: {  	s1 =	rddreg [dreg:$0x9];
	[sflag:s13] =	ssyncadd.s32 $0xFFFF8300  }
0x114: {  	[spmem:s2] =	stream.indirect.scatter.add.bf16 [tilespmem:s9], [sflag:$0x3], $0x20, s1, s7, $0xb8;
	[tilespmem:$0x1E460] =	vst v63  }
0x115: {  	_ =	swait.ge [sflag:s6], $0x7D00  }
0x116: {  	[sflag:s6] =	ssyncset.done $0x0  }
0x117: {  	s1 =	rddreg [dreg:$0xa];
	[sflag:s6] =	ssyncadd.s32 $0xFFFF8300  }
0x118: {  	[tilespmem:s9], [sflag:$0x1] =	stream.indirect.gather [hbm4b:s3+s7], $0x20, s1, s7, $0xb8;
	[tilespmem:$0x1E460] =	vst v63  }
0x119: {  	_ =	swait.ge [sflag:s11], $0x7D00  }
0x11a: {  	[sflag:s11] =	ssyncset.done $0x0  }
0x11b: {  	s1 =	rddreg [dreg:$0xb];
	[sflag:s11] =	ssyncadd.s32 $0xFFFF8300  }
0x11c: {  	[spmem:s2] =	stream.indirect.scatter.add.bf16 [tilespmem:s8], [sflag:$0x3], $0x20, s1, s7, $0xb8;
	[tilespmem:$0x1E460] =	vst v63  }
0x11d: {  	_ =	swait.ge [sflag:s6], $0x7D00  }
0x11e: {  	[sflag:s6] =	ssyncset.done $0x0  }
0x11f: {  	s1 =	rddreg [dreg:$0xc];
	[sflag:s6] =	ssyncadd.s32 $0xFFFF8300  }
0x120: {  	[tilespmem:s8], [sflag:$0x2] =	stream.indirect.gather [hbm4b:s3+s7], $0x20, s1, s7, $0xb8;
	[tilespmem:$0x1E460] =	vst v63  }
0x121: {  	_ =	swait.ge [sflag:s13], $0x7D00  }
0x122: {  	[sflag:s13] =	ssyncset.done $0x0  }
0x123: {  	s1 =	rddreg [dreg:$0xd];
	[sflag:s13] =	ssyncadd.s32 $0xFFFF8300  }
0x124: {  	[spmem:s2] =	stream.indirect.scatter.add.bf16 [tilespmem:s9], [sflag:$0x3], $0x20, s1, s7, $0xb8;
	[tilespmem:$0x1E460] =	vst v63  }
0x125: {  	_ =	swait.ge [sflag:s6], $0x7D00  }
0x126: {  	[sflag:s6] =	ssyncset.done $0x0  }
0x127: {  	s1 =	rddreg [dreg:$0xe];
	[sflag:s6] =	ssyncadd.s32 $0xFFFF8300  }
0x128: {  	[tilespmem:s9], [sflag:$0x1] =	stream.indirect.gather [hbm4b:s3+s7], $0x20, s1, s7, $0xb8;
	[tilespmem:$0x1E460] =	vst v63  }
0x129: {  	_ =	swait.ge [sflag:s11], $0x7D00  }
0x12a: {  	[sflag:s11] =	ssyncset.done $0x0  }
0x12b: {  	s1 =	rddreg [dreg:$0xf];
	[sflag:s11] =	ssyncadd.s32 $0xFFFF8300  }
0x12c: {  	[spmem:s2] =	stream.indirect.scatter.add.bf16 [tilespmem:s8], [sflag:$0x3], $0x20, s1, s7, $0xb8;
	[tilespmem:$0x1E460] =	vst v63  }
0x12d: {  	_ =	swait.ge [sflag:s6], $0x7D00  }
0x12e: {  	[sflag:s6] =	ssyncset.done $0x0  }
0x12f: {  	s1 =	rddreg [dreg:$0x10];
	[sflag:s6] =	ssyncadd.s32 $0xFFFF8300  }
0x130: {  	[tilespmem:s8], [sflag:$0x2] =	stream.indirect.gather [hbm4b:s3+s7], $0x20, s1, s7, $0xb8;
	[tilespmem:$0x1E460] =	vst v63  }
0x131: {  	_ =	swait.ge [sflag:s13], $0x7D00  }
0x132: {  	[sflag:s13] =	ssyncset.done $0x0  }
0x133: {  	s1 =	rddreg [dreg:$0x11];
	[sflag:s13] =	ssyncadd.s32 $0xFFFF8300  }
0x134: {  	[spmem:s2] =	stream.indirect.scatter.add.bf16 [tilespmem:s9], [sflag:$0x3], $0x20, s1, s7, $0xb8;
	[tilespmem:$0x1E460] =	vst v63  }
0x135: {  	_ =	swait.ge [sflag:s6], $0x7D00  }
0x136: {  	[sflag:s6] =	ssyncset.done $0x0  }
0x137: {  	s1 =	rddreg [dreg:$0x12];
	[sflag:s6] =	ssyncadd.s32 $0xFFFF8300  }
0x138: {  	[tilespmem:s9], [sflag:$0x1] =	stream.indirect.gather [hbm4b:s3+s7], $0x20, s1, s7, $0xb8;
	[tilespmem:$0x1E460] =	vst v63  }
0x139: {  	_ =	swait.ge [sflag:s11], $0x7D00  }
0x13a: {  	[sflag:s11] =	ssyncset.done $0x0  }
0x13b: {  	s1 =	rddreg [dreg:$0x13];
	[sflag:s11] =	ssyncadd.s32 $0xFFFF8300  }
0x13c: {  	[spmem:s2] =	stream.indirect.scatter.add.bf16 [tilespmem:s8], [sflag:$0x3], $0x20, s1, s7, $0xb8;
	[tilespmem:$0x1E460] =	vst v63  }
0x13d: {  	_ =	swait.ge [sflag:s6], $0x7D00  }
0x13e: {  	[sflag:s6] =	ssyncset.done $0x0  }
0x13f: {  	s1 =	rddreg [dreg:$0x14];
	[sflag:s6] =	ssyncadd.s32 $0xFFFF8300  }
0x140: {  	[tilespmem:s8], [sflag:$0x2] =	stream.indirect.gather [hbm4b:s3+s7], $0x20, s1, s7, $0xb8;
	[tilespmem:$0x1E460] =	vst v63  }
0x141: {  	_ =	swait.ge [sflag:s13], $0x7D00  }
0x142: {  	[sflag:s13] =	ssyncset.done $0x0  }
0x143: {  	s1 =	rddreg [dreg:$0x15];
	[sflag:s13] =	ssyncadd.s32 $0xFFFF8300  }
0x144: {  	[spmem:s2] =	stream.indirect.scatter.add.bf16 [tilespmem:s9], [sflag:$0x3], $0x20, s1, s7, $0xb8;
	[tilespmem:$0x1E460] =	vst v63  }
0x145: {  	_ =	swait.ge [sflag:s6], $0x7D00  }
0x146: {  	[sflag:s6] =	ssyncset.done $0x0  }
0x147: {  	s1 =	rddreg [dreg:$0x16];
	[sflag:s6] =	ssyncadd.s32 $0xFFFF8300  }
0x148: {  	[tilespmem:s9], [sflag:$0x1] =	stream.indirect.gather [hbm4b:s3+s7], $0x20, s1, s7, $0xb8;
	[tilespmem:$0x1E460] =	vst v63  }
0x149: {  	_ =	swait.ge [sflag:s11], $0x7D00  }
0x14a: {  	[sflag:s11] =	ssyncset.done $0x0  }
0x14b: {  	s1 =	rddreg [dreg:$0x17];
	[sflag:s11] =	ssyncadd.s32 $0xFFFF8300  }
0x14c: {  	[spmem:s2] =	stream.indirect.scatter.add.bf16 [tilespmem:s8], [sflag:$0x3], $0x20, s1, s7, $0xb8;
	[tilespmem:$0x1E460] =	vst v63  }
0x14d: {  	_ =	swait.ge [sflag:s6], $0x7D00  }
0x14e: {  	[sflag:s6] =	ssyncset.done $0x0  }
0x14f: {  	s1 =	rddreg [dreg:$0x18];
	[sflag:s6] =	ssyncadd.s32 $0xFFFF8300  }
0x150: {  	[tilespmem:s8], [sflag:$0x2] =	stream.indirect.gather [hbm4b:s3+s7], $0x20, s1, s7, $0xb8;
	[tilespmem:$0x1E460] =	vst v63  }
0x151: {  	_ =	swait.ge [sflag:s13], $0x7D00  }
0x152: {  	[sflag:s13] =	ssyncset.done $0x0  }
0x153: {  	s1 =	rddreg [dreg:$0x19];
	[sflag:s13] =	ssyncadd.s32 $0xFFFF8300  }
0x154: {  	[spmem:s2] =	stream.indirect.scatter.add.bf16 [tilespmem:s9], [sflag:$0x3], $0x20, s1, s7, $0xb8;
	[tilespmem:$0x1E460] =	vst v63  }
0x155: {  	_ =	swait.ge [sflag:s6], $0x7D00  }
0x156: {  	[sflag:s6] =	ssyncset.done $0x0  }
0x157: {  	s1 =	rddreg [dreg:$0x1a];
	[sflag:s6] =	ssyncadd.s32 $0xFFFF8300  }
0x158: {  	[tilespmem:s9], [sflag:$0x1] =	stream.indirect.gather [hbm4b:s3+s7], $0x20, s1, s7, $0xb8;
	[tilespmem:$0x1E460] =	vst v63  }
0x159: {  	_ =	swait.ge [sflag:s11], $0x7D00  }
0x15a: {  	[sflag:s11] =	ssyncset.done $0x0  }
0x15b: {  	s1 =	rddreg [dreg:$0x1b];
	[sflag:s11] =	ssyncadd.s32 $0xFFFF8300  }
0x15c: {  	[spmem:s2] =	stream.indirect.scatter.add.bf16 [tilespmem:s8], [sflag:$0x3], $0x20, s1, s7, $0xb8;
	[tilespmem:$0x1E460] =	vst v63  }
0x15d: {  	_ =	swait.ge [sflag:s6], $0x7D00  }
0x15e: {  	[sflag:s6] =	ssyncset.done $0x0  }
0x15f: {  	s1 =	rddreg [dreg:$0x1c];
	[sflag:s6] =	ssyncadd.s32 $0xFFFF8300  }
0x160: {  	[tilespmem:s8], [sflag:$0x2] =	stream.indirect.gather [hbm4b:s3+s7], $0x20, s1, s7, $0xb8;
	[tilespmem:$0x1E460] =	vst v63  }
0x161: {  	_ =	swait.ge [sflag:s13], $0x7D00  }
0x162: {  	[sflag:s13] =	ssyncset.done $0x0  }
0x163: {  	s1 =	rddreg [dreg:$0x1d];
	[sflag:s13] =	ssyncadd.s32 $0xFFFF8300  }
0x164: {  	[spmem:s2] =	stream.indirect.scatter.add.bf16 [tilespmem:s9], [sflag:$0x3], $0x20, s1, s7, $0xb8;
	[tilespmem:$0x1E460] =	vst v63  }
0x165: {  	_ =	swait.ge [sflag:s6], $0x7D00  }
0x166: {  	[sflag:s6] =	ssyncset.done $0x0  }
0x167: {  	s1 =	rddreg [dreg:$0x1e];
	[sflag:s6] =	ssyncadd.s32 $0xFFFF8300  }
0x168: {  	[tilespmem:s9], [sflag:$0x1] =	stream.indirect.gather [hbm4b:s3+s7], $0x20, s1, s7, $0xb8;
	[tilespmem:$0x1E460] =	vst v63  }
0x169: {  	_ =	swait.ge [sflag:s11], $0x7D00  }
0x16a: {  	[sflag:s11] =	ssyncset.done $0x0  }
0x16b: {  	s1 =	rddreg [dreg:$0x1f];
	[sflag:s11] =	ssyncadd.s32 $0xFFFF8300  }
0x16c: {  	[spmem:s2] =	stream.indirect.scatter.add.bf16 [tilespmem:s8], [sflag:$0x3], $0x20, s1, s7, $0xb8;
	[tilespmem:$0x1E460] =	vst v63  }
0x16d: {  	_ =	swait.ge [sflag:s6], $0x7D00  }
0x16e: {  	s1 =	sld [smem:$0x7FC]  }
0x16f: {  	[sflag:s6] =	ssyncset.done $0x0  }
0x170: {  	[sflag:s6] =	ssyncadd.s32 $0xFFFF8300  }
0x171: {  	[tilespmem:s8], [sflag:$0x2] =	stream.indirect.gather [hbm4b:s3+s7], $0x20, s1, s7, $0xb8;
	[tilespmem:$0x1E460] =	vst v63  }
0x172: {  	_ =	swait.ge [sflag:s13], $0x7D00  }
0x173: {  	s1 =	sld [smem:$0x7FD]  }
0x174: {  	[sflag:s13] =	ssyncset.done $0x0  }
0x175: {  	[sflag:s13] =	ssyncadd.s32 $0xFFFF8300  }
0x176: {  	[spmem:s2] =	stream.indirect.scatter.add.bf16 [tilespmem:s9], [sflag:$0x3], $0x20, s1, s7, $0xb8;
	[tilespmem:$0x1E460] =	vst v63  }
0x177: {  	_ =	swait.ge [sflag:s6], $0x7D00  }
0x178: {  	[sflag:s6] =	ssyncset.done $0x0  }
0x179: {  	[sflag:s6] =	ssyncadd.s32 $0xFFFF8300  }
0x17a: {  	[tilespmem:s9], [sflag:$0x1] =	stream.indirect.gather [hbm4b:s3+s7], $0x20, s23, s7, $0xb8;
	[tilespmem:$0x1E460] =	vst v63  }
0x17b: {  	_ =	swait.ge [sflag:s11], $0x7D00  }
0x17c: {  	[sflag:s11] =	ssyncset.done $0x0  }
0x17d: {  	[sflag:s11] =	ssyncadd.s32 $0xFFFF8300  }
0x17e: {  	[spmem:s2] =	stream.indirect.scatter.add.bf16 [tilespmem:s8], [sflag:$0x3], $0x20, s22, s7, $0xb8;
	[tilespmem:$0x1E460] =	vst v63  }
0x17f: {  	_ =	swait.ge [sflag:s6], $0x7D00  }
0x180: {  	[sflag:s6] =	ssyncset.done $0x0  }
0x181: {  	[sflag:s6] =	ssyncadd.s32 $0xFFFF8300  }
0x182: {  	[tilespmem:s8], [sflag:$0x2] =	stream.indirect.gather [hbm4b:s3+s7], $0x20, s21, s7, $0xb8;
	[tilespmem:$0x1E460] =	vst v63  }
0x183: {  	_ =	swait.ge [sflag:s13], $0x7D00  }
0x184: {  	[sflag:s13] =	ssyncset.done $0x0  }
0x185: {  	[sflag:s13] =	ssyncadd.s32 $0xFFFF8300  }
0x186: {  	[spmem:s2] =	stream.indirect.scatter.add.bf16 [tilespmem:s9], [sflag:$0x3], $0x20, s20, s7, $0xb8;
	[tilespmem:$0x1E460] =	vst v63  }
0x187: {  	_ =	swait.ge [sflag:s6], $0x7D00  }
0x188: {  	[sflag:s6] =	ssyncset.done $0x0  }
0x189: {  	[sflag:s6] =	ssyncadd.s32 $0xFFFF8300  }
0x18a: {  	[tilespmem:s9], [sflag:$0x1] =	stream.indirect.gather [hbm4b:s3+s7], $0x20, s19, s7, $0xb8;
	[tilespmem:$0x1E460] =	vst v63  }
0x18b: {  	_ =	swait.ge [sflag:s11], $0x7D00  }
0x18c: {  	[sflag:s11] =	ssyncset.done $0x0  }
0x18d: {  	[sflag:s11] =	ssyncadd.s32 $0xFFFF8300  }
0x18e: {  	[spmem:s2] =	stream.indirect.scatter.add.bf16 [tilespmem:s8], [sflag:$0x3], $0x20, s17, s7, $0xb8;
	[tilespmem:$0x1E460] =	vst v63  }
0x18f: {  	_ =	swait.ge [sflag:s6], $0x7D00  }
0x190: {  	[sflag:s6] =	ssyncset.done $0x0  }
0x191: {  	[sflag:s6] =	ssyncadd.s32 $0xFFFF8300  }
0x192: {  	[tilespmem:s8], [sflag:$0x2] =	stream.indirect.gather [hbm4b:s3+s7], $0x20, s16, s7, $0xb8;
	[tilespmem:$0x1E460] =	vst v63  }
0x193: {  	_ =	swait.ge [sflag:s13], $0x7D00  }
0x194: {  	[sflag:s13] =	ssyncset.done $0x0  }
0x195: {  	[sflag:s13] =	ssyncadd.s32 $0xFFFF8300  }
0x196: {  	[spmem:s2] =	stream.indirect.scatter.add.bf16 [tilespmem:s9], [sflag:$0x3], $0x20, s18, s7, $0xb8;
	[tilespmem:$0x1E460] =	vst v63  }
0x197: {  	_ =	swait.ge [sflag:s6], $0x7D00  }
0x198: {  	[sflag:s6] =	ssyncset.done $0x0  }
0x199: {  	[sflag:s6] =	ssyncadd.s32 $0xFFFF8300  }
0x19a: {  	_ =	swait.ge [sflag:s11], $0x7D00  }
0x19b: {  	[sflag:s11] =	ssyncset.done $0x0  }
0x19c: {  	[sflag:s11] =	ssyncadd.s32 $0xFFFF8300  }
0x19d: {  	[spmem:s2] =	stream.indirect.scatter.add.bf16 [tilespmem:s8], [sflag:$0x3], $0x20, s15, s7, $0xb8;
	[tilespmem:$0x1E460] =	vst v63  }
0x19e: {  	_ =	swait.ge [sflag:s6], $0x7D00  }
0x19f: {  	[sflag:s6] =	ssyncset.done $0x0  }
0x1a0: {  	[sflag:s6] =	ssyncadd.s32 $0xFFFF8300  }
0x1a1: {  	s31 =	sadd.s32 $0xFFFFFFFF, s31;
	[bflag:$0x0] =	sbarrier.arrive $0xFFFF  }
0x1a2: {  	[hbm:s14], [sflag:s29] =	dma.local @p0 [spmem:s4], $0x820  }
0x1a3: {  	p2 =	sne.s32 s31, $0x0;
	_ =	swait.ge @p0 [sflag:s30], $0x820  }
.Ltmp2:
0x1a4: {  	[sflag:s30] =	ssyncset.done @p0 $0x0;
	(pc) =	sbr.rel @p2 .LBB2_3-.Ltmp2, $4  }
0x1a5: {  	[sflag:s30] =	ssyncadd.s32 @p0 $0xFFFFF7E0  }
0x1a6: {  	[hbm:s10], [sflag:s5] =	dma.local @!p0 [spmem:s12], $0x9E0  }
0x1a7: {  	_ =	swait.ge @!p0 [sflag:s28], $0x9E0  }
0x1a8: {  	[sflag:s28] =	ssyncset.done @!p0 $0x0  }
0x1a9: {  	s30 =	rddreg [dreg:$0x2]  }
.LBB2_5:
0x1aa: {  	p1 =	por p0, !p1  }
0x1ab: {  	s29 =	simm.s32 @p0 $0x1FC3;
	[sflag:s28] =	ssyncadd.s32 @!p1 $0xFFFFF620;
	s28 =	simm.s32 @p0 $0x3  }
0x1ac: {  	[spmem:s4], [sflag:s29] =	dma.local @p0 [hbm:s25], $0x820  }
0x1ad: {  	_ =	swait.ge @p0 [sflag:s28], $0x820  }
0x1ae: {  	[sflag:s28] =	ssyncset.done @p0 $0x0  }
0x1af: {  	s1 =	rddreg [dreg:$0x5];
	[sflag:s28] =	ssyncadd.s32 @p0 $0xFFFFF7E0  }
0x1b0: {  	[spmem:s1], [sflag:s5] =	dma.local @!p0 [hbm:s25], $0x9E0  }
0x1b1: {  	s25 =	simm.s32 @!p0 $0x3  }
0x1b2: {  	_ =	swait.ge @!p0 [sflag:s25], $0x9E0  }
0x1b3: {  	[sflag:s25] =	ssyncset.done @!p0 $0x0  }
0x1b4: {  	[sflag:s25] =	ssyncadd.s32 @!p0 $0xFFFFF620  }
0x1b5: {  	[bflag:$0x0] =	sbarrier.arrive $0xFFFF  }
0x1b6: {  	s31 =	rddreg [dreg:$0x3]  }
0x1b7: {  	[tilespmem:s24], [sflag:$0x3] =	stream.linear.gather [hbm4b:s31+s24], $0x4E20, $0x38;
	[tilespmem:$0x1E460] =	vst v63  }
0x1b8: {  	_ =	swait.ge [sflag:s6], $0x4E20  }
0x1b9: {  	[sflag:s6] =	ssyncset.done $0x0  }
0x1ba: {  	s31 =	rddreg [dreg:$0x4];
	[sflag:s6] =	ssyncadd.s32 $0xFFFFB1E0  }
0x1bb: {  	[tilespmem:s26], [sflag:$0x3] =	stream.linear.gather [hbm4b:s31+s24], $0x4E20, $0x38;
	[tilespmem:$0x1E460] =	vst v63  }
0x1bc: {  	_ =	swait.ge [sflag:s6], $0x4E20  }
0x1bd: {  	[sflag:s6] =	ssyncset.done $0x0  }
0x1be: {  	[sflag:s6] =	ssyncadd.s32 $0xFFFFB1E0  }
0x1bf: {  	[tilespmem:s9], [sflag:$0x1] =	stream.indirect.gather [hbm4b:s3+s7], $0x20, s24, s7, $0xb8;
	[tilespmem:$0x1E460] =	vst v63  }
0x1c0: {  	_ = 	snop  }
0x1c1: {  	[tilespmem:s8], [sflag:$0x2] =	stream.indirect.gather [hbm4b:s3+s7], $0x20, s7, s7, $0xb8;
	[tilespmem:$0x1E460] =	vst v63  }
0x1c2: {  	_ =	swait.ge [sflag:s13], $0x7D00  }
0x1c3: {  	[sflag:s13] =	ssyncset.done $0x0  }
0x1c4: {  	[sflag:s13] =	ssyncadd.s32 $0xFFFF8300  }
0x1c5: {  	[spmem:s2] =	stream.indirect.scatter.add.bf16 [tilespmem:s9], [sflag:$0x3], $0x20, s26, s7, $0xb8;
	[tilespmem:$0x1E460] =	vst v63  }
0x1c6: {  	_ =	swait.ge [sflag:s6], $0x7D00  }
0x1c7: {  	[sflag:s6] =	ssyncset.done $0x0  }
0x1c8: {  	s31 =	rddreg [dreg:$0x6];
	[sflag:s6] =	ssyncadd.s32 $0xFFFF8300  }
0x1c9: {  	[tilespmem:s9], [sflag:$0x1] =	stream.indirect.gather [hbm4b:s3+s7], $0x20, s31, s7, $0xb8;
	[tilespmem:$0x1E460] =	vst v63  }
0x1ca: {  	_ =	swait.ge [sflag:s11], $0x7D00  }
0x1cb: {  	[sflag:s11] =	ssyncset.done $0x0  }
0x1cc: {  	s24 =	rddreg [dreg:$0x7];
	[sflag:s11] =	ssyncadd.s32 $0xFFFF8300  }
0x1cd: {  	[spmem:s2] =	stream.indirect.scatter.add.bf16 [tilespmem:s8], [sflag:$0x3], $0x20, s24, s7, $0xb8;
	[tilespmem:$0x1E460] =	vst v63  }
0x1ce: {  	_ =	swait.ge [sflag:s6], $0x7D00  }
0x1cf: {  	[sflag:s6] =	ssyncset.done $0x0  }
0x1d0: {  	s26 =	rddreg [dreg:$0x8];
	[sflag:s6] =	ssyncadd.s32 $0xFFFF8300  }
0x1d1: {  	[tilespmem:s8], [sflag:$0x2] =	stream.indirect.gather [hbm4b:s3+s7], $0x20, s26, s7, $0xb8;
	[tilespmem:$0x1E460] =	vst v63  }
0x1d2: {  	_ =	swait.ge [sflag:s13], $0x7D00  }
0x1d3: {  	[sflag:s13] =	ssyncset.done $0x0  }
0x1d4: {  	s31 =	rddreg [dreg:$0x9];
	[sflag:s13] =	ssyncadd.s32 $0xFFFF8300  }
0x1d5: {  	[spmem:s2] =	stream.indirect.scatter.add.bf16 [tilespmem:s9], [sflag:$0x3], $0x20, s31, s7, $0xb8;
	[tilespmem:$0x1E460] =	vst v63  }
0x1d6: {  	_ =	swait.ge [sflag:s6], $0x7D00  }
0x1d7: {  	[sflag:s6] =	ssyncset.done $0x0  }
0x1d8: {  	s24 =	rddreg [dreg:$0xa];
	[sflag:s6] =	ssyncadd.s32 $0xFFFF8300  }
0x1d9: {  	[tilespmem:s9], [sflag:$0x1] =	stream.indirect.gather [hbm4b:s3+s7], $0x20, s24, s7, $0xb8;
	[tilespmem:$0x1E460] =	vst v63  }
0x1da: {  	_ =	swait.ge [sflag:s11], $0x7D00  }
0x1db: {  	[sflag:s11] =	ssyncset.done $0x0  }
0x1dc: {  	s26 =	rddreg [dreg:$0xb];
	[sflag:s11] =	ssyncadd.s32 $0xFFFF8300  }
0x1dd: {  	[spmem:s2] =	stream.indirect.scatter.add.bf16 [tilespmem:s8], [sflag:$0x3], $0x20, s26, s7, $0xb8;
	[tilespmem:$0x1E460] =	vst v63  }
0x1de: {  	_ =	swait.ge [sflag:s6], $0x7D00  }
0x1df: {  	[sflag:s6] =	ssyncset.done $0x0  }
0x1e0: {  	s31 =	rddreg [dreg:$0xc];
	[sflag:s6] =	ssyncadd.s32 $0xFFFF8300  }
0x1e1: {  	[tilespmem:s8], [sflag:$0x2] =	stream.indirect.gather [hbm4b:s3+s7], $0x20, s31, s7, $0xb8;
	[tilespmem:$0x1E460] =	vst v63  }
0x1e2: {  	_ =	swait.ge [sflag:s13], $0x7D00  }
0x1e3: {  	[sflag:s13] =	ssyncset.done $0x0  }
0x1e4: {  	s24 =	rddreg [dreg:$0xd];
	[sflag:s13] =	ssyncadd.s32 $0xFFFF8300  }
0x1e5: {  	[spmem:s2] =	stream.indirect.scatter.add.bf16 [tilespmem:s9], [sflag:$0x3], $0x20, s24, s7, $0xb8;
	[tilespmem:$0x1E460] =	vst v63  }
0x1e6: {  	_ =	swait.ge [sflag:s6], $0x7D00  }
0x1e7: {  	[sflag:s6] =	ssyncset.done $0x0  }
0x1e8: {  	s26 =	rddreg [dreg:$0xe];
	[sflag:s6] =	ssyncadd.s32 $0xFFFF8300  }
0x1e9: {  	[tilespmem:s9], [sflag:$0x1] =	stream.indirect.gather [hbm4b:s3+s7], $0x20, s26, s7, $0xb8;
	[tilespmem:$0x1E460] =	vst v63  }
0x1ea: {  	_ =	swait.ge [sflag:s11], $0x7D00  }
0x1eb: {  	[sflag:s11] =	ssyncset.done $0x0  }
0x1ec: {  	s31 =	rddreg [dreg:$0xf];
	[sflag:s11] =	ssyncadd.s32 $0xFFFF8300  }
0x1ed: {  	[spmem:s2] =	stream.indirect.scatter.add.bf16 [tilespmem:s8], [sflag:$0x3], $0x20, s31, s7, $0xb8;
	[tilespmem:$0x1E460] =	vst v63  }
0x1ee: {  	_ =	swait.ge [sflag:s6], $0x7D00  }
0x1ef: {  	[sflag:s6] =	ssyncset.done $0x0  }
0x1f0: {  	s24 =	rddreg [dreg:$0x10];
	[sflag:s6] =	ssyncadd.s32 $0xFFFF8300  }
0x1f1: {  	[tilespmem:s8], [sflag:$0x2] =	stream.indirect.gather [hbm4b:s3+s7], $0x20, s24, s7, $0xb8;
	[tilespmem:$0x1E460] =	vst v63  }
0x1f2: {  	_ =	swait.ge [sflag:s13], $0x7D00  }
0x1f3: {  	[sflag:s13] =	ssyncset.done $0x0  }
0x1f4: {  	s26 =	rddreg [dreg:$0x11];
	[sflag:s13] =	ssyncadd.s32 $0xFFFF8300  }
0x1f5: {  	[spmem:s2] =	stream.indirect.scatter.add.bf16 [tilespmem:s9], [sflag:$0x3], $0x20, s26, s7, $0xb8;
	[tilespmem:$0x1E460] =	vst v63  }
0x1f6: {  	_ =	swait.ge [sflag:s6], $0x7D00  }
0x1f7: {  	[sflag:s6] =	ssyncset.done $0x0  }
0x1f8: {  	s31 =	rddreg [dreg:$0x12];
	[sflag:s6] =	ssyncadd.s32 $0xFFFF8300  }
0x1f9: {  	[tilespmem:s9], [sflag:$0x1] =	stream.indirect.gather [hbm4b:s3+s7], $0x20, s31, s7, $0xb8;
	[tilespmem:$0x1E460] =	vst v63  }
0x1fa: {  	_ =	swait.ge [sflag:s11], $0x7D00  }
0x1fb: {  	[sflag:s11] =	ssyncset.done $0x0  }
0x1fc: {  	s24 =	rddreg [dreg:$0x13];
	[sflag:s11] =	ssyncadd.s32 $0xFFFF8300  }
0x1fd: {  	[spmem:s2] =	stream.indirect.scatter.add.bf16 [tilespmem:s8], [sflag:$0x3], $0x20, s24, s7, $0xb8;
	[tilespmem:$0x1E460] =	vst v63  }
0x1fe: {  	_ =	swait.ge [sflag:s6], $0x7D00  }
0x1ff: {  	[sflag:s6] =	ssyncset.done $0x0  }
0x200: {  	s26 =	rddreg [dreg:$0x14];
	[sflag:s6] =	ssyncadd.s32 $0xFFFF8300  }
0x201: {  	[tilespmem:s8], [sflag:$0x2] =	stream.indirect.gather [hbm4b:s3+s7], $0x20, s26, s7, $0xb8;
	[tilespmem:$0x1E460] =	vst v63  }
0x202: {  	_ =	swait.ge [sflag:s13], $0x7D00  }
0x203: {  	[sflag:s13] =	ssyncset.done $0x0  }
0x204: {  	s31 =	rddreg [dreg:$0x15];
	[sflag:s13] =	ssyncadd.s32 $0xFFFF8300  }
0x205: {  	[spmem:s2] =	stream.indirect.scatter.add.bf16 [tilespmem:s9], [sflag:$0x3], $0x20, s31, s7, $0xb8;
	[tilespmem:$0x1E460] =	vst v63  }
0x206: {  	_ =	swait.ge [sflag:s6], $0x7D00  }
0x207: {  	[sflag:s6] =	ssyncset.done $0x0  }
0x208: {  	s24 =	rddreg [dreg:$0x16];
	[sflag:s6] =	ssyncadd.s32 $0xFFFF8300  }
0x209: {  	[tilespmem:s9], [sflag:$0x1] =	stream.indirect.gather [hbm4b:s3+s7], $0x20, s24, s7, $0xb8;
	[tilespmem:$0x1E460] =	vst v63  }
0x20a: {  	_ =	swait.ge [sflag:s11], $0x7D00  }
0x20b: {  	[sflag:s11] =	ssyncset.done $0x0  }
0x20c: {  	s26 =	rddreg [dreg:$0x17];
	[sflag:s11] =	ssyncadd.s32 $0xFFFF8300  }
0x20d: {  	[spmem:s2] =	stream.indirect.scatter.add.bf16 [tilespmem:s8], [sflag:$0x3], $0x20, s26, s7, $0xb8;
	[tilespmem:$0x1E460] =	vst v63  }
0x20e: {  	_ =	swait.ge [sflag:s6], $0x7D00  }
0x20f: {  	[sflag:s6] =	ssyncset.done $0x0  }
0x210: {  	s31 =	rddreg [dreg:$0x18];
	[sflag:s6] =	ssyncadd.s32 $0xFFFF8300  }
0x211: {  	[tilespmem:s8], [sflag:$0x2] =	stream.indirect.gather [hbm4b:s3+s7], $0x20, s31, s7, $0xb8;
	[tilespmem:$0x1E460] =	vst v63  }
0x212: {  	_ =	swait.ge [sflag:s13], $0x7D00  }
0x213: {  	[sflag:s13] =	ssyncset.done $0x0  }
0x214: {  	s24 =	rddreg [dreg:$0x19];
	[sflag:s13] =	ssyncadd.s32 $0xFFFF8300  }
0x215: {  	[spmem:s2] =	stream.indirect.scatter.add.bf16 [tilespmem:s9], [sflag:$0x3], $0x20, s24, s7, $0xb8;
	[tilespmem:$0x1E460] =	vst v63  }
0x216: {  	_ =	swait.ge [sflag:s6], $0x7D00  }
0x217: {  	[sflag:s6] =	ssyncset.done $0x0  }
0x218: {  	s26 =	rddreg [dreg:$0x1a];
	[sflag:s6] =	ssyncadd.s32 $0xFFFF8300  }
0x219: {  	[tilespmem:s9], [sflag:$0x1] =	stream.indirect.gather [hbm4b:s3+s7], $0x20, s26, s7, $0xb8;
	[tilespmem:$0x1E460] =	vst v63  }
0x21a: {  	_ =	swait.ge [sflag:s11], $0x7D00  }
0x21b: {  	[sflag:s11] =	ssyncset.done $0x0  }
0x21c: {  	s31 =	rddreg [dreg:$0x1b];
	[sflag:s11] =	ssyncadd.s32 $0xFFFF8300  }
0x21d: {  	[spmem:s2] =	stream.indirect.scatter.add.bf16 [tilespmem:s8], [sflag:$0x3], $0x20, s31, s7, $0xb8;
	[tilespmem:$0x1E460] =	vst v63  }
0x21e: {  	_ =	swait.ge [sflag:s6], $0x7D00  }
0x21f: {  	[sflag:s6] =	ssyncset.done $0x0  }
0x220: {  	s24 =	rddreg [dreg:$0x1c];
	[sflag:s6] =	ssyncadd.s32 $0xFFFF8300  }
0x221: {  	[tilespmem:s8], [sflag:$0x2] =	stream.indirect.gather [hbm4b:s3+s7], $0x20, s24, s7, $0xb8;
	[tilespmem:$0x1E460] =	vst v63  }
0x222: {  	_ =	swait.ge [sflag:s13], $0x7D00  }
0x223: {  	[sflag:s13] =	ssyncset.done $0x0  }
0x224: {  	s26 =	rddreg [dreg:$0x1d];
	[sflag:s13] =	ssyncadd.s32 $0xFFFF8300  }
0x225: {  	[spmem:s2] =	stream.indirect.scatter.add.bf16 [tilespmem:s9], [sflag:$0x3], $0x20, s26, s7, $0xb8;
	[tilespmem:$0x1E460] =	vst v63  }
0x226: {  	_ =	swait.ge [sflag:s6], $0x7D00  }
0x227: {  	[sflag:s6] =	ssyncset.done $0x0  }
0x228: {  	s31 =	rddreg [dreg:$0x1e];
	[sflag:s6] =	ssyncadd.s32 $0xFFFF8300  }
0x229: {  	[tilespmem:s9], [sflag:$0x1] =	stream.indirect.gather [hbm4b:s3+s7], $0x20, s31, s7, $0xb8;
	[tilespmem:$0x1E460] =	vst v63  }
0x22a: {  	_ =	swait.ge [sflag:s11], $0x7D00  }
0x22b: {  	[sflag:s11] =	ssyncset.done $0x0  }
0x22c: {  	s24 =	rddreg [dreg:$0x1f];
	[sflag:s11] =	ssyncadd.s32 $0xFFFF8300  }
0x22d: {  	[spmem:s2] =	stream.indirect.scatter.add.bf16 [tilespmem:s8], [sflag:$0x3], $0x20, s24, s7, $0xb8;
	[tilespmem:$0x1E460] =	vst v63  }
0x22e: {  	_ =	swait.ge [sflag:s6], $0x7D00  }
0x22f: {  	s26 =	sld [smem:$0x7FC]  }
0x230: {  	[sflag:s6] =	ssyncset.done $0x0  }
0x231: {  	[sflag:s6] =	ssyncadd.s32 $0xFFFF8300  }
0x232: {  	[tilespmem:s8], [sflag:$0x2] =	stream.indirect.gather [hbm4b:s3+s7], $0x20, s26, s7, $0xb8;
	[tilespmem:$0x1E460] =	vst v63  }
0x233: {  	_ =	swait.ge [sflag:s13], $0x7D00  }
0x234: {  	s31 =	sld [smem:$0x7FD]  }
0x235: {  	[sflag:s13] =	ssyncset.done $0x0  }
0x236: {  	[sflag:s13] =	ssyncadd.s32 $0xFFFF8300  }
0x237: {  	[spmem:s2] =	stream.indirect.scatter.add.bf16 [tilespmem:s9], [sflag:$0x3], $0x20, s31, s7, $0xb8;
	[tilespmem:$0x1E460] =	vst v63  }
0x238: {  	_ =	swait.ge [sflag:s6], $0x7D00  }
0x239: {  	[sflag:s6] =	ssyncset.done $0x0  }
0x23a: {  	[sflag:s6] =	ssyncadd.s32 $0xFFFF8300  }
0x23b: {  	[tilespmem:s9], [sflag:$0x1] =	stream.indirect.gather [hbm4b:s3+s7], $0x20, s23, s7, $0xb8;
	[tilespmem:$0x1E460] =	vst v63  }
0x23c: {  	_ =	swait.ge [sflag:s11], $0x7D00  }
0x23d: {  	[sflag:s11] =	ssyncset.done $0x0  }
0x23e: {  	[sflag:s11] =	ssyncadd.s32 $0xFFFF8300  }
0x23f: {  	[spmem:s2] =	stream.indirect.scatter.add.bf16 [tilespmem:s8], [sflag:$0x3], $0x20, s22, s7, $0xb8;
	[tilespmem:$0x1E460] =	vst v63  }
0x240: {  	_ =	swait.ge [sflag:s6], $0x7D00  }
0x241: {  	[sflag:s6] =	ssyncset.done $0x0  }
0x242: {  	[sflag:s6] =	ssyncadd.s32 $0xFFFF8300  }
0x243: {  	[tilespmem:s8], [sflag:$0x2] =	stream.indirect.gather [hbm4b:s3+s7], $0x20, s21, s7, $0xb8;
	[tilespmem:$0x1E460] =	vst v63  }
0x244: {  	_ =	swait.ge [sflag:s13], $0x7D00  }
0x245: {  	[sflag:s13] =	ssyncset.done $0x0  }
0x246: {  	[sflag:s13] =	ssyncadd.s32 $0xFFFF8300  }
0x247: {  	[spmem:s2] =	stream.indirect.scatter.add.bf16 [tilespmem:s9], [sflag:$0x3], $0x20, s20, s7, $0xb8;
	[tilespmem:$0x1E460] =	vst v63  }
0x248: {  	_ =	swait.ge [sflag:s6], $0x7D00  }
0x249: {  	[sflag:s6] =	ssyncset.done $0x0  }
0x24a: {  	[sflag:s6] =	ssyncadd.s32 $0xFFFF8300  }
0x24b: {  	[tilespmem:s9], [sflag:$0x1] =	stream.indirect.gather [hbm4b:s3+s7], $0x20, s19, s7, $0xb8;
	[tilespmem:$0x1E460] =	vst v63  }
0x24c: {  	_ =	swait.ge [sflag:s11], $0x7D00  }
0x24d: {  	[sflag:s11] =	ssyncset.done $0x0  }
0x24e: {  	[sflag:s11] =	ssyncadd.s32 $0xFFFF8300  }
0x24f: {  	[spmem:s2] =	stream.indirect.scatter.add.bf16 [tilespmem:s8], [sflag:$0x3], $0x20, s17, s7, $0xb8;
	[tilespmem:$0x1E460] =	vst v63  }
0x250: {  	_ =	swait.ge [sflag:s6], $0x7D00  }
0x251: {  	[sflag:s6] =	ssyncset.done $0x0  }
0x252: {  	[sflag:s6] =	ssyncadd.s32 $0xFFFF8300  }
0x253: {  	[tilespmem:s8], [sflag:$0x2] =	stream.indirect.gather [hbm4b:s3+s7], $0x20, s16, s7, $0xb8;
	[tilespmem:$0x1E460] =	vst v63  }
0x254: {  	_ =	swait.ge [sflag:s13], $0x7D00  }
0x255: {  	[sflag:s13] =	ssyncset.done $0x0  }
0x256: {  	[sflag:s13] =	ssyncadd.s32 $0xFFFF8300  }
0x257: {  	[spmem:s2] =	stream.indirect.scatter.add.bf16 [tilespmem:s9], [sflag:$0x3], $0x20, s18, s7, $0xb8;
	[tilespmem:$0x1E460] =	vst v63  }
0x258: {  	_ =	swait.ge [sflag:s6], $0x7D00  }
0x259: {  	[sflag:s6] =	ssyncset.done $0x0  }
0x25a: {  	[sflag:s6] =	ssyncadd.s32 $0xFFFF8300  }
0x25b: {  	_ =	swait.ge [sflag:s11], $0x7D00  }
0x25c: {  	[sflag:s11] =	ssyncset.done $0x0  }
0x25d: {  	[sflag:s11] =	ssyncadd.s32 $0xFFFF8300  }
0x25e: {  	[spmem:s2] =	stream.indirect.scatter.add.bf16 [tilespmem:s8], [sflag:$0x3], $0x20, s15, s7, $0xb8;
	[tilespmem:$0x1E460] =	vst v63  }
0x25f: {  	_ =	swait.ge [sflag:s6], $0x7D00  }
0x260: {  	[sflag:s6] =	ssyncset.done $0x0  }
0x261: {  	[sflag:s6] =	ssyncadd.s32 $0xFFFF8300  }
0x262: {  	[bflag:$0x0] =	sbarrier.arrive $0xFFFF  }
0x263: {  	[hbm:s14], [sflag:s29] =	dma.local @p0 [spmem:s4], $0x820  }
0x264: {  	_ =	swait.ge @p0 [sflag:s28], $0x820  }
0x265: {  	[sflag:s28] =	ssyncset.done @p0 $0x0  }
0x266: {  	[sflag:s28] =	ssyncadd.s32 @p0 $0xFFFFF7E0  }
0x267: {  	[hbm:s10], [sflag:s5] =	dma.local @!p0 [spmem:s12], $0x9E0  }
0x268: {  	_ =	swait.ge @!p0 [sflag:s25], $0x9E0  }
0x269: {  	[sflag:s25] =	ssyncset.done @!p0 $0x0  }
0x26a: {  	[sflag:s25] =	ssyncadd.s32 @!p0 $0xFFFFF620  }
0x26b: {  	_ =	sfence.sel $0x180000  }
0x26c: {  	[bflag:$0x0] =	sbarrier.arrive $0xFFFF  }
0x26d: {  	p0 =	sne.s32 s0, $0x0;
	_ =	strace $0x9000004A  }
0x26e: {  	s0 =	sadd.s32 @!p0 $0x100000, s30;
	[bflag:$0x2] =	sbarrier.arrive $0xFFFF  }
0x26f: {  	[sflag:s0] =	ssyncadd.tile.s32 @!p0 $0x1;
	_ =	shalt  }
.LBB2_2:
.Ltmp3:
0x270: {  	(pc) =	sbr.rel .LBB2_5-.Ltmp3, $2  }
0x271: {  	_ =	sdelay $0x2  }
0x272: {  	s30 =	rddreg [dreg:$0x2]  }
.Lfunc_end2:
_tile_overlayer_lowered:
.L_overlay_start_2:
0x273: {  	(tag) =	ssettag $0x2  }
0x274: {  	s0 =	rddreg [dreg:$0x0];
	s2 =	stileid.u32  }
0x275: {  	s1 =	rddreg [dreg:$0x1];
	p0 =	sne.s32 s2, $0x0  }
0x276: {  	s3 =	rddreg [dreg:$0x2];
	[bflag:$0x3] =	sbarrier.arrive $0xFFFF;
	s2 =	simm.s32 @!p0 $0x1C03  }
0x277: {  	[timem:s3], [sflag:s2] =	dma.local @!p0 [hbm:s0], s1  }
0x278: {  	s0 =	simm.s32 @!p0 $0x3  }
0x279: {  	_ =	swait.ge @!p0 [sflag:s0], s1  }
0x27a: {  	s1 =	ssub.s32 @!p0 $0x0, s1;
	[sflag:s0] =	ssyncset.done @!p0 $0x0  }
0x27b: {  	[sflag:s0] =	ssyncadd.s32 @!p0 s1  }
0x27c: {  	[bflag:$0x3] =	sbarrier.arrive $0xFFFF  }
0x27d: {  	_ =	shalt  }

// kernel: kernel.16.cloned.1.call-start
scs
__scs_entry_jumppad:
0x0: {  	(pc) =	sbr.rel $0x88, $3  }
0x1: {  	(tag) =	ssettag $0x0;
	lr =	simm.s32 $0x1  }
0x2: {  	[smem:$0x3F87] =	sst lr;
	_ =	strace $0xD0000000  }
0x3: {  	_ = 	snop  }
0x4: {  	_ = 	snop  }
0x5: {  	_ = 	snop  }
0x6: {  	_ = 	snop  }
0x7: {  	_ = 	snop  }
__scs_overlays_trampoline_lowered:
0x8: {  	[smem:$0x3F96] =	sst s0  }
0x9: {  	[smem:$0x3F97] =	sst s1  }
0xa: {  	[smem:$0x3F98] =	sst s2  }
0xb: {  	[smem:$0x3F99] =	sst s3  }
0xc: {  	[smem:$0x3F9A] =	sst s4  }
0xd: {  	[smem:$0x3F9B] =	sst s5  }
0xe: {  	[smem:$0x3F9C] =	sst s6  }
0xf: {  	[smem:$0x3F9D] =	sst s7  }
0x10: {  	[smem:$0x3F9E] =	sst s8  }
0x11: {  	[smem:$0x3F9F] =	sst s9;
	s0 =	simm.s32 @!p0 $0x0  }
0x12: {  	s1 =	sld [smem:$0x3F85];
	s0 =	simm.s32 @p0 $0x1  }
0x13: {  	[smem:$0x3FA0] =	sst s0;
	s0 =	simm.s32 @!p1 $0x0  }
0x14: {  	s2 =	sld [smem:$0x3F84];
	s0 =	simm.s32 @p1 $0x1  }
0x15: {  	[smem:$0x3FA1] =	sst s0;
	s0 =	simm.s32 @!p2 $0x0  }
0x16: {  	s3 =	sld [smem:$0x3FDB];
	s0 =	simm.s32 @p2 $0x1  }
0x17: {  	s4 =	simm.s32 $0x1BF5;
	[smem:$0x3FA3] =	sst s0  }
0x18: {  	s0 =	sld [smem:$0x3F86];
	_ =	swait.ge [sflag:s4], $0x0  }
0x19: {  	s7 =	sld [smem:$0x3F87]  }
0x1a: {  	s8 =	sadd.s32 $0xFFFFE003, lr  }
0x1b: {  	s9 =	sadd.s32 $0xFFFFFEF7, lr;
	s5 =	simm.s32 $0xFFFFFFFF;
	p2 =	slt.u32 s8, $0xFFFFF086  }
0x1c: {  	p1 =	slt.u32 s9, $0xF7A;
	s5 =	simm.s32 @!p2 $0x0  }
0x1d: {  	s5 =	simm.s32 @p1 $0x1;
	p0 =	seq.s32 s7, s2  }
0x1e: {  	s7 =	smul.u32 @!p0 $0xF7A, s2;
	p2 =	seq.s32 @!p0 s5, $0x0  }
0x1f: {  	s9 =	smul.u32 $0xF7A, s1;
	s8 =	simm.s32 @!p0 $0x1BF5;
	p2 =	por !p2, p0  }
0x20: {  	[sflag:s8] =	ssyncset.s32 @!p0 $0xFFFFF086;
	s6 =	sadd.s32 @!p0 s3, s7;
	s7 =	simm.s32 @!p0 $0x108  }
0x21: {  	s3 =	sadd.s32 s3, s9;
	s6 =	sadd.s32 @!p0 $0x88, s6;
	s7 =	simm.s32 @p2 $0x1082  }
0x22: {  	[simem:s7], [sflag:s8] =	dma.local @!p0 [hbm:s6], $0xF7A  }
0x23: {  	s9 =	sor.u32 $0xD0000000, s2;
	s6 =	simm.s32 $0x108;
	_ =	swait.ge @!p0 [sflag:s8], $0x0  }
0x24: {  	s3 =	sadd.s32 $0x88, s3;
	s6 =	simm.s32 @!p1 $0x1082;
	[sflag:s4] =	ssyncset.s32 $0xFFFFF086  }
0x25: {  	[simem:s6], [sflag:s4] =	dma.local [hbm:s3], $0xF7A  }
0x26: {  	[smem:$0x3F87] =	sst s1;
	(tag) =	ssettag s2;
	_ =	strace s9  }
0x27: {  	s1 =	sld [smem:$0x3F97]  }
0x28: {  	s2 =	sld [smem:$0x3F98]  }
0x29: {  	s4 =	sld [smem:$0x3F9A]  }
0x2a: {  	p0 =	seq.s32 s5, $0x0;
	s5 =	sld [smem:$0x3F9B]  }
0x2b: {  	s6 =	sld [smem:$0x3F9C]  }
0x2c: {  	s7 =	sld [smem:$0x3F9D]  }
0x2d: {  	s3 =	simm.s32 $0x108;
	s8 =	sld [smem:$0x3F9E]  }
0x2e: {  	s3 =	simm.s32 @!p0 $0x1082;
	s9 =	sld [smem:$0x3F9F]  }
0x2f: {  	lr =	sadd.s32 s0, s3;
	s0 =	sld [smem:$0x3F96]  }
0x30: {  	s3 =	sld [smem:$0x3F99]  }
0x31: {  	[smem:$0x3FA2] =	sst s10  }
0x32: {  	s10 =	sld [smem:$0x3FA0];
	_ =	sdelay $0x3  }
0x33: {  	p0 =	seq.s32 s10, $0x1;
	s10 =	sld [smem:$0x3FA2];
	_ =	sdelay $0x3  }
0x34: {  	[smem:$0x3FA2] =	sst s10  }
0x35: {  	s10 =	sld [smem:$0x3FA1];
	_ =	sdelay $0x3  }
0x36: {  	p1 =	seq.s32 s10, $0x1;
	s10 =	sld [smem:$0x3FA2];
	_ =	sdelay $0x3  }
0x37: {  	[smem:$0x3FA2] =	sst s10  }
0x38: {  	s10 =	sld [smem:$0x3FA3]  }
0x39: {  	_ = 	snop;
	(pc) =	sbr.ind lr, $3  }
0x3a: {  	_ = 	snop  }
0x3b: {  	_ = 	snop  }
0x3c: {  	p2 =	seq.s32 s10, $0x1;
	s10 =	sld [smem:$0x3FA2]  }
0x3d: {  	_ =	shalt  }
0x3e: {  	_ =	shalt  }
0x3f: {  	_ =	shalt  }
0x40: {  	_ =	shalt  }
0x41: {  	_ =	shalt  }
0x42: {  	_ =	shalt  }
0x43: {  	_ =	shalt  }
0x44: {  	_ =	shalt  }
0x45: {  	_ =	shalt  }
0x46: {  	_ =	shalt  }
0x47: {  	_ =	shalt  }
0x48: {  	_ =	shalt  }
0x49: {  	_ =	shalt  }
0x4a: {  	_ =	shalt  }
0x4b: {  	_ =	shalt  }
0x4c: {  	_ =	shalt  }
0x4d: {  	_ =	shalt  }
0x4e: {  	_ =	shalt  }
0x4f: {  	_ =	shalt  }
0x50: {  	_ =	shalt  }
0x51: {  	_ =	shalt  }
0x52: {  	_ =	shalt  }
0x53: {  	_ =	shalt  }
0x54: {  	_ =	shalt  }
0x55: {  	_ =	shalt  }
0x56: {  	_ =	shalt  }
0x57: {  	_ =	shalt  }
0x58: {  	_ =	shalt  }
0x59: {  	_ =	shalt  }
0x5a: {  	_ =	shalt  }
0x5b: {  	_ =	shalt  }
0x5c: {  	_ =	shalt  }
0x5d: {  	_ =	shalt  }
0x5e: {  	_ =	shalt  }
0x5f: {  	_ =	shalt  }
0x60: {  	_ =	shalt  }
0x61: {  	_ =	shalt  }
0x62: {  	_ =	shalt  }
0x63: {  	_ =	shalt  }
0x64: {  	_ =	shalt  }
0x65: {  	_ =	shalt  }
0x66: {  	_ =	shalt  }
0x67: {  	_ =	shalt  }
0x68: {  	_ =	shalt  }
0x69: {  	_ =	shalt  }
0x6a: {  	_ =	shalt  }
0x6b: {  	_ =	shalt  }
0x6c: {  	_ =	shalt  }
0x6d: {  	_ =	shalt  }
0x6e: {  	_ =	shalt  }
0x6f: {  	_ =	shalt  }
0x70: {  	_ =	shalt  }
0x71: {  	_ =	shalt  }
0x72: {  	_ =	shalt  }
0x73: {  	_ =	shalt  }
0x74: {  	_ =	shalt  }
0x75: {  	_ =	shalt  }
0x76: {  	_ =	shalt  }
0x77: {  	_ =	shalt  }
0x78: {  	_ =	shalt  }
0x79: {  	_ =	shalt  }
0x7a: {  	_ =	shalt  }
0x7b: {  	_ =	shalt  }
0x7c: {  	_ =	shalt  }
0x7d: {  	_ =	shalt  }
0x7e: {  	_ =	shalt  }
0x7f: {  	_ =	shalt  }
0x80: {  	_ =	shalt  }
0x81: {  	_ =	shalt  }
0x82: {  	_ =	shalt  }
0x83: {  	_ =	shalt  }
0x84: {  	_ =	shalt  }
0x85: {  	_ =	shalt  }
0x86: {  	_ =	shalt  }
0x87: {  	_ =	shalt  }
.Lfunc_end0:
.L_simem_size_0:
called_computation.2_lowered:
.L_overlay_start_0:
0x88: {  	s2 =	sld [smem:$0x3FD9]  }
0x89: {  	s3 =	sld [smem:$0x3FFE];
	_ =	sdelay $0x1  }
0x8a: {  	s1 =	srdreg.scid  }
0x8b: {  	s0 =	sand.u32 $0x1, s1  }
0x8c: {  	s16 =	sshll.u32 s0, $0xA;
	s2 =	sadd.s32 s3, s2  }
0x8d: {  	s2 =	sadd.s32 s2, s16  }
0x8e: {  	[smem:$0x3FAE] =	sst s2  }
0x8f: {  	_ = 	snop  }
0x90: {  	(tm) =	ssettm $0x1  }
0x91: {  	s17 =	sld [smem:$0x3FFB];
	_ =	sdelay $0x3  }
0x92: {  	_ =	strace s17  }
0x93: {  	s2 =	sld [smem:$0x3FFC];
	_ =	sdelay $0x3  }
0x94: {  	_ =	strace s2  }
0x95: {  	s2 =	sld [smem:$0x3FFD];
	_ =	sdelay $0x3  }
0x96: {  	_ =	strace s2  }
0x97: {  	_ =	strace $0x8FFFFFFF  }
0x98: {  	s18 =	sld [smem:$0x3FDB];
	_ =	sdelay $0x1  }
0x99: {  	s19 =	simm.s32 $_scs_section_size  }
0x9a: {  	s4 =	simm.s32 $_size__tile_overlayer_lowered;
	s5 =	simm.s32 $_tile_overlayer_lowered  }
0x9b: {  	s22 =	simm.s32 $0x1BFF;
	s21 =	sshll.u32 s5, $0x1;
	s2 =	sadd.s32 s19, s18  }
0x9c: {  	s6 =	simm.s32 $0x0;
	s20 =	sshll.u32 s4, $0x1;
	s4 =	sadd.s32 s21, s2  }
0x9d: {  	[timem:s6], [sflag:s22] =	dma.local [hbm:s4], s20  }
0x9e: {  	_ =	swait.ge [sflag:s22], s20  }
0x9f: {  	s3 =	ssub.s32 $0x0, s20;
	[sflag:s22] =	ssyncset.done $0x0  }
0xa0: {  	[sflag:s22] =	ssyncadd.s32 s3;
	_ =	sdelay $0x1  }
0xa1: {  	s23 =	simm.s32 $0x1B8B  }
0xa2: {  	_ =	swait.ge [sflag:s23], $0x1  }
0xa3: {  	[sflag:s23] =	ssyncset.done $0x0  }
0xa4: {  	s25 =	simm.s32 $0x1B8E;
	s24 =	sld [smem:$0x3FFE];
	[sflag:s23] =	ssyncadd.s32 $0xFFFFFFFF  }
0xa5: {  	s26 =	simm.s32 $execute0_lowered;
	[smem:$0x3FD2] =	sst s25  }
0xa6: {  	s4 =	sshll.u32 s26, $0x1;
	_ =	strace $0x8000004C;
	[dreg:$0x1] =	wrdreg $0xFFFFFFFF  }
0xa7: {  	s28 =	simm.s32 $_size_execute0_lowered;
	s2 =	sadd.s32 s2, s4;
	[dreg:$0x0] =	wrdreg $0x0  }
0xa8: {  	s4 =	sshll.u32 s28, $0x1;
	[dreg:$0x2] =	wrdreg s2  }
0xa9: {  	[dreg:$0x3] =	wrdreg s4  }
0xaa: {  	[dreg:$0x4] =	wrdreg $0xC0  }
0xab: {  	_ =	task [dreg:s6], $0x5FFFF  }
0xac: {  	[dreg:$0x1] =	wrdreg $0xFFFFFFFF  }
0xad: {  	[dreg:$0x0] =	wrdreg $0x60  }
0xae: {  	[dreg:$0x2] =	wrdreg s24  }
0xaf: {  	[dreg:$0x3] =	wrdreg $0x196400  }
0xb0: {  	[dreg:$0x4] =	wrdreg $0x9  }
0xb1: {  	_ =	task.clear_ibuf [dreg:s6], $0x5FFFF;
	_ =	strace $0x9000004C  }
0xb2: {  	s29 =	simm.s32 $0x9;
	_ =	strace $0x8000004E  }
0xb3: {  	_ =	swait.ge [sflag:s29], $0x1  }
0xb4: {  	[sflag:s29] =	ssyncadd.s32 $0xFFFFFFFF  }
0xb5: {  	_ =	strace $0x9000004E  }
0xb6: {  	_ =	sfence  }
0xb7: {  	s30 =	sld [smem:$0x0];
	_ =	sdelay $0x2  }
0xb8: {  	s31 =	sshll.u32 s1, $0xD;
	s1 =	sshrl.u32 s1, $0x2  }
0xb9: {  	s3 =	sand.u32 $0x4000, s31;
	s1 =	sadd.s32 s1, s30  }
0xba: {  	s0 =	sor.u32 s3, s0;
	s1 =	sshll.u32 s1, $0x11  }
0xbb: {  	s0 =	sor.u32 s1, s0  }
0xbc: {  	s0 =	sadd.s32 $0x8F2B, s0  }
0xbd: {  	[sflag:s0] =	ssyncadd.remote.s32 $0x1  }
0xbe: {  	_ =	sfence.sel $0xFFFF  }
0xbf: {  	[dreg:$0x0] =	wrdreg $0xFFFFFFFF;
	(pc) =	sbr.abs _section_cstart, $3  }
0xc0: {  	[dreg:$0x1] =	wrdreg $0xFFFFFFFF  }
0xc1: {  	_ =	task.clear_ibuf [dreg:s6], $0x2FFFF;
	_ =	strace $0x9FFFFFFF  }
0xc2: {  	(tm) =	ssettm $0x7FFFFFFF  }
0xc3: {  	_ =	shalt  }
tec
execute0_lowered:
.L_overlay_start_1:
0x0: {  	(tag) =	ssettag $0x1  }
0x1: {  	s3 =	rddreg [dreg:$0x0]  }
0x2: {  	s2 =	rddreg [dreg:$0x1]  }
0x3: {  	s30 =	rddreg [dreg:$0x2];
	s24 =	simm.s32 $0x0  }
0x4: {  	s15 =	simm.s32 $0x7D0;
	[smem:$0x7FF] =	sst s24  }
0x5: {  	s16 =	simm.s32 $0x5208;
	_ =	strace $0x8000004D;
	[dreg:$0x6] =	wrdreg s15  }
0x6: {  	s17 =	simm.s32 $0xBB8;
	[dreg:$0x7] =	wrdreg s16  }
0x7: {  	s18 =	simm.s32 $0x55F0;
	[dreg:$0x8] =	wrdreg s17  }
0x8: {  	s20 =	simm.s32 $0xFA0;
	[dreg:$0x9] =	wrdreg s18  }
0x9: {  	s21 =	simm.s32 $0x59D8;
	[dreg:$0xa] =	wrdreg s20  }
0xa: {  	s23 =	simm.s32 $0x1388;
	[dreg:$0xb] =	wrdreg s21  }
0xb: {  	s26 =	simm.s32 $0x5DC0;
	[dreg:$0xc] =	wrdreg s23  }
0xc: {  	s29 =	simm.s32 $0x1770;
	[dreg:$0xd] =	wrdreg s26  }
0xd: {  	s7 =	simm.s32 $0x61A8;
	[dreg:$0xe] =	wrdreg s29  }
0xe: {  	s8 =	simm.s32 $0x1B58;
	[dreg:$0xf] =	wrdreg s7  }
0xf: {  	s0 =	stileid.u32;
	s9 =	simm.s32 $0x6590;
	[dreg:$0x10] =	wrdreg s8  }
0x10: {  	s19 =	srdreg.scid;
	s10 =	simm.s32 $0x6978;
	[dreg:$0x11] =	wrdreg s9  }
0x11: {  	s11 =	simm.s32 $0x2328;
	s12 =	simm.s32 $0x6D60;
	[dreg:$0x13] =	wrdreg s10  }
0x12: {  	s13 =	simm.s32 $0x2710;
	s4 =	smul.u32 $0x9C4, s0;
	[dreg:$0x14] =	wrdreg s11  }
0x13: {  	p1 =	por $0x0, $0x0;
	s5 =	smul.u32 $0x13C00, s0;
	[dreg:$0x15] =	wrdreg s12  }
0x14: {  	p0 =	seq.s32 s0, $0xF;
	s7 =	simm.s32 $0x1F40;
	[dreg:$0x16] =	wrdreg s13  }
0x15: {  	s25 =	sadd.s32 $0x19400, s3;
	s16 =	simm.s32 $0x7148;
	[dreg:$0x12] =	wrdreg s7  }
0x16: {  	s8 =	smul.u32 $0x9E00, s0;
	s17 =	simm.s32 $0x2AF8;
	[dreg:$0x17] =	wrdreg s16  }
0x17: {  	s18 =	simm.s32 $0x7530;
	s20 =	simm.s32 $0x7918;
	[dreg:$0x18] =	wrdreg s17  }
0x18: {  	s21 =	simm.s32 $0x32C8;
	s26 =	simm.s32 $0x4E20;
	[dreg:$0x19] =	wrdreg s18  }
0x19: {  	s23 =	simm.s32 $0x36B0;
	s29 =	simm.s32 $0x80E8;
	[dreg:$0x1b] =	wrdreg s20  }
0x1a: {  	s9 =	simm.s32 $0x9C40;
	s11 =	simm.s32 $0x3A98;
	[dreg:$0x1c] =	wrdreg s21  }
0x1b: {  	s13 =	simm.s32 $0x1;
	s4 =	sadd.s32 s4, s3;
	[dreg:$0x1e] =	wrdreg s23  }
0x1c: {  	s5 =	sshrl.u32 s5, $0x2;
	s7 =	simm.s32 $0x3E8;
	[dreg:$0x1f] =	wrdreg s29  }
0x1d: {  	[smem:$0x7FC] =	sst s11;
	s16 =	simm.s32 $0x84D0;
	s11 =	simm.s32 $0x2  }
0x1e: {  	s23 =	simm.s32 $0x3E80;
	s21 =	simm.s32 $0x4268;
	s20 =	simm.s32 $0x8CA0  }
0x1f: {  	s17 =	simm.s32 $0x9088;
	s18 =	simm.s32 $0x9470;
	s5 =	sadd.s32 s5, s2  }
0x20: {  	s6 =	sadd.s32 $0xE400, s4;
	s4 =	sadd.s32 $0x4600, s4;
	s10 =	sshrl.u32 s8, $0x4  }
0x21: {  	[dreg:$0x4] =	wrdreg s4;
	s4 =	sshrl.u32 @!p0 s5, $0x3;
	s5 =	sand.u32 $0x1, s19  }
0x22: {  	s15 =	sshrl.u32 s8, $0x1;
	[smem:$0x7FD] =	sst s16;
	s1 =	ssub.s32 $0x2, s5  }
0x23: {  	[dreg:$0x3] =	wrdreg s6;
	s22 =	smul.u32 $0x9C40, s5;
	s5 =	sshrl.u32 s1, $0x1  }
0x24: {  	s8 =	simm.s32 $0x11940;
	[dreg:$0x5] =	wrdreg s4;
	s4 =	ssub.s32 s1, s5  }
0x25: {  	s12 =	sadd.s32 s15, s2;
	s19 =	simm.s32 $0x2EE0;
	s15 =	smax.u32 s4, $0x1  }
0x26: {  	s16 =	simm.s32 $0x4A38;
	[dreg:$0x1a] =	wrdreg s19;
	s31 =	sadd.s32 $0xFFFFFFFF, s15  }
0x27: {  	s19 =	simm.s32 $0x4650;
	s12 =	sshrl.u32 @!p0 s12, $0x3;
	p2 =	sne.s32 s31, $0x0  }
.Ltmp0:
0x28: {  	s6 =	sadd.s32 s22, s3;
	s5 =	sadd.s32 $0x4A100, s2;
	(pc) =	sbr.rel @!p2 .LBB2_5-.Ltmp0, $4  }
0x29: {  	s22 =	simm.s32 $0x7D00;
	s3 =	sadd.s32 $0x19E00, s6;
	s14 =	sadd.s32 $0x2D800, s6  }
0x2a: {  	s4 =	sshrl.u32 @p0 s5, $0x3;
	s6 =	sshll.u32 @!p0 s0, $0x6;
	[dreg:$0x1d] =	wrdreg s22  }
0x2b: {  	s22 =	simm.s32 $0x88B8;
	s5 =	sor.u32 @!p0 $0x1C03, s6;
	s6 =	simm.s32 $0x3  }
0x2c: {  	s10 =	sadd.s32 @!p0 s10, s14;
	s14 =	sadd.s32 @p0 $0x9420, s14;
	s15 =	simm.s32 $0x9858  }
0x2d: {  	s29 =	simm.s32 @p0 $0x1FC3;
	s30 =	simm.s32 @p0 $0x3  }
0x2e: {  	[spmem:s4], [sflag:s29] =	dma.local @p0 [hbm:s25], $0x820  }
0x2f: {  	_ =	swait.ge @p0 [sflag:s30], $0x820  }
0x30: {  	[sflag:s30] =	ssyncset.done @p0 $0x0  }
0x31: {  	s28 =	simm.s32 @!p0 $0x3;
	s1 =	rddreg [dreg:$0x5];
	[sflag:s30] =	ssyncadd.s32 @p0 $0xFFFFF7E0  }
0x32: {  	[spmem:s1], [sflag:s5] =	dma.local @!p0 [hbm:s25], $0x9E0  }
0x33: {  	_ =	swait.ge @!p0 [sflag:s28], $0x9E0  }
0x34: {  	[sflag:s28] =	ssyncset.done @!p0 $0x0  }
0x35: {  	[sflag:s28] =	ssyncadd.s32 @!p0 $0xFFFFF620  }
0x36: {  	[bflag:$0x0] =	sbarrier.arrive $0xFFFF  }
0x37: {  	s1 =	rddreg [dreg:$0x3]  }
0x38: {  	[tilespmem:s24], [sflag:$0x3] =	stream.linear.gather [hbm4b:s1+s24], $0x4E20, $0x38;
	[tilespmem:$0x1E460] =	vst v63  }
0x39: {  	_ =	swait.ge [sflag:s6], $0x4E20  }
0x3a: {  	[sflag:s6] =	ssyncset.done $0x0  }
0x3b: {  	s1 =	rddreg [dreg:$0x4];
	[sflag:s6] =	ssyncadd.s32 $0xFFFFB1E0  }
0x3c: {  	[tilespmem:s26], [sflag:$0x3] =	stream.linear.gather [hbm4b:s1+s24], $0x4E20, $0x38;
	[tilespmem:$0x1E460] =	vst v63  }
0x3d: {  	_ =	swait.ge [sflag:s6], $0x4E20  }
0x3e: {  	[sflag:s6] =	ssyncset.done $0x0  }
0x3f: {  	[sflag:s6] =	ssyncadd.s32 $0xFFFFB1E0  }
0x40: {  	[tilespmem:s9], [sflag:$0x1] =	stream.indirect.gather [hbm4b:s3+s7], $0x20, s24, s7, $0xb8;
	[tilespmem:$0x1E460] =	vst v63  }
0x41: {  	_ = 	snop  }
0x42: {  	[tilespmem:s8], [sflag:$0x2] =	stream.indirect.gather [hbm4b:s3+s7], $0x20, s7, s7, $0xb8;
	[tilespmem:$0x1E460] =	vst v63  }
0x43: {  	_ =	swait.ge [sflag:s13], $0x7D00  }
0x44: {  	[sflag:s13] =	ssyncset.done $0x0  }
0x45: {  	[sflag:s13] =	ssyncadd.s32 $0xFFFF8300  }
0x46: {  	[spmem:s2] =	stream.indirect.scatter.add.bf16 [tilespmem:s9], [sflag:$0x3], $0x20, s26, s7, $0xb8;
	[tilespmem:$0x1E460] =	vst v63  }
0x47: {  	_ =	swait.ge [sflag:s6], $0x7D00  }
0x48: {  	[sflag:s6] =	ssyncset.done $0x0  }
0x49: {  	s1 =	rddreg [dreg:$0x6];
	[sflag:s6] =	ssyncadd.s32 $0xFFFF8300  }
0x4a: {  	[tilespmem:s9], [sflag:$0x1] =	stream.indirect.gather [hbm4b:s3+s7], $0x20, s1, s7, $0xb8;
	[tilespmem:$0x1E460] =	vst v63  }
0x4b: {  	_ =	swait.ge [sflag:s11], $0x7D00  }
0x4c: {  	[sflag:s11] =	ssyncset.done $0x0  }
0x4d: {  	s1 =	rddreg [dreg:$0x7];
	[sflag:s11] =	ssyncadd.s32 $0xFFFF8300  }
0x4e: {  	[spmem:s2] =	stream.indirect.scatter.add.bf16 [tilespmem:s8], [sflag:$0x3], $0x20, s1, s7, $0xb8;
	[tilespmem:$0x1E460] =	vst v63  }
0x4f: {  	_ =	swait.ge [sflag:s6], $0x7D00  }
0x50: {  	[sflag:s6] =	ssyncset.done $0x0  }
0x51: {  	s1 =	rddreg [dreg:$0x8];
	[sflag:s6] =	ssyncadd.s32 $0xFFFF8300  }
0x52: {  	[tilespmem:s8], [sflag:$0x2] =	stream.indirect.gather [hbm4b:s3+s7], $0x20, s1, s7, $0xb8;
	[tilespmem:$0x1E460] =	vst v63  }
0x53: {  	_ =	swait.ge [sflag:s13], $0x7D00  }
0x54: {  	[sflag:s13] =	ssyncset.done $0x0  }
0x55: {  	s1 =	rddreg [dreg:$0x9];
	[sflag:s13] =	ssyncadd.s32 $0xFFFF8300  }
0x56: {  	[spmem:s2] =	stream.indirect.scatter.add.bf16 [tilespmem:s9], [sflag:$0x3], $0x20, s1, s7, $0xb8;
	[tilespmem:$0x1E460] =	vst v63  }
0x57: {  	_ =	swait.ge [sflag:s6], $0x7D00  }
0x58: {  	[sflag:s6] =	ssyncset.done $0x0  }
0x59: {  	s1 =	rddreg [dreg:$0xa];
	[sflag:s6] =	ssyncadd.s32 $0xFFFF8300  }
0x5a: {  	[tilespmem:s9], [sflag:$0x1] =	stream.indirect.gather [hbm4b:s3+s7], $0x20, s1, s7, $0xb8;
	[tilespmem:$0x1E460] =	vst v63  }
0x5b: {  	_ =	swait.ge [sflag:s11], $0x7D00  }
0x5c: {  	[sflag:s11] =	ssyncset.done $0x0  }
0x5d: {  	s1 =	rddreg [dreg:$0xb];
	[sflag:s11] =	ssyncadd.s32 $0xFFFF8300  }
0x5e: {  	[spmem:s2] =	stream.indirect.scatter.add.bf16 [tilespmem:s8], [sflag:$0x3], $0x20, s1, s7, $0xb8;
	[tilespmem:$0x1E460] =	vst v63  }
0x5f: {  	_ =	swait.ge [sflag:s6], $0x7D00  }
0x60: {  	[sflag:s6] =	ssyncset.done $0x0  }
0x61: {  	s1 =	rddreg [dreg:$0xc];
	[sflag:s6] =	ssyncadd.s32 $0xFFFF8300  }
0x62: {  	[tilespmem:s8], [sflag:$0x2] =	stream.indirect.gather [hbm4b:s3+s7], $0x20, s1, s7, $0xb8;
	[tilespmem:$0x1E460] =	vst v63  }
0x63: {  	_ =	swait.ge [sflag:s13], $0x7D00  }
0x64: {  	[sflag:s13] =	ssyncset.done $0x0  }
0x65: {  	s1 =	rddreg [dreg:$0xd];
	[sflag:s13] =	ssyncadd.s32 $0xFFFF8300  }
0x66: {  	[spmem:s2] =	stream.indirect.scatter.add.bf16 [tilespmem:s9], [sflag:$0x3], $0x20, s1, s7, $0xb8;
	[tilespmem:$0x1E460] =	vst v63  }
0x67: {  	_ =	swait.ge [sflag:s6], $0x7D00  }
0x68: {  	[sflag:s6] =	ssyncset.done $0x0  }
0x69: {  	s1 =	rddreg [dreg:$0xe];
	[sflag:s6] =	ssyncadd.s32 $0xFFFF8300  }
0x6a: {  	[tilespmem:s9], [sflag:$0x1] =	stream.indirect.gather [hbm4b:s3+s7], $0x20, s1, s7, $0xb8;
	[tilespmem:$0x1E460] =	vst v63  }
0x6b: {  	_ =	swait.ge [sflag:s11], $0x7D00  }
0x6c: {  	[sflag:s11] =	ssyncset.done $0x0  }
0x6d: {  	s1 =	rddreg [dreg:$0xf];
	[sflag:s11] =	ssyncadd.s32 $0xFFFF8300  }
0x6e: {  	[spmem:s2] =	stream.indirect.scatter.add.bf16 [tilespmem:s8], [sflag:$0x3], $0x20, s1, s7, $0xb8;
	[tilespmem:$0x1E460] =	vst v63  }
0x6f: {  	_ =	swait.ge [sflag:s6], $0x7D00  }
0x70: {  	[sflag:s6] =	ssyncset.done $0x0  }
0x71: {  	s1 =	rddreg [dreg:$0x10];
	[sflag:s6] =	ssyncadd.s32 $0xFFFF8300  }
0x72: {  	[tilespmem:s8], [sflag:$0x2] =	stream.indirect.gather [hbm4b:s3+s7], $0x20, s1, s7, $0xb8;
	[tilespmem:$0x1E460] =	vst v63  }
0x73: {  	_ =	swait.ge [sflag:s13], $0x7D00  }
0x74: {  	[sflag:s13] =	ssyncset.done $0x0  }
0x75: {  	s1 =	rddreg [dreg:$0x11];
	[sflag:s13] =	ssyncadd.s32 $0xFFFF8300  }
0x76: {  	[spmem:s2] =	stream.indirect.scatter.add.bf16 [tilespmem:s9], [sflag:$0x3], $0x20, s1, s7, $0xb8;
	[tilespmem:$0x1E460] =	vst v63  }
0x77: {  	_ =	swait.ge [sflag:s6], $0x7D00  }
0x78: {  	[sflag:s6] =	ssyncset.done $0x0  }
0x79: {  	s1 =	rddreg [dreg:$0x12];
	[sflag:s6] =	ssyncadd.s32 $0xFFFF8300  }
0x7a: {  	[tilespmem:s9], [sflag:$0x1] =	stream.indirect.gather [hbm4b:s3+s7], $0x20, s1, s7, $0xb8;
	[tilespmem:$0x1E460] =	vst v63  }
0x7b: {  	_ =	swait.ge [sflag:s11], $0x7D00  }
0x7c: {  	[sflag:s11] =	ssyncset.done $0x0  }
0x7d: {  	s1 =	rddreg [dreg:$0x13];
	[sflag:s11] =	ssyncadd.s32 $0xFFFF8300  }
0x7e: {  	[spmem:s2] =	stream.indirect.scatter.add.bf16 [tilespmem:s8], [sflag:$0x3], $0x20, s1, s7, $0xb8;
	[tilespmem:$0x1E460] =	vst v63  }
0x7f: {  	_ =	swait.ge [sflag:s6], $0x7D00  }
0x80: {  	[sflag:s6] =	ssyncset.done $0x0  }
0x81: {  	s1 =	rddreg [dreg:$0x14];
	[sflag:s6] =	ssyncadd.s32 $0xFFFF8300  }
0x82: {  	[tilespmem:s8], [sflag:$0x2] =	stream.indirect.gather [hbm4b:s3+s7], $0x20, s1, s7, $0xb8;
	[tilespmem:$0x1E460] =	vst v63  }
0x83: {  	_ =	swait.ge [sflag:s13], $0x7D00  }
0x84: {  	[sflag:s13] =	ssyncset.done $0x0  }
0x85: {  	s1 =	rddreg [dreg:$0x15];
	[sflag:s13] =	ssyncadd.s32 $0xFFFF8300  }
0x86: {  	[spmem:s2] =	stream.indirect.scatter.add.bf16 [tilespmem:s9], [sflag:$0x3], $0x20, s1, s7, $0xb8;
	[tilespmem:$0x1E460] =	vst v63  }
0x87: {  	_ =	swait.ge [sflag:s6], $0x7D00  }
0x88: {  	[sflag:s6] =	ssyncset.done $0x0  }
0x89: {  	s1 =	rddreg [dreg:$0x16];
	[sflag:s6] =	ssyncadd.s32 $0xFFFF8300  }
0x8a: {  	[tilespmem:s9], [sflag:$0x1] =	stream.indirect.gather [hbm4b:s3+s7], $0x20, s1, s7, $0xb8;
	[tilespmem:$0x1E460] =	vst v63  }
0x8b: {  	_ =	swait.ge [sflag:s11], $0x7D00  }
0x8c: {  	[sflag:s11] =	ssyncset.done $0x0  }
0x8d: {  	s1 =	rddreg [dreg:$0x17];
	[sflag:s11] =	ssyncadd.s32 $0xFFFF8300  }
0x8e: {  	[spmem:s2] =	stream.indirect.scatter.add.bf16 [tilespmem:s8], [sflag:$0x3], $0x20, s1, s7, $0xb8;
	[tilespmem:$0x1E460] =	vst v63  }
0x8f: {  	_ =	swait.ge [sflag:s6], $0x7D00  }
0x90: {  	[sflag:s6] =	ssyncset.done $0x0  }
0x91: {  	s1 =	rddreg [dreg:$0x18];
	[sflag:s6] =	ssyncadd.s32 $0xFFFF8300  }
0x92: {  	[tilespmem:s8], [sflag:$0x2] =	stream.indirect.gather [hbm4b:s3+s7], $0x20, s1, s7, $0xb8;
	[tilespmem:$0x1E460] =	vst v63  }
0x93: {  	_ =	swait.ge [sflag:s13], $0x7D00  }
0x94: {  	[sflag:s13] =	ssyncset.done $0x0  }
0x95: {  	s1 =	rddreg [dreg:$0x19];
	[sflag:s13] =	ssyncadd.s32 $0xFFFF8300  }
0x96: {  	[spmem:s2] =	stream.indirect.scatter.add.bf16 [tilespmem:s9], [sflag:$0x3], $0x20, s1, s7, $0xb8;
	[tilespmem:$0x1E460] =	vst v63  }
0x97: {  	_ =	swait.ge [sflag:s6], $0x7D00  }
0x98: {  	[sflag:s6] =	ssyncset.done $0x0  }
0x99: {  	s1 =	rddreg [dreg:$0x1a];
	[sflag:s6] =	ssyncadd.s32 $0xFFFF8300  }
0x9a: {  	[tilespmem:s9], [sflag:$0x1] =	stream.indirect.gather [hbm4b:s3+s7], $0x20, s1, s7, $0xb8;
	[tilespmem:$0x1E460] =	vst v63  }
0x9b: {  	_ =	swait.ge [sflag:s11], $0x7D00  }
0x9c: {  	[sflag:s11] =	ssyncset.done $0x0  }
0x9d: {  	s1 =	rddreg [dreg:$0x1b];
	[sflag:s11] =	ssyncadd.s32 $0xFFFF8300  }
0x9e: {  	[spmem:s2] =	stream.indirect.scatter.add.bf16 [tilespmem:s8], [sflag:$0x3], $0x20, s1, s7, $0xb8;
	[tilespmem:$0x1E460] =	vst v63  }
0x9f: {  	_ =	swait.ge [sflag:s6], $0x7D00  }
0xa0: {  	[sflag:s6] =	ssyncset.done $0x0  }
0xa1: {  	s1 =	rddreg [dreg:$0x1c];
	[sflag:s6] =	ssyncadd.s32 $0xFFFF8300  }
0xa2: {  	[tilespmem:s8], [sflag:$0x2] =	stream.indirect.gather [hbm4b:s3+s7], $0x20, s1, s7, $0xb8;
	[tilespmem:$0x1E460] =	vst v63  }
0xa3: {  	_ =	swait.ge [sflag:s13], $0x7D00  }
0xa4: {  	[sflag:s13] =	ssyncset.done $0x0  }
0xa5: {  	s1 =	rddreg [dreg:$0x1d];
	[sflag:s13] =	ssyncadd.s32 $0xFFFF8300  }
0xa6: {  	[spmem:s2] =	stream.indirect.scatter.add.bf16 [tilespmem:s9], [sflag:$0x3], $0x20, s1, s7, $0xb8;
	[tilespmem:$0x1E460] =	vst v63  }
0xa7: {  	_ =	swait.ge [sflag:s6], $0x7D00  }
0xa8: {  	[sflag:s6] =	ssyncset.done $0x0  }
0xa9: {  	s1 =	rddreg [dreg:$0x1e];
	[sflag:s6] =	ssyncadd.s32 $0xFFFF8300  }
0xaa: {  	[tilespmem:s9], [sflag:$0x1] =	stream.indirect.gather [hbm4b:s3+s7], $0x20, s1, s7, $0xb8;
	[tilespmem:$0x1E460] =	vst v63  }
0xab: {  	_ =	swait.ge [sflag:s11], $0x7D00  }
0xac: {  	[sflag:s11] =	ssyncset.done $0x0  }
0xad: {  	s1 =	rddreg [dreg:$0x1f];
	[sflag:s11] =	ssyncadd.s32 $0xFFFF8300  }
0xae: {  	[spmem:s2] =	stream.indirect.scatter.add.bf16 [tilespmem:s8], [sflag:$0x3], $0x20, s1, s7, $0xb8;
	[tilespmem:$0x1E460] =	vst v63  }
0xaf: {  	_ =	swait.ge [sflag:s6], $0x7D00  }
0xb0: {  	s1 =	sld [smem:$0x7FC]  }
0xb1: {  	[sflag:s6] =	ssyncset.done $0x0  }
0xb2: {  	[sflag:s6] =	ssyncadd.s32 $0xFFFF8300  }
0xb3: {  	[tilespmem:s8], [sflag:$0x2] =	stream.indirect.gather [hbm4b:s3+s7], $0x20, s1, s7, $0xb8;
	[tilespmem:$0x1E460] =	vst v63  }
0xb4: {  	_ =	swait.ge [sflag:s13], $0x7D00  }
0xb5: {  	s1 =	sld [smem:$0x7FD]  }
0xb6: {  	[sflag:s13] =	ssyncset.done $0x0  }
0xb7: {  	[sflag:s13] =	ssyncadd.s32 $0xFFFF8300  }
0xb8: {  	[spmem:s2] =	stream.indirect.scatter.add.bf16 [tilespmem:s9], [sflag:$0x3], $0x20, s1, s7, $0xb8;
	[tilespmem:$0x1E460] =	vst v63  }
0xb9: {  	_ =	swait.ge [sflag:s6], $0x7D00  }
0xba: {  	[sflag:s6] =	ssyncset.done $0x0  }
0xbb: {  	[sflag:s6] =	ssyncadd.s32 $0xFFFF8300  }
0xbc: {  	[tilespmem:s9], [sflag:$0x1] =	stream.indirect.gather [hbm4b:s3+s7], $0x20, s23, s7, $0xb8;
	[tilespmem:$0x1E460] =	vst v63  }
0xbd: {  	_ =	swait.ge [sflag:s11], $0x7D00  }
0xbe: {  	[sflag:s11] =	ssyncset.done $0x0  }
0xbf: {  	[sflag:s11] =	ssyncadd.s32 $0xFFFF8300  }
0xc0: {  	[spmem:s2] =	stream.indirect.scatter.add.bf16 [tilespmem:s8], [sflag:$0x3], $0x20, s22, s7, $0xb8;
	[tilespmem:$0x1E460] =	vst v63  }
0xc1: {  	_ =	swait.ge [sflag:s6], $0x7D00  }
0xc2: {  	[sflag:s6] =	ssyncset.done $0x0  }
0xc3: {  	[sflag:s6] =	ssyncadd.s32 $0xFFFF8300  }
0xc4: {  	[tilespmem:s8], [sflag:$0x2] =	stream.indirect.gather [hbm4b:s3+s7], $0x20, s21, s7, $0xb8;
	[tilespmem:$0x1E460] =	vst v63  }
0xc5: {  	_ =	swait.ge [sflag:s13], $0x7D00  }
0xc6: {  	[sflag:s13] =	ssyncset.done $0x0  }
0xc7: {  	[sflag:s13] =	ssyncadd.s32 $0xFFFF8300  }
0xc8: {  	[spmem:s2] =	stream.indirect.scatter.add.bf16 [tilespmem:s9], [sflag:$0x3], $0x20, s20, s7, $0xb8;
	[tilespmem:$0x1E460] =	vst v63  }
0xc9: {  	_ =	swait.ge [sflag:s6], $0x7D00  }
0xca: {  	[sflag:s6] =	ssyncset.done $0x0  }
0xcb: {  	[sflag:s6] =	ssyncadd.s32 $0xFFFF8300  }
0xcc: {  	[tilespmem:s9], [sflag:$0x1] =	stream.indirect.gather [hbm4b:s3+s7], $0x20, s19, s7, $0xb8;
	[tilespmem:$0x1E460] =	vst v63  }
0xcd: {  	_ =	swait.ge [sflag:s11], $0x7D00  }
0xce: {  	[sflag:s11] =	ssyncset.done $0x0  }
0xcf: {  	[sflag:s11] =	ssyncadd.s32 $0xFFFF8300  }
0xd0: {  	[spmem:s2] =	stream.indirect.scatter.add.bf16 [tilespmem:s8], [sflag:$0x3], $0x20, s17, s7, $0xb8;
	[tilespmem:$0x1E460] =	vst v63  }
0xd1: {  	_ =	swait.ge [sflag:s6], $0x7D00  }
0xd2: {  	[sflag:s6] =	ssyncset.done $0x0  }
0xd3: {  	[sflag:s6] =	ssyncadd.s32 $0xFFFF8300  }
0xd4: {  	[tilespmem:s8], [sflag:$0x2] =	stream.indirect.gather [hbm4b:s3+s7], $0x20, s16, s7, $0xb8;
	[tilespmem:$0x1E460] =	vst v63  }
0xd5: {  	_ =	swait.ge [sflag:s13], $0x7D00  }
0xd6: {  	[sflag:s13] =	ssyncset.done $0x0  }
0xd7: {  	[sflag:s13] =	ssyncadd.s32 $0xFFFF8300  }
0xd8: {  	[spmem:s2] =	stream.indirect.scatter.add.bf16 [tilespmem:s9], [sflag:$0x3], $0x20, s18, s7, $0xb8;
	[tilespmem:$0x1E460] =	vst v63  }
0xd9: {  	_ =	swait.ge [sflag:s6], $0x7D00  }
0xda: {  	[sflag:s6] =	ssyncset.done $0x0  }
0xdb: {  	[sflag:s6] =	ssyncadd.s32 $0xFFFF8300  }
0xdc: {  	_ =	swait.ge [sflag:s11], $0x7D00  }
0xdd: {  	[sflag:s11] =	ssyncset.done $0x0  }
0xde: {  	[sflag:s11] =	ssyncadd.s32 $0xFFFF8300  }
0xdf: {  	[spmem:s2] =	stream.indirect.scatter.add.bf16 [tilespmem:s8], [sflag:$0x3], $0x20, s15, s7, $0xb8;
	[tilespmem:$0x1E460] =	vst v63  }
0xe0: {  	_ =	swait.ge [sflag:s6], $0x7D00  }
0xe1: {  	[sflag:s6] =	ssyncset.done $0x0  }
0xe2: {  	[sflag:s6] =	ssyncadd.s32 $0xFFFF8300  }
0xe3: {  	s31 =	sadd.s32 $0xFFFFFFFF, s31;
	[bflag:$0x0] =	sbarrier.arrive $0xFFFF  }
0xe4: {  	[hbm:s14], [sflag:s29] =	dma.local @p0 [spmem:s4], $0x820  }
0xe5: {  	p2 =	sne.s32 s31, $0x0;
	_ =	swait.ge @p0 [sflag:s30], $0x820  }
.Ltmp1:
0xe6: {  	[sflag:s30] =	ssyncset.done @p0 $0x0;
	(pc) =	sbr.rel @!p2 .LBB2_2-.Ltmp1, $4  }
0xe7: {  	[sflag:s30] =	ssyncadd.s32 @p0 $0xFFFFF7E0  }
0xe8: {  	[hbm:s10], [sflag:s5] =	dma.local @!p0 [spmem:s12], $0x9E0  }
0xe9: {  	_ =	swait.ge @!p0 [sflag:s28], $0x9E0  }
0xea: {  	p1 =	por $0x1, $0x1;
	[sflag:s28] =	ssyncset.done @!p0 $0x0  }
.LBB2_3:
0xeb: {  	[sflag:s28] =	ssyncadd.s32 @!p0 $0xFFFFF620  }
0xec: {  	[spmem:s4], [sflag:s29] =	dma.local @p0 [hbm:s25], $0x820  }
0xed: {  	_ =	swait.ge @p0 [sflag:s30], $0x820  }
0xee: {  	[sflag:s30] =	ssyncset.done @p0 $0x0  }
0xef: {  	s1 =	rddreg [dreg:$0x5];
	[sflag:s30] =	ssyncadd.s32 @p0 $0xFFFFF7E0  }
0xf0: {  	[spmem:s1], [sflag:s5] =	dma.local @!p0 [hbm:s25], $0x9E0  }
0xf1: {  	_ =	swait.ge @!p0 [sflag:s28], $0x9E0  }
0xf2: {  	[sflag:s28] =	ssyncset.done @!p0 $0x0  }
0xf3: {  	[sflag:s28] =	ssyncadd.s32 @!p0 $0xFFFFF620  }
0xf4: {  	[bflag:$0x0] =	sbarrier.arrive $0xFFFF  }
0xf5: {  	s1 =	rddreg [dreg:$0x3]  }
0xf6: {  	[tilespmem:s24], [sflag:$0x3] =	stream.linear.gather [hbm4b:s1+s24], $0x4E20, $0x38;
	[tilespmem:$0x1E460] =	vst v63  }
0xf7: {  	_ =	swait.ge [sflag:s6], $0x4E20  }
0xf8: {  	[sflag:s6] =	ssyncset.done $0x0  }
0xf9: {  	s1 =	rddreg [dreg:$0x4];
	[sflag:s6] =	ssyncadd.s32 $0xFFFFB1E0  }
0xfa: {  	[tilespmem:s26], [sflag:$0x3] =	stream.linear.gather [hbm4b:s1+s24], $0x4E20, $0x38;
	[tilespmem:$0x1E460] =	vst v63  }
0xfb: {  	_ =	swait.ge [sflag:s6], $0x4E20  }
0xfc: {  	[sflag:s6] =	ssyncset.done $0x0  }
0xfd: {  	[sflag:s6] =	ssyncadd.s32 $0xFFFFB1E0  }
0xfe: {  	[tilespmem:s9], [sflag:$0x1] =	stream.indirect.gather [hbm4b:s3+s7], $0x20, s24, s7, $0xb8;
	[tilespmem:$0x1E460] =	vst v63  }
0xff: {  	_ = 	snop  }
0x100: {  	[tilespmem:s8], [sflag:$0x2] =	stream.indirect.gather [hbm4b:s3+s7], $0x20, s7, s7, $0xb8;
	[tilespmem:$0x1E460] =	vst v63  }
0x101: {  	_ =	swait.ge [sflag:s13], $0x7D00  }
0x102: {  	[sflag:s13] =	ssyncset.done $0x0  }
0x103: {  	[sflag:s13] =	ssyncadd.s32 $0xFFFF8300  }
0x104: {  	[spmem:s2] =	stream.indirect.scatter.add.bf16 [tilespmem:s9], [sflag:$0x3], $0x20, s26, s7, $0xb8;
	[tilespmem:$0x1E460] =	vst v63  }
0x105: {  	_ =	swait.ge [sflag:s6], $0x7D00  }
0x106: {  	[sflag:s6] =	ssyncset.done $0x0  }
0x107: {  	s1 =	rddreg [dreg:$0x6];
	[sflag:s6] =	ssyncadd.s32 $0xFFFF8300  }
0x108: {  	[tilespmem:s9], [sflag:$0x1] =	stream.indirect.gather [hbm4b:s3+s7], $0x20, s1, s7, $0xb8;
	[tilespmem:$0x1E460] =	vst v63  }
0x109: {  	_ =	swait.ge [sflag:s11], $0x7D00  }
0x10a: {  	[sflag:s11] =	ssyncset.done $0x0  }
0x10b: {  	s1 =	rddreg [dreg:$0x7];
	[sflag:s11] =	ssyncadd.s32 $0xFFFF8300  }
0x10c: {  	[spmem:s2] =	stream.indirect.scatter.add.bf16 [tilespmem:s8], [sflag:$0x3], $0x20, s1, s7, $0xb8;
	[tilespmem:$0x1E460] =	vst v63  }
0x10d: {  	_ =	swait.ge [sflag:s6], $0x7D00  }
0x10e: {  	[sflag:s6] =	ssyncset.done $0x0  }
0x10f: {  	s1 =	rddreg [dreg:$0x8];
	[sflag:s6] =	ssyncadd.s32 $0xFFFF8300  }
0x110: {  	[tilespmem:s8], [sflag:$0x2] =	stream.indirect.gather [hbm4b:s3+s7], $0x20, s1, s7, $0xb8;
	[tilespmem:$0x1E460] =	vst v63  }
0x111: {  	_ =	swait.ge [sflag:s13], $0x7D00  }
0x112: {  	[sflag:s13] =	ssyncset.done $0x0  }
0x113: {  	s1 =	rddreg [dreg:$0x9];
	[sflag:s13] =	ssyncadd.s32 $0xFFFF8300  }
0x114: {  	[spmem:s2] =	stream.indirect.scatter.add.bf16 [tilespmem:s9], [sflag:$0x3], $0x20, s1, s7, $0xb8;
	[tilespmem:$0x1E460] =	vst v63  }
0x115: {  	_ =	swait.ge [sflag:s6], $0x7D00  }
0x116: {  	[sflag:s6] =	ssyncset.done $0x0  }
0x117: {  	s1 =	rddreg [dreg:$0xa];
	[sflag:s6] =	ssyncadd.s32 $0xFFFF8300  }
0x118: {  	[tilespmem:s9], [sflag:$0x1] =	stream.indirect.gather [hbm4b:s3+s7], $0x20, s1, s7, $0xb8;
	[tilespmem:$0x1E460] =	vst v63  }
0x119: {  	_ =	swait.ge [sflag:s11], $0x7D00  }
0x11a: {  	[sflag:s11] =	ssyncset.done $0x0  }
0x11b: {  	s1 =	rddreg [dreg:$0xb];
	[sflag:s11] =	ssyncadd.s32 $0xFFFF8300  }
0x11c: {  	[spmem:s2] =	stream.indirect.scatter.add.bf16 [tilespmem:s8], [sflag:$0x3], $0x20, s1, s7, $0xb8;
	[tilespmem:$0x1E460] =	vst v63  }
0x11d: {  	_ =	swait.ge [sflag:s6], $0x7D00  }
0x11e: {  	[sflag:s6] =	ssyncset.done $0x0  }
0x11f: {  	s1 =	rddreg [dreg:$0xc];
	[sflag:s6] =	ssyncadd.s32 $0xFFFF8300  }
0x120: {  	[tilespmem:s8], [sflag:$0x2] =	stream.indirect.gather [hbm4b:s3+s7], $0x20, s1, s7, $0xb8;
	[tilespmem:$0x1E460] =	vst v63  }
0x121: {  	_ =	swait.ge [sflag:s13], $0x7D00  }
0x122: {  	[sflag:s13] =	ssyncset.done $0x0  }
0x123: {  	s1 =	rddreg [dreg:$0xd];
	[sflag:s13] =	ssyncadd.s32 $0xFFFF8300  }
0x124: {  	[spmem:s2] =	stream.indirect.scatter.add.bf16 [tilespmem:s9], [sflag:$0x3], $0x20, s1, s7, $0xb8;
	[tilespmem:$0x1E460] =	vst v63  }
0x125: {  	_ =	swait.ge [sflag:s6], $0x7D00  }
0x126: {  	[sflag:s6] =	ssyncset.done $0x0  }
0x127: {  	s1 =	rddreg [dreg:$0xe];
	[sflag:s6] =	ssyncadd.s32 $0xFFFF8300  }
0x128: {  	[tilespmem:s9], [sflag:$0x1] =	stream.indirect.gather [hbm4b:s3+s7], $0x20, s1, s7, $0xb8;
	[tilespmem:$0x1E460] =	vst v63  }
0x129: {  	_ =	swait.ge [sflag:s11], $0x7D00  }
0x12a: {  	[sflag:s11] =	ssyncset.done $0x0  }
0x12b: {  	s1 =	rddreg [dreg:$0xf];
	[sflag:s11] =	ssyncadd.s32 $0xFFFF8300  }
0x12c: {  	[spmem:s2] =	stream.indirect.scatter.add.bf16 [tilespmem:s8], [sflag:$0x3], $0x20, s1, s7, $0xb8;
	[tilespmem:$0x1E460] =	vst v63  }
0x12d: {  	_ =	swait.ge [sflag:s6], $0x7D00  }
0x12e: {  	[sflag:s6] =	ssyncset.done $0x0  }
0x12f: {  	s1 =	rddreg [dreg:$0x10];
	[sflag:s6] =	ssyncadd.s32 $0xFFFF8300  }
0x130: {  	[tilespmem:s8], [sflag:$0x2] =	stream.indirect.gather [hbm4b:s3+s7], $0x20, s1, s7, $0xb8;
	[tilespmem:$0x1E460] =	vst v63  }
0x131: {  	_ =	swait.ge [sflag:s13], $0x7D00  }
0x132: {  	[sflag:s13] =	ssyncset.done $0x0  }
0x133: {  	s1 =	rddreg [dreg:$0x11];
	[sflag:s13] =	ssyncadd.s32 $0xFFFF8300  }
0x134: {  	[spmem:s2] =	stream.indirect.scatter.add.bf16 [tilespmem:s9], [sflag:$0x3], $0x20, s1, s7, $0xb8;
	[tilespmem:$0x1E460] =	vst v63  }
0x135: {  	_ =	swait.ge [sflag:s6], $0x7D00  }
0x136: {  	[sflag:s6] =	ssyncset.done $0x0  }
0x137: {  	s1 =	rddreg [dreg:$0x12];
	[sflag:s6] =	ssyncadd.s32 $0xFFFF8300  }
0x138: {  	[tilespmem:s9], [sflag:$0x1] =	stream.indirect.gather [hbm4b:s3+s7], $0x20, s1, s7, $0xb8;
	[tilespmem:$0x1E460] =	vst v63  }
0x139: {  	_ =	swait.ge [sflag:s11], $0x7D00  }
0x13a: {  	[sflag:s11] =	ssyncset.done $0x0  }
0x13b: {  	s1 =	rddreg [dreg:$0x13];
	[sflag:s11] =	ssyncadd.s32 $0xFFFF8300  }
0x13c: {  	[spmem:s2] =	stream.indirect.scatter.add.bf16 [tilespmem:s8], [sflag:$0x3], $0x20, s1, s7, $0xb8;
	[tilespmem:$0x1E460] =	vst v63  }
0x13d: {  	_ =	swait.ge [sflag:s6], $0x7D00  }
0x13e: {  	[sflag:s6] =	ssyncset.done $0x0  }
0x13f: {  	s1 =	rddreg [dreg:$0x14];
	[sflag:s6] =	ssyncadd.s32 $0xFFFF8300  }
0x140: {  	[tilespmem:s8], [sflag:$0x2] =	stream.indirect.gather [hbm4b:s3+s7], $0x20, s1, s7, $0xb8;
	[tilespmem:$0x1E460] =	vst v63  }
0x141: {  	_ =	swait.ge [sflag:s13], $0x7D00  }
0x142: {  	[sflag:s13] =	ssyncset.done $0x0  }
0x143: {  	s1 =	rddreg [dreg:$0x15];
	[sflag:s13] =	ssyncadd.s32 $0xFFFF8300  }
0x144: {  	[spmem:s2] =	stream.indirect.scatter.add.bf16 [tilespmem:s9], [sflag:$0x3], $0x20, s1, s7, $0xb8;
	[tilespmem:$0x1E460] =	vst v63  }
0x145: {  	_ =	swait.ge [sflag:s6], $0x7D00  }
0x146: {  	[sflag:s6] =	ssyncset.done $0x0  }
0x147: {  	s1 =	rddreg [dreg:$0x16];
	[sflag:s6] =	ssyncadd.s32 $0xFFFF8300  }
0x148: {  	[tilespmem:s9], [sflag:$0x1] =	stream.indirect.gather [hbm4b:s3+s7], $0x20, s1, s7, $0xb8;
	[tilespmem:$0x1E460] =	vst v63  }
0x149: {  	_ =	swait.ge [sflag:s11], $0x7D00  }
0x14a: {  	[sflag:s11] =	ssyncset.done $0x0  }
0x14b: {  	s1 =	rddreg [dreg:$0x17];
	[sflag:s11] =	ssyncadd.s32 $0xFFFF8300  }
0x14c: {  	[spmem:s2] =	stream.indirect.scatter.add.bf16 [tilespmem:s8], [sflag:$0x3], $0x20, s1, s7, $0xb8;
	[tilespmem:$0x1E460] =	vst v63  }
0x14d: {  	_ =	swait.ge [sflag:s6], $0x7D00  }
0x14e: {  	[sflag:s6] =	ssyncset.done $0x0  }
0x14f: {  	s1 =	rddreg [dreg:$0x18];
	[sflag:s6] =	ssyncadd.s32 $0xFFFF8300  }
0x150: {  	[tilespmem:s8], [sflag:$0x2] =	stream.indirect.gather [hbm4b:s3+s7], $0x20, s1, s7, $0xb8;
	[tilespmem:$0x1E460] =	vst v63  }
0x151: {  	_ =	swait.ge [sflag:s13], $0x7D00  }
0x152: {  	[sflag:s13] =	ssyncset.done $0x0  }
0x153: {  	s1 =	rddreg [dreg:$0x19];
	[sflag:s13] =	ssyncadd.s32 $0xFFFF8300  }
0x154: {  	[spmem:s2] =	stream.indirect.scatter.add.bf16 [tilespmem:s9], [sflag:$0x3], $0x20, s1, s7, $0xb8;
	[tilespmem:$0x1E460] =	vst v63  }
0x155: {  	_ =	swait.ge [sflag:s6], $0x7D00  }
0x156: {  	[sflag:s6] =	ssyncset.done $0x0  }
0x157: {  	s1 =	rddreg [dreg:$0x1a];
	[sflag:s6] =	ssyncadd.s32 $0xFFFF8300  }
0x158: {  	[tilespmem:s9], [sflag:$0x1] =	stream.indirect.gather [hbm4b:s3+s7], $0x20, s1, s7, $0xb8;
	[tilespmem:$0x1E460] =	vst v63  }
0x159: {  	_ =	swait.ge [sflag:s11], $0x7D00  }
0x15a: {  	[sflag:s11] =	ssyncset.done $0x0  }
0x15b: {  	s1 =	rddreg [dreg:$0x1b];
	[sflag:s11] =	ssyncadd.s32 $0xFFFF8300  }
0x15c: {  	[spmem:s2] =	stream.indirect.scatter.add.bf16 [tilespmem:s8], [sflag:$0x3], $0x20, s1, s7, $0xb8;
	[tilespmem:$0x1E460] =	vst v63  }
0x15d: {  	_ =	swait.ge [sflag:s6], $0x7D00  }
0x15e: {  	[sflag:s6] =	ssyncset.done $0x0  }
0x15f: {  	s1 =	rddreg [dreg:$0x1c];
	[sflag:s6] =	ssyncadd.s32 $0xFFFF8300  }
0x160: {  	[tilespmem:s8], [sflag:$0x2] =	stream.indirect.gather [hbm4b:s3+s7], $0x20, s1, s7, $0xb8;
	[tilespmem:$0x1E460] =	vst v63  }
0x161: {  	_ =	swait.ge [sflag:s13], $0x7D00  }
0x162: {  	[sflag:s13] =	ssyncset.done $0x0  }
0x163: {  	s1 =	rddreg [dreg:$0x1d];
	[sflag:s13] =	ssyncadd.s32 $0xFFFF8300  }
0x164: {  	[spmem:s2] =	stream.indirect.scatter.add.bf16 [tilespmem:s9], [sflag:$0x3], $0x20, s1, s7, $0xb8;
	[tilespmem:$0x1E460] =	vst v63  }
0x165: {  	_ =	swait.ge [sflag:s6], $0x7D00  }
0x166: {  	[sflag:s6] =	ssyncset.done $0x0  }
0x167: {  	s1 =	rddreg [dreg:$0x1e];
	[sflag:s6] =	ssyncadd.s32 $0xFFFF8300  }
0x168: {  	[tilespmem:s9], [sflag:$0x1] =	stream.indirect.gather [hbm4b:s3+s7], $0x20, s1, s7, $0xb8;
	[tilespmem:$0x1E460] =	vst v63  }
0x169: {  	_ =	swait.ge [sflag:s11], $0x7D00  }
0x16a: {  	[sflag:s11] =	ssyncset.done $0x0  }
0x16b: {  	s1 =	rddreg [dreg:$0x1f];
	[sflag:s11] =	ssyncadd.s32 $0xFFFF8300  }
0x16c: {  	[spmem:s2] =	stream.indirect.scatter.add.bf16 [tilespmem:s8], [sflag:$0x3], $0x20, s1, s7, $0xb8;
	[tilespmem:$0x1E460] =	vst v63  }
0x16d: {  	_ =	swait.ge [sflag:s6], $0x7D00  }
0x16e: {  	s1 =	sld [smem:$0x7FC]  }
0x16f: {  	[sflag:s6] =	ssyncset.done $0x0  }
0x170: {  	[sflag:s6] =	ssyncadd.s32 $0xFFFF8300  }
0x171: {  	[tilespmem:s8], [sflag:$0x2] =	stream.indirect.gather [hbm4b:s3+s7], $0x20, s1, s7, $0xb8;
	[tilespmem:$0x1E460] =	vst v63  }
0x172: {  	_ =	swait.ge [sflag:s13], $0x7D00  }
0x173: {  	s1 =	sld [smem:$0x7FD]  }
0x174: {  	[sflag:s13] =	ssyncset.done $0x0  }
0x175: {  	[sflag:s13] =	ssyncadd.s32 $0xFFFF8300  }
0x176: {  	[spmem:s2] =	stream.indirect.scatter.add.bf16 [tilespmem:s9], [sflag:$0x3], $0x20, s1, s7, $0xb8;
	[tilespmem:$0x1E460] =	vst v63  }
0x177: {  	_ =	swait.ge [sflag:s6], $0x7D00  }
0x178: {  	[sflag:s6] =	ssyncset.done $0x0  }
0x179: {  	[sflag:s6] =	ssyncadd.s32 $0xFFFF8300  }
0x17a: {  	[tilespmem:s9], [sflag:$0x1] =	stream.indirect.gather [hbm4b:s3+s7], $0x20, s23, s7, $0xb8;
	[tilespmem:$0x1E460] =	vst v63  }
0x17b: {  	_ =	swait.ge [sflag:s11], $0x7D00  }
0x17c: {  	[sflag:s11] =	ssyncset.done $0x0  }
0x17d: {  	[sflag:s11] =	ssyncadd.s32 $0xFFFF8300  }
0x17e: {  	[spmem:s2] =	stream.indirect.scatter.add.bf16 [tilespmem:s8], [sflag:$0x3], $0x20, s22, s7, $0xb8;
	[tilespmem:$0x1E460] =	vst v63  }
0x17f: {  	_ =	swait.ge [sflag:s6], $0x7D00  }
0x180: {  	[sflag:s6] =	ssyncset.done $0x0  }
0x181: {  	[sflag:s6] =	ssyncadd.s32 $0xFFFF8300  }
0x182: {  	[tilespmem:s8], [sflag:$0x2] =	stream.indirect.gather [hbm4b:s3+s7], $0x20, s21, s7, $0xb8;
	[tilespmem:$0x1E460] =	vst v63  }
0x183: {  	_ =	swait.ge [sflag:s13], $0x7D00  }
0x184: {  	[sflag:s13] =	ssyncset.done $0x0  }
0x185: {  	[sflag:s13] =	ssyncadd.s32 $0xFFFF8300  }
0x186: {  	[spmem:s2] =	stream.indirect.scatter.add.bf16 [tilespmem:s9], [sflag:$0x3], $0x20, s20, s7, $0xb8;
	[tilespmem:$0x1E460] =	vst v63  }
0x187: {  	_ =	swait.ge [sflag:s6], $0x7D00  }
0x188: {  	[sflag:s6] =	ssyncset.done $0x0  }
0x189: {  	[sflag:s6] =	ssyncadd.s32 $0xFFFF8300  }
0x18a: {  	[tilespmem:s9], [sflag:$0x1] =	stream.indirect.gather [hbm4b:s3+s7], $0x20, s19, s7, $0xb8;
	[tilespmem:$0x1E460] =	vst v63  }
0x18b: {  	_ =	swait.ge [sflag:s11], $0x7D00  }
0x18c: {  	[sflag:s11] =	ssyncset.done $0x0  }
0x18d: {  	[sflag:s11] =	ssyncadd.s32 $0xFFFF8300  }
0x18e: {  	[spmem:s2] =	stream.indirect.scatter.add.bf16 [tilespmem:s8], [sflag:$0x3], $0x20, s17, s7, $0xb8;
	[tilespmem:$0x1E460] =	vst v63  }
0x18f: {  	_ =	swait.ge [sflag:s6], $0x7D00  }
0x190: {  	[sflag:s6] =	ssyncset.done $0x0  }
0x191: {  	[sflag:s6] =	ssyncadd.s32 $0xFFFF8300  }
0x192: {  	[tilespmem:s8], [sflag:$0x2] =	stream.indirect.gather [hbm4b:s3+s7], $0x20, s16, s7, $0xb8;
	[tilespmem:$0x1E460] =	vst v63  }
0x193: {  	_ =	swait.ge [sflag:s13], $0x7D00  }
0x194: {  	[sflag:s13] =	ssyncset.done $0x0  }
0x195: {  	[sflag:s13] =	ssyncadd.s32 $0xFFFF8300  }
0x196: {  	[spmem:s2] =	stream.indirect.scatter.add.bf16 [tilespmem:s9], [sflag:$0x3], $0x20, s18, s7, $0xb8;
	[tilespmem:$0x1E460] =	vst v63  }
0x197: {  	_ =	swait.ge [sflag:s6], $0x7D00  }
0x198: {  	[sflag:s6] =	ssyncset.done $0x0  }
0x199: {  	[sflag:s6] =	ssyncadd.s32 $0xFFFF8300  }
0x19a: {  	_ =	swait.ge [sflag:s11], $0x7D00  }
0x19b: {  	[sflag:s11] =	ssyncset.done $0x0  }
0x19c: {  	[sflag:s11] =	ssyncadd.s32 $0xFFFF8300  }
0x19d: {  	[spmem:s2] =	stream.indirect.scatter.add.bf16 [tilespmem:s8], [sflag:$0x3], $0x20, s15, s7, $0xb8;
	[tilespmem:$0x1E460] =	vst v63  }
0x19e: {  	_ =	swait.ge [sflag:s6], $0x7D00  }
0x19f: {  	[sflag:s6] =	ssyncset.done $0x0  }
0x1a0: {  	[sflag:s6] =	ssyncadd.s32 $0xFFFF8300  }
0x1a1: {  	s31 =	sadd.s32 $0xFFFFFFFF, s31;
	[bflag:$0x0] =	sbarrier.arrive $0xFFFF  }
0x1a2: {  	[hbm:s14], [sflag:s29] =	dma.local @p0 [spmem:s4], $0x820  }
0x1a3: {  	p2 =	sne.s32 s31, $0x0;
	_ =	swait.ge @p0 [sflag:s30], $0x820  }
.Ltmp2:
0x1a4: {  	[sflag:s30] =	ssyncset.done @p0 $0x0;
	(pc) =	sbr.rel @p2 .LBB2_3-.Ltmp2, $4  }
0x1a5: {  	[sflag:s30] =	ssyncadd.s32 @p0 $0xFFFFF7E0  }
0x1a6: {  	[hbm:s10], [sflag:s5] =	dma.local @!p0 [spmem:s12], $0x9E0  }
0x1a7: {  	_ =	swait.ge @!p0 [sflag:s28], $0x9E0  }
0x1a8: {  	[sflag:s28] =	ssyncset.done @!p0 $0x0  }
0x1a9: {  	s30 =	rddreg [dreg:$0x2]  }
.LBB2_5:
0x1aa: {  	p1 =	por p0, !p1  }
0x1ab: {  	s29 =	simm.s32 @p0 $0x1FC3;
	[sflag:s28] =	ssyncadd.s32 @!p1 $0xFFFFF620;
	s28 =	simm.s32 @p0 $0x3  }
0x1ac: {  	[spmem:s4], [sflag:s29] =	dma.local @p0 [hbm:s25], $0x820  }
0x1ad: {  	_ =	swait.ge @p0 [sflag:s28], $0x820  }
0x1ae: {  	[sflag:s28] =	ssyncset.done @p0 $0x0  }
0x1af: {  	s1 =	rddreg [dreg:$0x5];
	[sflag:s28] =	ssyncadd.s32 @p0 $0xFFFFF7E0  }
0x1b0: {  	[spmem:s1], [sflag:s5] =	dma.local @!p0 [hbm:s25], $0x9E0  }
0x1b1: {  	s25 =	simm.s32 @!p0 $0x3  }
0x1b2: {  	_ =	swait.ge @!p0 [sflag:s25], $0x9E0  }
0x1b3: {  	[sflag:s25] =	ssyncset.done @!p0 $0x0  }
0x1b4: {  	[sflag:s25] =	ssyncadd.s32 @!p0 $0xFFFFF620  }
0x1b5: {  	[bflag:$0x0] =	sbarrier.arrive $0xFFFF  }
0x1b6: {  	s31 =	rddreg [dreg:$0x3]  }
0x1b7: {  	[tilespmem:s24], [sflag:$0x3] =	stream.linear.gather [hbm4b:s31+s24], $0x4E20, $0x38;
	[tilespmem:$0x1E460] =	vst v63  }
0x1b8: {  	_ =	swait.ge [sflag:s6], $0x4E20  }
0x1b9: {  	[sflag:s6] =	ssyncset.done $0x0  }
0x1ba: {  	s31 =	rddreg [dreg:$0x4];
	[sflag:s6] =	ssyncadd.s32 $0xFFFFB1E0  }
0x1bb: {  	[tilespmem:s26], [sflag:$0x3] =	stream.linear.gather [hbm4b:s31+s24], $0x4E20, $0x38;
	[tilespmem:$0x1E460] =	vst v63  }
0x1bc: {  	_ =	swait.ge [sflag:s6], $0x4E20  }
0x1bd: {  	[sflag:s6] =	ssyncset.done $0x0  }
0x1be: {  	[sflag:s6] =	ssyncadd.s32 $0xFFFFB1E0  }
0x1bf: {  	[tilespmem:s9], [sflag:$0x1] =	stream.indirect.gather [hbm4b:s3+s7], $0x20, s24, s7, $0xb8;
	[tilespmem:$0x1E460] =	vst v63  }
0x1c0: {  	_ = 	snop  }
0x1c1: {  	[tilespmem:s8], [sflag:$0x2] =	stream.indirect.gather [hbm4b:s3+s7], $0x20, s7, s7, $0xb8;
	[tilespmem:$0x1E460] =	vst v63  }
0x1c2: {  	_ =	swait.ge [sflag:s13], $0x7D00  }
0x1c3: {  	[sflag:s13] =	ssyncset.done $0x0  }
0x1c4: {  	[sflag:s13] =	ssyncadd.s32 $0xFFFF8300  }
0x1c5: {  	[spmem:s2] =	stream.indirect.scatter.add.bf16 [tilespmem:s9], [sflag:$0x3], $0x20, s26, s7, $0xb8;
	[tilespmem:$0x1E460] =	vst v63  }
0x1c6: {  	_ =	swait.ge [sflag:s6], $0x7D00  }
0x1c7: {  	[sflag:s6] =	ssyncset.done $0x0  }
0x1c8: {  	s31 =	rddreg [dreg:$0x6];
	[sflag:s6] =	ssyncadd.s32 $0xFFFF8300  }
0x1c9: {  	[tilespmem:s9], [sflag:$0x1] =	stream.indirect.gather [hbm4b:s3+s7], $0x20, s31, s7, $0xb8;
	[tilespmem:$0x1E460] =	vst v63  }
0x1ca: {  	_ =	swait.ge [sflag:s11], $0x7D00  }
0x1cb: {  	[sflag:s11] =	ssyncset.done $0x0  }
0x1cc: {  	s24 =	rddreg [dreg:$0x7];
	[sflag:s11] =	ssyncadd.s32 $0xFFFF8300  }
0x1cd: {  	[spmem:s2] =	stream.indirect.scatter.add.bf16 [tilespmem:s8], [sflag:$0x3], $0x20, s24, s7, $0xb8;
	[tilespmem:$0x1E460] =	vst v63  }
0x1ce: {  	_ =	swait.ge [sflag:s6], $0x7D00  }
0x1cf: {  	[sflag:s6] =	ssyncset.done $0x0  }
0x1d0: {  	s26 =	rddreg [dreg:$0x8];
	[sflag:s6] =	ssyncadd.s32 $0xFFFF8300  }
0x1d1: {  	[tilespmem:s8], [sflag:$0x2] =	stream.indirect.gather [hbm4b:s3+s7], $0x20, s26, s7, $0xb8;
	[tilespmem:$0x1E460] =	vst v63  }
0x1d2: {  	_ =	swait.ge [sflag:s13], $0x7D00  }
0x1d3: {  	[sflag:s13] =	ssyncset.done $0x0  }
0x1d4: {  	s31 =	rddreg [dreg:$0x9];
	[sflag:s13] =	ssyncadd.s32 $0xFFFF8300  }
0x1d5: {  	[spmem:s2] =	stream.indirect.scatter.add.bf16 [tilespmem:s9], [sflag:$0x3], $0x20, s31, s7, $0xb8;
	[tilespmem:$0x1E460] =	vst v63  }
0x1d6: {  	_ =	swait.ge [sflag:s6], $0x7D00  }
0x1d7: {  	[sflag:s6] =	ssyncset.done $0x0  }
0x1d8: {  	s24 =	rddreg [dreg:$0xa];
	[sflag:s6] =	ssyncadd.s32 $0xFFFF8300  }
0x1d9: {  	[tilespmem:s9], [sflag:$0x1] =	stream.indirect.gather [hbm4b:s3+s7], $0x20, s24, s7, $0xb8;
	[tilespmem:$0x1E460] =	vst v63  }
0x1da: {  	_ =	swait.ge [sflag:s11], $0x7D00  }
0x1db: {  	[sflag:s11] =	ssyncset.done $0x0  }
0x1dc: {  	s26 =	rddreg [dreg:$0xb];
	[sflag:s11] =	ssyncadd.s32 $0xFFFF8300  }
0x1dd: {  	[spmem:s2] =	stream.indirect.scatter.add.bf16 [tilespmem:s8], [sflag:$0x3], $0x20, s26, s7, $0xb8;
	[tilespmem:$0x1E460] =	vst v63  }
0x1de: {  	_ =	swait.ge [sflag:s6], $0x7D00  }
0x1df: {  	[sflag:s6] =	ssyncset.done $0x0  }
0x1e0: {  	s31 =	rddreg [dreg:$0xc];
	[sflag:s6] =	ssyncadd.s32 $0xFFFF8300  }
0x1e1: {  	[tilespmem:s8], [sflag:$0x2] =	stream.indirect.gather [hbm4b:s3+s7], $0x20, s31, s7, $0xb8;
	[tilespmem:$0x1E460] =	vst v63  }
0x1e2: {  	_ =	swait.ge [sflag:s13], $0x7D00  }
0x1e3: {  	[sflag:s13] =	ssyncset.done $0x0  }
0x1e4: {  	s24 =	rddreg [dreg:$0xd];
	[sflag:s13] =	ssyncadd.s32 $0xFFFF8300  }
0x1e5: {  	[spmem:s2] =	stream.indirect.scatter.add.bf16 [tilespmem:s9], [sflag:$0x3], $0x20, s24, s7, $0xb8;
	[tilespmem:$0x1E460] =	vst v63  }
0x1e6: {  	_ =	swait.ge [sflag:s6], $0x7D00  }
0x1e7: {  	[sflag:s6] =	ssyncset.done $0x0  }
0x1e8: {  	s26 =	rddreg [dreg:$0xe];
	[sflag:s6] =	ssyncadd.s32 $0xFFFF8300  }
0x1e9: {  	[tilespmem:s9], [sflag:$0x1] =	stream.indirect.gather [hbm4b:s3+s7], $0x20, s26, s7, $0xb8;
	[tilespmem:$0x1E460] =	vst v63  }
0x1ea: {  	_ =	swait.ge [sflag:s11], $0x7D00  }
0x1eb: {  	[sflag:s11] =	ssyncset.done $0x0  }
0x1ec: {  	s31 =	rddreg [dreg:$0xf];
	[sflag:s11] =	ssyncadd.s32 $0xFFFF8300  }
0x1ed: {  	[spmem:s2] =	stream.indirect.scatter.add.bf16 [tilespmem:s8], [sflag:$0x3], $0x20, s31, s7, $0xb8;
	[tilespmem:$0x1E460] =	vst v63  }
0x1ee: {  	_ =	swait.ge [sflag:s6], $0x7D00  }
0x1ef: {  	[sflag:s6] =	ssyncset.done $0x0  }
0x1f0: {  	s24 =	rddreg [dreg:$0x10];
	[sflag:s6] =	ssyncadd.s32 $0xFFFF8300  }
0x1f1: {  	[tilespmem:s8], [sflag:$0x2] =	stream.indirect.gather [hbm4b:s3+s7], $0x20, s24, s7, $0xb8;
	[tilespmem:$0x1E460] =	vst v63  }
0x1f2: {  	_ =	swait.ge [sflag:s13], $0x7D00  }
0x1f3: {  	[sflag:s13] =	ssyncset.done $0x0  }
0x1f4: {  	s26 =	rddreg [dreg:$0x11];
	[sflag:s13] =	ssyncadd.s32 $0xFFFF8300  }
0x1f5: {  	[spmem:s2] =	stream.indirect.scatter.add.bf16 [tilespmem:s9], [sflag:$0x3], $0x20, s26, s7, $0xb8;
	[tilespmem:$0x1E460] =	vst v63  }
0x1f6: {  	_ =	swait.ge [sflag:s6], $0x7D00  }
0x1f7: {  	[sflag:s6] =	ssyncset.done $0x0  }
0x1f8: {  	s31 =	rddreg [dreg:$0x12];
	[sflag:s6] =	ssyncadd.s32 $0xFFFF8300  }
0x1f9: {  	[tilespmem:s9], [sflag:$0x1] =	stream.indirect.gather [hbm4b:s3+s7], $0x20, s31, s7, $0xb8;
	[tilespmem:$0x1E460] =	vst v63  }
0x1fa: {  	_ =	swait.ge [sflag:s11], $0x7D00  }
0x1fb: {  	[sflag:s11] =	ssyncset.done $0x0  }
0x1fc: {  	s24 =	rddreg [dreg:$0x13];
	[sflag:s11] =	ssyncadd.s32 $0xFFFF8300  }
0x1fd: {  	[spmem:s2] =	stream.indirect.scatter.add.bf16 [tilespmem:s8], [sflag:$0x3], $0x20, s24, s7, $0xb8;
	[tilespmem:$0x1E460] =	vst v63  }
0x1fe: {  	_ =	swait.ge [sflag:s6], $0x7D00  }
0x1ff: {  	[sflag:s6] =	ssyncset.done $0x0  }
0x200: {  	s26 =	rddreg [dreg:$0x14];
	[sflag:s6] =	ssyncadd.s32 $0xFFFF8300  }
0x201: {  	[tilespmem:s8], [sflag:$0x2] =	stream.indirect.gather [hbm4b:s3+s7], $0x20, s26, s7, $0xb8;
	[tilespmem:$0x1E460] =	vst v63  }
0x202: {  	_ =	swait.ge [sflag:s13], $0x7D00  }
0x203: {  	[sflag:s13] =	ssyncset.done $0x0  }
0x204: {  	s31 =	rddreg [dreg:$0x15];
	[sflag:s13] =	ssyncadd.s32 $0xFFFF8300  }
0x205: {  	[spmem:s2] =	stream.indirect.scatter.add.bf16 [tilespmem:s9], [sflag:$0x3], $0x20, s31, s7, $0xb8;
	[tilespmem:$0x1E460] =	vst v63  }
0x206: {  	_ =	swait.ge [sflag:s6], $0x7D00  }
0x207: {  	[sflag:s6] =	ssyncset.done $0x0  }
0x208: {  	s24 =	rddreg [dreg:$0x16];
	[sflag:s6] =	ssyncadd.s32 $0xFFFF8300  }
0x209: {  	[tilespmem:s9], [sflag:$0x1] =	stream.indirect.gather [hbm4b:s3+s7], $0x20, s24, s7, $0xb8;
	[tilespmem:$0x1E460] =	vst v63  }
0x20a: {  	_ =	swait.ge [sflag:s11], $0x7D00  }
0x20b: {  	[sflag:s11] =	ssyncset.done $0x0  }
0x20c: {  	s26 =	rddreg [dreg:$0x17];
	[sflag:s11] =	ssyncadd.s32 $0xFFFF8300  }
0x20d: {  	[spmem:s2] =	stream.indirect.scatter.add.bf16 [tilespmem:s8], [sflag:$0x3], $0x20, s26, s7, $0xb8;
	[tilespmem:$0x1E460] =	vst v63  }
0x20e: {  	_ =	swait.ge [sflag:s6], $0x7D00  }
0x20f: {  	[sflag:s6] =	ssyncset.done $0x0  }
0x210: {  	s31 =	rddreg [dreg:$0x18];
	[sflag:s6] =	ssyncadd.s32 $0xFFFF8300  }
0x211: {  	[tilespmem:s8], [sflag:$0x2] =	stream.indirect.gather [hbm4b:s3+s7], $0x20, s31, s7, $0xb8;
	[tilespmem:$0x1E460] =	vst v63  }
0x212: {  	_ =	swait.ge [sflag:s13], $0x7D00  }
0x213: {  	[sflag:s13] =	ssyncset.done $0x0  }
0x214: {  	s24 =	rddreg [dreg:$0x19];
	[sflag:s13] =	ssyncadd.s32 $0xFFFF8300  }
0x215: {  	[spmem:s2] =	stream.indirect.scatter.add.bf16 [tilespmem:s9], [sflag:$0x3], $0x20, s24, s7, $0xb8;
	[tilespmem:$0x1E460] =	vst v63  }
0x216: {  	_ =	swait.ge [sflag:s6], $0x7D00  }
0x217: {  	[sflag:s6] =	ssyncset.done $0x0  }
0x218: {  	s26 =	rddreg [dreg:$0x1a];
	[sflag:s6] =	ssyncadd.s32 $0xFFFF8300  }
0x219: {  	[tilespmem:s9], [sflag:$0x1] =	stream.indirect.gather [hbm4b:s3+s7], $0x20, s26, s7, $0xb8;
	[tilespmem:$0x1E460] =	vst v63  }
0x21a: {  	_ =	swait.ge [sflag:s11], $0x7D00  }
0x21b: {  	[sflag:s11] =	ssyncset.done $0x0  }
0x21c: {  	s31 =	rddreg [dreg:$0x1b];
	[sflag:s11] =	ssyncadd.s32 $0xFFFF8300  }
0x21d: {  	[spmem:s2] =	stream.indirect.scatter.add.bf16 [tilespmem:s8], [sflag:$0x3], $0x20, s31, s7, $0xb8;
	[tilespmem:$0x1E460] =	vst v63  }
0x21e: {  	_ =	swait.ge [sflag:s6], $0x7D00  }
0x21f: {  	[sflag:s6] =	ssyncset.done $0x0  }
0x220: {  	s24 =	rddreg [dreg:$0x1c];
	[sflag:s6] =	ssyncadd.s32 $0xFFFF8300  }
0x221: {  	[tilespmem:s8], [sflag:$0x2] =	stream.indirect.gather [hbm4b:s3+s7], $0x20, s24, s7, $0xb8;
	[tilespmem:$0x1E460] =	vst v63  }
0x222: {  	_ =	swait.ge [sflag:s13], $0x7D00  }
0x223: {  	[sflag:s13] =	ssyncset.done $0x0  }
0x224: {  	s26 =	rddreg [dreg:$0x1d];
	[sflag:s13] =	ssyncadd.s32 $0xFFFF8300  }
0x225: {  	[spmem:s2] =	stream.indirect.scatter.add.bf16 [tilespmem:s9], [sflag:$0x3], $0x20, s26, s7, $0xb8;
	[tilespmem:$0x1E460] =	vst v63  }
0x226: {  	_ =	swait.ge [sflag:s6], $0x7D00  }
0x227: {  	[sflag:s6] =	ssyncset.done $0x0  }
0x228: {  	s31 =	rddreg [dreg:$0x1e];
	[sflag:s6] =	ssyncadd.s32 $0xFFFF8300  }
0x229: {  	[tilespmem:s9], [sflag:$0x1] =	stream.indirect.gather [hbm4b:s3+s7], $0x20, s31, s7, $0xb8;
	[tilespmem:$0x1E460] =	vst v63  }
0x22a: {  	_ =	swait.ge [sflag:s11], $0x7D00  }
0x22b: {  	[sflag:s11] =	ssyncset.done $0x0  }
0x22c: {  	s24 =	rddreg [dreg:$0x1f];
	[sflag:s11] =	ssyncadd.s32 $0xFFFF8300  }
0x22d: {  	[spmem:s2] =	stream.indirect.scatter.add.bf16 [tilespmem:s8], [sflag:$0x3], $0x20, s24, s7, $0xb8;
	[tilespmem:$0x1E460] =	vst v63  }
0x22e: {  	_ =	swait.ge [sflag:s6], $0x7D00  }
0x22f: {  	s26 =	sld [smem:$0x7FC]  }
0x230: {  	[sflag:s6] =	ssyncset.done $0x0  }
0x231: {  	[sflag:s6] =	ssyncadd.s32 $0xFFFF8300  }
0x232: {  	[tilespmem:s8], [sflag:$0x2] =	stream.indirect.gather [hbm4b:s3+s7], $0x20, s26, s7, $0xb8;
	[tilespmem:$0x1E460] =	vst v63  }
0x233: {  	_ =	swait.ge [sflag:s13], $0x7D00  }
0x234: {  	s31 =	sld [smem:$0x7FD]  }
0x235: {  	[sflag:s13] =	ssyncset.done $0x0  }
0x236: {  	[sflag:s13] =	ssyncadd.s32 $0xFFFF8300  }
0x237: {  	[spmem:s2] =	stream.indirect.scatter.add.bf16 [tilespmem:s9], [sflag:$0x3], $0x20, s31, s7, $0xb8;
	[tilespmem:$0x1E460] =	vst v63  }
0x238: {  	_ =	swait.ge [sflag:s6], $0x7D00  }
0x239: {  	[sflag:s6] =	ssyncset.done $0x0  }
0x23a: {  	[sflag:s6] =	ssyncadd.s32 $0xFFFF8300  }
0x23b: {  	[tilespmem:s9], [sflag:$0x1] =	stream.indirect.gather [hbm4b:s3+s7], $0x20, s23, s7, $0xb8;
	[tilespmem:$0x1E460] =	vst v63  }
0x23c: {  	_ =	swait.ge [sflag:s11], $0x7D00  }
0x23d: {  	[sflag:s11] =	ssyncset.done $0x0  }
0x23e: {  	[sflag:s11] =	ssyncadd.s32 $0xFFFF8300  }
0x23f: {  	[spmem:s2] =	stream.indirect.scatter.add.bf16 [tilespmem:s8], [sflag:$0x3], $0x20, s22, s7, $0xb8;
	[tilespmem:$0x1E460] =	vst v63  }
0x240: {  	_ =	swait.ge [sflag:s6], $0x7D00  }
0x241: {  	[sflag:s6] =	ssyncset.done $0x0  }
0x242: {  	[sflag:s6] =	ssyncadd.s32 $0xFFFF8300  }
0x243: {  	[tilespmem:s8], [sflag:$0x2] =	stream.indirect.gather [hbm4b:s3+s7], $0x20, s21, s7, $0xb8;
	[tilespmem:$0x1E460] =	vst v63  }
0x244: {  	_ =	swait.ge [sflag:s13], $0x7D00  }
0x245: {  	[sflag:s13] =	ssyncset.done $0x0  }
0x246: {  	[sflag:s13] =	ssyncadd.s32 $0xFFFF8300  }
0x247: {  	[spmem:s2] =	stream.indirect.scatter.add.bf16 [tilespmem:s9], [sflag:$0x3], $0x20, s20, s7, $0xb8;
	[tilespmem:$0x1E460] =	vst v63  }
0x248: {  	_ =	swait.ge [sflag:s6], $0x7D00  }
0x249: {  	[sflag:s6] =	ssyncset.done $0x0  }
0x24a: {  	[sflag:s6] =	ssyncadd.s32 $0xFFFF8300  }
0x24b: {  	[tilespmem:s9], [sflag:$0x1] =	stream.indirect.gather [hbm4b:s3+s7], $0x20, s19, s7, $0xb8;
	[tilespmem:$0x1E460] =	vst v63  }
0x24c: {  	_ =	swait.ge [sflag:s11], $0x7D00  }
0x24d: {  	[sflag:s11] =	ssyncset.done $0x0  }
0x24e: {  	[sflag:s11] =	ssyncadd.s32 $0xFFFF8300  }
0x24f: {  	[spmem:s2] =	stream.indirect.scatter.add.bf16 [tilespmem:s8], [sflag:$0x3], $0x20, s17, s7, $0xb8;
	[tilespmem:$0x1E460] =	vst v63  }
0x250: {  	_ =	swait.ge [sflag:s6], $0x7D00  }
0x251: {  	[sflag:s6] =	ssyncset.done $0x0  }
0x252: {  	[sflag:s6] =	ssyncadd.s32 $0xFFFF8300  }
0x253: {  	[tilespmem:s8], [sflag:$0x2] =	stream.indirect.gather [hbm4b:s3+s7], $0x20, s16, s7, $0xb8;
	[tilespmem:$0x1E460] =	vst v63  }
0x254: {  	_ =	swait.ge [sflag:s13], $0x7D00  }
0x255: {  	[sflag:s13] =	ssyncset.done $0x0  }
0x256: {  	[sflag:s13] =	ssyncadd.s32 $0xFFFF8300  }
0x257: {  	[spmem:s2] =	stream.indirect.scatter.add.bf16 [tilespmem:s9], [sflag:$0x3], $0x20, s18, s7, $0xb8;
	[tilespmem:$0x1E460] =	vst v63  }
0x258: {  	_ =	swait.ge [sflag:s6], $0x7D00  }
0x259: {  	[sflag:s6] =	ssyncset.done $0x0  }
0x25a: {  	[sflag:s6] =	ssyncadd.s32 $0xFFFF8300  }
0x25b: {  	_ =	swait.ge [sflag:s11], $0x7D00  }
0x25c: {  	[sflag:s11] =	ssyncset.done $0x0  }
0x25d: {  	[sflag:s11] =	ssyncadd.s32 $0xFFFF8300  }
0x25e: {  	[spmem:s2] =	stream.indirect.scatter.add.bf16 [tilespmem:s8], [sflag:$0x3], $0x20, s15, s7, $0xb8;
	[tilespmem:$0x1E460] =	vst v63  }
0x25f: {  	_ =	swait.ge [sflag:s6], $0x7D00  }
0x260: {  	[sflag:s6] =	ssyncset.done $0x0  }
0x261: {  	[sflag:s6] =	ssyncadd.s32 $0xFFFF8300  }
0x262: {  	[bflag:$0x0] =	sbarrier.arrive $0xFFFF  }
0x263: {  	[hbm:s14], [sflag:s29] =	dma.local @p0 [spmem:s4], $0x820  }
0x264: {  	_ =	swait.ge @p0 [sflag:s28], $0x820  }
0x265: {  	[sflag:s28] =	ssyncset.done @p0 $0x0  }
0x266: {  	[sflag:s28] =	ssyncadd.s32 @p0 $0xFFFFF7E0  }
0x267: {  	[hbm:s10], [sflag:s5] =	dma.local @!p0 [spmem:s12], $0x9E0  }
0x268: {  	_ =	swait.ge @!p0 [sflag:s25], $0x9E0  }
0x269: {  	[sflag:s25] =	ssyncset.done @!p0 $0x0  }
0x26a: {  	[sflag:s25] =	ssyncadd.s32 @!p0 $0xFFFFF620  }
0x26b: {  	_ =	sfence.sel $0x180000  }
0x26c: {  	[bflag:$0x0] =	sbarrier.arrive $0xFFFF  }
0x26d: {  	p0 =	sne.s32 s0, $0x0;
	_ =	strace $0x9000004D  }
0x26e: {  	s0 =	sadd.s32 @!p0 $0x100000, s30;
	[bflag:$0x2] =	sbarrier.arrive $0xFFFF  }
0x26f: {  	[sflag:s0] =	ssyncadd.tile.s32 @!p0 $0x1;
	_ =	shalt  }
.LBB2_2:
.Ltmp3:
0x270: {  	(pc) =	sbr.rel .LBB2_5-.Ltmp3, $2  }
0x271: {  	_ =	sdelay $0x2  }
0x272: {  	s30 =	rddreg [dreg:$0x2]  }
.Lfunc_end2:
_tile_overlayer_lowered:
.L_overlay_start_2:
0x273: {  	(tag) =	ssettag $0x2  }
0x274: {  	s0 =	rddreg [dreg:$0x0];
	s2 =	stileid.u32  }
0x275: {  	s1 =	rddreg [dreg:$0x1];
	p0 =	sne.s32 s2, $0x0  }
0x276: {  	s3 =	rddreg [dreg:$0x2];
	[bflag:$0x3] =	sbarrier.arrive $0xFFFF;
	s2 =	simm.s32 @!p0 $0x1C03  }
0x277: {  	[timem:s3], [sflag:s2] =	dma.local @!p0 [hbm:s0], s1  }
0x278: {  	s0 =	simm.s32 @!p0 $0x3  }
0x279: {  	_ =	swait.ge @!p0 [sflag:s0], s1  }
0x27a: {  	s1 =	ssub.s32 @!p0 $0x0, s1;
	[sflag:s0] =	ssyncset.done @!p0 $0x0  }
0x27b: {  	[sflag:s0] =	ssyncadd.s32 @!p0 s1  }
0x27c: {  	[bflag:$0x3] =	sbarrier.arrive $0xFFFF  }
0x27d: {  	_ =	shalt  }

// kernel: kernel.19.cloned.1.call-start
scs
__scs_entry_jumppad:
0x0: {  	(pc) =	sbr.rel $0x88, $3  }
0x1: {  	(tag) =	ssettag $0x0;
	lr =	simm.s32 $0x1  }
0x2: {  	[smem:$0x3F87] =	sst lr;
	_ =	strace $0xD0000000  }
0x3: {  	_ = 	snop  }
0x4: {  	_ = 	snop  }
0x5: {  	_ = 	snop  }
0x6: {  	_ = 	snop  }
0x7: {  	_ = 	snop  }
__scs_overlays_trampoline_lowered:
0x8: {  	[smem:$0x3F96] =	sst s0  }
0x9: {  	[smem:$0x3F97] =	sst s1  }
0xa: {  	[smem:$0x3F98] =	sst s2  }
0xb: {  	[smem:$0x3F99] =	sst s3  }
0xc: {  	[smem:$0x3F9A] =	sst s4  }
0xd: {  	[smem:$0x3F9B] =	sst s5  }
0xe: {  	[smem:$0x3F9C] =	sst s6  }
0xf: {  	[smem:$0x3F9D] =	sst s7  }
0x10: {  	[smem:$0x3F9E] =	sst s8  }
0x11: {  	[smem:$0x3F9F] =	sst s9;
	s0 =	simm.s32 @!p0 $0x0  }
0x12: {  	s1 =	sld [smem:$0x3F85];
	s0 =	simm.s32 @p0 $0x1  }
0x13: {  	[smem:$0x3FA0] =	sst s0;
	s0 =	simm.s32 @!p1 $0x0  }
0x14: {  	s2 =	sld [smem:$0x3F84];
	s0 =	simm.s32 @p1 $0x1  }
0x15: {  	[smem:$0x3FA1] =	sst s0;
	s0 =	simm.s32 @!p2 $0x0  }
0x16: {  	s3 =	sld [smem:$0x3FDB];
	s0 =	simm.s32 @p2 $0x1  }
0x17: {  	s4 =	simm.s32 $0x1BF5;
	[smem:$0x3FA3] =	sst s0  }
0x18: {  	s0 =	sld [smem:$0x3F86];
	_ =	swait.ge [sflag:s4], $0x0  }
0x19: {  	s7 =	sld [smem:$0x3F87]  }
0x1a: {  	s8 =	sadd.s32 $0xFFFFE003, lr  }
0x1b: {  	s9 =	sadd.s32 $0xFFFFFEF7, lr;
	s5 =	simm.s32 $0xFFFFFFFF;
	p2 =	slt.u32 s8, $0xFFFFF086  }
0x1c: {  	p1 =	slt.u32 s9, $0xF7A;
	s5 =	simm.s32 @!p2 $0x0  }
0x1d: {  	s5 =	simm.s32 @p1 $0x1;
	p0 =	seq.s32 s7, s2  }
0x1e: {  	s7 =	smul.u32 @!p0 $0xF7A, s2;
	p2 =	seq.s32 @!p0 s5, $0x0  }
0x1f: {  	s9 =	smul.u32 $0xF7A, s1;
	s8 =	simm.s32 @!p0 $0x1BF5;
	p2 =	por !p2, p0  }
0x20: {  	[sflag:s8] =	ssyncset.s32 @!p0 $0xFFFFF086;
	s6 =	sadd.s32 @!p0 s3, s7;
	s7 =	simm.s32 @!p0 $0x108  }
0x21: {  	s3 =	sadd.s32 s3, s9;
	s6 =	sadd.s32 @!p0 $0x88, s6;
	s7 =	simm.s32 @p2 $0x1082  }
0x22: {  	[simem:s7], [sflag:s8] =	dma.local @!p0 [hbm:s6], $0xF7A  }
0x23: {  	s9 =	sor.u32 $0xD0000000, s2;
	s6 =	simm.s32 $0x108;
	_ =	swait.ge @!p0 [sflag:s8], $0x0  }
0x24: {  	s3 =	sadd.s32 $0x88, s3;
	s6 =	simm.s32 @!p1 $0x1082;
	[sflag:s4] =	ssyncset.s32 $0xFFFFF086  }
0x25: {  	[simem:s6], [sflag:s4] =	dma.local [hbm:s3], $0xF7A  }
0x26: {  	[smem:$0x3F87] =	sst s1;
	(tag) =	ssettag s2;
	_ =	strace s9  }
0x27: {  	s1 =	sld [smem:$0x3F97]  }
0x28: {  	s2 =	sld [smem:$0x3F98]  }
0x29: {  	s4 =	sld [smem:$0x3F9A]  }
0x2a: {  	p0 =	seq.s32 s5, $0x0;
	s5 =	sld [smem:$0x3F9B]  }
0x2b: {  	s6 =	sld [smem:$0x3F9C]  }
0x2c: {  	s7 =	sld [smem:$0x3F9D]  }
0x2d: {  	s3 =	simm.s32 $0x108;
	s8 =	sld [smem:$0x3F9E]  }
0x2e: {  	s3 =	simm.s32 @!p0 $0x1082;
	s9 =	sld [smem:$0x3F9F]  }
0x2f: {  	lr =	sadd.s32 s0, s3;
	s0 =	sld [smem:$0x3F96]  }
0x30: {  	s3 =	sld [smem:$0x3F99]  }
0x31: {  	[smem:$0x3FA2] =	sst s10  }
0x32: {  	s10 =	sld [smem:$0x3FA0];
	_ =	sdelay $0x3  }
0x33: {  	p0 =	seq.s32 s10, $0x1;
	s10 =	sld [smem:$0x3FA2];
	_ =	sdelay $0x3  }
0x34: {  	[smem:$0x3FA2] =	sst s10  }
0x35: {  	s10 =	sld [smem:$0x3FA1];
	_ =	sdelay $0x3  }
0x36: {  	p1 =	seq.s32 s10, $0x1;
	s10 =	sld [smem:$0x3FA2];
	_ =	sdelay $0x3  }
0x37: {  	[smem:$0x3FA2] =	sst s10  }
0x38: {  	s10 =	sld [smem:$0x3FA3]  }
0x39: {  	_ = 	snop;
	(pc) =	sbr.ind lr, $3  }
0x3a: {  	_ = 	snop  }
0x3b: {  	_ = 	snop  }
0x3c: {  	p2 =	seq.s32 s10, $0x1;
	s10 =	sld [smem:$0x3FA2]  }
0x3d: {  	_ =	shalt  }
0x3e: {  	_ =	shalt  }
0x3f: {  	_ =	shalt  }
0x40: {  	_ =	shalt  }
0x41: {  	_ =	shalt  }
0x42: {  	_ =	shalt  }
0x43: {  	_ =	shalt  }
0x44: {  	_ =	shalt  }
0x45: {  	_ =	shalt  }
0x46: {  	_ =	shalt  }
0x47: {  	_ =	shalt  }
0x48: {  	_ =	shalt  }
0x49: {  	_ =	shalt  }
0x4a: {  	_ =	shalt  }
0x4b: {  	_ =	shalt  }
0x4c: {  	_ =	shalt  }
0x4d: {  	_ =	shalt  }
0x4e: {  	_ =	shalt  }
0x4f: {  	_ =	shalt  }
0x50: {  	_ =	shalt  }
0x51: {  	_ =	shalt  }
0x52: {  	_ =	shalt  }
0x53: {  	_ =	shalt  }
0x54: {  	_ =	shalt  }
0x55: {  	_ =	shalt  }
0x56: {  	_ =	shalt  }
0x57: {  	_ =	shalt  }
0x58: {  	_ =	shalt  }
0x59: {  	_ =	shalt  }
0x5a: {  	_ =	shalt  }
0x5b: {  	_ =	shalt  }
0x5c: {  	_ =	shalt  }
0x5d: {  	_ =	shalt  }
0x5e: {  	_ =	shalt  }
0x5f: {  	_ =	shalt  }
0x60: {  	_ =	shalt  }
0x61: {  	_ =	shalt  }
0x62: {  	_ =	shalt  }
0x63: {  	_ =	shalt  }
0x64: {  	_ =	shalt  }
0x65: {  	_ =	shalt  }
0x66: {  	_ =	shalt  }
0x67: {  	_ =	shalt  }
0x68: {  	_ =	shalt  }
0x69: {  	_ =	shalt  }
0x6a: {  	_ =	shalt  }
0x6b: {  	_ =	shalt  }
0x6c: {  	_ =	shalt  }
0x6d: {  	_ =	shalt  }
0x6e: {  	_ =	shalt  }
0x6f: {  	_ =	shalt  }
0x70: {  	_ =	shalt  }
0x71: {  	_ =	shalt  }
0x72: {  	_ =	shalt  }
0x73: {  	_ =	shalt  }
0x74: {  	_ =	shalt  }
0x75: {  	_ =	shalt  }
0x76: {  	_ =	shalt  }
0x77: {  	_ =	shalt  }
0x78: {  	_ =	shalt  }
0x79: {  	_ =	shalt  }
0x7a: {  	_ =	shalt  }
0x7b: {  	_ =	shalt  }
0x7c: {  	_ =	shalt  }
0x7d: {  	_ =	shalt  }
0x7e: {  	_ =	shalt  }
0x7f: {  	_ =	shalt  }
0x80: {  	_ =	shalt  }
0x81: {  	_ =	shalt  }
0x82: {  	_ =	shalt  }
0x83: {  	_ =	shalt  }
0x84: {  	_ =	shalt  }
0x85: {  	_ =	shalt  }
0x86: {  	_ =	shalt  }
0x87: {  	_ =	shalt  }
.Lfunc_end0:
.L_simem_size_0:
called_computation.3_lowered:
.L_overlay_start_0:
0x88: {  	s2 =	sld [smem:$0x3FD9]  }
0x89: {  	s3 =	sld [smem:$0x3FFE];
	_ =	sdelay $0x1  }
0x8a: {  	s1 =	srdreg.scid  }
0x8b: {  	s0 =	sand.u32 $0x1, s1  }
0x8c: {  	s16 =	sshll.u32 s0, $0xA;
	s2 =	sadd.s32 s3, s2  }
0x8d: {  	s2 =	sadd.s32 s2, s16  }
0x8e: {  	[smem:$0x3FAE] =	sst s2  }
0x8f: {  	_ = 	snop  }
0x90: {  	(tm) =	ssettm $0x1  }
0x91: {  	s17 =	sld [smem:$0x3FFB];
	_ =	sdelay $0x3  }
0x92: {  	_ =	strace s17  }
0x93: {  	s2 =	sld [smem:$0x3FFC];
	_ =	sdelay $0x3  }
0x94: {  	_ =	strace s2  }
0x95: {  	s2 =	sld [smem:$0x3FFD];
	_ =	sdelay $0x3  }
0x96: {  	_ =	strace s2  }
0x97: {  	_ =	strace $0x8FFFFFFF  }
0x98: {  	s18 =	sld [smem:$0x3FDB];
	_ =	sdelay $0x1  }
0x99: {  	s19 =	simm.s32 $_scs_section_size  }
0x9a: {  	s4 =	simm.s32 $_size__tile_overlayer_lowered;
	s5 =	simm.s32 $_tile_overlayer_lowered  }
0x9b: {  	s22 =	simm.s32 $0x1BFF;
	s21 =	sshll.u32 s5, $0x1;
	s2 =	sadd.s32 s19, s18  }
0x9c: {  	s6 =	simm.s32 $0x0;
	s20 =	sshll.u32 s4, $0x1;
	s4 =	sadd.s32 s21, s2  }
0x9d: {  	[timem:s6], [sflag:s22] =	dma.local [hbm:s4], s20  }
0x9e: {  	_ =	swait.ge [sflag:s22], s20  }
0x9f: {  	s3 =	ssub.s32 $0x0, s20;
	[sflag:s22] =	ssyncset.done $0x0  }
0xa0: {  	[sflag:s22] =	ssyncadd.s32 s3;
	_ =	sdelay $0x1  }
0xa1: {  	s23 =	simm.s32 $0x1B8B  }
0xa2: {  	_ =	swait.ge [sflag:s23], $0x1  }
0xa3: {  	[sflag:s23] =	ssyncset.done $0x0  }
0xa4: {  	s25 =	simm.s32 $0x1B8E;
	s24 =	sld [smem:$0x3FFE];
	[sflag:s23] =	ssyncadd.s32 $0xFFFFFFFF  }
0xa5: {  	s26 =	simm.s32 $execute0_lowered;
	[smem:$0x3FD2] =	sst s25  }
0xa6: {  	s4 =	sshll.u32 s26, $0x1;
	_ =	strace $0x8000004F;
	[dreg:$0x1] =	wrdreg $0xFFFFFFFF  }
0xa7: {  	s28 =	simm.s32 $_size_execute0_lowered;
	s2 =	sadd.s32 s2, s4;
	[dreg:$0x0] =	wrdreg $0x0  }
0xa8: {  	s4 =	sshll.u32 s28, $0x1;
	[dreg:$0x2] =	wrdreg s2  }
0xa9: {  	[dreg:$0x3] =	wrdreg s4  }
0xaa: {  	[dreg:$0x4] =	wrdreg $0xC0  }
0xab: {  	_ =	task [dreg:s6], $0x5FFFF  }
0xac: {  	[dreg:$0x1] =	wrdreg $0xFFFFFFFF  }
0xad: {  	[dreg:$0x0] =	wrdreg $0x60  }
0xae: {  	[dreg:$0x2] =	wrdreg s24  }
0xaf: {  	[dreg:$0x3] =	wrdreg $0x196400  }
0xb0: {  	[dreg:$0x4] =	wrdreg $0x9  }
0xb1: {  	_ =	task.clear_ibuf [dreg:s6], $0x5FFFF;
	_ =	strace $0x9000004F  }
0xb2: {  	s29 =	simm.s32 $0x9;
	_ =	strace $0x80000051  }
0xb3: {  	_ =	swait.ge [sflag:s29], $0x1  }
0xb4: {  	[sflag:s29] =	ssyncadd.s32 $0xFFFFFFFF  }
0xb5: {  	_ =	strace $0x90000051  }
0xb6: {  	_ =	sfence  }
0xb7: {  	s30 =	sld [smem:$0x0];
	_ =	sdelay $0x2  }
0xb8: {  	s31 =	sshll.u32 s1, $0xD;
	s1 =	sshrl.u32 s1, $0x2  }
0xb9: {  	s3 =	sand.u32 $0x4000, s31;
	s1 =	sadd.s32 s1, s30  }
0xba: {  	s0 =	sor.u32 s3, s0;
	s1 =	sshll.u32 s1, $0x11  }
0xbb: {  	s0 =	sor.u32 s1, s0  }
0xbc: {  	s0 =	sadd.s32 $0x8F2B, s0  }
0xbd: {  	[sflag:s0] =	ssyncadd.remote.s32 $0x1  }
0xbe: {  	_ =	sfence.sel $0xFFFF  }
0xbf: {  	[dreg:$0x0] =	wrdreg $0xFFFFFFFF;
	(pc) =	sbr.abs _section_cstart, $3  }
0xc0: {  	[dreg:$0x1] =	wrdreg $0xFFFFFFFF  }
0xc1: {  	_ =	task.clear_ibuf [dreg:s6], $0x2FFFF;
	_ =	strace $0x9FFFFFFF  }
0xc2: {  	(tm) =	ssettm $0x7FFFFFFF  }
0xc3: {  	_ =	shalt  }
tec
execute0_lowered:
.L_overlay_start_1:
0x0: {  	(tag) =	ssettag $0x1  }
0x1: {  	s3 =	rddreg [dreg:$0x0]  }
0x2: {  	s2 =	rddreg [dreg:$0x1]  }
0x3: {  	s30 =	rddreg [dreg:$0x2];
	s24 =	simm.s32 $0x0  }
0x4: {  	s15 =	simm.s32 $0x7D0;
	[smem:$0x7FF] =	sst s24  }
0x5: {  	s16 =	simm.s32 $0x5208;
	_ =	strace $0x80000050;
	[dreg:$0x6] =	wrdreg s15  }
0x6: {  	s17 =	simm.s32 $0xBB8;
	[dreg:$0x7] =	wrdreg s16  }
0x7: {  	s18 =	simm.s32 $0x55F0;
	[dreg:$0x8] =	wrdreg s17  }
0x8: {  	s20 =	simm.s32 $0xFA0;
	[dreg:$0x9] =	wrdreg s18  }
0x9: {  	s21 =	simm.s32 $0x59D8;
	[dreg:$0xa] =	wrdreg s20  }
0xa: {  	s23 =	simm.s32 $0x1388;
	[dreg:$0xb] =	wrdreg s21  }
0xb: {  	s26 =	simm.s32 $0x5DC0;
	[dreg:$0xc] =	wrdreg s23  }
0xc: {  	s29 =	simm.s32 $0x1770;
	[dreg:$0xd] =	wrdreg s26  }
0xd: {  	s7 =	simm.s32 $0x61A8;
	[dreg:$0xe] =	wrdreg s29  }
0xe: {  	s8 =	simm.s32 $0x1B58;
	[dreg:$0xf] =	wrdreg s7  }
0xf: {  	s0 =	stileid.u32;
	s9 =	simm.s32 $0x6590;
	[dreg:$0x10] =	wrdreg s8  }
0x10: {  	s19 =	srdreg.scid;
	s10 =	simm.s32 $0x6978;
	[dreg:$0x11] =	wrdreg s9  }
0x11: {  	s11 =	simm.s32 $0x2328;
	s12 =	simm.s32 $0x6D60;
	[dreg:$0x13] =	wrdreg s10  }
0x12: {  	s13 =	simm.s32 $0x2710;
	s4 =	smul.u32 $0x9C4, s0;
	[dreg:$0x14] =	wrdreg s11  }
0x13: {  	p1 =	por $0x0, $0x0;
	s5 =	smul.u32 $0x13C00, s0;
	[dreg:$0x15] =	wrdreg s12  }
0x14: {  	p0 =	seq.s32 s0, $0xF;
	s7 =	simm.s32 $0x1F40;
	[dreg:$0x16] =	wrdreg s13  }
0x15: {  	s25 =	sadd.s32 $0x19400, s3;
	s16 =	simm.s32 $0x7148;
	[dreg:$0x12] =	wrdreg s7  }
0x16: {  	s8 =	smul.u32 $0x9E00, s0;
	s17 =	simm.s32 $0x2AF8;
	[dreg:$0x17] =	wrdreg s16  }
0x17: {  	s18 =	simm.s32 $0x7530;
	s20 =	simm.s32 $0x7918;
	[dreg:$0x18] =	wrdreg s17  }
0x18: {  	s21 =	simm.s32 $0x32C8;
	s26 =	simm.s32 $0x4E20;
	[dreg:$0x19] =	wrdreg s18  }
0x19: {  	s23 =	simm.s32 $0x36B0;
	s29 =	simm.s32 $0x80E8;
	[dreg:$0x1b] =	wrdreg s20  }
0x1a: {  	s9 =	simm.s32 $0x9C40;
	s11 =	simm.s32 $0x3A98;
	[dreg:$0x1c] =	wrdreg s21  }
0x1b: {  	s13 =	simm.s32 $0x1;
	s4 =	sadd.s32 s4, s3;
	[dreg:$0x1e] =	wrdreg s23  }
0x1c: {  	s5 =	sshrl.u32 s5, $0x2;
	s7 =	simm.s32 $0x3E8;
	[dreg:$0x1f] =	wrdreg s29  }
0x1d: {  	[smem:$0x7FC] =	sst s11;
	s16 =	simm.s32 $0x84D0;
	s11 =	simm.s32 $0x2  }
0x1e: {  	s23 =	simm.s32 $0x3E80;
	s21 =	simm.s32 $0x4268;
	s20 =	simm.s32 $0x8CA0  }
0x1f: {  	s17 =	simm.s32 $0x9088;
	s18 =	simm.s32 $0x9470;
	s5 =	sadd.s32 s5, s2  }
0x20: {  	s6 =	sadd.s32 $0xE400, s4;
	s4 =	sadd.s32 $0x4600, s4;
	s10 =	sshrl.u32 s8, $0x4  }
0x21: {  	[dreg:$0x4] =	wrdreg s4;
	s4 =	sshrl.u32 @!p0 s5, $0x3;
	s5 =	sand.u32 $0x1, s19  }
0x22: {  	s15 =	sshrl.u32 s8, $0x1;
	[smem:$0x7FD] =	sst s16;
	s1 =	ssub.s32 $0x2, s5  }
0x23: {  	[dreg:$0x3] =	wrdreg s6;
	s22 =	smul.u32 $0x9C40, s5;
	s5 =	sshrl.u32 s1, $0x1  }
0x24: {  	s8 =	simm.s32 $0x11940;
	[dreg:$0x5] =	wrdreg s4;
	s4 =	ssub.s32 s1, s5  }
0x25: {  	s12 =	sadd.s32 s15, s2;
	s19 =	simm.s32 $0x2EE0;
	s15 =	smax.u32 s4, $0x1  }
0x26: {  	s16 =	simm.s32 $0x4A38;
	[dreg:$0x1a] =	wrdreg s19;
	s31 =	sadd.s32 $0xFFFFFFFF, s15  }
0x27: {  	s19 =	simm.s32 $0x4650;
	s12 =	sshrl.u32 @!p0 s12, $0x3;
	p2 =	sne.s32 s31, $0x0  }
.Ltmp0:
0x28: {  	s6 =	sadd.s32 s22, s3;
	s5 =	sadd.s32 $0x4A100, s2;
	(pc) =	sbr.rel @!p2 .LBB2_5-.Ltmp0, $4  }
0x29: {  	s22 =	simm.s32 $0x7D00;
	s3 =	sadd.s32 $0x68000, s6;
	s14 =	sadd.s32 $0x7BA00, s6  }
0x2a: {  	s4 =	sshrl.u32 @p0 s5, $0x3;
	s6 =	sshll.u32 @!p0 s0, $0x6;
	[dreg:$0x1d] =	wrdreg s22  }
0x2b: {  	s22 =	simm.s32 $0x88B8;
	s5 =	sor.u32 @!p0 $0x1C03, s6;
	s6 =	simm.s32 $0x3  }
0x2c: {  	s10 =	sadd.s32 @!p0 s10, s14;
	s14 =	sadd.s32 @p0 $0x9420, s14;
	s15 =	simm.s32 $0x9858  }
0x2d: {  	s29 =	simm.s32 @p0 $0x1FC3;
	s30 =	simm.s32 @p0 $0x3  }
0x2e: {  	[spmem:s4], [sflag:s29] =	dma.local @p0 [hbm:s25], $0x820  }
0x2f: {  	_ =	swait.ge @p0 [sflag:s30], $0x820  }
0x30: {  	[sflag:s30] =	ssyncset.done @p0 $0x0  }
0x31: {  	s28 =	simm.s32 @!p0 $0x3;
	s1 =	rddreg [dreg:$0x5];
	[sflag:s30] =	ssyncadd.s32 @p0 $0xFFFFF7E0  }
0x32: {  	[spmem:s1], [sflag:s5] =	dma.local @!p0 [hbm:s25], $0x9E0  }
0x33: {  	_ =	swait.ge @!p0 [sflag:s28], $0x9E0  }
0x34: {  	[sflag:s28] =	ssyncset.done @!p0 $0x0  }
0x35: {  	[sflag:s28] =	ssyncadd.s32 @!p0 $0xFFFFF620  }
0x36: {  	[bflag:$0x0] =	sbarrier.arrive $0xFFFF  }
0x37: {  	s1 =	rddreg [dreg:$0x3]  }
0x38: {  	[tilespmem:s24], [sflag:$0x3] =	stream.linear.gather [hbm4b:s1+s24], $0x4E20, $0x38;
	[tilespmem:$0x1E460] =	vst v63  }
0x39: {  	_ =	swait.ge [sflag:s6], $0x4E20  }
0x3a: {  	[sflag:s6] =	ssyncset.done $0x0  }
0x3b: {  	s1 =	rddreg [dreg:$0x4];
	[sflag:s6] =	ssyncadd.s32 $0xFFFFB1E0  }
0x3c: {  	[tilespmem:s26], [sflag:$0x3] =	stream.linear.gather [hbm4b:s1+s24], $0x4E20, $0x38;
	[tilespmem:$0x1E460] =	vst v63  }
0x3d: {  	_ =	swait.ge [sflag:s6], $0x4E20  }
0x3e: {  	[sflag:s6] =	ssyncset.done $0x0  }
0x3f: {  	[sflag:s6] =	ssyncadd.s32 $0xFFFFB1E0  }
0x40: {  	[tilespmem:s9], [sflag:$0x1] =	stream.indirect.gather [hbm4b:s3+s7], $0x20, s24, s7, $0xb8;
	[tilespmem:$0x1E460] =	vst v63  }
0x41: {  	_ = 	snop  }
0x42: {  	[tilespmem:s8], [sflag:$0x2] =	stream.indirect.gather [hbm4b:s3+s7], $0x20, s7, s7, $0xb8;
	[tilespmem:$0x1E460] =	vst v63  }
0x43: {  	_ =	swait.ge [sflag:s13], $0x7D00  }
0x44: {  	[sflag:s13] =	ssyncset.done $0x0  }
0x45: {  	[sflag:s13] =	ssyncadd.s32 $0xFFFF8300  }
0x46: {  	[spmem:s2] =	stream.indirect.scatter.add.bf16 [tilespmem:s9], [sflag:$0x3], $0x20, s26, s7, $0xb8;
	[tilespmem:$0x1E460] =	vst v63  }
0x47: {  	_ =	swait.ge [sflag:s6], $0x7D00  }
0x48: {  	[sflag:s6] =	ssyncset.done $0x0  }
0x49: {  	s1 =	rddreg [dreg:$0x6];
	[sflag:s6] =	ssyncadd.s32 $0xFFFF8300  }
0x4a: {  	[tilespmem:s9], [sflag:$0x1] =	stream.indirect.gather [hbm4b:s3+s7], $0x20, s1, s7, $0xb8;
	[tilespmem:$0x1E460] =	vst v63  }
0x4b: {  	_ =	swait.ge [sflag:s11], $0x7D00  }
0x4c: {  	[sflag:s11] =	ssyncset.done $0x0  }
0x4d: {  	s1 =	rddreg [dreg:$0x7];
	[sflag:s11] =	ssyncadd.s32 $0xFFFF8300  }
0x4e: {  	[spmem:s2] =	stream.indirect.scatter.add.bf16 [tilespmem:s8], [sflag:$0x3], $0x20, s1, s7, $0xb8;
	[tilespmem:$0x1E460] =	vst v63  }
0x4f: {  	_ =	swait.ge [sflag:s6], $0x7D00  }
0x50: {  	[sflag:s6] =	ssyncset.done $0x0  }
0x51: {  	s1 =	rddreg [dreg:$0x8];
	[sflag:s6] =	ssyncadd.s32 $0xFFFF8300  }
0x52: {  	[tilespmem:s8], [sflag:$0x2] =	stream.indirect.gather [hbm4b:s3+s7], $0x20, s1, s7, $0xb8;
	[tilespmem:$0x1E460] =	vst v63  }
0x53: {  	_ =	swait.ge [sflag:s13], $0x7D00  }
0x54: {  	[sflag:s13] =	ssyncset.done $0x0  }
0x55: {  	s1 =	rddreg [dreg:$0x9];
	[sflag:s13] =	ssyncadd.s32 $0xFFFF8300  }
0x56: {  	[spmem:s2] =	stream.indirect.scatter.add.bf16 [tilespmem:s9], [sflag:$0x3], $0x20, s1, s7, $0xb8;
	[tilespmem:$0x1E460] =	vst v63  }
0x57: {  	_ =	swait.ge [sflag:s6], $0x7D00  }
0x58: {  	[sflag:s6] =	ssyncset.done $0x0  }
0x59: {  	s1 =	rddreg [dreg:$0xa];
	[sflag:s6] =	ssyncadd.s32 $0xFFFF8300  }
0x5a: {  	[tilespmem:s9], [sflag:$0x1] =	stream.indirect.gather [hbm4b:s3+s7], $0x20, s1, s7, $0xb8;
	[tilespmem:$0x1E460] =	vst v63  }
0x5b: {  	_ =	swait.ge [sflag:s11], $0x7D00  }
0x5c: {  	[sflag:s11] =	ssyncset.done $0x0  }
0x5d: {  	s1 =	rddreg [dreg:$0xb];
	[sflag:s11] =	ssyncadd.s32 $0xFFFF8300  }
0x5e: {  	[spmem:s2] =	stream.indirect.scatter.add.bf16 [tilespmem:s8], [sflag:$0x3], $0x20, s1, s7, $0xb8;
	[tilespmem:$0x1E460] =	vst v63  }
0x5f: {  	_ =	swait.ge [sflag:s6], $0x7D00  }
0x60: {  	[sflag:s6] =	ssyncset.done $0x0  }
0x61: {  	s1 =	rddreg [dreg:$0xc];
	[sflag:s6] =	ssyncadd.s32 $0xFFFF8300  }
0x62: {  	[tilespmem:s8], [sflag:$0x2] =	stream.indirect.gather [hbm4b:s3+s7], $0x20, s1, s7, $0xb8;
	[tilespmem:$0x1E460] =	vst v63  }
0x63: {  	_ =	swait.ge [sflag:s13], $0x7D00  }
0x64: {  	[sflag:s13] =	ssyncset.done $0x0  }
0x65: {  	s1 =	rddreg [dreg:$0xd];
	[sflag:s13] =	ssyncadd.s32 $0xFFFF8300  }
0x66: {  	[spmem:s2] =	stream.indirect.scatter.add.bf16 [tilespmem:s9], [sflag:$0x3], $0x20, s1, s7, $0xb8;
	[tilespmem:$0x1E460] =	vst v63  }
0x67: {  	_ =	swait.ge [sflag:s6], $0x7D00  }
0x68: {  	[sflag:s6] =	ssyncset.done $0x0  }
0x69: {  	s1 =	rddreg [dreg:$0xe];
	[sflag:s6] =	ssyncadd.s32 $0xFFFF8300  }
0x6a: {  	[tilespmem:s9], [sflag:$0x1] =	stream.indirect.gather [hbm4b:s3+s7], $0x20, s1, s7, $0xb8;
	[tilespmem:$0x1E460] =	vst v63  }
0x6b: {  	_ =	swait.ge [sflag:s11], $0x7D00  }
0x6c: {  	[sflag:s11] =	ssyncset.done $0x0  }
0x6d: {  	s1 =	rddreg [dreg:$0xf];
	[sflag:s11] =	ssyncadd.s32 $0xFFFF8300  }
0x6e: {  	[spmem:s2] =	stream.indirect.scatter.add.bf16 [tilespmem:s8], [sflag:$0x3], $0x20, s1, s7, $0xb8;
	[tilespmem:$0x1E460] =	vst v63  }
0x6f: {  	_ =	swait.ge [sflag:s6], $0x7D00  }
0x70: {  	[sflag:s6] =	ssyncset.done $0x0  }
0x71: {  	s1 =	rddreg [dreg:$0x10];
	[sflag:s6] =	ssyncadd.s32 $0xFFFF8300  }
0x72: {  	[tilespmem:s8], [sflag:$0x2] =	stream.indirect.gather [hbm4b:s3+s7], $0x20, s1, s7, $0xb8;
	[tilespmem:$0x1E460] =	vst v63  }
0x73: {  	_ =	swait.ge [sflag:s13], $0x7D00  }
0x74: {  	[sflag:s13] =	ssyncset.done $0x0  }
0x75: {  	s1 =	rddreg [dreg:$0x11];
	[sflag:s13] =	ssyncadd.s32 $0xFFFF8300  }
0x76: {  	[spmem:s2] =	stream.indirect.scatter.add.bf16 [tilespmem:s9], [sflag:$0x3], $0x20, s1, s7, $0xb8;
	[tilespmem:$0x1E460] =	vst v63  }
0x77: {  	_ =	swait.ge [sflag:s6], $0x7D00  }
0x78: {  	[sflag:s6] =	ssyncset.done $0x0  }
0x79: {  	s1 =	rddreg [dreg:$0x12];
	[sflag:s6] =	ssyncadd.s32 $0xFFFF8300  }
0x7a: {  	[tilespmem:s9], [sflag:$0x1] =	stream.indirect.gather [hbm4b:s3+s7], $0x20, s1, s7, $0xb8;
	[tilespmem:$0x1E460] =	vst v63  }
0x7b: {  	_ =	swait.ge [sflag:s11], $0x7D00  }
0x7c: {  	[sflag:s11] =	ssyncset.done $0x0  }
0x7d: {  	s1 =	rddreg [dreg:$0x13];
	[sflag:s11] =	ssyncadd.s32 $0xFFFF8300  }
0x7e: {  	[spmem:s2] =	stream.indirect.scatter.add.bf16 [tilespmem:s8], [sflag:$0x3], $0x20, s1, s7, $0xb8;
	[tilespmem:$0x1E460] =	vst v63  }
0x7f: {  	_ =	swait.ge [sflag:s6], $0x7D00  }
0x80: {  	[sflag:s6] =	ssyncset.done $0x0  }
0x81: {  	s1 =	rddreg [dreg:$0x14];
	[sflag:s6] =	ssyncadd.s32 $0xFFFF8300  }
0x82: {  	[tilespmem:s8], [sflag:$0x2] =	stream.indirect.gather [hbm4b:s3+s7], $0x20, s1, s7, $0xb8;
	[tilespmem:$0x1E460] =	vst v63  }
0x83: {  	_ =	swait.ge [sflag:s13], $0x7D00  }
0x84: {  	[sflag:s13] =	ssyncset.done $0x0  }
0x85: {  	s1 =	rddreg [dreg:$0x15];
	[sflag:s13] =	ssyncadd.s32 $0xFFFF8300  }
0x86: {  	[spmem:s2] =	stream.indirect.scatter.add.bf16 [tilespmem:s9], [sflag:$0x3], $0x20, s1, s7, $0xb8;
	[tilespmem:$0x1E460] =	vst v63  }
0x87: {  	_ =	swait.ge [sflag:s6], $0x7D00  }
0x88: {  	[sflag:s6] =	ssyncset.done $0x0  }
0x89: {  	s1 =	rddreg [dreg:$0x16];
	[sflag:s6] =	ssyncadd.s32 $0xFFFF8300  }
0x8a: {  	[tilespmem:s9], [sflag:$0x1] =	stream.indirect.gather [hbm4b:s3+s7], $0x20, s1, s7, $0xb8;
	[tilespmem:$0x1E460] =	vst v63  }
0x8b: {  	_ =	swait.ge [sflag:s11], $0x7D00  }
0x8c: {  	[sflag:s11] =	ssyncset.done $0x0  }
0x8d: {  	s1 =	rddreg [dreg:$0x17];
	[sflag:s11] =	ssyncadd.s32 $0xFFFF8300  }
0x8e: {  	[spmem:s2] =	stream.indirect.scatter.add.bf16 [tilespmem:s8], [sflag:$0x3], $0x20, s1, s7, $0xb8;
	[tilespmem:$0x1E460] =	vst v63  }
0x8f: {  	_ =	swait.ge [sflag:s6], $0x7D00  }
0x90: {  	[sflag:s6] =	ssyncset.done $0x0  }
0x91: {  	s1 =	rddreg [dreg:$0x18];
	[sflag:s6] =	ssyncadd.s32 $0xFFFF8300  }
0x92: {  	[tilespmem:s8], [sflag:$0x2] =	stream.indirect.gather [hbm4b:s3+s7], $0x20, s1, s7, $0xb8;
	[tilespmem:$0x1E460] =	vst v63  }
0x93: {  	_ =	swait.ge [sflag:s13], $0x7D00  }
0x94: {  	[sflag:s13] =	ssyncset.done $0x0  }
0x95: {  	s1 =	rddreg [dreg:$0x19];
	[sflag:s13] =	ssyncadd.s32 $0xFFFF8300  }
0x96: {  	[spmem:s2] =	stream.indirect.scatter.add.bf16 [tilespmem:s9], [sflag:$0x3], $0x20, s1, s7, $0xb8;
	[tilespmem:$0x1E460] =	vst v63  }
0x97: {  	_ =	swait.ge [sflag:s6], $0x7D00  }
0x98: {  	[sflag:s6] =	ssyncset.done $0x0  }
0x99: {  	s1 =	rddreg [dreg:$0x1a];
	[sflag:s6] =	ssyncadd.s32 $0xFFFF8300  }
0x9a: {  	[tilespmem:s9], [sflag:$0x1] =	stream.indirect.gather [hbm4b:s3+s7], $0x20, s1, s7, $0xb8;
	[tilespmem:$0x1E460] =	vst v63  }
0x9b: {  	_ =	swait.ge [sflag:s11], $0x7D00  }
0x9c: {  	[sflag:s11] =	ssyncset.done $0x0  }
0x9d: {  	s1 =	rddreg [dreg:$0x1b];
	[sflag:s11] =	ssyncadd.s32 $0xFFFF8300  }
0x9e: {  	[spmem:s2] =	stream.indirect.scatter.add.bf16 [tilespmem:s8], [sflag:$0x3], $0x20, s1, s7, $0xb8;
	[tilespmem:$0x1E460] =	vst v63  }
0x9f: {  	_ =	swait.ge [sflag:s6], $0x7D00  }
0xa0: {  	[sflag:s6] =	ssyncset.done $0x0  }
0xa1: {  	s1 =	rddreg [dreg:$0x1c];
	[sflag:s6] =	ssyncadd.s32 $0xFFFF8300  }
0xa2: {  	[tilespmem:s8], [sflag:$0x2] =	stream.indirect.gather [hbm4b:s3+s7], $0x20, s1, s7, $0xb8;
	[tilespmem:$0x1E460] =	vst v63  }
0xa3: {  	_ =	swait.ge [sflag:s13], $0x7D00  }
0xa4: {  	[sflag:s13] =	ssyncset.done $0x0  }
0xa5: {  	s1 =	rddreg [dreg:$0x1d];
	[sflag:s13] =	ssyncadd.s32 $0xFFFF8300  }
0xa6: {  	[spmem:s2] =	stream.indirect.scatter.add.bf16 [tilespmem:s9], [sflag:$0x3], $0x20, s1, s7, $0xb8;
	[tilespmem:$0x1E460] =	vst v63  }
0xa7: {  	_ =	swait.ge [sflag:s6], $0x7D00  }
0xa8: {  	[sflag:s6] =	ssyncset.done $0x0  }
0xa9: {  	s1 =	rddreg [dreg:$0x1e];
	[sflag:s6] =	ssyncadd.s32 $0xFFFF8300  }
0xaa: {  	[tilespmem:s9], [sflag:$0x1] =	stream.indirect.gather [hbm4b:s3+s7], $0x20, s1, s7, $0xb8;
	[tilespmem:$0x1E460] =	vst v63  }
0xab: {  	_ =	swait.ge [sflag:s11], $0x7D00  }
0xac: {  	[sflag:s11] =	ssyncset.done $0x0  }
0xad: {  	s1 =	rddreg [dreg:$0x1f];
	[sflag:s11] =	ssyncadd.s32 $0xFFFF8300  }
0xae: {  	[spmem:s2] =	stream.indirect.scatter.add.bf16 [tilespmem:s8], [sflag:$0x3], $0x20, s1, s7, $0xb8;
	[tilespmem:$0x1E460] =	vst v63  }
0xaf: {  	_ =	swait.ge [sflag:s6], $0x7D00  }
0xb0: {  	s1 =	sld [smem:$0x7FC]  }
0xb1: {  	[sflag:s6] =	ssyncset.done $0x0  }
0xb2: {  	[sflag:s6] =	ssyncadd.s32 $0xFFFF8300  }
0xb3: {  	[tilespmem:s8], [sflag:$0x2] =	stream.indirect.gather [hbm4b:s3+s7], $0x20, s1, s7, $0xb8;
	[tilespmem:$0x1E460] =	vst v63  }
0xb4: {  	_ =	swait.ge [sflag:s13], $0x7D00  }
0xb5: {  	s1 =	sld [smem:$0x7FD]  }
0xb6: {  	[sflag:s13] =	ssyncset.done $0x0  }
0xb7: {  	[sflag:s13] =	ssyncadd.s32 $0xFFFF8300  }
0xb8: {  	[spmem:s2] =	stream.indirect.scatter.add.bf16 [tilespmem:s9], [sflag:$0x3], $0x20, s1, s7, $0xb8;
	[tilespmem:$0x1E460] =	vst v63  }
0xb9: {  	_ =	swait.ge [sflag:s6], $0x7D00  }
0xba: {  	[sflag:s6] =	ssyncset.done $0x0  }
0xbb: {  	[sflag:s6] =	ssyncadd.s32 $0xFFFF8300  }
0xbc: {  	[tilespmem:s9], [sflag:$0x1] =	stream.indirect.gather [hbm4b:s3+s7], $0x20, s23, s7, $0xb8;
	[tilespmem:$0x1E460] =	vst v63  }
0xbd: {  	_ =	swait.ge [sflag:s11], $0x7D00  }
0xbe: {  	[sflag:s11] =	ssyncset.done $0x0  }
0xbf: {  	[sflag:s11] =	ssyncadd.s32 $0xFFFF8300  }
0xc0: {  	[spmem:s2] =	stream.indirect.scatter.add.bf16 [tilespmem:s8], [sflag:$0x3], $0x20, s22, s7, $0xb8;
	[tilespmem:$0x1E460] =	vst v63  }
0xc1: {  	_ =	swait.ge [sflag:s6], $0x7D00  }
0xc2: {  	[sflag:s6] =	ssyncset.done $0x0  }
0xc3: {  	[sflag:s6] =	ssyncadd.s32 $0xFFFF8300  }
0xc4: {  	[tilespmem:s8], [sflag:$0x2] =	stream.indirect.gather [hbm4b:s3+s7], $0x20, s21, s7, $0xb8;
	[tilespmem:$0x1E460] =	vst v63  }
0xc5: {  	_ =	swait.ge [sflag:s13], $0x7D00  }
0xc6: {  	[sflag:s13] =	ssyncset.done $0x0  }
0xc7: {  	[sflag:s13] =	ssyncadd.s32 $0xFFFF8300  }
0xc8: {  	[spmem:s2] =	stream.indirect.scatter.add.bf16 [tilespmem:s9], [sflag:$0x3], $0x20, s20, s7, $0xb8;
	[tilespmem:$0x1E460] =	vst v63  }
0xc9: {  	_ =	swait.ge [sflag:s6], $0x7D00  }
0xca: {  	[sflag:s6] =	ssyncset.done $0x0  }
0xcb: {  	[sflag:s6] =	ssyncadd.s32 $0xFFFF8300  }
0xcc: {  	[tilespmem:s9], [sflag:$0x1] =	stream.indirect.gather [hbm4b:s3+s7], $0x20, s19, s7, $0xb8;
	[tilespmem:$0x1E460] =	vst v63  }
0xcd: {  	_ =	swait.ge [sflag:s11], $0x7D00  }
0xce: {  	[sflag:s11] =	ssyncset.done $0x0  }
0xcf: {  	[sflag:s11] =	ssyncadd.s32 $0xFFFF8300  }
0xd0: {  	[spmem:s2] =	stream.indirect.scatter.add.bf16 [tilespmem:s8], [sflag:$0x3], $0x20, s17, s7, $0xb8;
	[tilespmem:$0x1E460] =	vst v63  }
0xd1: {  	_ =	swait.ge [sflag:s6], $0x7D00  }
0xd2: {  	[sflag:s6] =	ssyncset.done $0x0  }
0xd3: {  	[sflag:s6] =	ssyncadd.s32 $0xFFFF8300  }
0xd4: {  	[tilespmem:s8], [sflag:$0x2] =	stream.indirect.gather [hbm4b:s3+s7], $0x20, s16, s7, $0xb8;
	[tilespmem:$0x1E460] =	vst v63  }
0xd5: {  	_ =	swait.ge [sflag:s13], $0x7D00  }
0xd6: {  	[sflag:s13] =	ssyncset.done $0x0  }
0xd7: {  	[sflag:s13] =	ssyncadd.s32 $0xFFFF8300  }
0xd8: {  	[spmem:s2] =	stream.indirect.scatter.add.bf16 [tilespmem:s9], [sflag:$0x3], $0x20, s18, s7, $0xb8;
	[tilespmem:$0x1E460] =	vst v63  }
0xd9: {  	_ =	swait.ge [sflag:s6], $0x7D00  }
0xda: {  	[sflag:s6] =	ssyncset.done $0x0  }
0xdb: {  	[sflag:s6] =	ssyncadd.s32 $0xFFFF8300  }
0xdc: {  	_ =	swait.ge [sflag:s11], $0x7D00  }
0xdd: {  	[sflag:s11] =	ssyncset.done $0x0  }
0xde: {  	[sflag:s11] =	ssyncadd.s32 $0xFFFF8300  }
0xdf: {  	[spmem:s2] =	stream.indirect.scatter.add.bf16 [tilespmem:s8], [sflag:$0x3], $0x20, s15, s7, $0xb8;
	[tilespmem:$0x1E460] =	vst v63  }
0xe0: {  	_ =	swait.ge [sflag:s6], $0x7D00  }
0xe1: {  	[sflag:s6] =	ssyncset.done $0x0  }
0xe2: {  	[sflag:s6] =	ssyncadd.s32 $0xFFFF8300  }
0xe3: {  	s31 =	sadd.s32 $0xFFFFFFFF, s31;
	[bflag:$0x0] =	sbarrier.arrive $0xFFFF  }
0xe4: {  	[hbm:s14], [sflag:s29] =	dma.local @p0 [spmem:s4], $0x820  }
0xe5: {  	p2 =	sne.s32 s31, $0x0;
	_ =	swait.ge @p0 [sflag:s30], $0x820  }
.Ltmp1:
0xe6: {  	[sflag:s30] =	ssyncset.done @p0 $0x0;
	(pc) =	sbr.rel @!p2 .LBB2_2-.Ltmp1, $4  }
0xe7: {  	[sflag:s30] =	ssyncadd.s32 @p0 $0xFFFFF7E0  }
0xe8: {  	[hbm:s10], [sflag:s5] =	dma.local @!p0 [spmem:s12], $0x9E0  }
0xe9: {  	_ =	swait.ge @!p0 [sflag:s28], $0x9E0  }
0xea: {  	p1 =	por $0x1, $0x1;
	[sflag:s28] =	ssyncset.done @!p0 $0x0  }
.LBB2_3:
0xeb: {  	[sflag:s28] =	ssyncadd.s32 @!p0 $0xFFFFF620  }
0xec: {  	[spmem:s4], [sflag:s29] =	dma.local @p0 [hbm:s25], $0x820  }
0xed: {  	_ =	swait.ge @p0 [sflag:s30], $0x820  }
0xee: {  	[sflag:s30] =	ssyncset.done @p0 $0x0  }
0xef: {  	s1 =	rddreg [dreg:$0x5];
	[sflag:s30] =	ssyncadd.s32 @p0 $0xFFFFF7E0  }
0xf0: {  	[spmem:s1], [sflag:s5] =	dma.local @!p0 [hbm:s25], $0x9E0  }
0xf1: {  	_ =	swait.ge @!p0 [sflag:s28], $0x9E0  }
0xf2: {  	[sflag:s28] =	ssyncset.done @!p0 $0x0  }
0xf3: {  	[sflag:s28] =	ssyncadd.s32 @!p0 $0xFFFFF620  }
0xf4: {  	[bflag:$0x0] =	sbarrier.arrive $0xFFFF  }
0xf5: {  	s1 =	rddreg [dreg:$0x3]  }
0xf6: {  	[tilespmem:s24], [sflag:$0x3] =	stream.linear.gather [hbm4b:s1+s24], $0x4E20, $0x38;
	[tilespmem:$0x1E460] =	vst v63  }
0xf7: {  	_ =	swait.ge [sflag:s6], $0x4E20  }
0xf8: {  	[sflag:s6] =	ssyncset.done $0x0  }
0xf9: {  	s1 =	rddreg [dreg:$0x4];
	[sflag:s6] =	ssyncadd.s32 $0xFFFFB1E0  }
0xfa: {  	[tilespmem:s26], [sflag:$0x3] =	stream.linear.gather [hbm4b:s1+s24], $0x4E20, $0x38;
	[tilespmem:$0x1E460] =	vst v63  }
0xfb: {  	_ =	swait.ge [sflag:s6], $0x4E20  }
0xfc: {  	[sflag:s6] =	ssyncset.done $0x0  }
0xfd: {  	[sflag:s6] =	ssyncadd.s32 $0xFFFFB1E0  }
0xfe: {  	[tilespmem:s9], [sflag:$0x1] =	stream.indirect.gather [hbm4b:s3+s7], $0x20, s24, s7, $0xb8;
	[tilespmem:$0x1E460] =	vst v63  }
0xff: {  	_ = 	snop  }
0x100: {  	[tilespmem:s8], [sflag:$0x2] =	stream.indirect.gather [hbm4b:s3+s7], $0x20, s7, s7, $0xb8;
	[tilespmem:$0x1E460] =	vst v63  }
0x101: {  	_ =	swait.ge [sflag:s13], $0x7D00  }
0x102: {  	[sflag:s13] =	ssyncset.done $0x0  }
0x103: {  	[sflag:s13] =	ssyncadd.s32 $0xFFFF8300  }
0x104: {  	[spmem:s2] =	stream.indirect.scatter.add.bf16 [tilespmem:s9], [sflag:$0x3], $0x20, s26, s7, $0xb8;
	[tilespmem:$0x1E460] =	vst v63  }
0x105: {  	_ =	swait.ge [sflag:s6], $0x7D00  }
0x106: {  	[sflag:s6] =	ssyncset.done $0x0  }
0x107: {  	s1 =	rddreg [dreg:$0x6];
	[sflag:s6] =	ssyncadd.s32 $0xFFFF8300  }
0x108: {  	[tilespmem:s9], [sflag:$0x1] =	stream.indirect.gather [hbm4b:s3+s7], $0x20, s1, s7, $0xb8;
	[tilespmem:$0x1E460] =	vst v63  }
0x109: {  	_ =	swait.ge [sflag:s11], $0x7D00  }
0x10a: {  	[sflag:s11] =	ssyncset.done $0x0  }
0x10b: {  	s1 =	rddreg [dreg:$0x7];
	[sflag:s11] =	ssyncadd.s32 $0xFFFF8300  }
0x10c: {  	[spmem:s2] =	stream.indirect.scatter.add.bf16 [tilespmem:s8], [sflag:$0x3], $0x20, s1, s7, $0xb8;
	[tilespmem:$0x1E460] =	vst v63  }
0x10d: {  	_ =	swait.ge [sflag:s6], $0x7D00  }
0x10e: {  	[sflag:s6] =	ssyncset.done $0x0  }
0x10f: {  	s1 =	rddreg [dreg:$0x8];
	[sflag:s6] =	ssyncadd.s32 $0xFFFF8300  }
0x110: {  	[tilespmem:s8], [sflag:$0x2] =	stream.indirect.gather [hbm4b:s3+s7], $0x20, s1, s7, $0xb8;
	[tilespmem:$0x1E460] =	vst v63  }
0x111: {  	_ =	swait.ge [sflag:s13], $0x7D00  }
0x112: {  	[sflag:s13] =	ssyncset.done $0x0  }
0x113: {  	s1 =	rddreg [dreg:$0x9];
	[sflag:s13] =	ssyncadd.s32 $0xFFFF8300  }
0x114: {  	[spmem:s2] =	stream.indirect.scatter.add.bf16 [tilespmem:s9], [sflag:$0x3], $0x20, s1, s7, $0xb8;
	[tilespmem:$0x1E460] =	vst v63  }
0x115: {  	_ =	swait.ge [sflag:s6], $0x7D00  }
0x116: {  	[sflag:s6] =	ssyncset.done $0x0  }
0x117: {  	s1 =	rddreg [dreg:$0xa];
	[sflag:s6] =	ssyncadd.s32 $0xFFFF8300  }
0x118: {  	[tilespmem:s9], [sflag:$0x1] =	stream.indirect.gather [hbm4b:s3+s7], $0x20, s1, s7, $0xb8;
	[tilespmem:$0x1E460] =	vst v63  }
0x119: {  	_ =	swait.ge [sflag:s11], $0x7D00  }
0x11a: {  	[sflag:s11] =	ssyncset.done $0x0  }
0x11b: {  	s1 =	rddreg [dreg:$0xb];
	[sflag:s11] =	ssyncadd.s32 $0xFFFF8300  }
0x11c: {  	[spmem:s2] =	stream.indirect.scatter.add.bf16 [tilespmem:s8], [sflag:$0x3], $0x20, s1, s7, $0xb8;
	[tilespmem:$0x1E460] =	vst v63  }
0x11d: {  	_ =	swait.ge [sflag:s6], $0x7D00  }
0x11e: {  	[sflag:s6] =	ssyncset.done $0x0  }
0x11f: {  	s1 =	rddreg [dreg:$0xc];
	[sflag:s6] =	ssyncadd.s32 $0xFFFF8300  }
0x120: {  	[tilespmem:s8], [sflag:$0x2] =	stream.indirect.gather [hbm4b:s3+s7], $0x20, s1, s7, $0xb8;
	[tilespmem:$0x1E460] =	vst v63  }
0x121: {  	_ =	swait.ge [sflag:s13], $0x7D00  }
0x122: {  	[sflag:s13] =	ssyncset.done $0x0  }
0x123: {  	s1 =	rddreg [dreg:$0xd];
	[sflag:s13] =	ssyncadd.s32 $0xFFFF8300  }
0x124: {  	[spmem:s2] =	stream.indirect.scatter.add.bf16 [tilespmem:s9], [sflag:$0x3], $0x20, s1, s7, $0xb8;
	[tilespmem:$0x1E460] =	vst v63  }
0x125: {  	_ =	swait.ge [sflag:s6], $0x7D00  }
0x126: {  	[sflag:s6] =	ssyncset.done $0x0  }
0x127: {  	s1 =	rddreg [dreg:$0xe];
	[sflag:s6] =	ssyncadd.s32 $0xFFFF8300  }
0x128: {  	[tilespmem:s9], [sflag:$0x1] =	stream.indirect.gather [hbm4b:s3+s7], $0x20, s1, s7, $0xb8;
	[tilespmem:$0x1E460] =	vst v63  }
0x129: {  	_ =	swait.ge [sflag:s11], $0x7D00  }
0x12a: {  	[sflag:s11] =	ssyncset.done $0x0  }
0x12b: {  	s1 =	rddreg [dreg:$0xf];
	[sflag:s11] =	ssyncadd.s32 $0xFFFF8300  }
0x12c: {  	[spmem:s2] =	stream.indirect.scatter.add.bf16 [tilespmem:s8], [sflag:$0x3], $0x20, s1, s7, $0xb8;
	[tilespmem:$0x1E460] =	vst v63  }
0x12d: {  	_ =	swait.ge [sflag:s6], $0x7D00  }
0x12e: {  	[sflag:s6] =	ssyncset.done $0x0  }
0x12f: {  	s1 =	rddreg [dreg:$0x10];
	[sflag:s6] =	ssyncadd.s32 $0xFFFF8300  }
0x130: {  	[tilespmem:s8], [sflag:$0x2] =	stream.indirect.gather [hbm4b:s3+s7], $0x20, s1, s7, $0xb8;
	[tilespmem:$0x1E460] =	vst v63  }
0x131: {  	_ =	swait.ge [sflag:s13], $0x7D00  }
0x132: {  	[sflag:s13] =	ssyncset.done $0x0  }
0x133: {  	s1 =	rddreg [dreg:$0x11];
	[sflag:s13] =	ssyncadd.s32 $0xFFFF8300  }
0x134: {  	[spmem:s2] =	stream.indirect.scatter.add.bf16 [tilespmem:s9], [sflag:$0x3], $0x20, s1, s7, $0xb8;
	[tilespmem:$0x1E460] =	vst v63  }
0x135: {  	_ =	swait.ge [sflag:s6], $0x7D00  }
0x136: {  	[sflag:s6] =	ssyncset.done $0x0  }
0x137: {  	s1 =	rddreg [dreg:$0x12];
	[sflag:s6] =	ssyncadd.s32 $0xFFFF8300  }
0x138: {  	[tilespmem:s9], [sflag:$0x1] =	stream.indirect.gather [hbm4b:s3+s7], $0x20, s1, s7, $0xb8;
	[tilespmem:$0x1E460] =	vst v63  }
0x139: {  	_ =	swait.ge [sflag:s11], $0x7D00  }
0x13a: {  	[sflag:s11] =	ssyncset.done $0x0  }
0x13b: {  	s1 =	rddreg [dreg:$0x13];
	[sflag:s11] =	ssyncadd.s32 $0xFFFF8300  }
0x13c: {  	[spmem:s2] =	stream.indirect.scatter.add.bf16 [tilespmem:s8], [sflag:$0x3], $0x20, s1, s7, $0xb8;
	[tilespmem:$0x1E460] =	vst v63  }
0x13d: {  	_ =	swait.ge [sflag:s6], $0x7D00  }
0x13e: {  	[sflag:s6] =	ssyncset.done $0x0  }
0x13f: {  	s1 =	rddreg [dreg:$0x14];
	[sflag:s6] =	ssyncadd.s32 $0xFFFF8300  }
0x140: {  	[tilespmem:s8], [sflag:$0x2] =	stream.indirect.gather [hbm4b:s3+s7], $0x20, s1, s7, $0xb8;
	[tilespmem:$0x1E460] =	vst v63  }
0x141: {  	_ =	swait.ge [sflag:s13], $0x7D00  }
0x142: {  	[sflag:s13] =	ssyncset.done $0x0  }
0x143: {  	s1 =	rddreg [dreg:$0x15];
	[sflag:s13] =	ssyncadd.s32 $0xFFFF8300  }
0x144: {  	[spmem:s2] =	stream.indirect.scatter.add.bf16 [tilespmem:s9], [sflag:$0x3], $0x20, s1, s7, $0xb8;
	[tilespmem:$0x1E460] =	vst v63  }
0x145: {  	_ =	swait.ge [sflag:s6], $0x7D00  }
0x146: {  	[sflag:s6] =	ssyncset.done $0x0  }
0x147: {  	s1 =	rddreg [dreg:$0x16];
	[sflag:s6] =	ssyncadd.s32 $0xFFFF8300  }
0x148: {  	[tilespmem:s9], [sflag:$0x1] =	stream.indirect.gather [hbm4b:s3+s7], $0x20, s1, s7, $0xb8;
	[tilespmem:$0x1E460] =	vst v63  }
0x149: {  	_ =	swait.ge [sflag:s11], $0x7D00  }
0x14a: {  	[sflag:s11] =	ssyncset.done $0x0  }
0x14b: {  	s1 =	rddreg [dreg:$0x17];
	[sflag:s11] =	ssyncadd.s32 $0xFFFF8300  }
0x14c: {  	[spmem:s2] =	stream.indirect.scatter.add.bf16 [tilespmem:s8], [sflag:$0x3], $0x20, s1, s7, $0xb8;
	[tilespmem:$0x1E460] =	vst v63  }
0x14d: {  	_ =	swait.ge [sflag:s6], $0x7D00  }
0x14e: {  	[sflag:s6] =	ssyncset.done $0x0  }
0x14f: {  	s1 =	rddreg [dreg:$0x18];
	[sflag:s6] =	ssyncadd.s32 $0xFFFF8300  }
0x150: {  	[tilespmem:s8], [sflag:$0x2] =	stream.indirect.gather [hbm4b:s3+s7], $0x20, s1, s7, $0xb8;
	[tilespmem:$0x1E460] =	vst v63  }
0x151: {  	_ =	swait.ge [sflag:s13], $0x7D00  }
0x152: {  	[sflag:s13] =	ssyncset.done $0x0  }
0x153: {  	s1 =	rddreg [dreg:$0x19];
	[sflag:s13] =	ssyncadd.s32 $0xFFFF8300  }
0x154: {  	[spmem:s2] =	stream.indirect.scatter.add.bf16 [tilespmem:s9], [sflag:$0x3], $0x20, s1, s7, $0xb8;
	[tilespmem:$0x1E460] =	vst v63  }
0x155: {  	_ =	swait.ge [sflag:s6], $0x7D00  }
0x156: {  	[sflag:s6] =	ssyncset.done $0x0  }
0x157: {  	s1 =	rddreg [dreg:$0x1a];
	[sflag:s6] =	ssyncadd.s32 $0xFFFF8300  }
0x158: {  	[tilespmem:s9], [sflag:$0x1] =	stream.indirect.gather [hbm4b:s3+s7], $0x20, s1, s7, $0xb8;
	[tilespmem:$0x1E460] =	vst v63  }
0x159: {  	_ =	swait.ge [sflag:s11], $0x7D00  }
0x15a: {  	[sflag:s11] =	ssyncset.done $0x0  }
0x15b: {  	s1 =	rddreg [dreg:$0x1b];
	[sflag:s11] =	ssyncadd.s32 $0xFFFF8300  }
0x15c: {  	[spmem:s2] =	stream.indirect.scatter.add.bf16 [tilespmem:s8], [sflag:$0x3], $0x20, s1, s7, $0xb8;
	[tilespmem:$0x1E460] =	vst v63  }
0x15d: {  	_ =	swait.ge [sflag:s6], $0x7D00  }
0x15e: {  	[sflag:s6] =	ssyncset.done $0x0  }
0x15f: {  	s1 =	rddreg [dreg:$0x1c];
	[sflag:s6] =	ssyncadd.s32 $0xFFFF8300  }
0x160: {  	[tilespmem:s8], [sflag:$0x2] =	stream.indirect.gather [hbm4b:s3+s7], $0x20, s1, s7, $0xb8;
	[tilespmem:$0x1E460] =	vst v63  }
0x161: {  	_ =	swait.ge [sflag:s13], $0x7D00  }
0x162: {  	[sflag:s13] =	ssyncset.done $0x0  }
0x163: {  	s1 =	rddreg [dreg:$0x1d];
	[sflag:s13] =	ssyncadd.s32 $0xFFFF8300  }
0x164: {  	[spmem:s2] =	stream.indirect.scatter.add.bf16 [tilespmem:s9], [sflag:$0x3], $0x20, s1, s7, $0xb8;
	[tilespmem:$0x1E460] =	vst v63  }
0x165: {  	_ =	swait.ge [sflag:s6], $0x7D00  }
0x166: {  	[sflag:s6] =	ssyncset.done $0x0  }
0x167: {  	s1 =	rddreg [dreg:$0x1e];
	[sflag:s6] =	ssyncadd.s32 $0xFFFF8300  }
0x168: {  	[tilespmem:s9], [sflag:$0x1] =	stream.indirect.gather [hbm4b:s3+s7], $0x20, s1, s7, $0xb8;
	[tilespmem:$0x1E460] =	vst v63  }
0x169: {  	_ =	swait.ge [sflag:s11], $0x7D00  }
0x16a: {  	[sflag:s11] =	ssyncset.done $0x0  }
0x16b: {  	s1 =	rddreg [dreg:$0x1f];
	[sflag:s11] =	ssyncadd.s32 $0xFFFF8300  }
0x16c: {  	[spmem:s2] =	stream.indirect.scatter.add.bf16 [tilespmem:s8], [sflag:$0x3], $0x20, s1, s7, $0xb8;
	[tilespmem:$0x1E460] =	vst v63  }
0x16d: {  	_ =	swait.ge [sflag:s6], $0x7D00  }
0x16e: {  	s1 =	sld [smem:$0x7FC]  }
0x16f: {  	[sflag:s6] =	ssyncset.done $0x0  }
0x170: {  	[sflag:s6] =	ssyncadd.s32 $0xFFFF8300  }
0x171: {  	[tilespmem:s8], [sflag:$0x2] =	stream.indirect.gather [hbm4b:s3+s7], $0x20, s1, s7, $0xb8;
	[tilespmem:$0x1E460] =	vst v63  }
0x172: {  	_ =	swait.ge [sflag:s13], $0x7D00  }
0x173: {  	s1 =	sld [smem:$0x7FD]  }
0x174: {  	[sflag:s13] =	ssyncset.done $0x0  }
0x175: {  	[sflag:s13] =	ssyncadd.s32 $0xFFFF8300  }
0x176: {  	[spmem:s2] =	stream.indirect.scatter.add.bf16 [tilespmem:s9], [sflag:$0x3], $0x20, s1, s7, $0xb8;
	[tilespmem:$0x1E460] =	vst v63  }
0x177: {  	_ =	swait.ge [sflag:s6], $0x7D00  }
0x178: {  	[sflag:s6] =	ssyncset.done $0x0  }
0x179: {  	[sflag:s6] =	ssyncadd.s32 $0xFFFF8300  }
0x17a: {  	[tilespmem:s9], [sflag:$0x1] =	stream.indirect.gather [hbm4b:s3+s7], $0x20, s23, s7, $0xb8;
	[tilespmem:$0x1E460] =	vst v63  }
0x17b: {  	_ =	swait.ge [sflag:s11], $0x7D00  }
0x17c: {  	[sflag:s11] =	ssyncset.done $0x0  }
0x17d: {  	[sflag:s11] =	ssyncadd.s32 $0xFFFF8300  }
0x17e: {  	[spmem:s2] =	stream.indirect.scatter.add.bf16 [tilespmem:s8], [sflag:$0x3], $0x20, s22, s7, $0xb8;
	[tilespmem:$0x1E460] =	vst v63  }
0x17f: {  	_ =	swait.ge [sflag:s6], $0x7D00  }
0x180: {  	[sflag:s6] =	ssyncset.done $0x0  }
0x181: {  	[sflag:s6] =	ssyncadd.s32 $0xFFFF8300  }
0x182: {  	[tilespmem:s8], [sflag:$0x2] =	stream.indirect.gather [hbm4b:s3+s7], $0x20, s21, s7, $0xb8;
	[tilespmem:$0x1E460] =	vst v63  }
0x183: {  	_ =	swait.ge [sflag:s13], $0x7D00  }
0x184: {  	[sflag:s13] =	ssyncset.done $0x0  }
0x185: {  	[sflag:s13] =	ssyncadd.s32 $0xFFFF8300  }
0x186: {  	[spmem:s2] =	stream.indirect.scatter.add.bf16 [tilespmem:s9], [sflag:$0x3], $0x20, s20, s7, $0xb8;
	[tilespmem:$0x1E460] =	vst v63  }
0x187: {  	_ =	swait.ge [sflag:s6], $0x7D00  }
0x188: {  	[sflag:s6] =	ssyncset.done $0x0  }
0x189: {  	[sflag:s6] =	ssyncadd.s32 $0xFFFF8300  }
0x18a: {  	[tilespmem:s9], [sflag:$0x1] =	stream.indirect.gather [hbm4b:s3+s7], $0x20, s19, s7, $0xb8;
	[tilespmem:$0x1E460] =	vst v63  }
0x18b: {  	_ =	swait.ge [sflag:s11], $0x7D00  }
0x18c: {  	[sflag:s11] =	ssyncset.done $0x0  }
0x18d: {  	[sflag:s11] =	ssyncadd.s32 $0xFFFF8300  }
0x18e: {  	[spmem:s2] =	stream.indirect.scatter.add.bf16 [tilespmem:s8], [sflag:$0x3], $0x20, s17, s7, $0xb8;
	[tilespmem:$0x1E460] =	vst v63  }
0x18f: {  	_ =	swait.ge [sflag:s6], $0x7D00  }
0x190: {  	[sflag:s6] =	ssyncset.done $0x0  }
0x191: {  	[sflag:s6] =	ssyncadd.s32 $0xFFFF8300  }
0x192: {  	[tilespmem:s8], [sflag:$0x2] =	stream.indirect.gather [hbm4b:s3+s7], $0x20, s16, s7, $0xb8;
	[tilespmem:$0x1E460] =	vst v63  }
0x193: {  	_ =	swait.ge [sflag:s13], $0x7D00  }
0x194: {  	[sflag:s13] =	ssyncset.done $0x0  }
0x195: {  	[sflag:s13] =	ssyncadd.s32 $0xFFFF8300  }
0x196: {  	[spmem:s2] =	stream.indirect.scatter.add.bf16 [tilespmem:s9], [sflag:$0x3], $0x20, s18, s7, $0xb8;
	[tilespmem:$0x1E460] =	vst v63  }
0x197: {  	_ =	swait.ge [sflag:s6], $0x7D00  }
0x198: {  	[sflag:s6] =	ssyncset.done $0x0  }
0x199: {  	[sflag:s6] =	ssyncadd.s32 $0xFFFF8300  }
0x19a: {  	_ =	swait.ge [sflag:s11], $0x7D00  }
0x19b: {  	[sflag:s11] =	ssyncset.done $0x0  }
0x19c: {  	[sflag:s11] =	ssyncadd.s32 $0xFFFF8300  }
0x19d: {  	[spmem:s2] =	stream.indirect.scatter.add.bf16 [tilespmem:s8], [sflag:$0x3], $0x20, s15, s7, $0xb8;
	[tilespmem:$0x1E460] =	vst v63  }
0x19e: {  	_ =	swait.ge [sflag:s6], $0x7D00  }
0x19f: {  	[sflag:s6] =	ssyncset.done $0x0  }
0x1a0: {  	[sflag:s6] =	ssyncadd.s32 $0xFFFF8300  }
0x1a1: {  	s31 =	sadd.s32 $0xFFFFFFFF, s31;
	[bflag:$0x0] =	sbarrier.arrive $0xFFFF  }
0x1a2: {  	[hbm:s14], [sflag:s29] =	dma.local @p0 [spmem:s4], $0x820  }
0x1a3: {  	p2 =	sne.s32 s31, $0x0;
	_ =	swait.ge @p0 [sflag:s30], $0x820  }
.Ltmp2:
0x1a4: {  	[sflag:s30] =	ssyncset.done @p0 $0x0;
	(pc) =	sbr.rel @p2 .LBB2_3-.Ltmp2, $4  }
0x1a5: {  	[sflag:s30] =	ssyncadd.s32 @p0 $0xFFFFF7E0  }
0x1a6: {  	[hbm:s10], [sflag:s5] =	dma.local @!p0 [spmem:s12], $0x9E0  }
0x1a7: {  	_ =	swait.ge @!p0 [sflag:s28], $0x9E0  }
0x1a8: {  	[sflag:s28] =	ssyncset.done @!p0 $0x0  }
0x1a9: {  	s30 =	rddreg [dreg:$0x2]  }
.LBB2_5:
0x1aa: {  	p1 =	por p0, !p1  }
0x1ab: {  	s29 =	simm.s32 @p0 $0x1FC3;
	[sflag:s28] =	ssyncadd.s32 @!p1 $0xFFFFF620;
	s28 =	simm.s32 @p0 $0x3  }
0x1ac: {  	[spmem:s4], [sflag:s29] =	dma.local @p0 [hbm:s25], $0x820  }
0x1ad: {  	_ =	swait.ge @p0 [sflag:s28], $0x820  }
0x1ae: {  	[sflag:s28] =	ssyncset.done @p0 $0x0  }
0x1af: {  	s1 =	rddreg [dreg:$0x5];
	[sflag:s28] =	ssyncadd.s32 @p0 $0xFFFFF7E0  }
0x1b0: {  	[spmem:s1], [sflag:s5] =	dma.local @!p0 [hbm:s25], $0x9E0  }
0x1b1: {  	s25 =	simm.s32 @!p0 $0x3  }
0x1b2: {  	_ =	swait.ge @!p0 [sflag:s25], $0x9E0  }
0x1b3: {  	[sflag:s25] =	ssyncset.done @!p0 $0x0  }
0x1b4: {  	[sflag:s25] =	ssyncadd.s32 @!p0 $0xFFFFF620  }
0x1b5: {  	[bflag:$0x0] =	sbarrier.arrive $0xFFFF  }
0x1b6: {  	s31 =	rddreg [dreg:$0x3]  }
0x1b7: {  	[tilespmem:s24], [sflag:$0x3] =	stream.linear.gather [hbm4b:s31+s24], $0x4E20, $0x38;
	[tilespmem:$0x1E460] =	vst v63  }
0x1b8: {  	_ =	swait.ge [sflag:s6], $0x4E20  }
0x1b9: {  	[sflag:s6] =	ssyncset.done $0x0  }
0x1ba: {  	s31 =	rddreg [dreg:$0x4];
	[sflag:s6] =	ssyncadd.s32 $0xFFFFB1E0  }
0x1bb: {  	[tilespmem:s26], [sflag:$0x3] =	stream.linear.gather [hbm4b:s31+s24], $0x4E20, $0x38;
	[tilespmem:$0x1E460] =	vst v63  }
0x1bc: {  	_ =	swait.ge [sflag:s6], $0x4E20  }
0x1bd: {  	[sflag:s6] =	ssyncset.done $0x0  }
0x1be: {  	[sflag:s6] =	ssyncadd.s32 $0xFFFFB1E0  }
0x1bf: {  	[tilespmem:s9], [sflag:$0x1] =	stream.indirect.gather [hbm4b:s3+s7], $0x20, s24, s7, $0xb8;
	[tilespmem:$0x1E460] =	vst v63  }
0x1c0: {  	_ = 	snop  }
0x1c1: {  	[tilespmem:s8], [sflag:$0x2] =	stream.indirect.gather [hbm4b:s3+s7], $0x20, s7, s7, $0xb8;
	[tilespmem:$0x1E460] =	vst v63  }
0x1c2: {  	_ =	swait.ge [sflag:s13], $0x7D00  }
0x1c3: {  	[sflag:s13] =	ssyncset.done $0x0  }
0x1c4: {  	[sflag:s13] =	ssyncadd.s32 $0xFFFF8300  }
0x1c5: {  	[spmem:s2] =	stream.indirect.scatter.add.bf16 [tilespmem:s9], [sflag:$0x3], $0x20, s26, s7, $0xb8;
	[tilespmem:$0x1E460] =	vst v63  }
0x1c6: {  	_ =	swait.ge [sflag:s6], $0x7D00  }
0x1c7: {  	[sflag:s6] =	ssyncset.done $0x0  }
0x1c8: {  	s31 =	rddreg [dreg:$0x6];
	[sflag:s6] =	ssyncadd.s32 $0xFFFF8300  }
0x1c9: {  	[tilespmem:s9], [sflag:$0x1] =	stream.indirect.gather [hbm4b:s3+s7], $0x20, s31, s7, $0xb8;
	[tilespmem:$0x1E460] =	vst v63  }
0x1ca: {  	_ =	swait.ge [sflag:s11], $0x7D00  }
0x1cb: {  	[sflag:s11] =	ssyncset.done $0x0  }
0x1cc: {  	s24 =	rddreg [dreg:$0x7];
	[sflag:s11] =	ssyncadd.s32 $0xFFFF8300  }
0x1cd: {  	[spmem:s2] =	stream.indirect.scatter.add.bf16 [tilespmem:s8], [sflag:$0x3], $0x20, s24, s7, $0xb8;
	[tilespmem:$0x1E460] =	vst v63  }
0x1ce: {  	_ =	swait.ge [sflag:s6], $0x7D00  }
0x1cf: {  	[sflag:s6] =	ssyncset.done $0x0  }
0x1d0: {  	s26 =	rddreg [dreg:$0x8];
	[sflag:s6] =	ssyncadd.s32 $0xFFFF8300  }
0x1d1: {  	[tilespmem:s8], [sflag:$0x2] =	stream.indirect.gather [hbm4b:s3+s7], $0x20, s26, s7, $0xb8;
	[tilespmem:$0x1E460] =	vst v63  }
0x1d2: {  	_ =	swait.ge [sflag:s13], $0x7D00  }
0x1d3: {  	[sflag:s13] =	ssyncset.done $0x0  }
0x1d4: {  	s31 =	rddreg [dreg:$0x9];
	[sflag:s13] =	ssyncadd.s32 $0xFFFF8300  }
0x1d5: {  	[spmem:s2] =	stream.indirect.scatter.add.bf16 [tilespmem:s9], [sflag:$0x3], $0x20, s31, s7, $0xb8;
	[tilespmem:$0x1E460] =	vst v63  }
0x1d6: {  	_ =	swait.ge [sflag:s6], $0x7D00  }
0x1d7: {  	[sflag:s6] =	ssyncset.done $0x0  }
0x1d8: {  	s24 =	rddreg [dreg:$0xa];
	[sflag:s6] =	ssyncadd.s32 $0xFFFF8300  }
0x1d9: {  	[tilespmem:s9], [sflag:$0x1] =	stream.indirect.gather [hbm4b:s3+s7], $0x20, s24, s7, $0xb8;
	[tilespmem:$0x1E460] =	vst v63  }
0x1da: {  	_ =	swait.ge [sflag:s11], $0x7D00  }
0x1db: {  	[sflag:s11] =	ssyncset.done $0x0  }
0x1dc: {  	s26 =	rddreg [dreg:$0xb];
	[sflag:s11] =	ssyncadd.s32 $0xFFFF8300  }
0x1dd: {  	[spmem:s2] =	stream.indirect.scatter.add.bf16 [tilespmem:s8], [sflag:$0x3], $0x20, s26, s7, $0xb8;
	[tilespmem:$0x1E460] =	vst v63  }
0x1de: {  	_ =	swait.ge [sflag:s6], $0x7D00  }
0x1df: {  	[sflag:s6] =	ssyncset.done $0x0  }
0x1e0: {  	s31 =	rddreg [dreg:$0xc];
	[sflag:s6] =	ssyncadd.s32 $0xFFFF8300  }
0x1e1: {  	[tilespmem:s8], [sflag:$0x2] =	stream.indirect.gather [hbm4b:s3+s7], $0x20, s31, s7, $0xb8;
	[tilespmem:$0x1E460] =	vst v63  }
0x1e2: {  	_ =	swait.ge [sflag:s13], $0x7D00  }
0x1e3: {  	[sflag:s13] =	ssyncset.done $0x0  }
0x1e4: {  	s24 =	rddreg [dreg:$0xd];
	[sflag:s13] =	ssyncadd.s32 $0xFFFF8300  }
0x1e5: {  	[spmem:s2] =	stream.indirect.scatter.add.bf16 [tilespmem:s9], [sflag:$0x3], $0x20, s24, s7, $0xb8;
	[tilespmem:$0x1E460] =	vst v63  }
0x1e6: {  	_ =	swait.ge [sflag:s6], $0x7D00  }
0x1e7: {  	[sflag:s6] =	ssyncset.done $0x0  }
0x1e8: {  	s26 =	rddreg [dreg:$0xe];
	[sflag:s6] =	ssyncadd.s32 $0xFFFF8300  }
0x1e9: {  	[tilespmem:s9], [sflag:$0x1] =	stream.indirect.gather [hbm4b:s3+s7], $0x20, s26, s7, $0xb8;
	[tilespmem:$0x1E460] =	vst v63  }
0x1ea: {  	_ =	swait.ge [sflag:s11], $0x7D00  }
0x1eb: {  	[sflag:s11] =	ssyncset.done $0x0  }
0x1ec: {  	s31 =	rddreg [dreg:$0xf];
	[sflag:s11] =	ssyncadd.s32 $0xFFFF8300  }
0x1ed: {  	[spmem:s2] =	stream.indirect.scatter.add.bf16 [tilespmem:s8], [sflag:$0x3], $0x20, s31, s7, $0xb8;
	[tilespmem:$0x1E460] =	vst v63  }
0x1ee: {  	_ =	swait.ge [sflag:s6], $0x7D00  }
0x1ef: {  	[sflag:s6] =	ssyncset.done $0x0  }
0x1f0: {  	s24 =	rddreg [dreg:$0x10];
	[sflag:s6] =	ssyncadd.s32 $0xFFFF8300  }
0x1f1: {  	[tilespmem:s8], [sflag:$0x2] =	stream.indirect.gather [hbm4b:s3+s7], $0x20, s24, s7, $0xb8;
	[tilespmem:$0x1E460] =	vst v63  }
0x1f2: {  	_ =	swait.ge [sflag:s13], $0x7D00  }
0x1f3: {  	[sflag:s13] =	ssyncset.done $0x0  }
0x1f4: {  	s26 =	rddreg [dreg:$0x11];
	[sflag:s13] =	ssyncadd.s32 $0xFFFF8300  }
0x1f5: {  	[spmem:s2] =	stream.indirect.scatter.add.bf16 [tilespmem:s9], [sflag:$0x3], $0x20, s26, s7, $0xb8;
	[tilespmem:$0x1E460] =	vst v63  }
0x1f6: {  	_ =	swait.ge [sflag:s6], $0x7D00  }
0x1f7: {  	[sflag:s6] =	ssyncset.done $0x0  }
0x1f8: {  	s31 =	rddreg [dreg:$0x12];
	[sflag:s6] =	ssyncadd.s32 $0xFFFF8300  }
0x1f9: {  	[tilespmem:s9], [sflag:$0x1] =	stream.indirect.gather [hbm4b:s3+s7], $0x20, s31, s7, $0xb8;
	[tilespmem:$0x1E460] =	vst v63  }
0x1fa: {  	_ =	swait.ge [sflag:s11], $0x7D00  }
0x1fb: {  	[sflag:s11] =	ssyncset.done $0x0  }
0x1fc: {  	s24 =	rddreg [dreg:$0x13];
	[sflag:s11] =	ssyncadd.s32 $0xFFFF8300  }
0x1fd: {  	[spmem:s2] =	stream.indirect.scatter.add.bf16 [tilespmem:s8], [sflag:$0x3], $0x20, s24, s7, $0xb8;
	[tilespmem:$0x1E460] =	vst v63  }
0x1fe: {  	_ =	swait.ge [sflag:s6], $0x7D00  }
0x1ff: {  	[sflag:s6] =	ssyncset.done $0x0  }
0x200: {  	s26 =	rddreg [dreg:$0x14];
	[sflag:s6] =	ssyncadd.s32 $0xFFFF8300  }
0x201: {  	[tilespmem:s8], [sflag:$0x2] =	stream.indirect.gather [hbm4b:s3+s7], $0x20, s26, s7, $0xb8;
	[tilespmem:$0x1E460] =	vst v63  }
0x202: {  	_ =	swait.ge [sflag:s13], $0x7D00  }
0x203: {  	[sflag:s13] =	ssyncset.done $0x0  }
0x204: {  	s31 =	rddreg [dreg:$0x15];
	[sflag:s13] =	ssyncadd.s32 $0xFFFF8300  }
0x205: {  	[spmem:s2] =	stream.indirect.scatter.add.bf16 [tilespmem:s9], [sflag:$0x3], $0x20, s31, s7, $0xb8;
	[tilespmem:$0x1E460] =	vst v63  }
0x206: {  	_ =	swait.ge [sflag:s6], $0x7D00  }
0x207: {  	[sflag:s6] =	ssyncset.done $0x0  }
0x208: {  	s24 =	rddreg [dreg:$0x16];
	[sflag:s6] =	ssyncadd.s32 $0xFFFF8300  }
0x209: {  	[tilespmem:s9], [sflag:$0x1] =	stream.indirect.gather [hbm4b:s3+s7], $0x20, s24, s7, $0xb8;
	[tilespmem:$0x1E460] =	vst v63  }
0x20a: {  	_ =	swait.ge [sflag:s11], $0x7D00  }
0x20b: {  	[sflag:s11] =	ssyncset.done $0x0  }
0x20c: {  	s26 =	rddreg [dreg:$0x17];
	[sflag:s11] =	ssyncadd.s32 $0xFFFF8300  }
0x20d: {  	[spmem:s2] =	stream.indirect.scatter.add.bf16 [tilespmem:s8], [sflag:$0x3], $0x20, s26, s7, $0xb8;
	[tilespmem:$0x1E460] =	vst v63  }
0x20e: {  	_ =	swait.ge [sflag:s6], $0x7D00  }
0x20f: {  	[sflag:s6] =	ssyncset.done $0x0  }
0x210: {  	s31 =	rddreg [dreg:$0x18];
	[sflag:s6] =	ssyncadd.s32 $0xFFFF8300  }
0x211: {  	[tilespmem:s8], [sflag:$0x2] =	stream.indirect.gather [hbm4b:s3+s7], $0x20, s31, s7, $0xb8;
	[tilespmem:$0x1E460] =	vst v63  }
0x212: {  	_ =	swait.ge [sflag:s13], $0x7D00  }
0x213: {  	[sflag:s13] =	ssyncset.done $0x0  }
0x214: {  	s24 =	rddreg [dreg:$0x19];
	[sflag:s13] =	ssyncadd.s32 $0xFFFF8300  }
0x215: {  	[spmem:s2] =	stream.indirect.scatter.add.bf16 [tilespmem:s9], [sflag:$0x3], $0x20, s24, s7, $0xb8;
	[tilespmem:$0x1E460] =	vst v63  }
0x216: {  	_ =	swait.ge [sflag:s6], $0x7D00  }
0x217: {  	[sflag:s6] =	ssyncset.done $0x0  }
0x218: {  	s26 =	rddreg [dreg:$0x1a];
	[sflag:s6] =	ssyncadd.s32 $0xFFFF8300  }
0x219: {  	[tilespmem:s9], [sflag:$0x1] =	stream.indirect.gather [hbm4b:s3+s7], $0x20, s26, s7, $0xb8;
	[tilespmem:$0x1E460] =	vst v63  }
0x21a: {  	_ =	swait.ge [sflag:s11], $0x7D00  }
0x21b: {  	[sflag:s11] =	ssyncset.done $0x0  }
0x21c: {  	s31 =	rddreg [dreg:$0x1b];
	[sflag:s11] =	ssyncadd.s32 $0xFFFF8300  }
0x21d: {  	[spmem:s2] =	stream.indirect.scatter.add.bf16 [tilespmem:s8], [sflag:$0x3], $0x20, s31, s7, $0xb8;
	[tilespmem:$0x1E460] =	vst v63  }
0x21e: {  	_ =	swait.ge [sflag:s6], $0x7D00  }
0x21f: {  	[sflag:s6] =	ssyncset.done $0x0  }
0x220: {  	s24 =	rddreg [dreg:$0x1c];
	[sflag:s6] =	ssyncadd.s32 $0xFFFF8300  }
0x221: {  	[tilespmem:s8], [sflag:$0x2] =	stream.indirect.gather [hbm4b:s3+s7], $0x20, s24, s7, $0xb8;
	[tilespmem:$0x1E460] =	vst v63  }
0x222: {  	_ =	swait.ge [sflag:s13], $0x7D00  }
0x223: {  	[sflag:s13] =	ssyncset.done $0x0  }
0x224: {  	s26 =	rddreg [dreg:$0x1d];
	[sflag:s13] =	ssyncadd.s32 $0xFFFF8300  }
0x225: {  	[spmem:s2] =	stream.indirect.scatter.add.bf16 [tilespmem:s9], [sflag:$0x3], $0x20, s26, s7, $0xb8;
	[tilespmem:$0x1E460] =	vst v63  }
0x226: {  	_ =	swait.ge [sflag:s6], $0x7D00  }
0x227: {  	[sflag:s6] =	ssyncset.done $0x0  }
0x228: {  	s31 =	rddreg [dreg:$0x1e];
	[sflag:s6] =	ssyncadd.s32 $0xFFFF8300  }
0x229: {  	[tilespmem:s9], [sflag:$0x1] =	stream.indirect.gather [hbm4b:s3+s7], $0x20, s31, s7, $0xb8;
	[tilespmem:$0x1E460] =	vst v63  }
0x22a: {  	_ =	swait.ge [sflag:s11], $0x7D00  }
0x22b: {  	[sflag:s11] =	ssyncset.done $0x0  }
0x22c: {  	s24 =	rddreg [dreg:$0x1f];
	[sflag:s11] =	ssyncadd.s32 $0xFFFF8300  }
0x22d: {  	[spmem:s2] =	stream.indirect.scatter.add.bf16 [tilespmem:s8], [sflag:$0x3], $0x20, s24, s7, $0xb8;
	[tilespmem:$0x1E460] =	vst v63  }
0x22e: {  	_ =	swait.ge [sflag:s6], $0x7D00  }
0x22f: {  	s26 =	sld [smem:$0x7FC]  }
0x230: {  	[sflag:s6] =	ssyncset.done $0x0  }
0x231: {  	[sflag:s6] =	ssyncadd.s32 $0xFFFF8300  }
0x232: {  	[tilespmem:s8], [sflag:$0x2] =	stream.indirect.gather [hbm4b:s3+s7], $0x20, s26, s7, $0xb8;
	[tilespmem:$0x1E460] =	vst v63  }
0x233: {  	_ =	swait.ge [sflag:s13], $0x7D00  }
0x234: {  	s31 =	sld [smem:$0x7FD]  }
0x235: {  	[sflag:s13] =	ssyncset.done $0x0  }
0x236: {  	[sflag:s13] =	ssyncadd.s32 $0xFFFF8300  }
0x237: {  	[spmem:s2] =	stream.indirect.scatter.add.bf16 [tilespmem:s9], [sflag:$0x3], $0x20, s31, s7, $0xb8;
	[tilespmem:$0x1E460] =	vst v63  }
0x238: {  	_ =	swait.ge [sflag:s6], $0x7D00  }
0x239: {  	[sflag:s6] =	ssyncset.done $0x0  }
0x23a: {  	[sflag:s6] =	ssyncadd.s32 $0xFFFF8300  }
0x23b: {  	[tilespmem:s9], [sflag:$0x1] =	stream.indirect.gather [hbm4b:s3+s7], $0x20, s23, s7, $0xb8;
	[tilespmem:$0x1E460] =	vst v63  }
0x23c: {  	_ =	swait.ge [sflag:s11], $0x7D00  }
0x23d: {  	[sflag:s11] =	ssyncset.done $0x0  }
0x23e: {  	[sflag:s11] =	ssyncadd.s32 $0xFFFF8300  }
0x23f: {  	[spmem:s2] =	stream.indirect.scatter.add.bf16 [tilespmem:s8], [sflag:$0x3], $0x20, s22, s7, $0xb8;
	[tilespmem:$0x1E460] =	vst v63  }
0x240: {  	_ =	swait.ge [sflag:s6], $0x7D00  }
0x241: {  	[sflag:s6] =	ssyncset.done $0x0  }
0x242: {  	[sflag:s6] =	ssyncadd.s32 $0xFFFF8300  }
0x243: {  	[tilespmem:s8], [sflag:$0x2] =	stream.indirect.gather [hbm4b:s3+s7], $0x20, s21, s7, $0xb8;
	[tilespmem:$0x1E460] =	vst v63  }
0x244: {  	_ =	swait.ge [sflag:s13], $0x7D00  }
0x245: {  	[sflag:s13] =	ssyncset.done $0x0  }
0x246: {  	[sflag:s13] =	ssyncadd.s32 $0xFFFF8300  }
0x247: {  	[spmem:s2] =	stream.indirect.scatter.add.bf16 [tilespmem:s9], [sflag:$0x3], $0x20, s20, s7, $0xb8;
	[tilespmem:$0x1E460] =	vst v63  }
0x248: {  	_ =	swait.ge [sflag:s6], $0x7D00  }
0x249: {  	[sflag:s6] =	ssyncset.done $0x0  }
0x24a: {  	[sflag:s6] =	ssyncadd.s32 $0xFFFF8300  }
0x24b: {  	[tilespmem:s9], [sflag:$0x1] =	stream.indirect.gather [hbm4b:s3+s7], $0x20, s19, s7, $0xb8;
	[tilespmem:$0x1E460] =	vst v63  }
0x24c: {  	_ =	swait.ge [sflag:s11], $0x7D00  }
0x24d: {  	[sflag:s11] =	ssyncset.done $0x0  }
0x24e: {  	[sflag:s11] =	ssyncadd.s32 $0xFFFF8300  }
0x24f: {  	[spmem:s2] =	stream.indirect.scatter.add.bf16 [tilespmem:s8], [sflag:$0x3], $0x20, s17, s7, $0xb8;
	[tilespmem:$0x1E460] =	vst v63  }
0x250: {  	_ =	swait.ge [sflag:s6], $0x7D00  }
0x251: {  	[sflag:s6] =	ssyncset.done $0x0  }
0x252: {  	[sflag:s6] =	ssyncadd.s32 $0xFFFF8300  }
0x253: {  	[tilespmem:s8], [sflag:$0x2] =	stream.indirect.gather [hbm4b:s3+s7], $0x20, s16, s7, $0xb8;
	[tilespmem:$0x1E460] =	vst v63  }
0x254: {  	_ =	swait.ge [sflag:s13], $0x7D00  }
0x255: {  	[sflag:s13] =	ssyncset.done $0x0  }
0x256: {  	[sflag:s13] =	ssyncadd.s32 $0xFFFF8300  }
0x257: {  	[spmem:s2] =	stream.indirect.scatter.add.bf16 [tilespmem:s9], [sflag:$0x3], $0x20, s18, s7, $0xb8;
	[tilespmem:$0x1E460] =	vst v63  }
0x258: {  	_ =	swait.ge [sflag:s6], $0x7D00  }
0x259: {  	[sflag:s6] =	ssyncset.done $0x0  }
0x25a: {  	[sflag:s6] =	ssyncadd.s32 $0xFFFF8300  }
0x25b: {  	_ =	swait.ge [sflag:s11], $0x7D00  }
0x25c: {  	[sflag:s11] =	ssyncset.done $0x0  }
0x25d: {  	[sflag:s11] =	ssyncadd.s32 $0xFFFF8300  }
0x25e: {  	[spmem:s2] =	stream.indirect.scatter.add.bf16 [tilespmem:s8], [sflag:$0x3], $0x20, s15, s7, $0xb8;
	[tilespmem:$0x1E460] =	vst v63  }
0x25f: {  	_ =	swait.ge [sflag:s6], $0x7D00  }
0x260: {  	[sflag:s6] =	ssyncset.done $0x0  }
0x261: {  	[sflag:s6] =	ssyncadd.s32 $0xFFFF8300  }
0x262: {  	[bflag:$0x0] =	sbarrier.arrive $0xFFFF  }
0x263: {  	[hbm:s14], [sflag:s29] =	dma.local @p0 [spmem:s4], $0x820  }
0x264: {  	_ =	swait.ge @p0 [sflag:s28], $0x820  }
0x265: {  	[sflag:s28] =	ssyncset.done @p0 $0x0  }
0x266: {  	[sflag:s28] =	ssyncadd.s32 @p0 $0xFFFFF7E0  }
0x267: {  	[hbm:s10], [sflag:s5] =	dma.local @!p0 [spmem:s12], $0x9E0  }
0x268: {  	_ =	swait.ge @!p0 [sflag:s25], $0x9E0  }
0x269: {  	[sflag:s25] =	ssyncset.done @!p0 $0x0  }
0x26a: {  	[sflag:s25] =	ssyncadd.s32 @!p0 $0xFFFFF620  }
0x26b: {  	_ =	sfence.sel $0x180000  }
0x26c: {  	[bflag:$0x0] =	sbarrier.arrive $0xFFFF  }
0x26d: {  	p0 =	sne.s32 s0, $0x0;
	_ =	strace $0x90000050  }
0x26e: {  	s0 =	sadd.s32 @!p0 $0x100000, s30;
	[bflag:$0x2] =	sbarrier.arrive $0xFFFF  }
0x26f: {  	[sflag:s0] =	ssyncadd.tile.s32 @!p0 $0x1;
	_ =	shalt  }
.LBB2_2:
.Ltmp3:
0x270: {  	(pc) =	sbr.rel .LBB2_5-.Ltmp3, $2  }
0x271: {  	_ =	sdelay $0x2  }
0x272: {  	s30 =	rddreg [dreg:$0x2]  }
.Lfunc_end2:
_tile_overlayer_lowered:
.L_overlay_start_2:
0x273: {  	(tag) =	ssettag $0x2  }
0x274: {  	s0 =	rddreg [dreg:$0x0];
	s2 =	stileid.u32  }
0x275: {  	s1 =	rddreg [dreg:$0x1];
	p0 =	sne.s32 s2, $0x0  }
0x276: {  	s3 =	rddreg [dreg:$0x2];
	[bflag:$0x3] =	sbarrier.arrive $0xFFFF;
	s2 =	simm.s32 @!p0 $0x1C03  }
0x277: {  	[timem:s3], [sflag:s2] =	dma.local @!p0 [hbm:s0], s1  }
0x278: {  	s0 =	simm.s32 @!p0 $0x3  }
0x279: {  	_ =	swait.ge @!p0 [sflag:s0], s1  }
0x27a: {  	s1 =	ssub.s32 @!p0 $0x0, s1;
	[sflag:s0] =	ssyncset.done @!p0 $0x0  }
0x27b: {  	[sflag:s0] =	ssyncadd.s32 @!p0 s1  }
0x27c: {  	[bflag:$0x3] =	sbarrier.arrive $0xFFFF  }
0x27d: {  	_ =	shalt  }

</sc_bundles>
